<compile_context>
chip_gen: v7x
topology: tpu7x:2x2x1
jax: 0.10.2.dev20260603
libtpu: 0.0.44.dev20260713+nightly
codegen_flags: <defaults>
</compile_context>

<pallas_src>
import functools
import math

import jax
import jax.numpy as jnp
from jax import lax
from jax.experimental import pallas as pl
from jax.experimental.pallas import tpu as pltpu

N = 50000
E = 800000
ETOT = E + N
FEAT = 64
H1, C1 = 3, 64
H2, C2 = 2, 32
DEC = 256

TILE = 256
NP = ((N + TILE - 1) // TILE) * TILE
NT = NP // TILE

_SQRT2 = math.sqrt(2.0)


def _gelu(v):
    return 0.5 * v * (1.0 + lax.erf(v / _SQRT2))


def _ln_rows(v, g, b, width):
    mu = jnp.mean(v, axis=-1, keepdims=True)
    var = jnp.mean((v - mu) ** 2, axis=-1, keepdims=True)
    return (v - mu) / jnp.sqrt(var + 1e-5) * g + b



def _pre_body(xc, expW, lng, lnb, pert, W1p, As, Ad,
              h1_o, as_o, ad_o, asmax_o, admax_o):
    i = pl.program_id(0)
    x = xc[...]
    v = x * expW[...]
    feat = _gelu(_ln_rows(v, lng[...], lnb[...], FEAT)) + pert[...]
    h1 = jnp.dot(feat, W1p[...], preferred_element_type=jnp.float32)
    h1_o[...] = h1
    a_s = jnp.dot(h1, As[...], preferred_element_type=jnp.float32, precision=lax.Precision.HIGHEST)
    a_d = jnp.dot(h1, Ad[...], preferred_element_type=jnp.float32, precision=lax.Precision.HIGHEST)
    as_o[...] = a_s
    ad_o[...] = a_d
    asm = jnp.max(a_s.reshape(TILE // 8, 8, 128), axis=0)
    adm = jnp.max(a_d.reshape(TILE // 8, 8, 128), axis=0)

    @pl.when(i == 0)
    def _():
        asmax_o[...] = jnp.full((8, 128), -jnp.inf, jnp.float32)
        admax_o[...] = jnp.full((8, 128), -jnp.inf, jnp.float32)

    asmax_o[...] = jnp.maximum(asmax_o[...], asm)
    admax_o[...] = jnp.maximum(admax_o[...], adm)


def _run_pre(xp, expW, lng, lnb, pert, W1p, As, Ad):
    wspec = lambda shape: pl.BlockSpec(shape, lambda i: (0, 0))
    return pl.pallas_call(
        _pre_body,
        grid=(NT,),
        in_specs=[
            pl.BlockSpec((TILE, 1), lambda i: (i, 0)),
            wspec((1, FEAT)), wspec((1, FEAT)), wspec((1, FEAT)),
            wspec((1, FEAT)), wspec((FEAT, 256)), wspec((256, 128)),
            wspec((256, 128)),
        ],
        out_specs=[
            pl.BlockSpec((TILE, 256), lambda i: (i, 0)),
            pl.BlockSpec((TILE, 128), lambda i: (i, 0)),
            pl.BlockSpec((TILE, 128), lambda i: (i, 0)),
            pl.BlockSpec((8, 128), lambda i: (0, 0)),
            pl.BlockSpec((8, 128), lambda i: (0, 0)),
        ],
        out_shape=[
            jax.ShapeDtypeStruct((NP, 256), jnp.float32),
            jax.ShapeDtypeStruct((NP, 128), jnp.float32),
            jax.ShapeDtypeStruct((NP, 128), jnp.float32),
            jax.ShapeDtypeStruct((8, 128), jnp.float32),
            jax.ShapeDtypeStruct((8, 128), jnp.float32),
        ],
        compiler_params=pltpu.CompilerParams(
            dimension_semantics=("arbitrary",)),
    )(xp, expW, lng, lnb, pert, W1p, As, Ad)



def _mid_body(acc, den, bias, Exp1, W2p, As, Ad,
              h2_o, as_o, ad_o, asmax_o, admax_o):
    i = pl.program_id(0)
    r = 1.0 / (den[...] + 1e-16)
    rbig = jnp.dot(r, Exp1[...], preferred_element_type=jnp.float32, precision=lax.Precision.HIGHEST)
    out1 = acc[...] * rbig + bias[...]
    h = jnp.where(out1 > 0, out1, jnp.exp(out1) - 1.0)
    h2 = jnp.dot(h, W2p[...], preferred_element_type=jnp.float32)
    h2_o[...] = h2
    a_s = jnp.dot(h2, As[...], preferred_element_type=jnp.float32, precision=lax.Precision.HIGHEST)
    a_d = jnp.dot(h2, Ad[...], preferred_element_type=jnp.float32, precision=lax.Precision.HIGHEST)
    as_o[...] = a_s
    ad_o[...] = a_d
    asm = jnp.max(a_s.reshape(TILE // 8, 8, 128), axis=0)
    adm = jnp.max(a_d.reshape(TILE // 8, 8, 128), axis=0)

    @pl.when(i == 0)
    def _():
        asmax_o[...] = jnp.full((8, 128), -jnp.inf, jnp.float32)
        admax_o[...] = jnp.full((8, 128), -jnp.inf, jnp.float32)

    asmax_o[...] = jnp.maximum(asmax_o[...], asm)
    admax_o[...] = jnp.maximum(admax_o[...], adm)


def _run_mid(acc, den, bias, Exp1, W2p, As, Ad):
    wspec = lambda shape: pl.BlockSpec(shape, lambda i: (0, 0))
    return pl.pallas_call(
        _mid_body,
        grid=(NT,),
        in_specs=[
            pl.BlockSpec((TILE, 256), lambda i: (i, 0)),
            pl.BlockSpec((TILE, 128), lambda i: (i, 0)),
            wspec((1, 256)), wspec((128, 256)), wspec((256, 128)),
            wspec((128, 128)), wspec((128, 128)),
        ],
        out_specs=[
            pl.BlockSpec((TILE, 128), lambda i: (i, 0)),
            pl.BlockSpec((TILE, 128), lambda i: (i, 0)),
            pl.BlockSpec((TILE, 128), lambda i: (i, 0)),
            pl.BlockSpec((8, 128), lambda i: (0, 0)),
            pl.BlockSpec((8, 128), lambda i: (0, 0)),
        ],
        out_shape=[
            jax.ShapeDtypeStruct((NP, 128), jnp.float32),
            jax.ShapeDtypeStruct((NP, 128), jnp.float32),
            jax.ShapeDtypeStruct((NP, 128), jnp.float32),
            jax.ShapeDtypeStruct((8, 128), jnp.float32),
            jax.ShapeDtypeStruct((8, 128), jnp.float32),
        ],
        compiler_params=pltpu.CompilerParams(
            dimension_semantics=("arbitrary",)),
    )(acc, den, bias, Exp1, W2p, As, Ad)



def _dec_body(acc, den, bias, Exp2, d1W, d1b, l1g, l1b,
              d2W, d2b, l2g, l2b, d3W, d3b, y_o):
    r = 1.0 / (den[...] + 1e-16)
    rbig = jnp.dot(r, Exp2[...], preferred_element_type=jnp.float32, precision=lax.Precision.HIGHEST)
    out2 = acc[...] * rbig + bias[...]
    z = jnp.dot(out2, d1W[...], preferred_element_type=jnp.float32) + d1b[...]
    z = _gelu(_ln_rows(z, l1g[...], l1b[...], DEC))
    z = jnp.dot(z, d2W[...], preferred_element_type=jnp.float32) + d2b[...]
    z = _gelu(_ln_rows(z, l2g[...], l2b[...], DEC))
    y = jnp.dot(z, d3W[...], preferred_element_type=jnp.float32) + d3b[...]
    y_o[...] = y


def _run_dec(acc, den, bias, Exp2, d1W, d1b, l1g, l1b,
             d2W, d2b, l2g, l2b, d3W, d3b):
    wspec = lambda shape: pl.BlockSpec(shape, lambda i: (0, 0))
    return pl.pallas_call(
        _dec_body,
        grid=(NT,),
        in_specs=[
            pl.BlockSpec((TILE, 128), lambda i: (i, 0)),
            pl.BlockSpec((TILE, 128), lambda i: (i, 0)),
            wspec((1, 128)), wspec((128, 128)),
            wspec((128, DEC)), wspec((1, DEC)), wspec((1, DEC)),
            wspec((1, DEC)), wspec((DEC, DEC)), wspec((1, DEC)),
            wspec((1, DEC)), wspec((1, DEC)), wspec((DEC, 128)),
            wspec((1, 128)),
        ],
        out_specs=[pl.BlockSpec((TILE, 128), lambda i: (i, 0))],
        out_shape=[jax.ShapeDtypeStruct((NP, 128), jnp.float32)],
        compiler_params=pltpu.CompilerParams(
            dimension_semantics=("arbitrary",)),
    )(acc, den, bias, Exp2, d1W, d1b, l1g, l1b,
      d2W, d2b, l2g, l2b, d3W, d3b)[0]



def _edge_phase(h_nodes, a_s, a_d, M, src, dst, heads, ch):
    hc = heads * ch
    hn = h_nodes[:N, :hc]
    asn = a_s[:N, :heads]
    adn = a_d[:N, :heads]
    alpha = asn[src] + adn[dst]
    alpha = jnp.where(alpha > 0, alpha, 0.2 * alpha)
    ex = jnp.exp(alpha - M[:heads])
    denom = jax.ops.segment_sum(ex, dst, num_segments=N)
    msg = (hn[src].reshape(-1, heads, ch)
           * ex[:, :, None]).reshape(-1, hc)
    accum = jax.ops.segment_sum(msg, dst, num_segments=N)
    return accum, denom


def _lrelu(x):
    return jnp.where(x > 0, x, 0.2 * x)


def kernel(x_ctrl, edge_index, pert_id, exp_W, exp_b, exp_ln_g, exp_ln_b,
           pert_table, W1, att_src1, att_dst1, bias1,
           W2, att_src2, att_dst2, bias2,
           d1_W, d1_b, ln1_g, ln1_b, d2_W, d2_b, ln2_g, ln2_b, d3_W, d3_b):
    f32 = jnp.float32
    loop = jnp.arange(N, dtype=edge_index.dtype)
    src = jnp.concatenate([edge_index[0], loop])
    dst = jnp.concatenate([edge_index[1], loop])

    xp = jnp.pad(x_ctrl, (0, NP - N)).reshape(NP, 1)
    pert = pert_table[pert_id[0:1]]
    W1p = jnp.pad(W1, ((0, 0), (0, 256 - H1 * C1)))
    r1 = jnp.arange(H1 * C1)
    As1 = jnp.zeros((256, 128), f32).at[r1, r1 // C1].set(att_src1.reshape(-1))
    Ad1 = jnp.zeros((256, 128), f32).at[r1, r1 // C1].set(att_dst1.reshape(-1))
    Exp1 = jnp.zeros((128, 256), f32).at[r1 // C1, r1].set(1.0)
    b1 = jnp.pad(bias1, (0, 256 - H1 * C1)).reshape(1, 256)
    W2p = jnp.pad(W2, ((0, 256 - H1 * C1), (0, 128 - H2 * C2)))
    r2 = jnp.arange(H2 * C2)
    As2 = jnp.zeros((128, 128), f32).at[r2, r2 // C2].set(att_src2.reshape(-1))
    Ad2 = jnp.zeros((128, 128), f32).at[r2, r2 // C2].set(att_dst2.reshape(-1))
    Exp2 = jnp.zeros((128, 128), f32).at[r2 // C2, r2].set(1.0)
    b2 = jnp.pad(bias2, (0, 128 - H2 * C2)).reshape(1, 128)
    d1Wp = jnp.pad(d1_W, ((0, 128 - H2 * C2), (0, 0)))
    d3Wp = jnp.pad(d3_W, ((0, 0), (0, 127)))
    d3bp = jnp.pad(d3_b, (0, 127)).reshape(1, 128)

    h1, a1s, a1d, a1sm, a1dm = _run_pre(
        xp, exp_W, exp_ln_g.reshape(1, -1), exp_ln_b.reshape(1, -1),
        pert, W1p, As1, Ad1)
    M1 = _lrelu(jnp.max(a1sm, axis=0) + jnp.max(a1dm, axis=0))

    acc1, den1 = _edge_phase(h1, a1s, a1d, M1, src, dst, H1, C1)
    acc1 = jnp.pad(acc1, ((0, NP - N), (0, 256 - H1 * C1)))
    den1 = jnp.pad(den1, ((0, NP - N), (0, 128 - H1)), constant_values=1.0)

    h2, a2s, a2d, a2sm, a2dm = _run_mid(acc1, den1, b1, Exp1, W2p, As2, Ad2)
    M2 = _lrelu(jnp.max(a2sm, axis=0) + jnp.max(a2dm, axis=0))

    acc2, den2 = _edge_phase(h2, a2s, a2d, M2, src, dst, H2, C2)
    acc2 = jnp.pad(acc2, ((0, NP - N), (0, 128 - H2 * C2)))
    den2 = jnp.pad(den2, ((0, NP - N), (0, 128 - H2)), constant_values=1.0)

    y = _run_dec(acc2, den2, b2, Exp2, d1Wp, d1_b.reshape(1, -1),
                 ln1_g.reshape(1, -1), ln1_b.reshape(1, -1),
                 d2_W, d2_b.reshape(1, -1), ln2_g.reshape(1, -1),
                 ln2_b.reshape(1, -1), d3Wp, d3bp)
    return y[:N, 0]

# --- scband reference (transcript-rebuilt; emitter-appended) ---
"""Pipeline reference for scband-perturbation-predictor-3616362463907 (READ-ONLY COPY).

The authoritative reference and input builder live on the scoring server;
editing this copy changes nothing except your own understanding.
"""

import jax, jax.numpy as jnp
import numpy as np

N = 50000
E = 800000
FEAT = 64
H1, C1 = 3, 64
H2, C2 = 2, 32
DEC = 256


def _ln(x, g, b):
    mu = jnp.mean(x, axis=-1, keepdims=True)
    var = jnp.mean((x - mu) ** 2, axis=-1, keepdims=True)
    return (x - mu) / jnp.sqrt(var + 1e-5) * g + b


def _gat(x, src, dst, W, att_src, att_dst, bias, heads, out_ch, num_nodes):
    # PyG GATConv (eval mode: no dropout), self-loops already appended to src/dst
    h = (x @ W).reshape(num_nodes, heads, out_ch)
    a_src = jnp.sum(h * att_src, axis=-1)  # [N, H]
    a_dst = jnp.sum(h * att_dst, axis=-1)  # [N, H]
    alpha = a_src[src] + a_dst[dst]        # [E, H]
    alpha = jax.nn.leaky_relu(alpha, negative_slope=0.2)
    amax = jax.ops.segment_max(alpha, dst, num_segments=num_nodes)
    ex = jnp.exp(alpha - amax[dst])
    denom = jax.ops.segment_sum(ex, dst, num_segments=num_nodes)
    coef = ex / (denom[dst] + 1e-16)
    msg = h[src] * coef[:, :, None]
    out = jax.ops.segment_sum(msg, dst, num_segments=num_nodes)
    return out.reshape(num_nodes, heads * out_ch) + bias


def setup_inputs(seed: int = 0) -> dict:
    key = jax.random.key(seed)
    ks = jax.random.split(key, 20)
    s = 0.05
    inp = {}
    inp["x_ctrl"] = jax.random.normal(ks[0], (N,), dtype=jnp.float32)
    inp["edge_index"] = jax.random.randint(ks[1], (2, E), 0, N, dtype=jnp.int32)
    inp["pert_id"] = jax.random.randint(ks[2], (1,), 0, 2, dtype=jnp.int32)
    inp["exp_W"] = jax.random.normal(ks[3], (1, FEAT), dtype=jnp.float32) * s
    inp["exp_b"] = jnp.zeros((FEAT,), jnp.float32)
    inp["exp_ln_g"] = jnp.ones((FEAT,), jnp.float32)
    inp["exp_ln_b"] = jnp.zeros((FEAT,), jnp.float32)
    inp["pert_table"] = jax.random.normal(ks[4], (2, FEAT), dtype=jnp.float32) * s
    inp["W1"] = jax.random.normal(ks[5], (FEAT, H1 * C1), dtype=jnp.float32) * s
    inp["att_src1"] = jax.random.normal(ks[6], (1, H1, C1), dtype=jnp.float32) * s
    inp["att_dst1"] = jax.random.normal(ks[7], (1, H1, C1), dtype=jnp.float32) * s
    inp["bias1"] = jnp.zeros((H1 * C1,), jnp.float32)
    inp["W2"] = jax.random.normal(ks[8], (H1 * C1, H2 * C2), dtype=jnp.float32) * s
    inp["att_src2"] = jax.random.normal(ks[9], (1, H2, C2), dtype=jnp.float32) * s
    inp["att_dst2"] = jax.random.normal(ks[10], (1, H2, C2), dtype=jnp.float32) * s
    inp["bias2"] = jnp.zeros((H2 * C2,), jnp.float32)
    inp["d1_W"] = jax.random.normal(ks[11], (H2 * C2, DEC), dtype=jnp.float32) * s
    inp["d1_b"] = jnp.zeros((DEC,), jnp.float32)
    inp["ln1_g"] = jnp.ones((DEC,), jnp.float32)
    inp["ln1_b"] = jnp.zeros((DEC,), jnp.float32)
    inp["d2_W"] = jax.random.normal(ks[12], (DEC, DEC), dtype=jnp.float32) * s
    inp["d2_b"] = jnp.zeros((DEC,), jnp.float32)
    inp["ln2_g"] = jnp.ones((DEC,), jnp.float32)
    inp["ln2_b"] = jnp.zeros((DEC,), jnp.float32)
    inp["d3_W"] = jax.random.normal(ks[13], (DEC, 1), dtype=jnp.float32) * s
    inp["d3_b"] = jnp.zeros((1,), jnp.float32)
    return inp


def reference(x_ctrl, edge_index, pert_id, exp_W, exp_b, exp_ln_g, exp_ln_b,
              pert_table, W1, att_src1, att_dst1, bias1,
              W2, att_src2, att_dst2, bias2,
              d1_W, d1_b, ln1_g, ln1_b, d2_W, d2_b, ln2_g, ln2_b, d3_W, d3_b):
    loop = jnp.arange(N, dtype=edge_index.dtype)
    src = jnp.concatenate([edge_index[0], loop])
    dst = jnp.concatenate([edge_index[1], loop])
    # FeatureExpander
    x = x_ctrl[:, None]
    x = jax.nn.gelu(_ln(x @ exp_W + exp_b, exp_ln_g, exp_ln_b), approximate=False)
    # PerturbationEmbedding (additive, broadcast over genes)
    x = x + pert_table[pert_id[0:1]]
    # GeneLink: 2-layer GAT
    h = _gat(x, src, dst, W1, att_src1, att_dst1, bias1, H1, C1, N)
    h = jax.nn.elu(h)
    h = _gat(h, src, dst, W2, att_src2, att_dst2, bias2, H2, C2, N)
    # ResponseDecoder
    z = jax.nn.gelu(_ln(h @ d1_W + d1_b, ln1_g, ln1_b), approximate=False)
    z = jax.nn.gelu(_ln(z @ d2_W + d2_b, ln2_g, ln2_b), approximate=False)
    return (z @ d3_W + d3_b)[:, 0]

if __name__ == "__main__":
    import jax
    _d = setup_inputs()
    print(jax.jit(kernel)(*tuple(_d.values())))

</pallas_src>

<mosaic_0001>
module attributes {stable_mosaic.version = 14 : i64} {
  func.func @_pre_body(%arg0: i32, %arg1: memref<256x1xf32, #tpu.memory_space<vmem>>, %arg2: memref<1x64xf32, #tpu.memory_space<vmem>>, %arg3: memref<1x64xf32, #tpu.memory_space<vmem>>, %arg4: memref<1x64xf32, #tpu.memory_space<vmem>>, %arg5: memref<1x64xf32, #tpu.memory_space<vmem>>, %arg6: memref<64x256xf32, #tpu.memory_space<vmem>>, %arg7: memref<256x128xf32, #tpu.memory_space<vmem>>, %arg8: memref<256x128xf32, #tpu.memory_space<vmem>>, %arg9: memref<256x256xf32, #tpu.memory_space<vmem>>, %arg10: memref<256x128xf32, #tpu.memory_space<vmem>>, %arg11: memref<256x128xf32, #tpu.memory_space<vmem>>, %arg12: memref<8x128xf32, #tpu.memory_space<vmem>>, %arg13: memref<8x128xf32, #tpu.memory_space<vmem>>) attributes {dimension_semantics = [#tpu.dimension_semantics<arbitrary>], iteration_bounds = array<i64: 196>, scalar_prefetch = 0 : i64, scratch_operands = 0 : i64, tpu.core_type = #tpu.core_type<tc>, window_params = [{transform_indices = @transform_0, window_bounds = array<i64: 256, 1>}, {pipeline_mode = #tpu.pipeline_mode<synchronous>, transform_indices = @transform_1, window_bounds = array<i64: 1, 64>}, {pipeline_mode = #tpu.pipeline_mode<synchronous>, transform_indices = @transform_2, window_bounds = array<i64: 1, 64>}, {pipeline_mode = #tpu.pipeline_mode<synchronous>, transform_indices = @transform_3, window_bounds = array<i64: 1, 64>}, {pipeline_mode = #tpu.pipeline_mode<synchronous>, transform_indices = @transform_4, window_bounds = array<i64: 1, 64>}, {pipeline_mode = #tpu.pipeline_mode<synchronous>, transform_indices = @transform_5, window_bounds = array<i64: 64, 256>}, {pipeline_mode = #tpu.pipeline_mode<synchronous>, transform_indices = @transform_6, window_bounds = array<i64: 256, 128>}, {pipeline_mode = #tpu.pipeline_mode<synchronous>, transform_indices = @transform_7, window_bounds = array<i64: 256, 128>}, {transform_indices = @transform_8, window_bounds = array<i64: 256, 256>}, {transform_indices = @transform_9, window_bounds = array<i64: 256, 128>}, {transform_indices = @transform_10, window_bounds = array<i64: 256, 128>}, {pipeline_mode = #tpu.pipeline_mode<synchronous>, transform_indices = @transform_11, window_bounds = array<i64: 8, 128>}, {pipeline_mode = #tpu.pipeline_mode<synchronous>, transform_indices = @transform_12, window_bounds = array<i64: 8, 128>}]} {
    %get3A = arith.constant 0 : index
    %get3A_0 = arith.constant 0 : index
    %get3A_1 = vector.load %arg1[%get3A, %get3A_0] : memref<256x1xf32, #tpu.memory_space<vmem>>, vector<256x1xf32>
    %get3A_2 = arith.constant 0 : index
    %get3A_3 = arith.constant 0 : index
    %get3A_4 = vector.load %arg2[%get3A_2, %get3A_3] : memref<1x64xf32, #tpu.memory_space<vmem>>, vector<1x64xf32>
    %mul3A = vector.broadcast %get3A_1 : vector<256x1xf32> to vector<256x64xf32>
    %mul3A_5 = vector.broadcast %get3A_4 : vector<1x64xf32> to vector<256x64xf32>
    %mul3A_6 = arith.mulf %mul3A, %mul3A_5 : vector<256x64xf32>
    %get3A_7 = arith.constant 0 : index
    %get3A_8 = arith.constant 0 : index
    %get3A_9 = vector.load %arg3[%get3A_7, %get3A_8] : memref<1x64xf32, #tpu.memory_space<vmem>>, vector<1x64xf32>
    %get3A_10 = arith.constant 0 : index
    %get3A_11 = arith.constant 0 : index
    %get3A_12 = vector.load %arg4[%get3A_10, %get3A_11] : memref<1x64xf32, #tpu.memory_space<vmem>>, vector<1x64xf32>
    %reduce_sum3A = arith.constant dense<0.000000e+00> : vector<256xf32>
    %reduce_sum3A_13 = vector.multi_reduction <add>, %mul3A_6, %reduce_sum3A [1] : vector<256x64xf32> to vector<256xf32>
    %broadcast_in_dim3A = vector.shape_cast %reduce_sum3A_13 : vector<256xf32> to vector<256x1xf32>
    %div3A = arith.constant 6.400000e+01 : f32
    %div3A_14 = vector.broadcast %div3A : f32 to vector<256x1xf32>
    %div3A_15 = arith.divf %broadcast_in_dim3A, %div3A_14 : vector<256x1xf32>
    %sub3A = vector.broadcast %div3A_15 : vector<256x1xf32> to vector<256x64xf32>
    %sub3A_16 = arith.subf %mul3A_6, %sub3A : vector<256x64xf32>
    %integer_pow3A = arith.mulf %sub3A_16, %sub3A_16 : vector<256x64xf32>
    %reduce_sum3A_17 = arith.constant dense<0.000000e+00> : vector<256xf32>
    %reduce_sum3A_18 = vector.multi_reduction <add>, %integer_pow3A, %reduce_sum3A_17 [1] : vector<256x64xf32> to vector<256xf32>
    %broadcast_in_dim3A_19 = vector.shape_cast %reduce_sum3A_18 : vector<256xf32> to vector<256x1xf32>
    %div3A_20 = arith.constant 6.400000e+01 : f32
    %div3A_21 = vector.broadcast %div3A_20 : f32 to vector<256x1xf32>
    %div3A_22 = arith.divf %broadcast_in_dim3A_19, %div3A_21 : vector<256x1xf32>
    %sub3A_23 = vector.broadcast %div3A_15 : vector<256x1xf32> to vector<256x64xf32>
    %sub3A_24 = arith.subf %mul3A_6, %sub3A_23 : vector<256x64xf32>
    %add3A = arith.constant 9.99999974E-6 : f32
    %add3A_25 = vector.broadcast %add3A : f32 to vector<256x1xf32>
    %add3A_26 = arith.addf %div3A_22, %add3A_25 : vector<256x1xf32>
    %sqrt3A = math.sqrt %add3A_26 : vector<256x1xf32>
    %div3A_27 = vector.broadcast %sqrt3A : vector<256x1xf32> to vector<256x64xf32>
    %div3A_28 = arith.divf %sub3A_24, %div3A_27 : vector<256x64xf32>
    %mul3A_29 = vector.broadcast %get3A_9 : vector<1x64xf32> to vector<256x64xf32>
    %mul3A_30 = arith.mulf %div3A_28, %mul3A_29 : vector<256x64xf32>
    %add3A_31 = vector.broadcast %get3A_12 : vector<1x64xf32> to vector<256x64xf32>
    %add3A_32 = arith.addf %mul3A_30, %add3A_31 : vector<256x64xf32>
    %mul3A_33 = arith.constant 5.000000e-01 : f32
    %mul3A_34 = vector.broadcast %mul3A_33 : f32 to vector<256x64xf32>
    %mul3A_35 = arith.mulf %mul3A_34, %add3A_32 : vector<256x64xf32>
    %div3A_36 = arith.constant 1.41421354 : f32
    %div3A_37 = vector.broadcast %div3A_36 : f32 to vector<256x64xf32>
    %div3A_38 = arith.divf %add3A_32, %div3A_37 : vector<256x64xf32>
    %erf3A = math.erf %div3A_38 : vector<256x64xf32>
    %add3A_39 = arith.constant 1.000000e+00 : f32
    %add3A_40 = vector.broadcast %add3A_39 : f32 to vector<256x64xf32>
    %add3A_41 = arith.addf %add3A_40, %erf3A : vector<256x64xf32>
    %mul3A_42 = arith.mulf %mul3A_35, %add3A_41 : vector<256x64xf32>
    %get3A_43 = arith.constant 0 : index
    %get3A_44 = arith.constant 0 : index
    %get3A_45 = vector.load %arg5[%get3A_43, %get3A_44] : memref<1x64xf32, #tpu.memory_space<vmem>>, vector<1x64xf32>
    %add3A_46 = vector.broadcast %get3A_45 : vector<1x64xf32> to vector<256x64xf32>
    %add3A_47 = arith.addf %mul3A_42, %add3A_46 : vector<256x64xf32>
    %get3A_48 = arith.constant 0 : index
    %get3A_49 = arith.constant 0 : index
    %get3A_50 = vector.load %arg6[%get3A_48, %get3A_49] : memref<64x256xf32, #tpu.memory_space<vmem>>, vector<64x256xf32>
    %dot_general3A = arith.constant dense<0.000000e+00> : vector<256x256xf32>
    %dot_general3A_51 = tpu.matmul %add3A_47, %get3A_50, %dot_general3A {dimension_numbers = #tpu.dot_dimension_numbers<[1], [0], [0], [1], [0, 0, 1, 1], [], []>, transpose_lhs_hint = false} : vector<256x64xf32>, vector<64x256xf32>, vector<256x256xf32> -> vector<256x256xf32>
    %swap3A = arith.constant 0 : index
    %swap3A_52 = arith.constant 0 : index
    %swap3A_53 = vector.load %arg9[%swap3A, %swap3A_52] : memref<256x256xf32, #tpu.memory_space<vmem>>, vector<256x256xf32>
    tpu.vector_store %arg9[%swap3A, %swap3A_52], %dot_general3A_51 {strides = array<i32>} : memref<256x256xf32, #tpu.memory_space<vmem>>, vector<256x256xf32>,
    %get3A_54 = arith.constant 0 : index
    %get3A_55 = arith.constant 0 : index
    %get3A_56 = vector.load %arg7[%get3A_54, %get3A_55] : memref<256x128xf32, #tpu.memory_space<vmem>>, vector<256x128xf32>
    %dot_general3A_57 = arith.constant dense<0.000000e+00> : vector<256x128xf32>
    %dot_general3A_58 = tpu.matmul %dot_general3A_51, %get3A_56, %dot_general3A_57 {dimension_numbers = #tpu.dot_dimension_numbers<[1], [0], [0], [1], [0, 0, 1, 1], [], []>, precision = #tpu.contract_precision<fp32>, transpose_lhs_hint = false} : vector<256x256xf32>, vector<256x128xf32>, vector<256x128xf32> -> vector<256x128xf32>
    %get3A_59 = arith.constant 0 : index
    %get3A_60 = arith.constant 0 : index
    %get3A_61 = vector.load %arg8[%get3A_59, %get3A_60] : memref<256x128xf32, #tpu.memory_space<vmem>>, vector<256x128xf32>
    %dot_general3A_62 = arith.constant dense<0.000000e+00> : vector<256x128xf32>
    %dot_general3A_63 = tpu.matmul %dot_general3A_51, %get3A_61, %dot_general3A_62 {dimension_numbers = #tpu.dot_dimension_numbers<[1], [0], [0], [1], [0, 0, 1, 1], [], []>, precision = #tpu.contract_precision<fp32>, transpose_lhs_hint = false} : vector<256x256xf32>, vector<256x128xf32>, vector<256x128xf32> -> vector<256x128xf32>
    %swap3A_64 = arith.constant 0 : index
    %swap3A_65 = arith.constant 0 : index
    %swap3A_66 = vector.load %arg10[%swap3A_64, %swap3A_65] : memref<256x128xf32, #tpu.memory_space<vmem>>, vector<256x128xf32>
    tpu.vector_store %arg10[%swap3A_64, %swap3A_65], %dot_general3A_58 {strides = array<i32>} : memref<256x128xf32, #tpu.memory_space<vmem>>, vector<256x128xf32>,
    %swap3A_67 = arith.constant 0 : index
    %swap3A_68 = arith.constant 0 : index
    %swap3A_69 = vector.load %arg11[%swap3A_67, %swap3A_68] : memref<256x128xf32, #tpu.memory_space<vmem>>, vector<256x128xf32>
    tpu.vector_store %arg11[%swap3A_67, %swap3A_68], %dot_general3A_63 {strides = array<i32>} : memref<256x128xf32, #tpu.memory_space<vmem>>, vector<256x128xf32>,
    %reshape3A = vector.shape_cast %dot_general3A_58 : vector<256x128xf32> to vector<32x8x128xf32>
    %reduce_max3A = arith.constant dense<0xFF800000> : vector<8x128xf32>
    %reduce_max3A_70 = vector.multi_reduction <maximumf>, %reshape3A, %reduce_max3A [0] : vector<32x8x128xf32> to vector<8x128xf32>
    %reshape3A_71 = vector.shape_cast %dot_general3A_63 : vector<256x128xf32> to vector<32x8x128xf32>
    %reduce_max3A_72 = arith.constant dense<0xFF800000> : vector<8x128xf32>
    %reduce_max3A_73 = vector.multi_reduction <maximumf>, %reshape3A_71, %reduce_max3A_72 [0] : vector<32x8x128xf32> to vector<8x128xf32>
    %eq3A = arith.constant 0 : i32
    %eq3A_74 = arith.cmpi eq, %arg0, %eq3A : i32
    %convert_element_type3A = arith.extui %eq3A_74 : i1 to i32
    %cond3A = arith.constant 0 : i32
    %cond3A_75 = arith.cmpi ne, %convert_element_type3A, %cond3A : i32
    scf.if %cond3A_75 {
      %broadcast_in_dim3A_89 = arith.constant 0xFF800000 : f32
      %broadcast_in_dim3A_90 = vector.broadcast %broadcast_in_dim3A_89 : f32 to vector<8x128xf32>
      %swap3A_91 = arith.constant 0 : index
      %swap3A_92 = arith.constant 0 : index
      %swap3A_93 = vector.load %arg12[%swap3A_91, %swap3A_92] : memref<8x128xf32, #tpu.memory_space<vmem>>, vector<8x128xf32>
      tpu.vector_store %arg12[%swap3A_91, %swap3A_92], %broadcast_in_dim3A_90 {strides = array<i32>} : memref<8x128xf32, #tpu.memory_space<vmem>>, vector<8x128xf32>,
      %broadcast_in_dim3A_94 = arith.constant 0xFF800000 : f32
      %broadcast_in_dim3A_95 = vector.broadcast %broadcast_in_dim3A_94 : f32 to vector<8x128xf32>
      %swap3A_96 = arith.constant 0 : index
      %swap3A_97 = arith.constant 0 : index
      %swap3A_98 = vector.load %arg13[%swap3A_96, %swap3A_97] : memref<8x128xf32, #tpu.memory_space<vmem>>, vector<8x128xf32>
      tpu.vector_store %arg13[%swap3A_96, %swap3A_97], %broadcast_in_dim3A_95 {strides = array<i32>} : memref<8x128xf32, #tpu.memory_space<vmem>>, vector<8x128xf32>,
    } else {
    }
    %get3A_76 = arith.constant 0 : index
    %get3A_77 = arith.constant 0 : index
    %get3A_78 = vector.load %arg12[%get3A_76, %get3A_77] : memref<8x128xf32, #tpu.memory_space<vmem>>, vector<8x128xf32>
    %max3A = arith.maximumf %get3A_78, %reduce_max3A_70 : vector<8x128xf32>
    %swap3A_79 = arith.constant 0 : index
    %swap3A_80 = arith.constant 0 : index
    %swap3A_81 = vector.load %arg12[%swap3A_79, %swap3A_80] : memref<8x128xf32, #tpu.memory_space<vmem>>, vector<8x128xf32>
    tpu.vector_store %arg12[%swap3A_79, %swap3A_80], %max3A {strides = array<i32>} : memref<8x128xf32, #tpu.memory_space<vmem>>, vector<8x128xf32>,
    %get3A_82 = arith.constant 0 : index
    %get3A_83 = arith.constant 0 : index
    %get3A_84 = vector.load %arg13[%get3A_82, %get3A_83] : memref<8x128xf32, #tpu.memory_space<vmem>>, vector<8x128xf32>
    %max3A_85 = arith.maximumf %get3A_84, %reduce_max3A_73 : vector<8x128xf32>
    %swap3A_86 = arith.constant 0 : index
    %swap3A_87 = arith.constant 0 : index
    %swap3A_88 = vector.load %arg13[%swap3A_86, %swap3A_87] : memref<8x128xf32, #tpu.memory_space<vmem>>, vector<8x128xf32>
    tpu.vector_store %arg13[%swap3A_86, %swap3A_87], %max3A_85 {strides = array<i32>} : memref<8x128xf32, #tpu.memory_space<vmem>>, vector<8x128xf32>,
    return
  }
  func.func @transform_0(%arg0: i32) -> (i32, i32) {
    %c0_i32 = arith.constant 0 : i32
    %c0_i32_0 = arith.constant 0 : i32
    return %arg0, %c0_i32 : i32, i32
  }
  func.func @transform_1(%arg0: i32) -> (i32, i32) {
    %c0_i32 = arith.constant 0 : i32
    %c0_i32_0 = arith.constant 0 : i32
    %c0_i32_1 = arith.constant 0 : i32
    return %c0_i32, %c0_i32_0 : i32, i32
  }
  func.func @transform_2(%arg0: i32) -> (i32, i32) {
    %c0_i32 = arith.constant 0 : i32
    %c0_i32_0 = arith.constant 0 : i32
    %c0_i32_1 = arith.constant 0 : i32
    return %c0_i32, %c0_i32_0 : i32, i32
  }
  func.func @transform_3(%arg0: i32) -> (i32, i32) {
    %c0_i32 = arith.constant 0 : i32
    %c0_i32_0 = arith.constant 0 : i32
    %c0_i32_1 = arith.constant 0 : i32
    return %c0_i32, %c0_i32_0 : i32, i32
  }
  func.func @transform_4(%arg0: i32) -> (i32, i32) {
    %c0_i32 = arith.constant 0 : i32
    %c0_i32_0 = arith.constant 0 : i32
    %c0_i32_1 = arith.constant 0 : i32
    return %c0_i32, %c0_i32_0 : i32, i32
  }
  func.func @transform_5(%arg0: i32) -> (i32, i32) {
    %c0_i32 = arith.constant 0 : i32
    %c0_i32_0 = arith.constant 0 : i32
    %c0_i32_1 = arith.constant 0 : i32
    return %c0_i32, %c0_i32_0 : i32, i32
  }
  func.func @transform_6(%arg0: i32) -> (i32, i32) {
    %c0_i32 = arith.constant 0 : i32
    %c0_i32_0 = arith.constant 0 : i32
    %c0_i32_1 = arith.constant 0 : i32
    return %c0_i32, %c0_i32_0 : i32, i32
  }
  func.func @transform_7(%arg0: i32) -> (i32, i32) {
    %c0_i32 = arith.constant 0 : i32
    %c0_i32_0 = arith.constant 0 : i32
    %c0_i32_1 = arith.constant 0 : i32
    return %c0_i32, %c0_i32_0 : i32, i32
  }
  func.func @transform_8(%arg0: i32) -> (i32, i32) {
    %c0_i32 = arith.constant 0 : i32
    %c0_i32_0 = arith.constant 0 : i32
    return %arg0, %c0_i32 : i32, i32
  }
  func.func @transform_9(%arg0: i32) -> (i32, i32) {
    %c0_i32 = arith.constant 0 : i32
    %c0_i32_0 = arith.constant 0 : i32
    return %arg0, %c0_i32 : i32, i32
  }
  func.func @transform_10(%arg0: i32) -> (i32, i32) {
    %c0_i32 = arith.constant 0 : i32
    %c0_i32_0 = arith.constant 0 : i32
    return %arg0, %c0_i32 : i32, i32
  }
  func.func @transform_11(%arg0: i32) -> (i32, i32) {
    %c0_i32 = arith.constant 0 : i32
    %c0_i32_0 = arith.constant 0 : i32
    %c0_i32_1 = arith.constant 0 : i32
    return %c0_i32, %c0_i32_0 : i32, i32
  }
  func.func @transform_12(%arg0: i32) -> (i32, i32) {
    %c0_i32 = arith.constant 0 : i32
    %c0_i32_0 = arith.constant 0 : i32
    %c0_i32_1 = arith.constant 0 : i32
    return %c0_i32, %c0_i32_0 : i32, i32
  }
}

module attributes {stable_mosaic.version = 14 : i64} {
  func.func @_mid_body(%arg0: i32, %arg1: memref<256x256xf32, #tpu.memory_space<vmem>>, %arg2: memref<256x128xf32, #tpu.memory_space<vmem>>, %arg3: memref<1x256xf32, #tpu.memory_space<vmem>>, %arg4: memref<128x256xf32, #tpu.memory_space<vmem>>, %arg5: memref<256x128xf32, #tpu.memory_space<vmem>>, %arg6: memref<128x128xf32, #tpu.memory_space<vmem>>, %arg7: memref<128x128xf32, #tpu.memory_space<vmem>>, %arg8: memref<256x128xf32, #tpu.memory_space<vmem>>, %arg9: memref<256x128xf32, #tpu.memory_space<vmem>>, %arg10: memref<256x128xf32, #tpu.memory_space<vmem>>, %arg11: memref<8x128xf32, #tpu.memory_space<vmem>>, %arg12: memref<8x128xf32, #tpu.memory_space<vmem>>) attributes {dimension_semantics = [#tpu.dimension_semantics<arbitrary>], iteration_bounds = array<i64: 196>, scalar_prefetch = 0 : i64, scratch_operands = 0 : i64, tpu.core_type = #tpu.core_type<tc>, window_params = [{transform_indices = @transform_0, window_bounds = array<i64: 256, 256>}, {transform_indices = @transform_1, window_bounds = array<i64: 256, 128>}, {pipeline_mode = #tpu.pipeline_mode<synchronous>, transform_indices = @transform_2, window_bounds = array<i64: 1, 256>}, {pipeline_mode = #tpu.pipeline_mode<synchronous>, transform_indices = @transform_3, window_bounds = array<i64: 128, 256>}, {pipeline_mode = #tpu.pipeline_mode<synchronous>, transform_indices = @transform_4, window_bounds = array<i64: 256, 128>}, {pipeline_mode = #tpu.pipeline_mode<synchronous>, transform_indices = @transform_5, window_bounds = array<i64: 128, 128>}, {pipeline_mode = #tpu.pipeline_mode<synchronous>, transform_indices = @transform_6, window_bounds = array<i64: 128, 128>}, {transform_indices = @transform_7, window_bounds = array<i64: 256, 128>}, {transform_indices = @transform_8, window_bounds = array<i64: 256, 128>}, {transform_indices = @transform_9, window_bounds = array<i64: 256, 128>}, {pipeline_mode = #tpu.pipeline_mode<synchronous>, transform_indices = @transform_10, window_bounds = array<i64: 8, 128>}, {pipeline_mode = #tpu.pipeline_mode<synchronous>, transform_indices = @transform_11, window_bounds = array<i64: 8, 128>}]} {
    %get3A = arith.constant 0 : index
    %get3A_0 = arith.constant 0 : index
    %get3A_1 = vector.load %arg2[%get3A, %get3A_0] : memref<256x128xf32, #tpu.memory_space<vmem>>, vector<256x128xf32>
    %add3A = arith.constant 1.000000e-16 : f32
    %add3A_2 = vector.broadcast %add3A : f32 to vector<256x128xf32>
    %add3A_3 = arith.addf %get3A_1, %add3A_2 : vector<256x128xf32>
    %div3A = arith.constant 1.000000e+00 : f32
    %div3A_4 = vector.broadcast %div3A : f32 to vector<256x128xf32>
    %div3A_5 = arith.divf %div3A_4, %add3A_3 : vector<256x128xf32>
    %get3A_6 = arith.constant 0 : index
    %get3A_7 = arith.constant 0 : index
    %get3A_8 = vector.load %arg4[%get3A_6, %get3A_7] : memref<128x256xf32, #tpu.memory_space<vmem>>, vector<128x256xf32>
    %dot_general3A = arith.constant dense<0.000000e+00> : vector<256x256xf32>
    %dot_general3A_9 = tpu.matmul %div3A_5, %get3A_8, %dot_general3A {dimension_numbers = #tpu.dot_dimension_numbers<[1], [0], [0], [1], [0, 0, 1, 1], [], []>, precision = #tpu.contract_precision<fp32>, transpose_lhs_hint = false} : vector<256x128xf32>, vector<128x256xf32>, vector<256x256xf32> -> vector<256x256xf32>
    %get3A_10 = arith.constant 0 : index
    %get3A_11 = arith.constant 0 : index
    %get3A_12 = vector.load %arg1[%get3A_10, %get3A_11] : memref<256x256xf32, #tpu.memory_space<vmem>>, vector<256x256xf32>
    %mul3A = arith.mulf %get3A_12, %dot_general3A_9 : vector<256x256xf32>
    %get3A_13 = arith.constant 0 : index
    %get3A_14 = arith.constant 0 : index
    %get3A_15 = vector.load %arg3[%get3A_13, %get3A_14] : memref<1x256xf32, #tpu.memory_space<vmem>>, vector<1x256xf32>
    %add3A_16 = vector.broadcast %get3A_15 : vector<1x256xf32> to vector<256x256xf32>
    %add3A_17 = arith.addf %mul3A, %add3A_16 : vector<256x256xf32>
    %gt3A = arith.constant 0.000000e+00 : f32
    %gt3A_18 = vector.broadcast %gt3A : f32 to vector<256x256xf32>
    %gt3A_19 = arith.cmpf ogt, %add3A_17, %gt3A_18 : vector<256x256xf32>
    %exp3A = math.exp %add3A_17 : vector<256x256xf32>
    %sub3A = arith.constant 1.000000e+00 : f32
    %sub3A_20 = vector.broadcast %sub3A : f32 to vector<256x256xf32>
    %sub3A_21 = arith.subf %exp3A, %sub3A_20 : vector<256x256xf32>
    %select_n3A = arith.select %gt3A_19, %add3A_17, %sub3A_21 : vector<256x256xi1>, vector<256x256xf32>
    %get3A_22 = arith.constant 0 : index
    %get3A_23 = arith.constant 0 : index
    %get3A_24 = vector.load %arg5[%get3A_22, %get3A_23] : memref<256x128xf32, #tpu.memory_space<vmem>>, vector<256x128xf32>
    %dot_general3A_25 = arith.constant dense<0.000000e+00> : vector<256x128xf32>
    %dot_general3A_26 = tpu.matmul %select_n3A, %get3A_24, %dot_general3A_25 {dimension_numbers = #tpu.dot_dimension_numbers<[1], [0], [0], [1], [0, 0, 1, 1], [], []>, transpose_lhs_hint = false} : vector<256x256xf32>, vector<256x128xf32>, vector<256x128xf32> -> vector<256x128xf32>
    %swap3A = arith.constant 0 : index
    %swap3A_27 = arith.constant 0 : index
    %swap3A_28 = vector.load %arg8[%swap3A, %swap3A_27] : memref<256x128xf32, #tpu.memory_space<vmem>>, vector<256x128xf32>
    tpu.vector_store %arg8[%swap3A, %swap3A_27], %dot_general3A_26 {strides = array<i32>} : memref<256x128xf32, #tpu.memory_space<vmem>>, vector<256x128xf32>,
    %get3A_29 = arith.constant 0 : index
    %get3A_30 = arith.constant 0 : index
    %get3A_31 = vector.load %arg6[%get3A_29, %get3A_30] : memref<128x128xf32, #tpu.memory_space<vmem>>, vector<128x128xf32>
    %dot_general3A_32 = arith.constant dense<0.000000e+00> : vector<256x128xf32>
    %dot_general3A_33 = tpu.matmul %dot_general3A_26, %get3A_31, %dot_general3A_32 {dimension_numbers = #tpu.dot_dimension_numbers<[1], [0], [0], [1], [0, 0, 1, 1], [], []>, precision = #tpu.contract_precision<fp32>, transpose_lhs_hint = false} : vector<256x128xf32>, vector<128x128xf32>, vector<256x128xf32> -> vector<256x128xf32>
    %get3A_34 = arith.constant 0 : index
    %get3A_35 = arith.constant 0 : index
    %get3A_36 = vector.load %arg7[%get3A_34, %get3A_35] : memref<128x128xf32, #tpu.memory_space<vmem>>, vector<128x128xf32>
    %dot_general3A_37 = arith.constant dense<0.000000e+00> : vector<256x128xf32>
    %dot_general3A_38 = tpu.matmul %dot_general3A_26, %get3A_36, %dot_general3A_37 {dimension_numbers = #tpu.dot_dimension_numbers<[1], [0], [0], [1], [0, 0, 1, 1], [], []>, precision = #tpu.contract_precision<fp32>, transpose_lhs_hint = false} : vector<256x128xf32>, vector<128x128xf32>, vector<256x128xf32> -> vector<256x128xf32>
    %swap3A_39 = arith.constant 0 : index
    %swap3A_40 = arith.constant 0 : index
    %swap3A_41 = vector.load %arg9[%swap3A_39, %swap3A_40] : memref<256x128xf32, #tpu.memory_space<vmem>>, vector<256x128xf32>
    tpu.vector_store %arg9[%swap3A_39, %swap3A_40], %dot_general3A_33 {strides = array<i32>} : memref<256x128xf32, #tpu.memory_space<vmem>>, vector<256x128xf32>,
    %swap3A_42 = arith.constant 0 : index
    %swap3A_43 = arith.constant 0 : index
    %swap3A_44 = vector.load %arg10[%swap3A_42, %swap3A_43] : memref<256x128xf32, #tpu.memory_space<vmem>>, vector<256x128xf32>
    tpu.vector_store %arg10[%swap3A_42, %swap3A_43], %dot_general3A_38 {strides = array<i32>} : memref<256x128xf32, #tpu.memory_space<vmem>>, vector<256x128xf32>,
    %reshape3A = vector.shape_cast %dot_general3A_33 : vector<256x128xf32> to vector<32x8x128xf32>
    %reduce_max3A = arith.constant dense<0xFF800000> : vector<8x128xf32>
    %reduce_max3A_45 = vector.multi_reduction <maximumf>, %reshape3A, %reduce_max3A [0] : vector<32x8x128xf32> to vector<8x128xf32>
    %reshape3A_46 = vector.shape_cast %dot_general3A_38 : vector<256x128xf32> to vector<32x8x128xf32>
    %reduce_max3A_47 = arith.constant dense<0xFF800000> : vector<8x128xf32>
    %reduce_max3A_48 = vector.multi_reduction <maximumf>, %reshape3A_46, %reduce_max3A_47 [0] : vector<32x8x128xf32> to vector<8x128xf32>
    %eq3A = arith.constant 0 : i32
    %eq3A_49 = arith.cmpi eq, %arg0, %eq3A : i32
    %convert_element_type3A = arith.extui %eq3A_49 : i1 to i32
    %cond3A = arith.constant 0 : i32
    %cond3A_50 = arith.cmpi ne, %convert_element_type3A, %cond3A : i32
    scf.if %cond3A_50 {
      %broadcast_in_dim3A = arith.constant 0xFF800000 : f32
      %broadcast_in_dim3A_64 = vector.broadcast %broadcast_in_dim3A : f32 to vector<8x128xf32>
      %swap3A_65 = arith.constant 0 : index
      %swap3A_66 = arith.constant 0 : index
      %swap3A_67 = vector.load %arg11[%swap3A_65, %swap3A_66] : memref<8x128xf32, #tpu.memory_space<vmem>>, vector<8x128xf32>
      tpu.vector_store %arg11[%swap3A_65, %swap3A_66], %broadcast_in_dim3A_64 {strides = array<i32>} : memref<8x128xf32, #tpu.memory_space<vmem>>, vector<8x128xf32>,
      %broadcast_in_dim3A_68 = arith.constant 0xFF800000 : f32
      %broadcast_in_dim3A_69 = vector.broadcast %broadcast_in_dim3A_68 : f32 to vector<8x128xf32>
      %swap3A_70 = arith.constant 0 : index
      %swap3A_71 = arith.constant 0 : index
      %swap3A_72 = vector.load %arg12[%swap3A_70, %swap3A_71] : memref<8x128xf32, #tpu.memory_space<vmem>>, vector<8x128xf32>
      tpu.vector_store %arg12[%swap3A_70, %swap3A_71], %broadcast_in_dim3A_69 {strides = array<i32>} : memref<8x128xf32, #tpu.memory_space<vmem>>, vector<8x128xf32>,
    } else {
    }
    %get3A_51 = arith.constant 0 : index
    %get3A_52 = arith.constant 0 : index
    %get3A_53 = vector.load %arg11[%get3A_51, %get3A_52] : memref<8x128xf32, #tpu.memory_space<vmem>>, vector<8x128xf32>
    %max3A = arith.maximumf %get3A_53, %reduce_max3A_45 : vector<8x128xf32>
    %swap3A_54 = arith.constant 0 : index
    %swap3A_55 = arith.constant 0 : index
    %swap3A_56 = vector.load %arg11[%swap3A_54, %swap3A_55] : memref<8x128xf32, #tpu.memory_space<vmem>>, vector<8x128xf32>
    tpu.vector_store %arg11[%swap3A_54, %swap3A_55], %max3A {strides = array<i32>} : memref<8x128xf32, #tpu.memory_space<vmem>>, vector<8x128xf32>,
    %get3A_57 = arith.constant 0 : index
    %get3A_58 = arith.constant 0 : index
    %get3A_59 = vector.load %arg12[%get3A_57, %get3A_58] : memref<8x128xf32, #tpu.memory_space<vmem>>, vector<8x128xf32>
    %max3A_60 = arith.maximumf %get3A_59, %reduce_max3A_48 : vector<8x128xf32>
    %swap3A_61 = arith.constant 0 : index
    %swap3A_62 = arith.constant 0 : index
    %swap3A_63 = vector.load %arg12[%swap3A_61, %swap3A_62] : memref<8x128xf32, #tpu.memory_space<vmem>>, vector<8x128xf32>
    tpu.vector_store %arg12[%swap3A_61, %swap3A_62], %max3A_60 {strides = array<i32>} : memref<8x128xf32, #tpu.memory_space<vmem>>, vector<8x128xf32>,
    return
  }
  func.func @transform_0(%arg0: i32) -> (i32, i32) {
    %c0_i32 = arith.constant 0 : i32
    %c0_i32_0 = arith.constant 0 : i32
    return %arg0, %c0_i32 : i32, i32
  }
  func.func @transform_1(%arg0: i32) -> (i32, i32) {
    %c0_i32 = arith.constant 0 : i32
    %c0_i32_0 = arith.constant 0 : i32
    return %arg0, %c0_i32 : i32, i32
  }
  func.func @transform_2(%arg0: i32) -> (i32, i32) {
    %c0_i32 = arith.constant 0 : i32
    %c0_i32_0 = arith.constant 0 : i32
    %c0_i32_1 = arith.constant 0 : i32
    return %c0_i32, %c0_i32_0 : i32, i32
  }
  func.func @transform_3(%arg0: i32) -> (i32, i32) {
    %c0_i32 = arith.constant 0 : i32
    %c0_i32_0 = arith.constant 0 : i32
    %c0_i32_1 = arith.constant 0 : i32
    return %c0_i32, %c0_i32_0 : i32, i32
  }
  func.func @transform_4(%arg0: i32) -> (i32, i32) {
    %c0_i32 = arith.constant 0 : i32
    %c0_i32_0 = arith.constant 0 : i32
    %c0_i32_1 = arith.constant 0 : i32
    return %c0_i32, %c0_i32_0 : i32, i32
  }
  func.func @transform_5(%arg0: i32) -> (i32, i32) {
    %c0_i32 = arith.constant 0 : i32
    %c0_i32_0 = arith.constant 0 : i32
    %c0_i32_1 = arith.constant 0 : i32
    return %c0_i32, %c0_i32_0 : i32, i32
  }
  func.func @transform_6(%arg0: i32) -> (i32, i32) {
    %c0_i32 = arith.constant 0 : i32
    %c0_i32_0 = arith.constant 0 : i32
    %c0_i32_1 = arith.constant 0 : i32
    return %c0_i32, %c0_i32_0 : i32, i32
  }
  func.func @transform_7(%arg0: i32) -> (i32, i32) {
    %c0_i32 = arith.constant 0 : i32
    %c0_i32_0 = arith.constant 0 : i32
    return %arg0, %c0_i32 : i32, i32
  }
  func.func @transform_8(%arg0: i32) -> (i32, i32) {
    %c0_i32 = arith.constant 0 : i32
    %c0_i32_0 = arith.constant 0 : i32
    return %arg0, %c0_i32 : i32, i32
  }
  func.func @transform_9(%arg0: i32) -> (i32, i32) {
    %c0_i32 = arith.constant 0 : i32
    %c0_i32_0 = arith.constant 0 : i32
    return %arg0, %c0_i32 : i32, i32
  }
  func.func @transform_10(%arg0: i32) -> (i32, i32) {
    %c0_i32 = arith.constant 0 : i32
    %c0_i32_0 = arith.constant 0 : i32
    %c0_i32_1 = arith.constant 0 : i32
    return %c0_i32, %c0_i32_0 : i32, i32
  }
  func.func @transform_11(%arg0: i32) -> (i32, i32) {
    %c0_i32 = arith.constant 0 : i32
    %c0_i32_0 = arith.constant 0 : i32
    %c0_i32_1 = arith.constant 0 : i32
    return %c0_i32, %c0_i32_0 : i32, i32
  }
}

module attributes {stable_mosaic.version = 14 : i64} {
  func.func @_dec_body(%arg0: i32, %arg1: memref<256x128xf32, #tpu.memory_space<vmem>>, %arg2: memref<256x128xf32, #tpu.memory_space<vmem>>, %arg3: memref<1x128xf32, #tpu.memory_space<vmem>>, %arg4: memref<128x128xf32, #tpu.memory_space<vmem>>, %arg5: memref<128x256xf32, #tpu.memory_space<vmem>>, %arg6: memref<1x256xf32, #tpu.memory_space<vmem>>, %arg7: memref<1x256xf32, #tpu.memory_space<vmem>>, %arg8: memref<1x256xf32, #tpu.memory_space<vmem>>, %arg9: memref<256x256xf32, #tpu.memory_space<vmem>>, %arg10: memref<1x256xf32, #tpu.memory_space<vmem>>, %arg11: memref<1x256xf32, #tpu.memory_space<vmem>>, %arg12: memref<1x256xf32, #tpu.memory_space<vmem>>, %arg13: memref<256x128xf32, #tpu.memory_space<vmem>>, %arg14: memref<1x128xf32, #tpu.memory_space<vmem>>, %arg15: memref<256x128xf32, #tpu.memory_space<vmem>>) attributes {dimension_semantics = [#tpu.dimension_semantics<arbitrary>], iteration_bounds = array<i64: 196>, scalar_prefetch = 0 : i64, scratch_operands = 0 : i64, tpu.core_type = #tpu.core_type<tc>, window_params = [{transform_indices = @transform_0, window_bounds = array<i64: 256, 128>}, {transform_indices = @transform_1, window_bounds = array<i64: 256, 128>}, {pipeline_mode = #tpu.pipeline_mode<synchronous>, transform_indices = @transform_2, window_bounds = array<i64: 1, 128>}, {pipeline_mode = #tpu.pipeline_mode<synchronous>, transform_indices = @transform_3, window_bounds = array<i64: 128, 128>}, {pipeline_mode = #tpu.pipeline_mode<synchronous>, transform_indices = @transform_4, window_bounds = array<i64: 128, 256>}, {pipeline_mode = #tpu.pipeline_mode<synchronous>, transform_indices = @transform_5, window_bounds = array<i64: 1, 256>}, {pipeline_mode = #tpu.pipeline_mode<synchronous>, transform_indices = @transform_6, window_bounds = array<i64: 1, 256>}, {pipeline_mode = #tpu.pipeline_mode<synchronous>, transform_indices = @transform_7, window_bounds = array<i64: 1, 256>}, {pipeline_mode = #tpu.pipeline_mode<synchronous>, transform_indices = @transform_8, window_bounds = array<i64: 256, 256>}, {pipeline_mode = #tpu.pipeline_mode<synchronous>, transform_indices = @transform_9, window_bounds = array<i64: 1, 256>}, {pipeline_mode = #tpu.pipeline_mode<synchronous>, transform_indices = @transform_10, window_bounds = array<i64: 1, 256>}, {pipeline_mode = #tpu.pipeline_mode<synchronous>, transform_indices = @transform_11, window_bounds = array<i64: 1, 256>}, {pipeline_mode = #tpu.pipeline_mode<synchronous>, transform_indices = @transform_12, window_bounds = array<i64: 256, 128>}, {pipeline_mode = #tpu.pipeline_mode<synchronous>, transform_indices = @transform_13, window_bounds = array<i64: 1, 128>}, {transform_indices = @transform_14, window_bounds = array<i64: 256, 128>}]} {
    %get3A = arith.constant 0 : index
    %get3A_0 = arith.constant 0 : index
    %get3A_1 = vector.load %arg2[%get3A, %get3A_0] : memref<256x128xf32, #tpu.memory_space<vmem>>, vector<256x128xf32>
    %add3A = arith.constant 1.000000e-16 : f32
    %add3A_2 = vector.broadcast %add3A : f32 to vector<256x128xf32>
    %add3A_3 = arith.addf %get3A_1, %add3A_2 : vector<256x128xf32>
    %div3A = arith.constant 1.000000e+00 : f32
    %div3A_4 = vector.broadcast %div3A : f32 to vector<256x128xf32>
    %div3A_5 = arith.divf %div3A_4, %add3A_3 : vector<256x128xf32>
    %get3A_6 = arith.constant 0 : index
    %get3A_7 = arith.constant 0 : index
    %get3A_8 = vector.load %arg4[%get3A_6, %get3A_7] : memref<128x128xf32, #tpu.memory_space<vmem>>, vector<128x128xf32>
    %dot_general3A = arith.constant dense<0.000000e+00> : vector<256x128xf32>
    %dot_general3A_9 = tpu.matmul %div3A_5, %get3A_8, %dot_general3A {dimension_numbers = #tpu.dot_dimension_numbers<[1], [0], [0], [1], [0, 0, 1, 1], [], []>, precision = #tpu.contract_precision<fp32>, transpose_lhs_hint = false} : vector<256x128xf32>, vector<128x128xf32>, vector<256x128xf32> -> vector<256x128xf32>
    %get3A_10 = arith.constant 0 : index
    %get3A_11 = arith.constant 0 : index
    %get3A_12 = vector.load %arg1[%get3A_10, %get3A_11] : memref<256x128xf32, #tpu.memory_space<vmem>>, vector<256x128xf32>
    %mul3A = arith.mulf %get3A_12, %dot_general3A_9 : vector<256x128xf32>
    %get3A_13 = arith.constant 0 : index
    %get3A_14 = arith.constant 0 : index
    %get3A_15 = vector.load %arg3[%get3A_13, %get3A_14] : memref<1x128xf32, #tpu.memory_space<vmem>>, vector<1x128xf32>
    %add3A_16 = vector.broadcast %get3A_15 : vector<1x128xf32> to vector<256x128xf32>
    %add3A_17 = arith.addf %mul3A, %add3A_16 : vector<256x128xf32>
    %get3A_18 = arith.constant 0 : index
    %get3A_19 = arith.constant 0 : index
    %get3A_20 = vector.load %arg5[%get3A_18, %get3A_19] : memref<128x256xf32, #tpu.memory_space<vmem>>, vector<128x256xf32>
    %dot_general3A_21 = arith.constant dense<0.000000e+00> : vector<256x256xf32>
    %dot_general3A_22 = tpu.matmul %add3A_17, %get3A_20, %dot_general3A_21 {dimension_numbers = #tpu.dot_dimension_numbers<[1], [0], [0], [1], [0, 0, 1, 1], [], []>, transpose_lhs_hint = false} : vector<256x128xf32>, vector<128x256xf32>, vector<256x256xf32> -> vector<256x256xf32>
    %get3A_23 = arith.constant 0 : index
    %get3A_24 = arith.constant 0 : index
    %get3A_25 = vector.load %arg6[%get3A_23, %get3A_24] : memref<1x256xf32, #tpu.memory_space<vmem>>, vector<1x256xf32>
    %add3A_26 = vector.broadcast %get3A_25 : vector<1x256xf32> to vector<256x256xf32>
    %add3A_27 = arith.addf %dot_general3A_22, %add3A_26 : vector<256x256xf32>
    %get3A_28 = arith.constant 0 : index
    %get3A_29 = arith.constant 0 : index
    %get3A_30 = vector.load %arg7[%get3A_28, %get3A_29] : memref<1x256xf32, #tpu.memory_space<vmem>>, vector<1x256xf32>
    %get3A_31 = arith.constant 0 : index
    %get3A_32 = arith.constant 0 : index
    %get3A_33 = vector.load %arg8[%get3A_31, %get3A_32] : memref<1x256xf32, #tpu.memory_space<vmem>>, vector<1x256xf32>
    %reduce_sum3A = arith.constant dense<0.000000e+00> : vector<256xf32>
    %reduce_sum3A_34 = vector.multi_reduction <add>, %add3A_27, %reduce_sum3A [1] : vector<256x256xf32> to vector<256xf32>
    %broadcast_in_dim3A = vector.shape_cast %reduce_sum3A_34 : vector<256xf32> to vector<256x1xf32>
    %div3A_35 = arith.constant 2.560000e+02 : f32
    %div3A_36 = vector.broadcast %div3A_35 : f32 to vector<256x1xf32>
    %div3A_37 = arith.divf %broadcast_in_dim3A, %div3A_36 : vector<256x1xf32>
    %sub3A = vector.broadcast %div3A_37 : vector<256x1xf32> to vector<256x256xf32>
    %sub3A_38 = arith.subf %add3A_27, %sub3A : vector<256x256xf32>
    %integer_pow3A = arith.mulf %sub3A_38, %sub3A_38 : vector<256x256xf32>
    %reduce_sum3A_39 = arith.constant dense<0.000000e+00> : vector<256xf32>
    %reduce_sum3A_40 = vector.multi_reduction <add>, %integer_pow3A, %reduce_sum3A_39 [1] : vector<256x256xf32> to vector<256xf32>
    %broadcast_in_dim3A_41 = vector.shape_cast %reduce_sum3A_40 : vector<256xf32> to vector<256x1xf32>
    %div3A_42 = arith.constant 2.560000e+02 : f32
    %div3A_43 = vector.broadcast %div3A_42 : f32 to vector<256x1xf32>
    %div3A_44 = arith.divf %broadcast_in_dim3A_41, %div3A_43 : vector<256x1xf32>
    %sub3A_45 = vector.broadcast %div3A_37 : vector<256x1xf32> to vector<256x256xf32>
    %sub3A_46 = arith.subf %add3A_27, %sub3A_45 : vector<256x256xf32>
    %add3A_47 = arith.constant 9.99999974E-6 : f32
    %add3A_48 = vector.broadcast %add3A_47 : f32 to vector<256x1xf32>
    %add3A_49 = arith.addf %div3A_44, %add3A_48 : vector<256x1xf32>
    %sqrt3A = math.sqrt %add3A_49 : vector<256x1xf32>
    %div3A_50 = vector.broadcast %sqrt3A : vector<256x1xf32> to vector<256x256xf32>
    %div3A_51 = arith.divf %sub3A_46, %div3A_50 : vector<256x256xf32>
    %mul3A_52 = vector.broadcast %get3A_30 : vector<1x256xf32> to vector<256x256xf32>
    %mul3A_53 = arith.mulf %div3A_51, %mul3A_52 : vector<256x256xf32>
    %add3A_54 = vector.broadcast %get3A_33 : vector<1x256xf32> to vector<256x256xf32>
    %add3A_55 = arith.addf %mul3A_53, %add3A_54 : vector<256x256xf32>
    %mul3A_56 = arith.constant 5.000000e-01 : f32
    %mul3A_57 = vector.broadcast %mul3A_56 : f32 to vector<256x256xf32>
    %mul3A_58 = arith.mulf %mul3A_57, %add3A_55 : vector<256x256xf32>
    %div3A_59 = arith.constant 1.41421354 : f32
    %div3A_60 = vector.broadcast %div3A_59 : f32 to vector<256x256xf32>
    %div3A_61 = arith.divf %add3A_55, %div3A_60 : vector<256x256xf32>
    %erf3A = math.erf %div3A_61 : vector<256x256xf32>
    %add3A_62 = arith.constant 1.000000e+00 : f32
    %add3A_63 = vector.broadcast %add3A_62 : f32 to vector<256x256xf32>
    %add3A_64 = arith.addf %add3A_63, %erf3A : vector<256x256xf32>
    %mul3A_65 = arith.mulf %mul3A_58, %add3A_64 : vector<256x256xf32>
    %get3A_66 = arith.constant 0 : index
    %get3A_67 = arith.constant 0 : index
    %get3A_68 = vector.load %arg9[%get3A_66, %get3A_67] : memref<256x256xf32, #tpu.memory_space<vmem>>, vector<256x256xf32>
    %dot_general3A_69 = arith.constant dense<0.000000e+00> : vector<256x256xf32>
    %dot_general3A_70 = tpu.matmul %mul3A_65, %get3A_68, %dot_general3A_69 {dimension_numbers = #tpu.dot_dimension_numbers<[1], [0], [0], [1], [0, 0, 1, 1], [], []>, transpose_lhs_hint = false} : vector<256x256xf32>, vector<256x256xf32>, vector<256x256xf32> -> vector<256x256xf32>
    %get3A_71 = arith.constant 0 : index
    %get3A_72 = arith.constant 0 : index
    %get3A_73 = vector.load %arg10[%get3A_71, %get3A_72] : memref<1x256xf32, #tpu.memory_space<vmem>>, vector<1x256xf32>
    %add3A_74 = vector.broadcast %get3A_73 : vector<1x256xf32> to vector<256x256xf32>
    %add3A_75 = arith.addf %dot_general3A_70, %add3A_74 : vector<256x256xf32>
    %get3A_76 = arith.constant 0 : index
    %get3A_77 = arith.constant 0 : index
    %get3A_78 = vector.load %arg11[%get3A_76, %get3A_77] : memref<1x256xf32, #tpu.memory_space<vmem>>, vector<1x256xf32>
    %get3A_79 = arith.constant 0 : index
    %get3A_80 = arith.constant 0 : index
    %get3A_81 = vector.load %arg12[%get3A_79, %get3A_80] : memref<1x256xf32, #tpu.memory_space<vmem>>, vector<1x256xf32>
    %reduce_sum3A_82 = arith.constant dense<0.000000e+00> : vector<256xf32>
    %reduce_sum3A_83 = vector.multi_reduction <add>, %add3A_75, %reduce_sum3A_82 [1] : vector<256x256xf32> to vector<256xf32>
    %broadcast_in_dim3A_84 = vector.shape_cast %reduce_sum3A_83 : vector<256xf32> to vector<256x1xf32>
    %div3A_85 = arith.constant 2.560000e+02 : f32
    %div3A_86 = vector.broadcast %div3A_85 : f32 to vector<256x1xf32>
    %div3A_87 = arith.divf %broadcast_in_dim3A_84, %div3A_86 : vector<256x1xf32>
    %sub3A_88 = vector.broadcast %div3A_87 : vector<256x1xf32> to vector<256x256xf32>
    %sub3A_89 = arith.subf %add3A_75, %sub3A_88 : vector<256x256xf32>
    %integer_pow3A_90 = arith.mulf %sub3A_89, %sub3A_89 : vector<256x256xf32>
    %reduce_sum3A_91 = arith.constant dense<0.000000e+00> : vector<256xf32>
    %reduce_sum3A_92 = vector.multi_reduction <add>, %integer_pow3A_90, %reduce_sum3A_91 [1] : vector<256x256xf32> to vector<256xf32>
    %broadcast_in_dim3A_93 = vector.shape_cast %reduce_sum3A_92 : vector<256xf32> to vector<256x1xf32>
    %div3A_94 = arith.constant 2.560000e+02 : f32
    %div3A_95 = vector.broadcast %div3A_94 : f32 to vector<256x1xf32>
    %div3A_96 = arith.divf %broadcast_in_dim3A_93, %div3A_95 : vector<256x1xf32>
    %sub3A_97 = vector.broadcast %div3A_87 : vector<256x1xf32> to vector<256x256xf32>
    %sub3A_98 = arith.subf %add3A_75, %sub3A_97 : vector<256x256xf32>
    %add3A_99 = arith.constant 9.99999974E-6 : f32
    %add3A_100 = vector.broadcast %add3A_99 : f32 to vector<256x1xf32>
    %add3A_101 = arith.addf %div3A_96, %add3A_100 : vector<256x1xf32>
    %sqrt3A_102 = math.sqrt %add3A_101 : vector<256x1xf32>
    %div3A_103 = vector.broadcast %sqrt3A_102 : vector<256x1xf32> to vector<256x256xf32>
    %div3A_104 = arith.divf %sub3A_98, %div3A_103 : vector<256x256xf32>
    %mul3A_105 = vector.broadcast %get3A_78 : vector<1x256xf32> to vector<256x256xf32>
    %mul3A_106 = arith.mulf %div3A_104, %mul3A_105 : vector<256x256xf32>
    %add3A_107 = vector.broadcast %get3A_81 : vector<1x256xf32> to vector<256x256xf32>
    %add3A_108 = arith.addf %mul3A_106, %add3A_107 : vector<256x256xf32>
    %mul3A_109 = arith.constant 5.000000e-01 : f32
    %mul3A_110 = vector.broadcast %mul3A_109 : f32 to vector<256x256xf32>
    %mul3A_111 = arith.mulf %mul3A_110, %add3A_108 : vector<256x256xf32>
    %div3A_112 = arith.constant 1.41421354 : f32
    %div3A_113 = vector.broadcast %div3A_112 : f32 to vector<256x256xf32>
    %div3A_114 = arith.divf %add3A_108, %div3A_113 : vector<256x256xf32>
    %erf3A_115 = math.erf %div3A_114 : vector<256x256xf32>
    %add3A_116 = arith.constant 1.000000e+00 : f32
    %add3A_117 = vector.broadcast %add3A_116 : f32 to vector<256x256xf32>
    %add3A_118 = arith.addf %add3A_117, %erf3A_115 : vector<256x256xf32>
    %mul3A_119 = arith.mulf %mul3A_111, %add3A_118 : vector<256x256xf32>
    %get3A_120 = arith.constant 0 : index
    %get3A_121 = arith.constant 0 : index
    %get3A_122 = vector.load %arg13[%get3A_120, %get3A_121] : memref<256x128xf32, #tpu.memory_space<vmem>>, vector<256x128xf32>
    %dot_general3A_123 = arith.constant dense<0.000000e+00> : vector<256x128xf32>
    %dot_general3A_124 = tpu.matmul %mul3A_119, %get3A_122, %dot_general3A_123 {dimension_numbers = #tpu.dot_dimension_numbers<[1], [0], [0], [1], [0, 0, 1, 1], [], []>, transpose_lhs_hint = false} : vector<256x256xf32>, vector<256x128xf32>, vector<256x128xf32> -> vector<256x128xf32>
    %get3A_125 = arith.constant 0 : index
    %get3A_126 = arith.constant 0 : index
    %get3A_127 = vector.load %arg14[%get3A_125, %get3A_126] : memref<1x128xf32, #tpu.memory_space<vmem>>, vector<1x128xf32>
    %add3A_128 = vector.broadcast %get3A_127 : vector<1x128xf32> to vector<256x128xf32>
    %add3A_129 = arith.addf %dot_general3A_124, %add3A_128 : vector<256x128xf32>
    %swap3A = arith.constant 0 : index
    %swap3A_130 = arith.constant 0 : index
    %swap3A_131 = vector.load %arg15[%swap3A, %swap3A_130] : memref<256x128xf32, #tpu.memory_space<vmem>>, vector<256x128xf32>
    tpu.vector_store %arg15[%swap3A, %swap3A_130], %add3A_129 {strides = array<i32>} : memref<256x128xf32, #tpu.memory_space<vmem>>, vector<256x128xf32>,
    return
  }
  func.func @transform_0(%arg0: i32) -> (i32, i32) {
    %c0_i32 = arith.constant 0 : i32
    %c0_i32_0 = arith.constant 0 : i32
    return %arg0, %c0_i32 : i32, i32
  }
  func.func @transform_1(%arg0: i32) -> (i32, i32) {
    %c0_i32 = arith.constant 0 : i32
    %c0_i32_0 = arith.constant 0 : i32
    return %arg0, %c0_i32 : i32, i32
  }
  func.func @transform_2(%arg0: i32) -> (i32, i32) {
    %c0_i32 = arith.constant 0 : i32
    %c0_i32_0 = arith.constant 0 : i32
    %c0_i32_1 = arith.constant 0 : i32
    return %c0_i32, %c0_i32_0 : i32, i32
  }
  func.func @transform_3(%arg0: i32) -> (i32, i32) {
    %c0_i32 = arith.constant 0 : i32
    %c0_i32_0 = arith.constant 0 : i32
    %c0_i32_1 = arith.constant 0 : i32
    return %c0_i32, %c0_i32_0 : i32, i32
  }
  func.func @transform_4(%arg0: i32) -> (i32, i32) {
    %c0_i32 = arith.constant 0 : i32
    %c0_i32_0 = arith.constant 0 : i32
    %c0_i32_1 = arith.constant 0 : i32
    return %c0_i32, %c0_i32_0 : i32, i32
  }
  func.func @transform_5(%arg0: i32) -> (i32, i32) {
    %c0_i32 = arith.constant 0 : i32
    %c0_i32_0 = arith.constant 0 : i32
    %c0_i32_1 = arith.constant 0 : i32
    return %c0_i32, %c0_i32_0 : i32, i32
  }
  func.func @transform_6(%arg0: i32) -> (i32, i32) {
    %c0_i32 = arith.constant 0 : i32
    %c0_i32_0 = arith.constant 0 : i32
    %c0_i32_1 = arith.constant 0 : i32
    return %c0_i32, %c0_i32_0 : i32, i32
  }
  func.func @transform_7(%arg0: i32) -> (i32, i32) {
    %c0_i32 = arith.constant 0 : i32
    %c0_i32_0 = arith.constant 0 : i32
    %c0_i32_1 = arith.constant 0 : i32
    return %c0_i32, %c0_i32_0 : i32, i32
  }
  func.func @transform_8(%arg0: i32) -> (i32, i32) {
    %c0_i32 = arith.constant 0 : i32
    %c0_i32_0 = arith.constant 0 : i32
    %c0_i32_1 = arith.constant 0 : i32
    return %c0_i32, %c0_i32_0 : i32, i32
  }
  func.func @transform_9(%arg0: i32) -> (i32, i32) {
    %c0_i32 = arith.constant 0 : i32
    %c0_i32_0 = arith.constant 0 : i32
    %c0_i32_1 = arith.constant 0 : i32
    return %c0_i32, %c0_i32_0 : i32, i32
  }
  func.func @transform_10(%arg0: i32) -> (i32, i32) {
    %c0_i32 = arith.constant 0 : i32
    %c0_i32_0 = arith.constant 0 : i32
    %c0_i32_1 = arith.constant 0 : i32
    return %c0_i32, %c0_i32_0 : i32, i32
  }
  func.func @transform_11(%arg0: i32) -> (i32, i32) {
    %c0_i32 = arith.constant 0 : i32
    %c0_i32_0 = arith.constant 0 : i32
    %c0_i32_1 = arith.constant 0 : i32
    return %c0_i32, %c0_i32_0 : i32, i32
  }
  func.func @transform_12(%arg0: i32) -> (i32, i32) {
    %c0_i32 = arith.constant 0 : i32
    %c0_i32_0 = arith.constant 0 : i32
    %c0_i32_1 = arith.constant 0 : i32
    return %c0_i32, %c0_i32_0 : i32, i32
  }
  func.func @transform_13(%arg0: i32) -> (i32, i32) {
    %c0_i32 = arith.constant 0 : i32
    %c0_i32_0 = arith.constant 0 : i32
    %c0_i32_1 = arith.constant 0 : i32
    return %c0_i32, %c0_i32_0 : i32, i32
  }
  func.func @transform_14(%arg0: i32) -> (i32, i32) {
    %c0_i32 = arith.constant 0 : i32
    %c0_i32_0 = arith.constant 0 : i32
    return %arg0, %c0_i32 : i32, i32
  }
}

</mosaic_0001>

<sc_bundles>
// kernel: gather_offload_async_start
scs
__scs_entry_jumppad:
0x0: {  	(pc) =	sbr.rel $0x88, $3  }
0x1: {  	(tag) =	ssettag $0x0;
	lr =	simm.s32 $0x1  }
0x2: {  	[smem:$0x3F88] =	sst lr;
	_ =	strace $0xD0000000  }
0x3: {  	_ = 	snop  }
0x4: {  	_ = 	snop  }
0x5: {  	_ = 	snop  }
0x6: {  	_ = 	snop  }
0x7: {  	_ = 	snop  }
__scs_overlays_trampoline_lowered:
0x8: {  	[smem:$0x3F97] =	sst s0  }
0x9: {  	[smem:$0x3F98] =	sst s1  }
0xa: {  	[smem:$0x3F99] =	sst s2  }
0xb: {  	[smem:$0x3F9A] =	sst s3  }
0xc: {  	[smem:$0x3F9B] =	sst s4  }
0xd: {  	[smem:$0x3F9C] =	sst s5  }
0xe: {  	[smem:$0x3F9D] =	sst s6  }
0xf: {  	[smem:$0x3F9E] =	sst s7  }
0x10: {  	[smem:$0x3F9F] =	sst s8  }
0x11: {  	[smem:$0x3FA0] =	sst s9;
	s0 =	simm.s32 @!p0 $0x0  }
0x12: {  	s1 =	sld [smem:$0x3F86];
	s0 =	simm.s32 @p0 $0x1  }
0x13: {  	[smem:$0x3FA1] =	sst s0;
	s0 =	simm.s32 @!p1 $0x0  }
0x14: {  	s2 =	sld [smem:$0x3F85];
	s0 =	simm.s32 @p1 $0x1  }
0x15: {  	[smem:$0x3FA2] =	sst s0;
	s0 =	simm.s32 @!p2 $0x0  }
0x16: {  	s3 =	sld [smem:$0x3FDB];
	s0 =	simm.s32 @p2 $0x1  }
0x17: {  	s4 =	simm.s32 $0x1BF5;
	[smem:$0x3FA4] =	sst s0  }
0x18: {  	s0 =	sld [smem:$0x3F87];
	_ =	swait.ge [sflag:s4], $0x0  }
0x19: {  	s7 =	sld [smem:$0x3F88]  }
0x1a: {  	s8 =	sadd.s32 $0xFFFFE003, lr  }
0x1b: {  	s9 =	sadd.s32 $0xFFFFFEF7, lr;
	s5 =	simm.s32 $0xFFFFFFFF;
	p2 =	slt.u32 s8, $0xFFFFF086  }
0x1c: {  	p1 =	slt.u32 s9, $0xF7A;
	s5 =	simm.s32 @!p2 $0x0  }
0x1d: {  	s5 =	simm.s32 @p1 $0x1;
	p0 =	seq.s32 s7, s2  }
0x1e: {  	s7 =	smul.u32 @!p0 $0xF7A, s2;
	p2 =	seq.s32 @!p0 s5, $0x0  }
0x1f: {  	s9 =	smul.u32 $0xF7A, s1;
	s8 =	simm.s32 @!p0 $0x1BF5;
	p2 =	por !p2, p0  }
0x20: {  	[sflag:s8] =	ssyncset.s32 @!p0 $0xFFFFF086;
	s6 =	sadd.s32 @!p0 s3, s7;
	s7 =	simm.s32 @!p0 $0x108  }
0x21: {  	s3 =	sadd.s32 s3, s9;
	s6 =	sadd.s32 @!p0 $0x88, s6;
	s7 =	simm.s32 @p2 $0x1082  }
0x22: {  	[simem:s7], [sflag:s8] =	dma.local @!p0 [hbm:s6], $0xF7A  }
0x23: {  	s9 =	sor.u32 $0xD0000000, s2;
	s6 =	simm.s32 $0x108;
	_ =	swait.ge @!p0 [sflag:s8], $0x0  }
0x24: {  	s3 =	sadd.s32 $0x88, s3;
	s6 =	simm.s32 @!p1 $0x1082;
	[sflag:s4] =	ssyncset.s32 $0xFFFFF086  }
0x25: {  	[simem:s6], [sflag:s4] =	dma.local [hbm:s3], $0xF7A  }
0x26: {  	[smem:$0x3F88] =	sst s1;
	(tag) =	ssettag s2;
	_ =	strace s9  }
0x27: {  	s1 =	sld [smem:$0x3F98]  }
0x28: {  	s2 =	sld [smem:$0x3F99]  }
0x29: {  	s4 =	sld [smem:$0x3F9B]  }
0x2a: {  	p0 =	seq.s32 s5, $0x0;
	s5 =	sld [smem:$0x3F9C]  }
0x2b: {  	s6 =	sld [smem:$0x3F9D]  }
0x2c: {  	s7 =	sld [smem:$0x3F9E]  }
0x2d: {  	s3 =	simm.s32 $0x108;
	s8 =	sld [smem:$0x3F9F]  }
0x2e: {  	s3 =	simm.s32 @!p0 $0x1082;
	s9 =	sld [smem:$0x3FA0]  }
0x2f: {  	lr =	sadd.s32 s0, s3;
	s0 =	sld [smem:$0x3F97]  }
0x30: {  	s3 =	sld [smem:$0x3F9A]  }
0x31: {  	[smem:$0x3FA3] =	sst s10  }
0x32: {  	s10 =	sld [smem:$0x3FA1];
	_ =	sdelay $0x3  }
0x33: {  	p0 =	seq.s32 s10, $0x1;
	s10 =	sld [smem:$0x3FA3];
	_ =	sdelay $0x3  }
0x34: {  	[smem:$0x3FA3] =	sst s10  }
0x35: {  	s10 =	sld [smem:$0x3FA2];
	_ =	sdelay $0x3  }
0x36: {  	p1 =	seq.s32 s10, $0x1;
	s10 =	sld [smem:$0x3FA3];
	_ =	sdelay $0x3  }
0x37: {  	[smem:$0x3FA3] =	sst s10  }
0x38: {  	s10 =	sld [smem:$0x3FA4]  }
0x39: {  	_ = 	snop;
	(pc) =	sbr.ind lr, $3  }
0x3a: {  	_ = 	snop  }
0x3b: {  	_ = 	snop  }
0x3c: {  	p2 =	seq.s32 s10, $0x1;
	s10 =	sld [smem:$0x3FA3]  }
0x3d: {  	_ =	shalt  }
0x3e: {  	_ =	shalt  }
0x3f: {  	_ =	shalt  }
0x40: {  	_ =	shalt  }
0x41: {  	_ =	shalt  }
0x42: {  	_ =	shalt  }
0x43: {  	_ =	shalt  }
0x44: {  	_ =	shalt  }
0x45: {  	_ =	shalt  }
0x46: {  	_ =	shalt  }
0x47: {  	_ =	shalt  }
0x48: {  	_ =	shalt  }
0x49: {  	_ =	shalt  }
0x4a: {  	_ =	shalt  }
0x4b: {  	_ =	shalt  }
0x4c: {  	_ =	shalt  }
0x4d: {  	_ =	shalt  }
0x4e: {  	_ =	shalt  }
0x4f: {  	_ =	shalt  }
0x50: {  	_ =	shalt  }
0x51: {  	_ =	shalt  }
0x52: {  	_ =	shalt  }
0x53: {  	_ =	shalt  }
0x54: {  	_ =	shalt  }
0x55: {  	_ =	shalt  }
0x56: {  	_ =	shalt  }
0x57: {  	_ =	shalt  }
0x58: {  	_ =	shalt  }
0x59: {  	_ =	shalt  }
0x5a: {  	_ =	shalt  }
0x5b: {  	_ =	shalt  }
0x5c: {  	_ =	shalt  }
0x5d: {  	_ =	shalt  }
0x5e: {  	_ =	shalt  }
0x5f: {  	_ =	shalt  }
0x60: {  	_ =	shalt  }
0x61: {  	_ =	shalt  }
0x62: {  	_ =	shalt  }
0x63: {  	_ =	shalt  }
0x64: {  	_ =	shalt  }
0x65: {  	_ =	shalt  }
0x66: {  	_ =	shalt  }
0x67: {  	_ =	shalt  }
0x68: {  	_ =	shalt  }
0x69: {  	_ =	shalt  }
0x6a: {  	_ =	shalt  }
0x6b: {  	_ =	shalt  }
0x6c: {  	_ =	shalt  }
0x6d: {  	_ =	shalt  }
0x6e: {  	_ =	shalt  }
0x6f: {  	_ =	shalt  }
0x70: {  	_ =	shalt  }
0x71: {  	_ =	shalt  }
0x72: {  	_ =	shalt  }
0x73: {  	_ =	shalt  }
0x74: {  	_ =	shalt  }
0x75: {  	_ =	shalt  }
0x76: {  	_ =	shalt  }
0x77: {  	_ =	shalt  }
0x78: {  	_ =	shalt  }
0x79: {  	_ =	shalt  }
0x7a: {  	_ =	shalt  }
0x7b: {  	_ =	shalt  }
0x7c: {  	_ =	shalt  }
0x7d: {  	_ =	shalt  }
0x7e: {  	_ =	shalt  }
0x7f: {  	_ =	shalt  }
0x80: {  	_ =	shalt  }
0x81: {  	_ =	shalt  }
0x82: {  	_ =	shalt  }
0x83: {  	_ =	shalt  }
0x84: {  	_ =	shalt  }
0x85: {  	_ =	shalt  }
0x86: {  	_ =	shalt  }
0x87: {  	_ =	shalt  }
.Lfunc_end0:
.L_simem_size_0:
called_computation.6_lowered:
.L_overlay_start_0:
0x88: {  	s0 =	sld [smem:$0x3FD9]  }
0x89: {  	s1 =	sld [smem:$0x3FFE];
	_ =	sdelay $0x3  }
0x8a: {  	s0 =	sadd.s32 s1, s0  }
0x8b: {  	[smem:$0x3FAF] =	sst s0  }
0x8c: {  	_ = 	snop  }
0x8d: {  	(tm) =	ssettm $0x1  }
0x8e: {  	s15 =	sld [smem:$0x3FFB];
	_ =	sdelay $0x3  }
0x8f: {  	_ =	strace s15  }
0x90: {  	s0 =	sld [smem:$0x3FFC];
	_ =	sdelay $0x3  }
0x91: {  	_ =	strace s0  }
0x92: {  	s0 =	sld [smem:$0x3FFD];
	_ =	sdelay $0x3  }
0x93: {  	_ =	strace s0  }
0x94: {  	_ =	strace $0x8FFFFFFF  }
0x95: {  	s16 =	sld [smem:$0x3FDB];
	_ =	sdelay $0x1  }
0x96: {  	s17 =	simm.s32 $_scs_section_size  }
0x97: {  	s2 =	simm.s32 $_size__tile_overlayer_lowered;
	s3 =	simm.s32 $_tile_overlayer_lowered  }
0x98: {  	s20 =	simm.s32 $0x1BFF;
	s19 =	sshll.u32 s3, $0x1;
	s0 =	sadd.s32 s17, s16  }
0x99: {  	s4 =	simm.s32 $0x0;
	s18 =	sshll.u32 s2, $0x1;
	s2 =	sadd.s32 s19, s0  }
0x9a: {  	[timem:s4], [sflag:s20] =	dma.local [hbm:s2], s18  }
0x9b: {  	_ =	swait.ge [sflag:s20], s18  }
0x9c: {  	s1 =	ssub.s32 $0x0, s18;
	[sflag:s20] =	ssyncset.done $0x0  }
0x9d: {  	[sflag:s20] =	ssyncadd.s32 s1;
	_ =	sdelay $0x1  }
0x9e: {  	s21 =	simm.s32 $0x1B8B  }
0x9f: {  	_ =	swait.ge [sflag:s21], $0x1  }
0xa0: {  	[sflag:s21] =	ssyncset.done $0x0  }
0xa1: {  	s23 =	simm.s32 $0x1B8E;
	s22 =	sld [smem:$0x3FFE];
	[sflag:s21] =	ssyncadd.s32 $0xFFFFFFFF  }
0xa2: {  	s24 =	simm.s32 $execute0_lowered;
	[smem:$0x3FD2] =	sst s23  }
0xa3: {  	s2 =	sshll.u32 s24, $0x1;
	_ =	strace $0x8000004C;
	[dreg:$0x1] =	wrdreg $0xFFFFFFFF  }
0xa4: {  	s25 =	simm.s32 $_size_execute0_lowered;
	s0 =	sadd.s32 s0, s2;
	[dreg:$0x0] =	wrdreg $0x0  }
0xa5: {  	s2 =	sshll.u32 s25, $0x1;
	[dreg:$0x2] =	wrdreg s0  }
0xa6: {  	[dreg:$0x3] =	wrdreg s2  }
0xa7: {  	[dreg:$0x4] =	wrdreg $0xC0  }
0xa8: {  	_ =	task [dreg:s4], $0x5FFFF  }
0xa9: {  	[dreg:$0x1] =	wrdreg $0xFFFFFFFF  }
0xaa: {  	[dreg:$0x0] =	wrdreg $0x60  }
0xab: {  	[dreg:$0x2] =	wrdreg s22  }
0xac: {  	[dreg:$0x3] =	wrdreg $0xB  }
0xad: {  	_ =	task.clear_ibuf [dreg:s4], $0x4FFFF;
	_ =	strace $0x9000004C  }
0xae: {  	s26 =	simm.s32 $0xB;
	_ =	strace $0x8000004E  }
0xaf: {  	_ =	swait.ge [sflag:s26], $0x1  }
0xb0: {  	[sflag:s26] =	ssyncadd.s32 $0xFFFFFFFF  }
0xb1: {  	_ =	strace $0x9000004E  }
0xb2: {  	_ =	sfence  }
0xb3: {  	s28 =	sld [smem:$0x0];
	_ =	sdelay $0x1  }
0xb4: {  	s29 =	srdreg.scid  }
0xb5: {  	s30 =	sshll.u32 s29, $0xD;
	s31 =	sshrl.u32 s29, $0x2  }
0xb6: {  	s1 =	sand.u32 $0x1, s29;
	s2 =	sand.u32 $0x4000, s30;
	s0 =	sadd.s32 s31, s28  }
0xb7: {  	s1 =	sor.u32 s2, s1;
	s0 =	sshll.u32 s0, $0x11  }
0xb8: {  	s0 =	sor.u32 s0, s1  }
0xb9: {  	s0 =	sadd.s32 $0x8F2B, s0  }
0xba: {  	[sflag:s0] =	ssyncadd.remote.s32 $0x1  }
0xbb: {  	_ =	sfence.sel $0xFFFF  }
0xbc: {  	[dreg:$0x0] =	wrdreg $0xFFFFFFFF;
	(pc) =	sbr.abs _section_cstart, $3  }
0xbd: {  	[dreg:$0x1] =	wrdreg $0xFFFFFFFF  }
0xbe: {  	_ =	task.clear_ibuf [dreg:s4], $0x2FFFF;
	_ =	strace $0x9FFFFFFF  }
0xbf: {  	(tm) =	ssettm $0x7FFFFFFF  }
tec
execute0_lowered:
.L_overlay_start_1:
0x0: {  	(tag) =	ssettag $0x1  }
0x1: {  	s0 =	stileid.u32  }
0x2: {  	s1 =	smul.u32 $0x109, s0  }
0x3: {  	s2 =	smin.u32 s0, $0xA  }
0x4: {  	s1 =	sadd.s32 s2, s1  }
0x5: {  	p0 =	slt.u32 s0, $0xA;
	s2 =	smul.u32 $0xC8, s1;
	s1 =	simm.s32 $0xCFD0  }
0x6: {  	s1 =	simm.s32 @!p0 $0xCF08  }
0x7: {  	s1 =	sadd.s32 s1, s2  }
0x8: {  	s3 =	smin.u32 s1, $0xCF850  }
0x9: {  	s8 =	ssub.s32 s3, s2  }
0xa: {  	p0 =	sgt.s32 s8, $0x0  }
0xb: {  	s8 =	simm.s32 @!p0 $0x0  }
0xc: {  	s4 =	smulhi.u32 $0x51EB851F, s8  }
0xd: {  	s10 =	rddreg [dreg:$0x0];
	_ =	strace $0x8000004D;
	s7 =	simm.s32 $0x1  }
0xe: {  	s12 =	simm.s32 $0x3;
	s13 =	simm.s32 $0x0;
	s9 =	sshrl.u32 s4, $0x6  }
0xf: {  	p3 =	por $0x0, $0x0;
	s5 =	sadd.s32 $0x31000, s10;
	s11 =	smul.u32 $0xC8, s9  }
.Ltmp0:
0x10: {  	s6 =	sadd.s32 $0x4B5B200, s10;
	[sflag:s7] =	ssyncpa.u1 $0x0;
	(pc) =	sbr.rel .LBB2_1-.Ltmp0, $4  }
0x11: {  	s14 =	smov.u32 s2;
	p0 =	sne.s32 s8, s11;
	s11 =	simm.s32 $0x1  }
0x12: {  	s4 =	sadd.s32 $0x405000, s10;
	s8 =	simm.s32 $0x2;
	s11 =	simm.s32 @!p0 $0x0  }
0x13: {  	s10 =	sadd.s32 $0x4B000, s10;
	[sflag:s8] =	ssyncpa.u1 $0x0;
	s9 =	sadd.s32 s11, s9  }
0x14: {  	v0 =	vlaneseq.u32;
	[sflag:s12] =	ssyncpa.u1 $0x0;
	s12 =	simm.s32 $0x80;
	s11 =	sadd.s32 $0x1, s9  }
.LBB2_6:
0x15: {  	s1 =	sadd.s32 s19, s17  }
0x16: {  	v2 =	vld.msk [tilespmem:s1+$0x0 ss:$0x1], $0x1;
	_ =	sdelay $0x2  }
0x17: {  	(v2sf) =	vpush v1, $0x1  }
0x18: {  	(v2sf) =	vpush v1, $0x0  }
0x19: {  	(v2sf) =	vpush v2, $0x0;
	_ =	sdelay $0xc  }
0x1a: {  	p0 =	seq.s32 s20, $0x31C;
	s1 =	simm.s32 $0x1;
	s17 =	spop (v2sf)  }
0x1b: {  	s1 =	simm.s32 @!p0 $0x2;
	s17 =	simm.s32 @p1 $0xFFFFFFFF;
	s26 =	spop (v2sf)  }
0x1c: {  	v1 =	vmov s1;
	p0 =	sne.s32 s26, s17;
	s17 =	simm.s32 $0x1;
	s28 =	spop (v2sf)  }
0x1d: {  	vm0 =	vgt.u32 v1, v0;
	s17 =	simm.s32 @!p0 $0x0;
	s29 =	sshll.u32 s28, $0x8;
	s1 =	sshll.u32 s28, $0x7  }
0x1e: {  	s17 =	sadd.s32 s17, s18;
	s20 =	sand.u32 $0xFFFFF800, s29;
	s1 =	sand.u32 $0x380, s1  }
0x1f: {  	s17 =	sshll.u32 s17, $0xA;
	s1 =	sor.u32 s1, s20  }
0x20: {  	s17 =	sshra.s32 s17, $0x2;
	s1 =	sshrl.u32 s1, $0x3  }
0x21: {  	s15 =	sadd.s32 s19, s15;
	s16 =	sadd.s32 s17, s16;
	s1 =	sadd.s32 s6, s1  }
0x22: {  	[hbm:s1] =	stream.strided.scatter [tilespmem:s16], [sflag:$0x3], $0x100, s12, s12, $0x38;
	[tilespmem:$0x19320] =	vst v63  }
0x23: {  	v1 =	vld.msk [tilespmem:s15+$0x0 ss:$0x1], vm0;
	_ =	sdelay $0x4  }
0x24: {  	(v2sf) =	vpush v1, $0x1  }
0x25: {  	(v2sf) =	vpush v1, $0x0;
	_ =	sdelay $0xb  }
0x26: {  	s1 =	sld [smem:$0x7FC];
	_ =	sdelay $0x1  }
0x27: {  	s30 =	spop (v2sf)  }
0x28: {  	p3 =	seq.s32 s1, $0x1;
	s31 =	spop (v2sf)  }
.LBB2_7:
0x29: {  	p2 =	sne.s32 s13, s11  }
.Ltmp1:
0x2a: {  	p0 =	slt.u32 s13, $0x2;
	(pc) =	sbr.rel @!p2 .LBB2_8-.Ltmp1, $4  }
0x2b: {  	s15 =	sadd.s32 $0xC8, s14;
	s1 =	simm.s32 @!p0 $0x3  }
0x2c: {  	s14 =	smov.u32 s2;
	s16 =	sadd.s32 $0x1, s13;
	_ =	swait.ge @!p0 [sflag:s1], $0xC800  }
0x2d: {  	p3 =	por !p3, !p3;
	p1 =	slt.s32 s15, s3;
	[sflag:s1] =	ssyncset.done @!p0 $0x0  }
0x2e: {  	s13 =	smov.u32 s16;
	s14 =	smov.u32 @p1 s15;
	[sflag:s1] =	ssyncadd.s32 @!p0 $0xFFFF3800  }
.LBB2_1:
0x2f: {  	p0 =	sge.u32 s13, s9  }
0x30: {  	s15 =	sxor.u32 @!p0 $0xFFFFFFFF, s13  }
0x31: {  	s15 =	sand.u32 @!p0 $0x1, s15  }
0x32: {  	s16 =	sshrl.u32 @!p0 s14, $0x3;
	s15 =	smul.u32 @!p0 $0xC8, s15  }
0x33: {  	s18 =	sand.u32 @!p0 $0x7, s14;
	s17 =	sadd.s32 @!p0 s5, s16  }
0x34: {  	[tilespmem:s15], [sflag:$0x2] =	stream.linear.gather @!p0 [hbm4b:s17+s18], $0xC8, $0x38;
	[tilespmem:$0x19320] =	vst v63  }
0x35: {  	s31 =	sadd.s32 $0xFFFFFFFF, s13;
	s16 =	sadd.s32 @!p0 s10, s16;
	s15 =	sadd.s32 @!p0 $0x190, s15  }
0x36: {  	[tilespmem:s15], [sflag:$0x2] =	stream.linear.gather @!p0 [hbm4b:s16+s18], $0xC8, $0x38;
	[tilespmem:$0x19320] =	vst v63  }
0x37: {  	p0 =	sge.u32 s31, s9  }
.Ltmp2:
0x38: {  	_ = 	snop;
	(pc) =	sbr.rel @p0 .LBB2_7-.Ltmp2, $1  }
0x39: {  	_ =	sdelay $0x3  }
0x3a: {  	p0 =	por $0x0, $0x0;
	s15 =	simm.s32 $0x1  }
0x3b: {  	s15 =	simm.s32 @!p0 $0x2  }
0x3c: {  	v1 =	vmov s15  }
0x3d: {  	s1 =	simm.s32 @!p3 $0x0;
	s15 =	simm.s32 $0x1;
	vm0 =	vgt.u32 v1, v0  }
0x3e: {  	s1 =	simm.s32 @p3 $0x1;
	s15 =	simm.s32 @!p3 $0x0  }
0x3f: {  	[smem:$0x7FC] =	sst s1;
	s15 =	smul.u32 $0x320, s15  }
0x40: {  	_ =	swait.ge [sflag:s8], $0x190  }
0x41: {  	[sflag:s8] =	ssyncset.done $0x0;
	s15 =	sshrl.u32 s15, $0x2  }
0x42: {  	[sflag:s8] =	ssyncadd.s32 $0xFFFFFE70;
	s16 =	sadd.s32 $0x0, s15  }
0x43: {  	v2 =	vld.msk [tilespmem:s16+$0x0 ss:$0x1], vm0;
	_ =	sdelay $0x4  }
0x44: {  	(v2sf) =	vpush v2, $0x1  }
0x45: {  	p1 =	por $0x0, $0x0;
	s16 =	simm.s32 $0x1;
	(v2sf) =	vpush v2, $0x0  }
0x46: {  	s16 =	simm.s32 @!p1 $0x2  }
0x47: {  	v1 =	vmov s16  }
0x48: {  	vm12 =	vgt.u32 v1, v0;
	_ =	sdelay $0x3  }
0x49: {  	p2 =	por $0x0, $0x0;
	s17 =	simm.s32 $0x1  }
0x4a: {  	s17 =	simm.s32 @!p2 $0x2;
	s26 =	sadd.s32 $0x1, s15  }
0x4b: {  	v1 =	vmov s17;
	v3 =	vld.msk [tilespmem:s26+$0x0 ss:$0x1], vm12  }
0x4c: {  	vm13 =	vgt.u32 v1, v0;
	_ =	sdelay $0x2  }
0x4d: {  	p0 =	por p0, p0  }
0x4e: {  	p0 =	por p0, p0;
	(v2sf) =	vpush v3, $0x1;
	s16 =	spop (v2sf)  }
0x4f: {  	s30 =	sadd.s32 $0x2, s15;
	s16 =	simm.s32 @p0 $0xFFFFFFFF;
	s18 =	spop (v2sf)  }
0x50: {  	v1 =	vld.msk [tilespmem:s30+$0x0 ss:$0x1], vm13;
	(v2sf) =	vpush v3, $0x0;
	p0 =	seq.s32 s18, s16  }
0x51: {  	vm0 =	vgt.s32 @!p0 v2, $0x0  }
0x52: {  	v2 =	vnsel @!p0 vm0, $0x0, v2  }
0x53: {  	v2 =	vmin.u32 @!p0 v2, $0xC34F  }
0x54: {  	(v2sf) =	vpush @!p0 v2, $0x0  }
0x55: {  	(v2sf) =	vpush v1, $0x1  }
0x56: {  	s31 =	sand.u32 $0x1, s13;
	(v2sf) =	vpush v1, $0x0  }
0x57: {  	p4 =	por $0x0, $0x0;
	s19 =	simm.s32 $0x0;
	s23 =	simm.s32 $0x14  }
0x58: {  	s21 =	simm.s32 $0x18;
	s24 =	simm.s32 $0x1;
	s18 =	simm.s32 $0x1  }
0x59: {  	p2 =	por p2, p2;
	p1 =	por p1, p1;
	s18 =	simm.s32 @!p4 $0x2  }
0x5a: {  	p2 =	por p2, p2;
	s28 =	sadd.s32 $0x4, s15;
	p1 =	por p1, p1;
	v2 =	vmov s18  }
0x5b: {  	s17 =	sadd.s32 $0x190, s15;
	s26 =	sadd.s32 $0x3, s15;
	s16 =	smul.u32 $0x32000, s31;
	vm14 =	vgt.u32 v2, v0  }
0x5c: {  	s22 =	simm.s32 @!p0 $0x1;
	p5 =	por p0, p0;
	p4 =	por p4, p4  }
0x5d: {  	s16 =	sshrl.u32 s16, $0x2;
	s22 =	smov.u32 @p0 s19;
	s18 =	spop (v2sf)  }
0x5e: {  	s19 =	simm.s32 @!p0 $0x80;
	s18 =	simm.s32 @p1 $0xFFFFFFFF;
	p1 =	por $0x0, $0x0  }
0x5f: {  	s16 =	sor.u32 $0x320, s16;
	s24 =	simm.s32 @!p1 $0x2;
	s25 =	spop (v2sf)  }
0x60: {  	p5 =	por p5, p5;
	s20 =	sadd.s32 @!p0 $0x0, s16;
	v4 =	vmov s24;
	p3 =	seq.s32 s25, s18  }
0x61: {  	v2 =	vld.msk [tilespmem:s26+$0x0 ss:$0x1], vm14;
	s26 =	simm.s32 $0x1C;
	vm15 =	vgt.u32 v4, v0;
	s18 =	sadd.s32 @!p3 $0x1, s22;
	s24 =	sshll.u32 @!p3 s22, $0xA  }
0x62: {  	vm1 =	vgt.s32 @!p3 v3, $0x0;
	s24 =	sshra.s32 @!p3 s24, $0x2;
	s18 =	smov.u32 @p3 s22;
	s22 =	simm.s32 @!p3 $0x80  }
0x63: {  	v3 =	vnsel @!p3 vm1, $0x0, v3;
	s25 =	sadd.s32 @!p3 s24, s16;
	s24 =	spop @!p0 (v2sf);
	p0 =	por p3, p3  }
0x64: {  	v3 =	vmin.u32 @!p3 v3, $0xC34F;
	s1 =	simm.s32 @!p0 $0x0;
	s29 =	spop (v2sf);
	s30 =	sshll.u32 @!p5 s24, $0x4  }
0x65: {  	(v2sf) =	vpush @!p3 v3, $0x0;
	s1 =	simm.s32 @p0 $0x1;
	s29 =	simm.s32 @p2 $0xFFFFFFFF;
	s31 =	spop (v2sf)  }
0x66: {  	(v2sf) =	vpush v2, $0x1;
	s30 =	sand.u32 @!p5 $0x70, s30;
	[smem:$0x7FD] =	sst s1;
	p6 =	seq.s32 s31, s29  }
0x67: {  	(v2sf) =	vpush v2, $0x0;
	s29 =	sshll.u32 @!p5 s24, $0x5;
	s24 =	smov.u32 s18;
	v3 =	vld.msk [tilespmem:s28+$0x0 ss:$0x1], vm15;
	s28 =	sadd.s32 @!p5 s4, s30  }
.LBB2_3:
0x68: {  	s1 =	simm.s32 @!p3 $0x0  }
0x69: {  	s30 =	smov.u32 s18;
	s18 =	sadd.s32 @!p6 $0x1, s18;
	s31 =	smov.u32 s21  }
0x6a: {  	s21 =	smov.u32 s26;
	s26 =	sadd.s32 $0x4, s26;
	p0 =	por p5, p5  }
0x6b: {  	s1 =	simm.s32 @p3 $0x1;
	p3 =	por p6, p6;
	p2 =	sne.s32 s26, $0x320  }
0x6c: {  	[smem:$0x7FA] =	sst s1;
	s1 =	smov.u32 s25;
	s25 =	simm.s32 @!p2 $0x0  }
0x6d: {  	vm0 =	vgt.s32 @!p6 v1, $0x0;
	p6 =	por p4, p4;
	p4 =	por p1, p1;
	s25 =	simm.s32 @p2 $0x1  }
0x6e: {  	p1 =	seq.s32 s23, $0x31C;
	[smem:$0x7FB] =	sst s25;
	s25 =	simm.s32 $0x1  }
0x6f: {  	s18 =	smov.u32 @p3 s30;
	s24 =	sshll.u32 @!p3 s24, $0xA;
	s25 =	simm.s32 @!p1 $0x2  }
0x70: {  	s30 =	simm.s32 @!p3 $0x80;
	v5 =	vmov s25;
	s25 =	sand.u32 @!p0 $0x1FFF00, s29;
	s29 =	sshra.s32 @!p3 s24, $0x2  }
0x71: {  	s28 =	sadd.s32 @!p0 s25, s28;
	s25 =	sadd.s32 @!p3 s29, s16;
	s29 =	sld [smem:$0x7FD]  }
0x72: {  	[tilespmem:s20], [sflag:$0x1] =	stream.strided.gather @!p0 [hbm:s28], $0x100, s19, s19, $0x38;
	[tilespmem:$0x19320] =	vst v63  }
0x73: {  	s19 =	smov.u32 s22;
	s22 =	smov.u32 s30;
	s30 =	sld [smem:$0x7FA]  }
0x74: {  	p2 =	seq.s32 s29, $0x1  }
0x75: {  	p5 =	por p2, p2;
	p2 =	por p3, p3  }
0x76: {  	p0 =	seq.s32 s30, $0x1;
	s29 =	simm.s32 @!p2 $0x0  }
0x77: {  	s20 =	smov.u32 s1;
	s28 =	spop @!p0 (v2sf);
	s29 =	simm.s32 @p2 $0x1  }
0x78: {  	s1 =	sshra.s32 s23, $0x2;
	[smem:$0x7FD] =	sst s29;
	s29 =	spop (v2sf)  }
0x79: {  	s23 =	smov.u32 s31;
	s29 =	simm.s32 @p6 $0xFFFFFFFF;
	s31 =	spop (v2sf)  }
0x7a: {  	p6 =	seq.s32 s31, s29;
	s31 =	sld [smem:$0x7FB];
	_ =	sdelay $0x1  }
0x7b: {  	vm15 =	vgt.u32 v5, v0  }
0x7c: {  	p0 =	seq.s32 s31, $0x1  }
.Ltmp3:
0x7d: {  	v4 =	vnsel @!p3 vm0, $0x0, v1;
	(pc) =	sbr.rel @p0 .LBB2_3-.Ltmp3, $4  }
0x7e: {  	v4 =	vmin.u32 @!p3 v4, $0xC34F  }
0x7f: {  	(v2sf) =	vpush @!p3 v4, $0x0;
	s30 =	sshll.u32 @!p5 s28, $0x4  }
0x80: {  	v1 =	vmov v2;
	v2 =	vmov v3;
	(v2sf) =	vpush v3, $0x1;
	s1 =	sadd.s32 s1, s15;
	s30 =	sand.u32 @!p5 $0x70, s30  }
0x81: {  	s24 =	smov.u32 s18;
	(v2sf) =	vpush v2, $0x0;
	v3 =	vld.msk [tilespmem:s1+$0x0 ss:$0x1], vm15;
	s29 =	sshll.u32 @!p5 s28, $0x5;
	s28 =	sadd.s32 @!p5 s4, s30  }
0x82: {  	_ = 	snop  }
0x83: {  	vm0 =	vgt.s32 @!p6 v1, $0x0  }
0x84: {  	v1 =	vnsel @!p6 vm0, $0x0, v1  }
0x85: {  	v1 =	vmin.u32 @!p6 v1, $0xC34F  }
0x86: {  	(v2sf) =	vpush @!p6 v1, $0x0  }
0x87: {  	(v2sf) =	vpush v3, $0x1  }
0x88: {  	p0 =	seq.s32 s23, $0x31C;
	s1 =	simm.s32 $0x1;
	(v2sf) =	vpush v3, $0x0  }
0x89: {  	s1 =	simm.s32 @!p0 $0x2  }
0x8a: {  	v1 =	vmov s1  }
0x8b: {  	vm14 =	vgt.u32 v1, v0;
	_ =	sdelay $0x1  }
0x8c: {  	p2 =	por p4, p4  }
0x8d: {  	s31 =	sshra.s32 s23, $0x2;
	p4 =	seq.s32 s21, $0x31C;
	s1 =	spop @!p3 (v2sf)  }
0x8e: {  	s30 =	simm.s32 $0x1;
	s23 =	sadd.s32 s31, s15;
	s26 =	spop (v2sf)  }
0x8f: {  	s30 =	simm.s32 @!p4 $0x2;
	s26 =	simm.s32 @p2 $0xFFFFFFFF;
	s31 =	spop (v2sf)  }
0x90: {  	v4 =	vmov s30;
	v1 =	vld.msk [tilespmem:s23+$0x0 ss:$0x1], vm14;
	p3 =	seq.s32 s31, s26  }
0x91: {  	vm1 =	vgt.u32 v4, v0;
	vm0 =	vgt.s32 @!p3 v2, $0x0  }
0x92: {  	v2 =	vnsel @!p3 vm0, $0x0, v2  }
0x93: {  	v2 =	vmin.u32 @!p3 v2, $0xC34F  }
0x94: {  	p1 =	por p1, p1;
	s23 =	spop @!p6 (v2sf);
	(v2sf) =	vpush @!p3 v2, $0x0  }
0x95: {  	p1 =	por p1, p1;
	s30 =	sshra.s32 s21, $0x2;
	s26 =	spop (v2sf);
	(v2sf) =	vpush v1, $0x1  }
0x96: {  	s21 =	sadd.s32 s30, s15;
	s26 =	simm.s32 @p1 $0xFFFFFFFF;
	s31 =	spop (v2sf);
	(v2sf) =	vpush v1, $0x0  }
0x97: {  	v2 =	vld.msk [tilespmem:s21+$0x0 ss:$0x1], vm1;
	p1 =	seq.s32 s31, s26  }
0x98: {  	s30 =	sld [smem:$0x7FD];
	vm0 =	vgt.s32 @!p1 v3, $0x0  }
0x99: {  	v3 =	vnsel @!p1 vm0, $0x0, v3  }
0x9a: {  	p2 =	por p5, p5;
	v3 =	vmin.u32 @!p1 v3, $0xC34F  }
0x9b: {  	p5 =	seq.s32 s30, $0x1;
	s21 =	sand.u32 @!p2 $0x1FFF00, s29;
	(v2sf) =	vpush @!p1 v3, $0x0  }
0x9c: {  	p5 =	por p5, p5;
	s21 =	sadd.s32 @!p2 s21, s28;
	(v2sf) =	vpush v2, $0x1  }
0x9d: {  	[tilespmem:s20], [sflag:$0x1] =	stream.strided.gather @!p2 [hbm:s21], $0x100, s19, s19, $0x38;
	(v2sf) =	vpush v2, $0x0;
	[tilespmem:$0x19320] =	vst v63  }
0x9e: {  	p0 =	por p0, p0;
	s19 =	sshll.u32 @!p5 s1, $0x4  }
0x9f: {  	s1 =	sshll.u32 @!p5 s1, $0x5;
	p2 =	por p5, p5;
	s19 =	sand.u32 @!p5 $0x70, s19  }
0xa0: {  	p0 =	por p0, p0;
	s1 =	sand.u32 @!p2 $0x1FFF00, s1;
	s19 =	sadd.s32 @!p5 s4, s19  }
0xa1: {  	p5 =	por p6, p6;
	s1 =	sadd.s32 @!p2 s1, s19;
	s19 =	sshll.u32 @!p6 s24, $0xA  }
0xa2: {  	[tilespmem:s25], [sflag:$0x1] =	stream.strided.gather @!p2 [hbm:s1], $0x100, s22, s22, $0x38;
	[tilespmem:$0x19320] =	vst v63  }
0xa3: {  	s1 =	sadd.s32 @!p6 $0x1, s18;
	p2 =	por p5, p5;
	s21 =	spop @!p3 (v2sf)  }
0xa4: {  	s20 =	sshll.u32 @!p2 s23, $0x4;
	s23 =	sshll.u32 @!p2 s23, $0x5;
	s22 =	spop (v2sf)  }
0xa5: {  	s20 =	sand.u32 @!p2 $0x70, s20;
	s22 =	simm.s32 @p0 $0xFFFFFFFF;
	s31 =	spop (v2sf)  }
0xa6: {  	s20 =	sadd.s32 @!p2 s4, s20;
	p0 =	por p2, p2;
	p2 =	seq.s32 s31, s22  }
0xa7: {  	s1 =	smov.u32 @p6 s18;
	s18 =	sshra.s32 @!p6 s19, $0x2;
	s19 =	sand.u32 @!p0 $0x1FFF00, s23;
	vm0 =	vgt.s32 @!p2 v1, $0x0  }
0xa8: {  	s18 =	sadd.s32 @!p6 s18, s16;
	s22 =	simm.s32 @!p6 $0x80;
	s19 =	sadd.s32 @!p0 s19, s20;
	v1 =	vnsel @!p2 vm0, $0x0, v1  }
0xa9: {  	[tilespmem:s18], [sflag:$0x1] =	stream.strided.gather @!p0 [hbm:s19], $0x100, s22, s22, $0x38;
	v1 =	vmin.u32 @!p2 v1, $0xC34F;
	[tilespmem:$0x19320] =	vst v63  }
0xaa: {  	p4 =	por p4, p4;
	p5 =	por p3, p3;
	s19 =	spop @!p1 (v2sf);
	(v2sf) =	vpush @!p2 v1, $0x0  }
0xab: {  	s18 =	sadd.s32 @!p3 $0x1, s1;
	p0 =	por p4, p4;
	s20 =	spop (v2sf)  }
0xac: {  	s18 =	smov.u32 @p3 s1;
	s20 =	simm.s32 @p0 $0xFFFFFFFF;
	s24 =	spop (v2sf)  }
0xad: {  	s1 =	sshll.u32 @!p3 s1, $0xA;
	p0 =	por p5, p5;
	p4 =	seq.s32 s24, s20  }
0xae: {  	p6 =	por p1, p1;
	s1 =	sshra.s32 @!p3 s1, $0x2;
	s22 =	sshll.u32 @!p0 s21, $0x4;
	vm0 =	vgt.s32 @!p4 v2, $0x0  }
0xaf: {  	s21 =	sshll.u32 @!p0 s21, $0x5;
	p5 =	por p0, p0;
	s22 =	sand.u32 @!p0 $0x70, s22;
	v1 =	vnsel @!p4 vm0, $0x0, v2  }
0xb0: {  	s1 =	sadd.s32 @!p3 s1, s16;
	s21 =	sand.u32 @!p5 $0x1FFF00, s21;
	s22 =	sadd.s32 @!p0 s4, s22;
	v1 =	vmin.u32 @!p4 v1, $0xC34F  }
0xb1: {  	s20 =	simm.s32 @!p3 $0x80;
	p0 =	por p6, p6;
	s21 =	sadd.s32 @!p5 s21, s22;
	(v2sf) =	vpush @!p4 v1, $0x0  }
0xb2: {  	[tilespmem:s1], [sflag:$0x1] =	stream.strided.gather @!p5 [hbm:s21], $0x100, s20, s20, $0x38;
	[tilespmem:$0x19320] =	vst v63  }
0xb3: {  	p3 =	por p0, p0;
	s20 =	sshll.u32 @!p0 s19, $0x4  }
0xb4: {  	s1 =	sshll.u32 @!p1 s18, $0xA;
	s19 =	sshll.u32 @!p0 s19, $0x5;
	s20 =	sand.u32 @!p0 $0x70, s20  }
0xb5: {  	s1 =	sshra.s32 @!p1 s1, $0x2;
	s19 =	sand.u32 @!p3 $0x1FFF00, s19;
	s20 =	sadd.s32 @!p0 s4, s20  }
0xb6: {  	s21 =	simm.s32 @!p1 $0x80;
	s1 =	sadd.s32 @!p1 s1, s16;
	s19 =	sadd.s32 @!p3 s19, s20  }
0xb7: {  	[tilespmem:s1], [sflag:$0x1] =	stream.strided.gather @!p3 [hbm:s19], $0x100, s21, s21, $0x38;
	[tilespmem:$0x19320] =	vst v63  }
0xb8: {  	p5 =	por p2, p2;
	s1 =	sadd.s32 @!p1 $0x1, s18  }
0xb9: {  	p0 =	por p5, p5;
	s1 =	smov.u32 @p1 s18;
	s18 =	spop @!p2 (v2sf)  }
0xba: {  	p1 =	por p0, p0;
	s20 =	sshll.u32 @!p0 s18, $0x4  }
0xbb: {  	s19 =	sshll.u32 @!p2 s1, $0xA;
	s18 =	sshll.u32 @!p0 s18, $0x5;
	s20 =	sand.u32 @!p0 $0x70, s20  }
0xbc: {  	s19 =	sshra.s32 @!p2 s19, $0x2;
	s18 =	sand.u32 @!p1 $0x1FFF00, s18;
	s20 =	sadd.s32 @!p0 s4, s20  }
0xbd: {  	s21 =	simm.s32 @!p2 $0x80;
	s19 =	sadd.s32 @!p2 s19, s16;
	s18 =	sadd.s32 @!p1 s18, s20  }
0xbe: {  	[tilespmem:s19], [sflag:$0x1] =	stream.strided.gather @!p1 [hbm:s18], $0x100, s21, s21, $0x38;
	[tilespmem:$0x19320] =	vst v63  }
0xbf: {  	p6 =	por p4, p4;
	s18 =	sadd.s32 @!p2 $0x1, s1  }
0xc0: {  	p0 =	por p6, p6;
	s19 =	spop @!p4 (v2sf);
	s18 =	smov.u32 @p2 s1  }
0xc1: {  	s1 =	sshll.u32 @!p0 s19, $0x4;
	s20 =	sadd.s32 @!p4 $0x1, s18  }
0xc2: {  	s21 =	sshll.u32 @!p4 s18, $0xA;
	s19 =	sshll.u32 @!p0 s19, $0x5;
	s1 =	sand.u32 @!p0 $0x70, s1  }
0xc3: {  	s20 =	smov.u32 @p4 s18;
	s1 =	sadd.s32 @!p0 s4, s1;
	p0 =	por p0, p0  }
0xc4: {  	s18 =	sshra.s32 @!p4 s21, $0x2;
	s21 =	simm.s32 @!p4 $0x80;
	s19 =	sand.u32 @!p0 $0x1FFF00, s19  }
0xc5: {  	s18 =	sadd.s32 @!p4 s18, s16;
	s25 =	sshll.u32 s20, $0x8;
	s1 =	sadd.s32 @!p0 s19, s1  }
0xc6: {  	[tilespmem:s18], [sflag:$0x1] =	stream.strided.gather @!p0 [hbm:s1], $0x100, s21, s21, $0x38;
	[tilespmem:$0x19320] =	vst v63  }
0xc7: {  	s1 =	sand.u32 $0x3FFFFF00, s25  }
0xc8: {  	_ =	swait.ge [sflag:s7], s1  }
0xc9: {  	s1 =	ssub.s32 $0x0, s1;
	[sflag:s7] =	ssyncset.done $0x0  }
0xca: {  	s26 =	sadd.s32 $0x0, s17;
	[sflag:s7] =	ssyncadd.s32 s1  }
0xcb: {  	v1 =	vld.msk [tilespmem:s26+$0x0 ss:$0x1], $0x1;
	_ =	sdelay $0x4  }
0xcc: {  	(v2sf) =	vpush v1, $0x0;
	_ =	sdelay $0xc  }
0xcd: {  	p0 =	por $0x0, $0x0;
	s1 =	simm.s32 $0x1  }
0xce: {  	s1 =	simm.s32 @!p0 $0x2  }
0xcf: {  	v1 =	vmov s1;
	s28 =	spop (v2sf)  }
0xd0: {  	vm15 =	vgt.u32 v1, v0;
	s29 =	sshll.u32 s28, $0x8;
	s18 =	sshll.u32 s28, $0x7  }
0xd1: {  	s1 =	sand.u32 $0xFFFFF800, s29;
	s18 =	sand.u32 $0x380, s18  }
0xd2: {  	s1 =	sor.u32 s18, s1  }
0xd3: {  	s30 =	sadd.s32 $0x0, s16;
	s31 =	sadd.s32 $0x0, s15;
	s1 =	sshrl.u32 s1, $0x3  }
0xd4: {  	s20 =	simm.s32 $0x4;
	s19 =	simm.s32 $0x1;
	s1 =	sadd.s32 s6, s1  }
0xd5: {  	[hbm:s1] =	stream.strided.scatter [tilespmem:s30], [sflag:$0x3], $0x100, s12, s12, $0x38;
	[tilespmem:$0x19320] =	vst v63  }
0xd6: {  	s21 =	simm.s32 $0x8;
	p1 =	por p0, p0;
	s18 =	simm.s32 $0x0;
	v1 =	vld.msk [tilespmem:s31+$0x0 ss:$0x1], vm15  }
.LBB2_5:
0xd7: {  	p2 =	sne.s32 s21, $0x31C;
	s1 =	sadd.s32 s19, s17  }
0xd8: {  	v2 =	vld.msk [tilespmem:s1+$0x0 ss:$0x1], $0x1;
	_ =	sdelay $0x3  }
0xd9: {  	(v2sf) =	vpush v1, $0x1  }
0xda: {  	(v2sf) =	vpush v1, $0x0  }
0xdb: {  	(v2sf) =	vpush v2, $0x0;
	_ =	sdelay $0xb  }
0xdc: {  	p0 =	seq.s32 s20, $0x31C;
	s20 =	smov.u32 s21;
	s1 =	simm.s32 $0x1  }
0xdd: {  	s1 =	simm.s32 @!p0 $0x2;
	s22 =	spop (v2sf)  }
0xde: {  	s22 =	simm.s32 @p1 $0xFFFFFFFF;
	s23 =	spop (v2sf);
	p1 =	por p0, p0  }
0xdf: {  	v1 =	vmov s1;
	s1 =	spop (v2sf);
	p0 =	sne.s32 s23, s22;
	s23 =	simm.s32 $0x1  }
0xe0: {  	vm0 =	vgt.u32 v1, v0;
	s22 =	sshll.u32 s1, $0x8;
	s1 =	sshll.u32 s1, $0x7;
	s23 =	simm.s32 @!p0 $0x0  }
0xe1: {  	s22 =	sand.u32 $0xFFFFF800, s22;
	s1 =	sand.u32 $0x380, s1;
	s18 =	sadd.s32 s23, s18  }
.Ltmp4:
0xe2: {  	s1 =	sor.u32 s1, s22;
	s22 =	sshll.u32 s18, $0xA;
	(pc) =	sbr.rel @p2 .LBB2_5-.Ltmp4, $4  }
0xe3: {  	s1 =	sshrl.u32 s1, $0x3;
	s22 =	sshra.s32 s22, $0x2  }
0xe4: {  	s23 =	sadd.s32 s19, s15;
	s22 =	sadd.s32 s22, s16;
	s1 =	sadd.s32 s6, s1  }
0xe5: {  	[hbm:s1] =	stream.strided.scatter [tilespmem:s22], [sflag:$0x3], $0x100, s12, s12, $0x38;
	[tilespmem:$0x19320] =	vst v63  }
0xe6: {  	s21 =	sadd.s32 $0x4, s21;
	s19 =	sshra.s32 s20, $0x2;
	v1 =	vld.msk [tilespmem:s23+$0x0 ss:$0x1], vm0  }
.Ltmp5:
0xe7: {  	_ = 	snop;
	(pc) =	sbr.rel .LBB2_6-.Ltmp5, $1  }
0xe8: {  	_ =	sdelay $0x3  }
.LBB2_8:
0xe9: {  	_ =	sfence.sel $0x180000  }
0xea: {  	s1 =	simm.s32 $0x2;
	[bflag:$0x0] =	sbarrier.arrive $0xFFFF  }
0xeb: {  	s30 =	simm.s32 $0x3;
	[sflag:s1] =	ssyncpa.u1 $0x1  }
0xec: {  	s31 =	simm.s32 $0x1;
	[sflag:s30] =	ssyncpa.u1 $0x1  }
0xed: {  	[sflag:s31] =	ssyncpa.u1 $0x1  }
0xee: {  	_ =	strace $0x9000004D  }
0xef: {  	[bflag:$0x2] =	sbarrier.arrive $0xFFFF  }
0xf0: {  	p0 =	sne.s32 s0, $0x0;
	s0 =	rddreg [dreg:$0x1]  }
0xf1: {  	s0 =	sadd.s32 @!p0 $0x100000, s0  }
0xf2: {  	[sflag:s0] =	ssyncadd.tile.s32 @!p0 $0x1;
	_ =	shalt  }
.Lfunc_end2:
_tile_overlayer_lowered:
.L_overlay_start_2:
0xf3: {  	(tag) =	ssettag $0x2  }
0xf4: {  	s0 =	rddreg [dreg:$0x0];
	s2 =	stileid.u32  }
0xf5: {  	s1 =	rddreg [dreg:$0x1];
	p0 =	sne.s32 s2, $0x0  }
0xf6: {  	s3 =	rddreg [dreg:$0x2];
	[bflag:$0x3] =	sbarrier.arrive $0xFFFF;
	s2 =	simm.s32 @!p0 $0x1C01  }
0xf7: {  	[timem:s3], [sflag:s2] =	dma.local @!p0 [hbm:s0], s1  }
0xf8: {  	s0 =	simm.s32 @!p0 $0x1  }
0xf9: {  	_ =	swait.ge @!p0 [sflag:s0], s1  }
0xfa: {  	s1 =	ssub.s32 @!p0 $0x0, s1;
	[sflag:s0] =	ssyncset.done @!p0 $0x0  }
0xfb: {  	[sflag:s0] =	ssyncadd.s32 @!p0 s1  }
0xfc: {  	[bflag:$0x3] =	sbarrier.arrive $0xFFFF  }
0xfd: {  	_ =	shalt  }

// kernel: scatter_offload_async_start.1
scs
__scs_entry_jumppad:
0x0: {  	(pc) =	sbr.rel $0x88, $3  }
0x1: {  	(tag) =	ssettag $0x0;
	lr =	simm.s32 $0x1  }
0x2: {  	[smem:$0x3F88] =	sst lr;
	_ =	strace $0xD0000000  }
0x3: {  	_ = 	snop  }
0x4: {  	_ = 	snop  }
0x5: {  	_ = 	snop  }
0x6: {  	_ = 	snop  }
0x7: {  	_ = 	snop  }
__scs_overlays_trampoline_lowered:
0x8: {  	[smem:$0x3F97] =	sst s0  }
0x9: {  	[smem:$0x3F98] =	sst s1  }
0xa: {  	[smem:$0x3F99] =	sst s2  }
0xb: {  	[smem:$0x3F9A] =	sst s3  }
0xc: {  	[smem:$0x3F9B] =	sst s4  }
0xd: {  	[smem:$0x3F9C] =	sst s5  }
0xe: {  	[smem:$0x3F9D] =	sst s6  }
0xf: {  	[smem:$0x3F9E] =	sst s7  }
0x10: {  	[smem:$0x3F9F] =	sst s8  }
0x11: {  	[smem:$0x3FA0] =	sst s9;
	s0 =	simm.s32 @!p0 $0x0  }
0x12: {  	s1 =	sld [smem:$0x3F86];
	s0 =	simm.s32 @p0 $0x1  }
0x13: {  	[smem:$0x3FA1] =	sst s0;
	s0 =	simm.s32 @!p1 $0x0  }
0x14: {  	s2 =	sld [smem:$0x3F85];
	s0 =	simm.s32 @p1 $0x1  }
0x15: {  	[smem:$0x3FA2] =	sst s0;
	s0 =	simm.s32 @!p2 $0x0  }
0x16: {  	s3 =	sld [smem:$0x3FDB];
	s0 =	simm.s32 @p2 $0x1  }
0x17: {  	s4 =	simm.s32 $0x1BF5;
	[smem:$0x3FA4] =	sst s0  }
0x18: {  	s0 =	sld [smem:$0x3F87];
	_ =	swait.ge [sflag:s4], $0x0  }
0x19: {  	s7 =	sld [smem:$0x3F88]  }
0x1a: {  	s8 =	sadd.s32 $0xFFFFE003, lr  }
0x1b: {  	s9 =	sadd.s32 $0xFFFFFEF7, lr;
	s5 =	simm.s32 $0xFFFFFFFF;
	p2 =	slt.u32 s8, $0xFFFFF086  }
0x1c: {  	p1 =	slt.u32 s9, $0xF7A;
	s5 =	simm.s32 @!p2 $0x0  }
0x1d: {  	s5 =	simm.s32 @p1 $0x1;
	p0 =	seq.s32 s7, s2  }
0x1e: {  	s7 =	smul.u32 @!p0 $0xF7A, s2;
	p2 =	seq.s32 @!p0 s5, $0x0  }
0x1f: {  	s9 =	smul.u32 $0xF7A, s1;
	s8 =	simm.s32 @!p0 $0x1BF5;
	p2 =	por !p2, p0  }
0x20: {  	[sflag:s8] =	ssyncset.s32 @!p0 $0xFFFFF086;
	s6 =	sadd.s32 @!p0 s3, s7;
	s7 =	simm.s32 @!p0 $0x108  }
0x21: {  	s3 =	sadd.s32 s3, s9;
	s6 =	sadd.s32 @!p0 $0x88, s6;
	s7 =	simm.s32 @p2 $0x1082  }
0x22: {  	[simem:s7], [sflag:s8] =	dma.local @!p0 [hbm:s6], $0xF7A  }
0x23: {  	s9 =	sor.u32 $0xD0000000, s2;
	s6 =	simm.s32 $0x108;
	_ =	swait.ge @!p0 [sflag:s8], $0x0  }
0x24: {  	s3 =	sadd.s32 $0x88, s3;
	s6 =	simm.s32 @!p1 $0x1082;
	[sflag:s4] =	ssyncset.s32 $0xFFFFF086  }
0x25: {  	[simem:s6], [sflag:s4] =	dma.local [hbm:s3], $0xF7A  }
0x26: {  	[smem:$0x3F88] =	sst s1;
	(tag) =	ssettag s2;
	_ =	strace s9  }
0x27: {  	s1 =	sld [smem:$0x3F98]  }
0x28: {  	s2 =	sld [smem:$0x3F99]  }
0x29: {  	s4 =	sld [smem:$0x3F9B]  }
0x2a: {  	p0 =	seq.s32 s5, $0x0;
	s5 =	sld [smem:$0x3F9C]  }
0x2b: {  	s6 =	sld [smem:$0x3F9D]  }
0x2c: {  	s7 =	sld [smem:$0x3F9E]  }
0x2d: {  	s3 =	simm.s32 $0x108;
	s8 =	sld [smem:$0x3F9F]  }
0x2e: {  	s3 =	simm.s32 @!p0 $0x1082;
	s9 =	sld [smem:$0x3FA0]  }
0x2f: {  	lr =	sadd.s32 s0, s3;
	s0 =	sld [smem:$0x3F97]  }
0x30: {  	s3 =	sld [smem:$0x3F9A]  }
0x31: {  	[smem:$0x3FA3] =	sst s10  }
0x32: {  	s10 =	sld [smem:$0x3FA1];
	_ =	sdelay $0x3  }
0x33: {  	p0 =	seq.s32 s10, $0x1;
	s10 =	sld [smem:$0x3FA3];
	_ =	sdelay $0x3  }
0x34: {  	[smem:$0x3FA3] =	sst s10  }
0x35: {  	s10 =	sld [smem:$0x3FA2];
	_ =	sdelay $0x3  }
0x36: {  	p1 =	seq.s32 s10, $0x1;
	s10 =	sld [smem:$0x3FA3];
	_ =	sdelay $0x3  }
0x37: {  	[smem:$0x3FA3] =	sst s10  }
0x38: {  	s10 =	sld [smem:$0x3FA4]  }
0x39: {  	_ = 	snop;
	(pc) =	sbr.ind lr, $3  }
0x3a: {  	_ = 	snop  }
0x3b: {  	_ = 	snop  }
0x3c: {  	p2 =	seq.s32 s10, $0x1;
	s10 =	sld [smem:$0x3FA3]  }
0x3d: {  	_ =	shalt  }
0x3e: {  	_ =	shalt  }
0x3f: {  	_ =	shalt  }
0x40: {  	_ =	shalt  }
0x41: {  	_ =	shalt  }
0x42: {  	_ =	shalt  }
0x43: {  	_ =	shalt  }
0x44: {  	_ =	shalt  }
0x45: {  	_ =	shalt  }
0x46: {  	_ =	shalt  }
0x47: {  	_ =	shalt  }
0x48: {  	_ =	shalt  }
0x49: {  	_ =	shalt  }
0x4a: {  	_ =	shalt  }
0x4b: {  	_ =	shalt  }
0x4c: {  	_ =	shalt  }
0x4d: {  	_ =	shalt  }
0x4e: {  	_ =	shalt  }
0x4f: {  	_ =	shalt  }
0x50: {  	_ =	shalt  }
0x51: {  	_ =	shalt  }
0x52: {  	_ =	shalt  }
0x53: {  	_ =	shalt  }
0x54: {  	_ =	shalt  }
0x55: {  	_ =	shalt  }
0x56: {  	_ =	shalt  }
0x57: {  	_ =	shalt  }
0x58: {  	_ =	shalt  }
0x59: {  	_ =	shalt  }
0x5a: {  	_ =	shalt  }
0x5b: {  	_ =	shalt  }
0x5c: {  	_ =	shalt  }
0x5d: {  	_ =	shalt  }
0x5e: {  	_ =	shalt  }
0x5f: {  	_ =	shalt  }
0x60: {  	_ =	shalt  }
0x61: {  	_ =	shalt  }
0x62: {  	_ =	shalt  }
0x63: {  	_ =	shalt  }
0x64: {  	_ =	shalt  }
0x65: {  	_ =	shalt  }
0x66: {  	_ =	shalt  }
0x67: {  	_ =	shalt  }
0x68: {  	_ =	shalt  }
0x69: {  	_ =	shalt  }
0x6a: {  	_ =	shalt  }
0x6b: {  	_ =	shalt  }
0x6c: {  	_ =	shalt  }
0x6d: {  	_ =	shalt  }
0x6e: {  	_ =	shalt  }
0x6f: {  	_ =	shalt  }
0x70: {  	_ =	shalt  }
0x71: {  	_ =	shalt  }
0x72: {  	_ =	shalt  }
0x73: {  	_ =	shalt  }
0x74: {  	_ =	shalt  }
0x75: {  	_ =	shalt  }
0x76: {  	_ =	shalt  }
0x77: {  	_ =	shalt  }
0x78: {  	_ =	shalt  }
0x79: {  	_ =	shalt  }
0x7a: {  	_ =	shalt  }
0x7b: {  	_ =	shalt  }
0x7c: {  	_ =	shalt  }
0x7d: {  	_ =	shalt  }
0x7e: {  	_ =	shalt  }
0x7f: {  	_ =	shalt  }
0x80: {  	_ =	shalt  }
0x81: {  	_ =	shalt  }
0x82: {  	_ =	shalt  }
0x83: {  	_ =	shalt  }
0x84: {  	_ =	shalt  }
0x85: {  	_ =	shalt  }
0x86: {  	_ =	shalt  }
0x87: {  	_ =	shalt  }
.Lfunc_end0:
.L_simem_size_0:
called_computation.1_lowered:
.L_overlay_start_0:
0x88: {  	s0 =	sld [smem:$0x3FD9]  }
0x89: {  	s1 =	sld [smem:$0x3FFE];
	_ =	sdelay $0x3  }
0x8a: {  	s0 =	sadd.s32 s1, s0  }
0x8b: {  	[smem:$0x3FAF] =	sst s0  }
0x8c: {  	_ = 	snop  }
0x8d: {  	(tm) =	ssettm $0x1  }
0x8e: {  	s15 =	sld [smem:$0x3FFB];
	_ =	sdelay $0x3  }
0x8f: {  	_ =	strace s15  }
0x90: {  	s0 =	sld [smem:$0x3FFC];
	_ =	sdelay $0x3  }
0x91: {  	_ =	strace s0  }
0x92: {  	s0 =	sld [smem:$0x3FFD];
	_ =	sdelay $0x3  }
0x93: {  	_ =	strace s0  }
0x94: {  	_ =	strace $0x8FFFFFFF  }
0x95: {  	s16 =	sld [smem:$0x3FDB];
	_ =	sdelay $0x1  }
0x96: {  	s17 =	simm.s32 $_scs_section_size  }
0x97: {  	s2 =	simm.s32 $_size__tile_overlayer_lowered;
	s3 =	simm.s32 $_tile_overlayer_lowered  }
0x98: {  	s20 =	simm.s32 $0x1BFF;
	s19 =	sshll.u32 s3, $0x1;
	s0 =	sadd.s32 s17, s16  }
0x99: {  	s4 =	simm.s32 $0x0;
	s18 =	sshll.u32 s2, $0x1;
	s2 =	sadd.s32 s19, s0  }
0x9a: {  	[timem:s4], [sflag:s20] =	dma.local [hbm:s2], s18  }
0x9b: {  	_ =	swait.ge [sflag:s20], s18  }
0x9c: {  	s1 =	ssub.s32 $0x0, s18;
	[sflag:s20] =	ssyncset.done $0x0  }
0x9d: {  	[sflag:s20] =	ssyncadd.s32 s1;
	_ =	sdelay $0x1  }
0x9e: {  	s21 =	simm.s32 $0x1B8B  }
0x9f: {  	_ =	swait.ge [sflag:s21], $0x1  }
0xa0: {  	[sflag:s21] =	ssyncset.done $0x0  }
0xa1: {  	s23 =	simm.s32 $0x1B8E;
	s22 =	sld [smem:$0x3FFE];
	[sflag:s21] =	ssyncadd.s32 $0xFFFFFFFF  }
0xa2: {  	s24 =	simm.s32 $execute0_lowered;
	[smem:$0x3FD2] =	sst s23  }
0xa3: {  	s2 =	sshll.u32 s24, $0x1;
	_ =	strace $0x8000004F;
	[dreg:$0x1] =	wrdreg $0xFFFFFFFF  }
0xa4: {  	s25 =	simm.s32 $_size_execute0_lowered;
	s0 =	sadd.s32 s0, s2;
	[dreg:$0x0] =	wrdreg $0x0  }
0xa5: {  	s2 =	sshll.u32 s25, $0x1;
	[dreg:$0x2] =	wrdreg s0  }
0xa6: {  	[dreg:$0x3] =	wrdreg s2  }
0xa7: {  	[dreg:$0x4] =	wrdreg $0xC0  }
0xa8: {  	_ =	task [dreg:s4], $0x5FFFF  }
0xa9: {  	[dreg:$0x1] =	wrdreg $0xFFFFFFFF  }
0xaa: {  	[dreg:$0x0] =	wrdreg $0x60  }
0xab: {  	[dreg:$0x2] =	wrdreg s22  }
0xac: {  	[dreg:$0x3] =	wrdreg $0xA  }
0xad: {  	_ =	task.clear_ibuf [dreg:s4], $0x4FFFF;
	_ =	strace $0x9000004F  }
0xae: {  	s26 =	simm.s32 $0xA;
	_ =	strace $0x80000051  }
0xaf: {  	_ =	swait.ge [sflag:s26], $0x1  }
0xb0: {  	[sflag:s26] =	ssyncadd.s32 $0xFFFFFFFF  }
0xb1: {  	_ =	strace $0x90000051  }
0xb2: {  	_ =	sfence  }
0xb3: {  	s28 =	sld [smem:$0x0];
	_ =	sdelay $0x1  }
0xb4: {  	s29 =	srdreg.scid  }
0xb5: {  	s30 =	sshll.u32 s29, $0xD;
	s31 =	sshrl.u32 s29, $0x2  }
0xb6: {  	s1 =	sand.u32 $0x1, s29;
	s2 =	sand.u32 $0x4000, s30;
	s0 =	sadd.s32 s31, s28  }
0xb7: {  	s1 =	sor.u32 s2, s1;
	s0 =	sshll.u32 s0, $0x11  }
0xb8: {  	s0 =	sor.u32 s0, s1  }
0xb9: {  	s0 =	sadd.s32 $0x8F2B, s0  }
0xba: {  	[sflag:s0] =	ssyncadd.remote.s32 $0x1  }
0xbb: {  	_ =	sfence.sel $0xFFFF  }
0xbc: {  	[dreg:$0x0] =	wrdreg $0xFFFFFFFF;
	(pc) =	sbr.abs _section_cstart, $3  }
0xbd: {  	[dreg:$0x1] =	wrdreg $0xFFFFFFFF  }
0xbe: {  	_ =	task.clear_ibuf [dreg:s4], $0x2FFFF;
	_ =	strace $0x9FFFFFFF  }
0xbf: {  	(tm) =	ssettm $0x7FFFFFFF  }
tec
execute0_lowered:
.L_overlay_start_1:
0x0: {  	(tag) =	ssettag $0x1  }
0x1: {  	s5 =	rddreg [dreg:$0x0];
	_ =	strace $0x80000050;
	s0 =	simm.s32 $0x1  }
0x2: {  	v0 =	vimm.s32 $0x0;
	[sflag:s0] =	ssyncpa.u1 $0x0;
	s0 =	simm.s32 $0x188  }
0x3: {  	[tilespmem:s0+$0x30] =	vst v0  }
0x4: {  	s1 =	sadd.s32 $0x1EBC00, s5;
	[tilespmem:s0+$0x20] =	vst v0  }
0x5: {  	s2 =	simm.s32 $0x40;
	s4 =	sadd.s32 $0x654BC00, s5;
	s9 =	sadd.s32 $0x65000, s5;
	[tilespmem:s0+$0x10] =	vst v0  }
.LBB2_1:
0x6: {  	s2 =	sadd.s32 $0x40, s2  }
0x7: {  	[tilespmem:s0+$0x0] =	vst v0;
	s0 =	sadd.s32 $0x40, s0;
	p0 =	slt.u32 s2, $0x60C0  }
.Ltmp0:
0x8: {  	(pc) =	sbr.rel @p0 .LBB2_1-.Ltmp0, $4  }
0x9: {  	_ = 	snop  }
0xa: {  	[tilespmem:s0+$0x30] =	vst v0  }
0xb: {  	[tilespmem:s0+$0x20] =	vst v0  }
0xc: {  	[tilespmem:s0+$0x10] =	vst v0  }
0xd: {  	s7 =	stileid.u32;
	s2 =	simm.s32 $0x1  }
0xe: {  	s25 =	simm.s32 $0x2;
	p0 =	sne.s32 s7, $0x0;
	s3 =	smul.u32 $0x19F, s7  }
0xf: {  	s26 =	simm.s32 $0x7;
	s28 =	simm.s32 $0x8;
	s2 =	simm.s32 @!p0 $0x0  }
0x10: {  	p1 =	seq.s32 s7, $0x0;
	s2 =	sadd.s32 s2, s3;
	s3 =	simm.s32 $0xD000  }
0x11: {  	s10 =	simm.s32 $0x1;
	s17 =	sshll.u32 s2, $0x7;
	s3 =	simm.s32 @!p1 $0xCF80  }
0x12: {  	s31 =	simm.s32 $0x9;
	s21 =	simm.s32 $0x0;
	s2 =	sadd.s32 s3, s17  }
0x13: {  	p2 =	por $0x0, $0x0;
	s15 =	simm.s32 $0x80;
	s8 =	smin.u32 s2, $0xCF850  }
0x14: {  	[tilespmem:s0+$0x0] =	vst v0;
	s16 =	simm.s32 $0x400;
	s14 =	simm.s32 $0xA;
	s0 =	ssub.s32 s8, s17  }
0x15: {  	s18 =	simm.s32 $0x0;
	s20 =	simm.s32 $0x0;
	p1 =	sgt.s32 s0, $0x0  }
0x16: {  	v0 =	vimm.s32 $0xFFFFFFFF;
	[sflag:s25] =	ssyncpa.u1 $0x0;
	s30 =	smul.u32 $0x600, s7;
	s0 =	simm.s32 @!p1 $0x0  }
.Ltmp1:
0x17: {  	[tilespmem:$0xC308] =	vst v0;
	[sflag:s26] =	ssyncpa.u1 $0x0;
	s29 =	sand.u32 $0x50, s0;
	(pc) =	sbr.rel .LBB2_3-.Ltmp1, $4  }
0x18: {  	[sflag:s28] =	ssyncpa.u1 $0x0;
	s2 =	simm.s32 $0x1;
	p1 =	sne.s32 s29, $0x0  }
0x19: {  	s13 =	sshrl.u32 s30, $0x2;
	s0 =	sshrl.u32 s0, $0x7;
	s2 =	simm.s32 @!p1 $0x0  }
0x1a: {  	[sflag:s31] =	ssyncpa.u1 $0x0;
	[dreg:$0x2] =	wrdreg s13;
	s12 =	sadd.s32 s2, s0  }
0x1b: {  	v0 =	vlaneseq.u32;
	s19 =	smov.u32 s17;
	p1 =	por $0x1, $0x1;
	s11 =	sadd.s32 $0x1, s12  }
.LBB2_24:
0x1c: {  	s0 =	sshrl.u32 s30, $0x2  }
.LBB2_26:
0x1d: {  	_ =	swait.ge [sflag:s14], s0  }
0x1e: {  	s31 =	ssub.s32 $0x0, s0;
	v1 =	vmov s23;
	vm0 =	veq.s32 v0, $0x0;
	[sflag:s14] =	ssyncset.done $0x0  }
0x1f: {  	vm15 =	veq.s32 v0, $0x2;
	v1 =	vsel vm0, s29, v1;
	[sflag:s14] =	ssyncadd.s32 s31  }
0x20: {  	v1 =	vsel vm15, s21, v1;
	[sflag:s14] =	ssyncpa.u1 $0x1  }
0x21: {  	[tilespmem:$0xC308] =	vst v1  }
.LBB2_27:
0x22: {  	s0 =	sadd.s32 $0x80, s19  }
0x23: {  	s2 =	smov.u32 s17;
	p3 =	slt.s32 s0, s8  }
0x24: {  	s2 =	smov.u32 @p3 s0;
	p3 =	sne.s32 s20, s11  }
.Ltmp2:
0x25: {  	_ = 	snop;
	(pc) =	sbr.rel @!p3 .LBB2_28-.Ltmp2, $4  }
0x26: {  	_ = 	snop  }
0x27: {  	s21 =	smov.u32 s18  }
0x28: {  	s31 =	sadd.s32 $0x1, s20;
	s18 =	smov.u32 s19;
	p1 =	por !p1, !p1  }
0x29: {  	p2 =	por !p2, !p2;
	s20 =	smov.u32 s31;
	s19 =	smov.u32 s2  }
.LBB2_3:
0x2a: {  	p3 =	sge.u32 s20, s12  }
0x2b: {  	s0 =	smov.u32 s19;
	p4 =	sgt.s32 @!p3 s19, $0xCF7D0  }
0x2c: {  	s2 =	sshra.s32 @!p3 s19, $0x1F;
	s3 =	smulhi.u32 @!p3 $0xAAAAAAAB, s20;
	p4 =	por !p4, p3  }
0x2d: {  	s2 =	sand.u32 @!p3 s2, s19;
	s0 =	simm.s32 @p4 $0xCF7D0  }
0x2e: {  	s0 =	ssub.s32 @!p3 s0, s2;
	s2 =	sshrl.u32 @!p3 s3, $0x1  }
0x2f: {  	s0 =	sadd.s32 @!p3 $0xFFF30830, s0;
	s2 =	smul.u32 @!p3 $0x3, s2  }
0x30: {  	s7 =	sand.u32 @!p3 $0x7, s19;
	s3 =	sshll.u32 @!p3 s0, $0x2;
	p4 =	sgt.s32 @!p3 s0, $0x7F  }
0x31: {  	s0 =	ssub.s32 @!p3 $0x200, s3;
	s2 =	ssub.s32 @!p3 s20, s2;
	p4 =	por !p4, p3  }
0x32: {  	s3 =	sshrl.u32 @!p3 s19, $0x3;
	s0 =	sshrl.u32 @!p3 s0, $0x2;
	s2 =	sshll.u32 @!p3 s2, $0x7  }
0x33: {  	s3 =	sadd.s32 @!p3 s9, s3;
	s0 =	simm.s32 @!p4 $0x0;
	s2 =	sadd.s32 @!p3 $0xDB38, s2  }
0x34: {  	[tilespmem:s2], [sflag:$0x8] =	stream.linear.gather @!p3 [hbm4b:s3+s7], s0, $0x38;
	[tilespmem:$0x1DDB8] =	vst v63  }
0x35: {  	s0 =	sadd.s32 $0xFFFFFFFF, s20  }
0x36: {  	p3 =	sge.u32 s0, s12  }
0x37: {  	p4 =	sgt.s32 @!p3 s18, $0xCF7D0  }
0x38: {  	s2 =	smov.u32 s18;
	s3 =	sshra.s32 @!p3 s18, $0x1F;
	p4 =	por !p4, p3  }
0x39: {  	s3 =	sand.u32 @!p3 s3, s18;
	s2 =	simm.s32 @p4 $0xCF7D0  }
0x3a: {  	s2 =	ssub.s32 @!p3 s2, s3  }
0x3b: {  	s2 =	sadd.s32 @!p3 $0xFFF30830, s2  }
0x3c: {  	s3 =	sshll.u32 @!p3 s2, $0x2  }
0x3d: {  	p4 =	sgt.s32 @!p3 s2, $0x7F;
	s2 =	ssub.s32 @!p3 $0x200, s3  }
0x3e: {  	p4 =	por !p4, p3;
	s2 =	sshrl.u32 @!p3 s2, $0x2  }
0x3f: {  	s3 =	simm.s32 @!p3 $0x8;
	s2 =	simm.s32 @!p4 $0x0  }
0x40: {  	_ =	swait.ge @!p3 [sflag:s3], s2  }
0x41: {  	s7 =	sand.u32 @!p3 $0x1, s0;
	s22 =	ssub.s32 @!p3 $0x0, s2;
	[sflag:s3] =	ssyncset.done @!p3 $0x0  }
0x42: {  	s7 =	sshll.u32 @!p3 s7, $0x7;
	[sflag:s3] =	ssyncadd.s32 @!p3 s22;
	s3 =	sshrl.u32 @!p3 s18, $0x3  }
0x43: {  	s7 =	sadd.s32 @!p3 $0xDCB8, s7;
	s22 =	sand.u32 @!p3 $0x7, s18;
	s3 =	sadd.s32 @!p3 s5, s3  }
0x44: {  	[tilespmem:s7], [sflag:$0x9] =	stream.linear.gather @!p3 [hbm4b:s3+s22], s2, $0x38;
	[tilespmem:$0x1DDB8] =	vst v63  }
0x45: {  	s22 =	ssub.s32 @!p3 $0xCF850, s18  }
0x46: {  	p4 =	slt.s32 @!p3 s22, $0x1  }
0x47: {  	p4 =	por p3, p4  }
.Ltmp3:
0x48: {  	_ = 	snop;
	(pc) =	sbr.rel @p4 .LBB2_9-.Ltmp3, $1  }
0x49: {  	_ =	sdelay $0x3  }
0x4a: {  	s2 =	smulhi.u32 $0xAAAAAAAB, s0;
	_ =	sdelay $0x1  }
0x4b: {  	s2 =	sshrl.u32 s2, $0x1  }
0x4c: {  	s2 =	smul.u32 $0x3, s2  }
.Ltmp4:
0x4d: {  	_ = 	snop;
	(pc) =	sbr.rel .LBB2_6-.Ltmp4, $4  }
0x4e: {  	s3 =	simm.s32 $0x1;
	s29 =	ssub.s32 s0, s2  }
0x4f: {  	p4 =	slt.s32 @!p3 s22, $0x80;
	s3 =	simm.s32 @!p1 $0x0;
	s0 =	sshll.u32 s29, $0x7  }
0x50: {  	p3 =	por !p4, p3;
	s30 =	sshll.u32 s3, $0xF;
	s31 =	sadd.s32 $0xDB38, s0  }
0x51: {  	s22 =	simm.s32 @p3 $0x80;
	s23 =	sadd.s32 $0xDDB8, s30;
	s0 =	simm.s32 $0x0;
	v1 =	vmov s31  }
.LBB2_5:
0x52: {  	p3 =	sge.s32 s0, s22  }
.Ltmp5:
0x53: {  	_ = 	snop;
	(pc) =	sbr.rel @p3 .LBB2_9-.Ltmp5, $2  }
0x54: {  	_ =	sdelay $0x2  }
0x55: {  	s23 =	sadd.s32 $0x1000, s23  }
.LBB2_6:
0x56: {  	p3 =	sle.s32 s22, s0  }
.Ltmp6:
0x57: {  	_ = 	snop;
	(pc) =	sbr.rel @p3 .LBB2_5-.Ltmp6, $2  }
0x58: {  	_ =	sdelay $0x2  }
0x59: {  	s24 =	smov.u32 s0;
	s0 =	sadd.s32 $0x10, s0  }
0x5a: {  	s2 =	ssub.s32 s22, s24  }
0x5b: {  	p3 =	slt.s32 s2, $0x10  }
0x5c: {  	s2 =	simm.s32 @!p3 $0x10  }
0x5d: {  	v2 =	vmov s2  }
0x5e: {  	vm0 =	vgt.s32 v2, v0;
	_ =	sdelay $0x5  }
0x5f: {  	v2 =	vld.idx.msk [tilespmem:v1+s24+$0x0 ss:$0x1], vm0;
	_ =	sdelay $0x2  }
0x60: {  	p3 =	slt.s32 s0, s22;
	s2 =	smov.u32 s22  }
0x61: {  	s3 =	smov.u32 s23;
	s25 =	simm.s32 $0x0;
	s2 =	smov.u32 @p3 s0  }
.LBB2_8:
0x62: {  	(v2sf) =	vpush v2, s25;
	_ =	sdelay $0xe  }
0x63: {  	s25 =	sadd.s32 $0x1, s25;
	s7 =	spop (v2sf)  }
0x64: {  	s31 =	sadd.s32 s25, s24;
	s26 =	sshll.u32 s7, $0x8;
	s7 =	sshll.u32 s7, $0x7  }
0x65: {  	p3 =	slt.s32 s31, s2;
	s26 =	sand.u32 $0xFFFFF800, s26;
	s7 =	sand.u32 $0x380, s7  }
.Ltmp7:
0x66: {  	s7 =	sor.u32 s7, s26;
	(pc) =	sbr.rel @p3 .LBB2_8-.Ltmp7, $4  }
0x67: {  	s7 =	sshrl.u32 s7, $0x3  }
0x68: {  	s7 =	sadd.s32 s4, s7  }
0x69: {  	[tilespmem:s3], [sflag:$0x7] =	stream.strided.gather [hbm4b:s7+s15], $0x100, s16, s15, $0x38;
	[tilespmem:$0x1DDB8] =	vst v63  }
0x6a: {  	s3 =	sadd.s32 $0x100, s3  }
.Ltmp8:
0x6b: {  	_ = 	snop;
	(pc) =	sbr.rel .LBB2_5-.Ltmp8, $1  }
0x6c: {  	_ =	sdelay $0x3  }
.LBB2_9:
0x6d: {  	p3 =	slt.u32 s20, $0x2  }
.Ltmp9:
0x6e: {  	_ = 	snop;
	(pc) =	sbr.rel @p3 .LBB2_27-.Ltmp9, $1  }
0x6f: {  	_ =	sdelay $0x3  }
0x70: {  	p3 =	sgt.s32 s21, $0xCF7D0;
	s0 =	smov.u32 s21  }
0x71: {  	s2 =	sshra.s32 s21, $0x1F;
	s3 =	ssub.s32 $0xCF850, s21;
	s0 =	simm.s32 @!p3 $0xCF7D0  }
0x72: {  	s2 =	sand.u32 s2, s21;
	p3 =	slt.s32 s3, $0x80;
	s7 =	smov.u32 s3  }
0x73: {  	s0 =	ssub.s32 s0, s2;
	s7 =	simm.s32 @!p3 $0x80  }
0x74: {  	s0 =	sadd.s32 $0xFFF30830, s0;
	s24 =	sshll.u32 s7, $0x8  }
0x75: {  	s28 =	simm.s32 $0x7;
	s25 =	sshll.u32 s0, $0x2;
	s2 =	sand.u32 $0x3FFFFF00, s24  }
0x76: {  	p3 =	sgt.s32 s0, $0x7F;
	s26 =	ssub.s32 $0x200, s25;
	_ =	swait.ge [sflag:s28], s2  }
0x77: {  	s2 =	ssub.s32 $0x0, s2;
	[sflag:s28] =	ssyncset.done $0x0;
	s0 =	sshrl.u32 s26, $0x2  }
0x78: {  	s30 =	simm.s32 $0x9;
	[sflag:s28] =	ssyncadd.s32 s2;
	s0 =	simm.s32 @p3 $0x0  }
0x79: {  	_ =	swait.ge [sflag:s30], s0  }
0x7a: {  	s0 =	ssub.s32 $0x0, s0;
	[sflag:s30] =	ssyncset.done $0x0  }
0x7b: {  	[sflag:s30] =	ssyncadd.s32 s0  }
0x7c: {  	v1 =	vld [tilespmem:$0xC308];
	_ =	sdelay $0x4  }
0x7d: {  	(v2sf) =	vpush v1, $0x0  }
0x7e: {  	(v2sf) =	vpush v1, $0x1  }
0x7f: {  	(v2sf) =	vpush v1, $0x2;
	_ =	sdelay $0x3  }
0x80: {  	s0 =	sadd.s32 $0x80, s21  }
0x81: {  	p3 =	slt.s32 s8, s0  }
0x82: {  	s0 =	smov.u32 @p3 s8;
	p3 =	sgt.s32 s3, $0x0  }
0x83: {  	s26 =	ssub.s32 s0, s21;
	s3 =	simm.s32 @!p3 $0x0  }
0x84: {  	p3 =	slt.s32 s3, s26  }
0x85: {  	s26 =	smov.u32 @p3 s3  }
0x86: {  	p3 =	slt.s32 s26, $0x1  }
.Ltmp10:
0x87: {  	_ = 	snop;
	(pc) =	sbr.rel @p3 .LBB2_14-.Ltmp10, $4  }
0x88: {  	s25 =	simm.s32 $0x1  }
0x89: {  	s25 =	simm.s32 @!p2 $0x0;
	s24 =	spop (v2sf)  }
0x8a: {  	s31 =	sshll.u32 s25, $0x7;
	s29 =	spop (v2sf)  }
0x8b: {  	s22 =	sadd.s32 $0xDCB8, s31;
	s21 =	spop (v2sf)  }
0x8c: {  	s0 =	smin.u32 s26, $0x10  }
0x8d: {  	v1 =	vmov s0  }
0x8e: {  	vm1 =	vgt.u32 v1, v0  }
0x8f: {  	p4 =	sgt.s32 s26, $0x10  }
.Ltmp11:
0x90: {  	_ = 	snop;
	(pc) =	sbr.rel @!p4 .LBB2_13-.Ltmp11, $2  }
0x91: {  	_ =	sdelay $0x2  }
0x92: {  	s23 =	simm.s32 $0x10;
	s28 =	sadd.s32 $0xFFFFFFF0, s26;
	s0 =	smov.u32 s22;
	vm0 =	vmmov vm1;
	v1 =	vld.msk [tilespmem:s22+$0x0 ss:$0x1], vm1  }
.LBB2_12:
0x93: {  	s2 =	smin.u32 s28, $0x10;
	s23 =	sadd.s32 $0x10, s23  }
0x94: {  	v2 =	vmov s2;
	p4 =	slt.s32 s23, s26  }
0x95: {  	vm1 =	vgt.u32 v2, v0;
	_ =	sdelay $0x1  }
0x96: {  	v2 =	vshll.u32 v1, $0x5;
	v1 =	vshll.u32 v1, $0x4  }
.Ltmp12:
0x97: {  	v2 =	vand.u32 $0xFFFFFF00, v2;
	v1 =	vand.u32 $0x70, v1;
	(pc) =	sbr.rel @p4 .LBB2_12-.Ltmp12, $4  }
0x98: {  	v1 =	vor.u32 v1, v2  }
0x99: {  	[tilespmem:s0+$0x0] =	vst.msk vm0, v1;
	s0 =	sadd.s32 $0x10, s0;
	vm0 =	vmmov vm1  }
0x9a: {  	v1 =	vld.msk [tilespmem:s0+$0x0 ss:$0x1], vm1  }
0x9b: {  	s28 =	sadd.s32 $0xFFFFFFF0, s28  }
.LBB2_13:
0x9c: {  	_ =	sdelay $0x3  }
0x9d: {  	v2 =	vshll.u32 v1, $0x5;
	v1 =	vshll.u32 v1, $0x4  }
0x9e: {  	v2 =	vand.u32 $0xFFFFFF00, v2;
	v1 =	vand.u32 $0x70, v1  }
0x9f: {  	v1 =	vor.u32 v1, v2  }
0xa0: {  	[tilespmem:s0+$0x0] =	vst.msk vm0, v1  }
.LBB2_14:
0xa1: {  	s0 =	sand.u32 $0x1, s20  }
0xa2: {  	p4 =	sne.s32 s29, $0xFFFFFFFF;
	s0 =	sshll.u32 s0, $0x7  }
0xa3: {  	v1 =	vld.msk @!p4 [tilespmem:s0+$0xDCB8], $0x1;
	_ =	sdelay $0x4  }
0xa4: {  	(v2sf) =	vpush @!p4 v1, $0x0;
	_ =	sdelay $0xc  }
.Ltmp13:
0xa5: {  	_ = 	snop;
	(pc) =	sbr.rel @p3 .LBB2_25-.Ltmp13, $4  }
0xa6: {  	_ = 	snop  }
0xa7: {  	s28 =	spop @!p4 (v2sf)  }
0xa8: {  	s21 =	simm.s32 @!p4 $0x0;
	s23 =	smov.u32 s28  }
0xa9: {  	[sflag:s14] =	ssyncpa.u1 $0x0;
	s28 =	smov.u32 @p4 s24;
	s23 =	smov.u32 @p4 s29  }
0xaa: {  	v1 =	vld.msk [tilespmem:s22+$0x0], $0x1;
	_ =	sdelay $0x4  }
0xab: {  	(v2sf) =	vpush v1, $0x0;
	_ =	sdelay $0xd  }
0xac: {  	s13 =	smov.u32 s12;
	s12 =	smov.u32 s8  }
0xad: {  	s8 =	smov.u32 s11;
	s6 =	smov.u32 s9;
	s30 =	spop (v2sf)  }
0xae: {  	s24 =	simm.s32 $0x0;
	s0 =	sshll.u32 s25, $0xF;
	p3 =	seq.s32 s28, s30  }
0xaf: {  	s3 =	smov.u32 s28;
	s26 =	ssub.s32 $0x0, s26;
	p4 =	sgt.s32 @!p3 s28, $0x0  }
0xb0: {  	s25 =	sadd.s32 $0xDE18, s0;
	s2 =	smul.u32 @!p3 $0x300, s24;
	p4 =	por !p4, p3  }
0xb1: {  	s29 =	sadd.s32 $0x1, s26;
	s0 =	simm.s32 @!p3 $0x1;
	s3 =	simm.s32 @p4 $0x0  }
0xb2: {  	s2 =	sshra.s32 @!p3 s2, $0x2;
	p4 =	seq.s32 s29, $0x0;
	s3 =	smin.u32 @!p3 s3, $0x186978  }
.Ltmp14:
0xb3: {  	s7 =	sadd.s32 @!p3 $0x6248, s2;
	s31 =	sand.u32 @!p3 $0x1FFFF8, s3;
	(pc) =	sbr.rel @p4 .LBB2_17-.Ltmp14, $4  }
0xb4: {  	s9 =	sadd.s32 @!p3 $0x80, s3;
	s3 =	sand.u32 @!p3 $0x7, s3;
	s31 =	sadd.s32 @!p3 s1, s31  }
0xb5: {  	[tilespmem:s7], [sflag:$0x2] =	stream.linear.gather @!p3 [hbm4b:s31+s3], $0x80, $0x38;
	[tilespmem:$0x1DDB8] =	vst v63  }
0xb6: {  	s14 =	smov.u32 s5;
	s0 =	smov.u32 @p3 s24;
	s7 =	sand.u32 @!p3 $0x3FFFF8, s9  }
0xb7: {  	s2 =	sadd.s32 @!p3 $0x62C8, s2;
	s31 =	sadd.s32 $0x1, s22;
	s7 =	sadd.s32 @!p3 s1, s7  }
.LBB2_16:
0xb8: {  	s9 =	smov.u32 s0  }
0xb9: {  	[tilespmem:s2], [sflag:$0x2] =	stream.linear.gather @!p3 [hbm4b:s7+s3], $0x40, $0x38;
	[tilespmem:$0x1DDB8] =	vst v63  }
0xba: {  	s29 =	sadd.s32 $0x1, s29;
	s2 =	smov.u32 s30;
	v1 =	vld.msk [tilespmem:s31+$0x0], $0x1  }
0xbb: {  	p4 =	seq.s32 s29, $0x0;
	_ =	sdelay $0x3  }
0xbc: {  	(v2sf) =	vpush v1, $0x0;
	_ =	sdelay $0xe  }
0xbd: {  	s30 =	spop (v2sf)  }
0xbe: {  	p3 =	seq.s32 s2, s30  }
0xbf: {  	p5 =	sgt.s32 @!p3 s2, $0x0;
	s3 =	smul.u32 @!p3 $0x300, s0;
	s0 =	sadd.s32 @!p3 $0x1, s0  }
0xc0: {  	p5 =	por !p5, p3;
	s0 =	smov.u32 @p3 s9  }
0xc1: {  	s2 =	simm.s32 @p5 $0x0;
	s3 =	sshra.s32 @!p3 s3, $0x2  }
.Ltmp15:
0xc2: {  	s7 =	smin.u32 @!p3 s2, $0x186978;
	s9 =	sadd.s32 @!p3 $0x6248, s3;
	(pc) =	sbr.rel @!p4 .LBB2_16-.Ltmp15, $4  }
0xc3: {  	s2 =	sadd.s32 @!p3 $0x62C8, s3;
	s11 =	sand.u32 @!p3 $0x1FFFF8, s7;
	s5 =	sadd.s32 @!p3 $0x80, s7  }
0xc4: {  	s3 =	sand.u32 @!p3 $0x7, s7;
	s11 =	sadd.s32 @!p3 s1, s11;
	s5 =	sand.u32 @!p3 $0x3FFFF8, s5  }
0xc5: {  	[tilespmem:s9], [sflag:$0x2] =	stream.linear.gather @!p3 [hbm4b:s11+s3], $0x80, $0x38;
	[tilespmem:$0x1DDB8] =	vst v63  }
0xc6: {  	s31 =	sadd.s32 $0x1, s31;
	s7 =	sadd.s32 @!p3 s1, s5  }
.LBB2_17:
0xc7: {  	s0 =	smul.u32 $0x300, s0  }
0xc8: {  	[tilespmem:s2], [sflag:$0x2] =	stream.linear.gather @!p3 [hbm4b:s7+s3], $0x40, $0x38;
	[tilespmem:$0x1DDB8] =	vst v63  }
.Ltmp16:
0xc9: {  	s31 =	simm.s32 $0x2;
	s30 =	simm.s32 $0x0;
	(pc) =	sbr.rel .LBB2_18-.Ltmp16, $4  }
0xca: {  	s5 =	smov.u32 s14;
	s9 =	smov.u32 s6;
	s0 =	sshrl.u32 s0, $0x2  }
0xcb: {  	s11 =	smov.u32 s8;
	s8 =	smov.u32 s12;
	_ =	swait.ge [sflag:s31], s0  }
0xcc: {  	s12 =	smov.u32 s13;
	s0 =	ssub.s32 $0x0, s0;
	[sflag:s31] =	ssyncset.done $0x0  }
0xcd: {  	s14 =	simm.s32 $0xA;
	s13 =	rddreg [dreg:$0x2];
	[sflag:s31] =	ssyncadd.s32 s0  }
.LBB2_19:
0xce: {  	v1 =	vld [tilespmem:s25+$0xFFFFFFA0];
	_ =	sdelay $0x4  }
0xcf: {  	[tilespmem:s31+$0x188] =	vst.add.f32.msk $0xffff, v1  }
0xd0: {  	v1 =	vld [tilespmem:s25+$0xFFFFFFB0];
	_ =	sdelay $0x4  }
0xd1: {  	[tilespmem:s31+$0x198] =	vst.add.f32.msk $0xffff, v1  }
0xd2: {  	v1 =	vld [tilespmem:s25+$0xFFFFFFC0];
	_ =	sdelay $0x4  }
0xd3: {  	[tilespmem:s31+$0x1A8] =	vst.add.f32.msk $0xffff, v1  }
0xd4: {  	v1 =	vld [tilespmem:s25+$0xFFFFFFD0];
	_ =	sdelay $0x4  }
0xd5: {  	[tilespmem:s31+$0x1B8] =	vst.add.f32.msk $0xffff, v1  }
0xd6: {  	v1 =	vld [tilespmem:s25+$0xFFFFFFE0];
	_ =	sdelay $0x4  }
0xd7: {  	[tilespmem:s31+$0x1C8] =	vst.add.f32.msk $0xffff, v1  }
0xd8: {  	v1 =	vld [tilespmem:s25+$0xFFFFFFF0];
	_ =	sdelay $0x4  }
0xd9: {  	[tilespmem:s31+$0x1D8] =	vst.add.f32.msk $0xffff, v1  }
0xda: {  	v1 =	vld [tilespmem:s25+$0x0];
	_ =	sdelay $0x4  }
0xdb: {  	[tilespmem:s31+$0x1E8] =	vst.add.f32.msk $0xffff, v1  }
0xdc: {  	v1 =	vld [tilespmem:s25+$0x10];
	_ =	sdelay $0x4  }
0xdd: {  	[tilespmem:s31+$0x1F8] =	vst.add.f32.msk $0xffff, v1  }
0xde: {  	v1 =	vld [tilespmem:s25+$0x20];
	_ =	sdelay $0x4  }
0xdf: {  	[tilespmem:s31+$0x208] =	vst.add.f32.msk $0xffff, v1  }
0xe0: {  	v1 =	vld [tilespmem:s25+$0x30];
	_ =	sdelay $0x4  }
0xe1: {  	[tilespmem:s31+$0x218] =	vst.add.f32.msk $0xffff, v1  }
0xe2: {  	v1 =	vld [tilespmem:s25+$0x40];
	_ =	sdelay $0x4  }
0xe3: {  	[tilespmem:s31+$0x228] =	vst.add.f32.msk $0xffff, v1  }
0xe4: {  	v1 =	vld [tilespmem:s25+$0x50];
	_ =	sdelay $0x4  }
0xe5: {  	[tilespmem:s31+$0x238] =	vst.add.f32.msk $0xffff, v1  }
.LBB2_23:
0xe6: {  	s26 =	sadd.s32 $0x1, s26  }
0xe7: {  	p3 =	seq.s32 s26, $0x0  }
.Ltmp17:
0xe8: {  	_ = 	snop;
	(pc) =	sbr.rel @p3 .LBB2_24-.Ltmp17, $2  }
0xe9: {  	_ =	sdelay $0x2  }
0xea: {  	s22 =	sadd.s32 $0x1, s22;
	s25 =	sadd.s32 $0x100, s25;
	s28 =	smov.u32 s29  }
.LBB2_18:
0xeb: {  	v1 =	vld.msk [tilespmem:s22+$0x0], $0x1;
	_ =	sdelay $0x4  }
0xec: {  	(v2sf) =	vpush v1, $0x0;
	_ =	sdelay $0xe  }
0xed: {  	s29 =	spop (v2sf)  }
0xee: {  	p3 =	sne.s32 s28, s29  }
.Ltmp18:
0xef: {  	_ = 	snop;
	(pc) =	sbr.rel @!p3 .LBB2_19-.Ltmp18, $3  }
0xf0: {  	_ = 	snop  }
0xf1: {  	s0 =	smul.u32 $0x300, s21;
	_ =	sdelay $0x1  }
0xf2: {  	s31 =	sshra.s32 s0, $0x2  }
0xf3: {  	p3 =	seq.s32 s28, s23  }
.Ltmp19:
0xf4: {  	_ = 	snop;
	(pc) =	sbr.rel @!p3 .LBB2_21-.Ltmp19, $1  }
0xf5: {  	_ =	sdelay $0x3  }
.Ltmp20:
0xf6: {  	s0 =	sadd.s32 $0x188, s31;
	(pc) =	sbr.rel .LBB2_22-.Ltmp20, $4  }
0xf7: {  	[spmem:s13] =	stream.linear.scatter [tilespmem:s0], [sflag:$0x1], $0xC0, $0x38;
	[tilespmem:$0x1DDB8] =	vst v63  }
0xf8: {  	_ =	swait.ge [sflag:s10], $0xC0  }
0xf9: {  	[sflag:s10] =	ssyncset.done $0x0  }
0xfa: {  	[sflag:s10] =	ssyncadd.s32 $0xFFFFFF40  }
.LBB2_21:
0xfb: {  	s0 =	smul.u32 $0x300, s24;
	_ =	sdelay $0x1  }
0xfc: {  	s0 =	sshra.s32 s0, $0x2  }
0xfd: {  	v1 =	vld [tilespmem:s0+$0x6248];
	_ =	sdelay $0x4  }
0xfe: {  	[tilespmem:s31+$0x188] =	vst.add.f32.msk $0xffff, v1  }
0xff: {  	v1 =	vld [tilespmem:s0+$0x6258];
	_ =	sdelay $0x4  }
0x100: {  	[tilespmem:s31+$0x198] =	vst.add.f32.msk $0xffff, v1  }
0x101: {  	v1 =	vld [tilespmem:s0+$0x6268];
	_ =	sdelay $0x4  }
0x102: {  	[tilespmem:s31+$0x1A8] =	vst.add.f32.msk $0xffff, v1  }
0x103: {  	v1 =	vld [tilespmem:s0+$0x6278];
	_ =	sdelay $0x4  }
0x104: {  	[tilespmem:s31+$0x1B8] =	vst.add.f32.msk $0xffff, v1  }
0x105: {  	v1 =	vld [tilespmem:s0+$0x6288];
	_ =	sdelay $0x4  }
0x106: {  	[tilespmem:s31+$0x1C8] =	vst.add.f32.msk $0xffff, v1  }
0x107: {  	v1 =	vld [tilespmem:s0+$0x6298];
	_ =	sdelay $0x4  }
0x108: {  	[tilespmem:s31+$0x1D8] =	vst.add.f32.msk $0xffff, v1  }
0x109: {  	v1 =	vld [tilespmem:s0+$0x62A8];
	_ =	sdelay $0x4  }
0x10a: {  	[tilespmem:s31+$0x1E8] =	vst.add.f32.msk $0xffff, v1  }
0x10b: {  	v1 =	vld [tilespmem:s0+$0x62B8];
	_ =	sdelay $0x4  }
0x10c: {  	[tilespmem:s31+$0x1F8] =	vst.add.f32.msk $0xffff, v1  }
0x10d: {  	v1 =	vld [tilespmem:s0+$0x62C8];
	_ =	sdelay $0x4  }
0x10e: {  	[tilespmem:s31+$0x208] =	vst.add.f32.msk $0xffff, v1  }
0x10f: {  	v1 =	vld [tilespmem:s0+$0x62D8];
	_ =	sdelay $0x4  }
0x110: {  	[tilespmem:s31+$0x218] =	vst.add.f32.msk $0xffff, v1  }
0x111: {  	v1 =	vld [tilespmem:s0+$0x62E8];
	_ =	sdelay $0x4  }
0x112: {  	[tilespmem:s31+$0x228] =	vst.add.f32.msk $0xffff, v1  }
0x113: {  	v1 =	vld [tilespmem:s0+$0x62F8];
	_ =	sdelay $0x2  }
0x114: {  	p3 =	sgt.u32 s28, $0x186978  }
0x115: {  	s0 =	sand.u32 @!p3 $0x1FFFF8, s28  }
0x116: {  	s2 =	sadd.s32 $0x188, s31;
	s3 =	sand.u32 @!p3 $0x7, s28;
	s0 =	sadd.s32 @!p3 s1, s0;
	[tilespmem:s31+$0x238] =	vst.add.f32.msk $0xffff, v1  }
0x117: {  	[hbm4b:s0+s3] =	stream.linear.scatter @!p3 [tilespmem:s2], [sflag:$0xA], $0x80, $0x38;
	[tilespmem:$0x1DDB8] =	vst v63  }
0x118: {  	s0 =	sadd.s32 @!p3 $0x80, s28  }
0x119: {  	s0 =	sand.u32 @!p3 $0x3FFFF8, s0  }
0x11a: {  	s2 =	sadd.s32 $0x208, s31;
	s0 =	sadd.s32 @!p3 s1, s0  }
0x11b: {  	[hbm4b:s0+s3] =	stream.linear.scatter @!p3 [tilespmem:s2], [sflag:$0xA], $0x40, $0x38;
	[tilespmem:$0x1DDB8] =	vst v63  }
0x11c: {  	s0 =	simm.s32 $0x0  }
0x11d: {  	s0 =	simm.s32 @!p3 $0x300  }
0x11e: {  	s30 =	sadd.s32 s0, s30  }
.LBB2_22:
0x11f: {  	s0 =	sadd.s32 $0x1, s21;
	v1 =	vld [tilespmem:s25+$0xFFFFFFA0]  }
0x120: {  	s21 =	sand.u32 $0x7F, s0  }
0x121: {  	s0 =	smul.u32 $0x300, s21;
	_ =	sdelay $0x1  }
0x122: {  	s0 =	sshrl.u32 s0, $0x2  }
0x123: {  	[tilespmem:s0+$0x188] =	vst v1  }
0x124: {  	v1 =	vld [tilespmem:s25+$0xFFFFFFB0];
	_ =	sdelay $0x4  }
0x125: {  	[tilespmem:s0+$0x198] =	vst v1  }
0x126: {  	v1 =	vld [tilespmem:s25+$0xFFFFFFC0];
	_ =	sdelay $0x4  }
0x127: {  	[tilespmem:s0+$0x1A8] =	vst v1  }
0x128: {  	v1 =	vld [tilespmem:s25+$0xFFFFFFD0];
	_ =	sdelay $0x4  }
0x129: {  	[tilespmem:s0+$0x1B8] =	vst v1  }
0x12a: {  	v1 =	vld [tilespmem:s25+$0xFFFFFFE0];
	_ =	sdelay $0x4  }
0x12b: {  	[tilespmem:s0+$0x1C8] =	vst v1  }
0x12c: {  	v1 =	vld [tilespmem:s25+$0xFFFFFFF0];
	_ =	sdelay $0x4  }
0x12d: {  	[tilespmem:s0+$0x1D8] =	vst v1  }
0x12e: {  	v1 =	vld [tilespmem:s25+$0x0];
	_ =	sdelay $0x4  }
0x12f: {  	[tilespmem:s0+$0x1E8] =	vst v1  }
0x130: {  	v1 =	vld [tilespmem:s25+$0x10];
	_ =	sdelay $0x4  }
0x131: {  	[tilespmem:s0+$0x1F8] =	vst v1  }
0x132: {  	v1 =	vld [tilespmem:s25+$0x20];
	_ =	sdelay $0x4  }
0x133: {  	[tilespmem:s0+$0x208] =	vst v1  }
0x134: {  	v1 =	vld [tilespmem:s25+$0x30];
	_ =	sdelay $0x4  }
0x135: {  	[tilespmem:s0+$0x218] =	vst v1  }
0x136: {  	v1 =	vld [tilespmem:s25+$0x40];
	_ =	sdelay $0x4  }
0x137: {  	[tilespmem:s0+$0x228] =	vst v1  }
0x138: {  	v1 =	vld [tilespmem:s25+$0x50]  }
.Ltmp21:
0x139: {  	_ = 	snop;
	(pc) =	sbr.rel .LBB2_23-.Ltmp21, $2  }
0x13a: {  	_ =	sdelay $0x2  }
0x13b: {  	s24 =	sadd.s32 $0x1, s24;
	[tilespmem:s0+$0x238] =	vst v1  }
.LBB2_25:
.Ltmp22:
0x13c: {  	(pc) =	sbr.rel .LBB2_26-.Ltmp22, $4  }
0x13d: {  	_ = 	snop  }
0x13e: {  	s0 =	simm.s32 $0x2  }
0x13f: {  	_ =	swait.ge [sflag:s0], $0x0  }
0x140: {  	s29 =	smov.u32 s28;
	[sflag:s0] =	ssyncset.done $0x0;
	s0 =	simm.s32 $0x0  }
.LBB2_28:
0x141: {  	_ =	sfence.sel $0x180000  }
0x142: {  	s0 =	simm.s32 $0x7;
	[bflag:$0x0] =	sbarrier.arrive $0xFFFF  }
0x143: {  	s24 =	simm.s32 $0x8;
	[sflag:s0] =	ssyncpa.u1 $0x1  }
0x144: {  	s25 =	simm.s32 $0x9;
	[sflag:s24] =	ssyncpa.u1 $0x1  }
0x145: {  	s26 =	simm.s32 $0x2;
	[sflag:s25] =	ssyncpa.u1 $0x1  }
0x146: {  	[sflag:s26] =	ssyncpa.u1 $0x1  }
0x147: {  	v0 =	vld [tilespmem:$0xC308];
	_ =	sdelay $0x4  }
0x148: {  	(v2sf) =	vpush v0, $0x0  }
0x149: {  	(v2sf) =	vpush v0, $0x1  }
0x14a: {  	(v2sf) =	vpush v0, $0x2;
	_ =	sdelay $0xc  }
0x14b: {  	s0 =	spop (v2sf)  }
0x14c: {  	s2 =	spop (v2sf)  }
0x14d: {  	s3 =	smov.u32 s0;
	p1 =	sne.s32 s0, s2;
	s4 =	spop (v2sf)  }
0x14e: {  	s3 =	simm.s32 @!p1 $0xFFFFFFFF;
	p1 =	seq.s32 s4, $0xFFFFFFFF  }
0x14f: {  	v2 =	vimm.s32 $0x1;
	v3 =	vlaneseq.u32;
	v1 =	vmov s3;
	p2 =	sne.s32 @!p1 s0, s2  }
0x150: {  	s28 =	stileid.u32;
	v0 =	vperm.xlane v0, v2;
	s0 =	simm.s32 @!p1 $0x1;
	v1 =	vperm.xlane v1, v3;
	p2 =	por !p2, p1  }
0x151: {  	vm0 =	vcmask $0x3F04;
	s3 =	sshll.u32 s28, $0x1;
	s2 =	smul.u32 @!p1 $0x300, s4;
	s0 =	simm.s32 @p2 $0x0  }
0x152: {  	s6 =	simm.s32 $0xC308;
	v0 =	vsel vm0, v1, v0;
	s0 =	sor.u32 @!p1 s0, s3  }
0x153: {  	s5 =	sor.u32 $0x1800, s3;
	s2 =	sshra.s32 @!p1 s2, $0x2;
	[tilespmem:$0xC308] =	vst v0;
	s0 =	smul.u32 @!p1 $0x300, s0  }
0x154: {  	[spmem:s5] =	stream.linear.scatter [tilespmem:s6], [sflag:$0x1], $0x2, $0x38;
	[tilespmem:$0x1DDB8] =	vst v63  }
0x155: {  	s2 =	sadd.s32 @!p1 $0x188, s2;
	s0 =	sshrl.u32 @!p1 s0, $0x2  }
0x156: {  	[spmem:s0] =	stream.linear.scatter @!p1 [tilespmem:s2], [sflag:$0x1], $0xC0, $0x38;
	[tilespmem:$0x1DDB8] =	vst v63  }
0x157: {  	s2 =	simm.s32 @!p1 $0xC2  }
0x158: {  	s0 =	simm.s32 $0x1;
	s2 =	simm.s32 @p1 $0x2  }
0x159: {  	_ =	swait.ge [sflag:s0], s2  }
0x15a: {  	s2 =	ssub.s32 $0x0, s2;
	[sflag:s0] =	ssyncset.done $0x0  }
0x15b: {  	[sflag:s0] =	ssyncadd.s32 s2  }
0x15c: {  	_ =	sfence.stream.spmem  }
0x15d: {  	s29 =	simm.s32 $0x3;
	[bflag:$0x0] =	sbarrier.arrive $0xFFFF  }
0x15e: {  	s30 =	simm.s32 $0x4;
	[sflag:s29] =	ssyncpa.u1 $0x1  }
0x15f: {  	s31 =	simm.s32 $0x3C;
	[sflag:s30] =	ssyncpa.u1 $0x1  }
0x160: {  	[sflag:s31] =	ssyncpa.u1 $0x1  }
0x161: {  	_ =	sfence @p0  }
0x162: {  	[sflag:s0] =	ssyncpa.u1 @p0 $0x1  }
0x163: {  	_ =	strace @p0 $0x90000050  }
0x164: {  	[bflag:$0x2] =	sbarrier.arrive @p0 $0xFFFF  }
0x165: {  	_ =	shalt @p0  }
.LBB2_29:
0x166: {  	_ =	sfence.stream.spmem;
	s0 =	simm.s32 $0x5  }
0x167: {  	s2 =	simm.s32 $0x1800;
	s3 =	simm.s32 $0xC318;
	[sflag:s0] =	ssyncpa.u1 $0x0  }
0x168: {  	[tilespmem:s3], [sflag:$0x5] =	stream.linear.gather [spmem:s2], $0x20, $0x38;
	[tilespmem:$0x1DDB8] =	vst v63  }
0x169: {  	s30 =	simm.s32 $0xC338;
	s2 =	simm.s32 $0x0  }
0x16a: {  	[tilespmem:s30], [sflag:$0x5] =	stream.linear.gather [spmem:s2], $0x1800, $0x38;
	[tilespmem:$0x1DDB8] =	vst v63  }
.Ltmp23:
0x16b: {  	_ = 	snop;
	(pc) =	sbr.rel .LBB2_30-.Ltmp23, $4  }
0x16c: {  	_ =	swait.ge [sflag:s0], $0x1820  }
0x16d: {  	[sflag:s0] =	ssyncset.done $0x0  }
0x16e: {  	s31 =	simm.s32 $0x6;
	[sflag:s0] =	ssyncadd.s32 $0xFFFFE7E0  }
0x16f: {  	s3 =	simm.s32 $0x0;
	[sflag:s31] =	ssyncpa.u1 $0x0  }
.LBB2_36:
0x170: {  	p0 =	slt.u32 s4, $0x186979  }
0x171: {  	s0 =	sand.u32 @p0 $0x1FFFF8, s4  }
0x172: {  	s5 =	sand.u32 @p0 $0x7, s4;
	s6 =	simm.s32 @p0 $0xC248;
	s0 =	sadd.s32 @p0 s1, s0  }
0x173: {  	[tilespmem:s6], [sflag:$0x6] =	stream.linear.gather @p0 [hbm4b:s0+s5], $0x80, $0x38;
	[tilespmem:$0x1DDB8] =	vst v63  }
0x174: {  	s0 =	sadd.s32 @p0 $0x80, s4  }
0x175: {  	s0 =	sand.u32 @p0 $0x3FFFF8, s0  }
0x176: {  	s4 =	simm.s32 @p0 $0xC2C8;
	s0 =	sadd.s32 @p0 s1, s0  }
0x177: {  	[tilespmem:s4], [sflag:$0x6] =	stream.linear.gather @p0 [hbm4b:s0+s5], $0x40, $0x38;
	[tilespmem:$0x1DDB8] =	vst v63  }
0x178: {  	s0 =	simm.s32 @p0 $0x6  }
0x179: {  	_ =	swait.ge @p0 [sflag:s0], $0xC0  }
0x17a: {  	[sflag:s0] =	ssyncset.done @p0 $0x0  }
0x17b: {  	[sflag:s0] =	ssyncadd.s32 @p0 $0xFFFFFF40  }
0x17c: {  	v1 =	vld @p0 [tilespmem:$0xC248];
	_ =	sdelay $0x1  }
0x17d: {  	s0 =	smul.u32 @p0 $0x300, s3;
	_ =	sdelay $0x1  }
0x17e: {  	s4 =	sshra.s32 @p0 s0, $0x2  }
0x17f: {  	[tilespmem:s4+$0xC338] =	vst.add.f32.msk @p0 $0xffff, v1  }
0x180: {  	v1 =	vld @p0 [tilespmem:$0xC258];
	_ =	sdelay $0x4  }
0x181: {  	[tilespmem:s4+$0xC348] =	vst.add.f32.msk @p0 $0xffff, v1  }
0x182: {  	v1 =	vld @p0 [tilespmem:$0xC268];
	_ =	sdelay $0x4  }
0x183: {  	[tilespmem:s4+$0xC358] =	vst.add.f32.msk @p0 $0xffff, v1  }
0x184: {  	v1 =	vld @p0 [tilespmem:$0xC278];
	_ =	sdelay $0x4  }
0x185: {  	[tilespmem:s4+$0xC368] =	vst.add.f32.msk @p0 $0xffff, v1  }
0x186: {  	v1 =	vld @p0 [tilespmem:$0xC288];
	_ =	sdelay $0x4  }
0x187: {  	[tilespmem:s4+$0xC378] =	vst.add.f32.msk @p0 $0xffff, v1  }
0x188: {  	v1 =	vld @p0 [tilespmem:$0xC298];
	_ =	sdelay $0x4  }
0x189: {  	[tilespmem:s4+$0xC388] =	vst.add.f32.msk @p0 $0xffff, v1  }
0x18a: {  	v1 =	vld @p0 [tilespmem:$0xC2A8];
	_ =	sdelay $0x4  }
0x18b: {  	[tilespmem:s4+$0xC398] =	vst.add.f32.msk @p0 $0xffff, v1  }
0x18c: {  	v1 =	vld @p0 [tilespmem:$0xC2B8];
	_ =	sdelay $0x4  }
0x18d: {  	[tilespmem:s4+$0xC3A8] =	vst.add.f32.msk @p0 $0xffff, v1  }
0x18e: {  	v1 =	vld @p0 [tilespmem:$0xC2C8];
	_ =	sdelay $0x4  }
0x18f: {  	[tilespmem:s4+$0xC3B8] =	vst.add.f32.msk @p0 $0xffff, v1  }
0x190: {  	v1 =	vld @p0 [tilespmem:$0xC2D8];
	_ =	sdelay $0x4  }
0x191: {  	[tilespmem:s4+$0xC3C8] =	vst.add.f32.msk @p0 $0xffff, v1  }
0x192: {  	v1 =	vld @p0 [tilespmem:$0xC2E8];
	_ =	sdelay $0x4  }
0x193: {  	[tilespmem:s4+$0xC3D8] =	vst.add.f32.msk @p0 $0xffff, v1  }
0x194: {  	v1 =	vld @p0 [tilespmem:$0xC2F8];
	_ =	sdelay $0x2  }
0x195: {  	s5 =	smul.u32 @!p0 $0x300, s3;
	_ =	sdelay $0x1  }
0x196: {  	s5 =	smov.u32 @p0 s0;
	[tilespmem:s4+$0xC3E8] =	vst.add.f32.msk @p0 $0xffff, v1  }
0x197: {  	s0 =	sshra.s32 s5, $0x2;
	[tilespmem:s2+$0xC318] =	vst.msk $0x1, v0  }
0x198: {  	v0 =	vld [tilespmem:s0+$0xC338];
	_ =	sdelay $0x1  }
0x199: {  	s31 =	smul.u32 $0x300, s2;
	_ =	sdelay $0x1  }
0x19a: {  	s4 =	sshra.s32 s31, $0x2  }
0x19b: {  	[tilespmem:s4+$0xC338] =	vst v0  }
0x19c: {  	v0 =	vld [tilespmem:s0+$0xC348];
	_ =	sdelay $0x4  }
0x19d: {  	[tilespmem:s4+$0xC348] =	vst v0  }
0x19e: {  	v0 =	vld [tilespmem:s0+$0xC358];
	_ =	sdelay $0x4  }
0x19f: {  	[tilespmem:s4+$0xC358] =	vst v0  }
0x1a0: {  	v0 =	vld [tilespmem:s0+$0xC368];
	_ =	sdelay $0x4  }
0x1a1: {  	[tilespmem:s4+$0xC368] =	vst v0  }
0x1a2: {  	v0 =	vld [tilespmem:s0+$0xC378];
	_ =	sdelay $0x4  }
0x1a3: {  	[tilespmem:s4+$0xC378] =	vst v0  }
0x1a4: {  	v0 =	vld [tilespmem:s0+$0xC388];
	_ =	sdelay $0x4  }
0x1a5: {  	[tilespmem:s4+$0xC388] =	vst v0  }
0x1a6: {  	v0 =	vld [tilespmem:s0+$0xC398];
	_ =	sdelay $0x4  }
0x1a7: {  	[tilespmem:s4+$0xC398] =	vst v0  }
0x1a8: {  	v0 =	vld [tilespmem:s0+$0xC3A8];
	_ =	sdelay $0x4  }
0x1a9: {  	[tilespmem:s4+$0xC3A8] =	vst v0  }
0x1aa: {  	v0 =	vld [tilespmem:s0+$0xC3B8];
	_ =	sdelay $0x4  }
0x1ab: {  	[tilespmem:s4+$0xC3B8] =	vst v0  }
0x1ac: {  	v0 =	vld [tilespmem:s0+$0xC3C8];
	_ =	sdelay $0x4  }
0x1ad: {  	[tilespmem:s4+$0xC3C8] =	vst v0  }
0x1ae: {  	v0 =	vld [tilespmem:s0+$0xC3D8];
	_ =	sdelay $0x4  }
0x1af: {  	[tilespmem:s4+$0xC3D8] =	vst v0  }
0x1b0: {  	v0 =	vld [tilespmem:s0+$0xC3E8];
	_ =	sdelay $0x4  }
0x1b1: {  	s2 =	sadd.s32 $0x1, s2;
	[tilespmem:s4+$0xC3E8] =	vst v0  }
.LBB2_37:
0x1b2: {  	s3 =	sadd.s32 $0x1, s3  }
0x1b3: {  	p0 =	sne.s32 s3, $0x20  }
.Ltmp24:
0x1b4: {  	_ = 	snop;
	(pc) =	sbr.rel @!p0 .LBB2_38-.Ltmp24, $1  }
0x1b5: {  	_ =	sdelay $0x3  }
.LBB2_30:
0x1b6: {  	v0 =	vld.msk [tilespmem:s3+$0xC318], $0x1;
	_ =	sdelay $0x4  }
0x1b7: {  	(v2sf) =	vpush v0, $0x0;
	_ =	sdelay $0xe  }
0x1b8: {  	s4 =	spop (v2sf)  }
0x1b9: {  	p0 =	seq.s32 s4, $0xFFFFFFFF  }
.Ltmp25:
0x1ba: {  	_ = 	snop;
	(pc) =	sbr.rel @p0 .LBB2_37-.Ltmp25, $1  }
0x1bb: {  	_ =	sdelay $0x3  }
0x1bc: {  	p0 =	slt.s32 s2, $0x1  }
.Ltmp26:
0x1bd: {  	_ = 	snop;
	(pc) =	sbr.rel @p0 .LBB2_36-.Ltmp26, $1  }
0x1be: {  	_ =	sdelay $0x3  }
0x1bf: {  	s5 =	simm.s32 $0xC318;
	p0 =	por $0x0, $0x0  }
0x1c0: {  	v1 =	vld.msk @!p0 [tilespmem:s5+$0x0], $0x1;
	_ =	sdelay $0x4  }
0x1c1: {  	(v2sf) =	vpush @!p0 v1, $0x0;
	_ =	sdelay $0xd  }
0x1c2: {  	p2 =	sne.s32 s2, $0x1  }
.Ltmp27:
0x1c3: {  	s0 =	spop @!p0 (v2sf);
	(pc) =	sbr.rel @!p2 .LBB2_34-.Ltmp27, $4  }
0x1c4: {  	p1 =	seq.s32 @!p0 s4, s0  }
0x1c5: {  	s6 =	simm.s32 $0x0;
	p1 =	por !p1, p0  }
0x1c6: {  	s0 =	simm.s32 $0xFFFFFFFF;
	s6 =	simm.s32 @p1 $0xFFFFFFFF  }
0x1c7: {  	s7 =	simm.s32 $0x1;
	s6 =	smov.u32 @p0 s0  }
.LBB2_33:
0x1c8: {  	s0 =	smov.u32 s6;
	p0 =	sne.s32 s6, $0xFFFFFFFF  }
0x1c9: {  	s5 =	sadd.s32 $0x1, s5;
	s6 =	smov.u32 s7;
	s7 =	sadd.s32 $0x1, s7  }
0x1ca: {  	p1 =	sne.s32 s2, s7;
	v1 =	vld.msk @!p0 [tilespmem:s5+$0x0], $0x1;
	_ =	sdelay $0x4  }
0x1cb: {  	(v2sf) =	vpush @!p0 v1, $0x0;
	_ =	sdelay $0xe  }
.Ltmp28:
0x1cc: {  	s8 =	spop @!p0 (v2sf);
	(pc) =	sbr.rel @p1 .LBB2_33-.Ltmp28, $4  }
0x1cd: {  	p2 =	seq.s32 @!p0 s4, s8  }
0x1ce: {  	p2 =	por !p2, p0  }
0x1cf: {  	s6 =	simm.s32 @p2 $0xFFFFFFFF  }
0x1d0: {  	s6 =	smov.u32 @p0 s0  }
.LBB2_34:
0x1d1: {  	p0 =	seq.s32 s6, $0xFFFFFFFF  }
.Ltmp29:
0x1d2: {  	_ = 	snop;
	(pc) =	sbr.rel @p0 .LBB2_36-.Ltmp29, $1  }
0x1d3: {  	_ =	sdelay $0x3  }
0x1d4: {  	s0 =	smul.u32 $0x300, s3;
	_ =	sdelay $0x1  }
0x1d5: {  	s0 =	sshra.s32 s0, $0x2  }
0x1d6: {  	v0 =	vld [tilespmem:s0+$0xC338];
	_ =	sdelay $0x1  }
0x1d7: {  	s4 =	smul.u32 $0x300, s6;
	_ =	sdelay $0x1  }
0x1d8: {  	s4 =	sshra.s32 s4, $0x2  }
0x1d9: {  	[tilespmem:s4+$0xC338] =	vst.add.f32.msk $0xffff, v0  }
0x1da: {  	v0 =	vld [tilespmem:s0+$0xC348];
	_ =	sdelay $0x4  }
0x1db: {  	[tilespmem:s4+$0xC348] =	vst.add.f32.msk $0xffff, v0  }
0x1dc: {  	v0 =	vld [tilespmem:s0+$0xC358];
	_ =	sdelay $0x4  }
0x1dd: {  	[tilespmem:s4+$0xC358] =	vst.add.f32.msk $0xffff, v0  }
0x1de: {  	v0 =	vld [tilespmem:s0+$0xC368];
	_ =	sdelay $0x4  }
0x1df: {  	[tilespmem:s4+$0xC368] =	vst.add.f32.msk $0xffff, v0  }
0x1e0: {  	v0 =	vld [tilespmem:s0+$0xC378];
	_ =	sdelay $0x4  }
0x1e1: {  	[tilespmem:s4+$0xC378] =	vst.add.f32.msk $0xffff, v0  }
0x1e2: {  	v0 =	vld [tilespmem:s0+$0xC388];
	_ =	sdelay $0x4  }
0x1e3: {  	[tilespmem:s4+$0xC388] =	vst.add.f32.msk $0xffff, v0  }
0x1e4: {  	v0 =	vld [tilespmem:s0+$0xC398];
	_ =	sdelay $0x4  }
0x1e5: {  	[tilespmem:s4+$0xC398] =	vst.add.f32.msk $0xffff, v0  }
0x1e6: {  	v0 =	vld [tilespmem:s0+$0xC3A8];
	_ =	sdelay $0x4  }
0x1e7: {  	[tilespmem:s4+$0xC3A8] =	vst.add.f32.msk $0xffff, v0  }
0x1e8: {  	v0 =	vld [tilespmem:s0+$0xC3B8];
	_ =	sdelay $0x4  }
0x1e9: {  	[tilespmem:s4+$0xC3B8] =	vst.add.f32.msk $0xffff, v0  }
0x1ea: {  	v0 =	vld [tilespmem:s0+$0xC3C8];
	_ =	sdelay $0x4  }
0x1eb: {  	[tilespmem:s4+$0xC3C8] =	vst.add.f32.msk $0xffff, v0  }
0x1ec: {  	v0 =	vld [tilespmem:s0+$0xC3D8];
	_ =	sdelay $0x4  }
0x1ed: {  	[tilespmem:s4+$0xC3D8] =	vst.add.f32.msk $0xffff, v0  }
0x1ee: {  	v0 =	vld [tilespmem:s0+$0xC3E8]  }
.Ltmp30:
0x1ef: {  	_ = 	snop;
	(pc) =	sbr.rel .LBB2_37-.Ltmp30, $2  }
0x1f0: {  	_ =	sdelay $0x2  }
0x1f1: {  	[tilespmem:s4+$0xC3E8] =	vst.add.f32.msk $0xffff, v0  }
.LBB2_38:
0x1f2: {  	p0 =	slt.s32 s2, $0x1  }
.Ltmp31:
0x1f3: {  	_ = 	snop;
	(pc) =	sbr.rel @p0 .LBB2_42-.Ltmp31, $3  }
0x1f4: {  	_ =	sdelay $0x1  }
0x1f5: {  	s0 =	simm.s32 $0x6  }
0x1f6: {  	[sflag:s0] =	ssyncpa.u1 $0x1;
	s0 =	simm.s32 $0x0  }
0x1f7: {  	s3 =	simm.s32 $0xC318  }
0x1f8: {  	v0 =	vld.msk [tilespmem:s3+$0x0], $0x1;
	_ =	sdelay $0x4  }
0x1f9: {  	(v2sf) =	vpush v0, $0x0;
	_ =	sdelay $0xe  }
0x1fa: {  	s2 =	sadd.s32 $0xFFFFFFFF, s2;
	s4 =	spop (v2sf)  }
0x1fb: {  	s5 =	simm.s32 $0xC338;
	p0 =	sne.s32 s2, $0x0;
	p1 =	sgt.u32 s4, $0x186978  }
.Ltmp32:
0x1fc: {  	s3 =	simm.s32 $0xC3F8;
	s6 =	sand.u32 @!p1 $0x1FFFF8, s4;
	(pc) =	sbr.rel @!p0 .LBB2_41-.Ltmp32, $4  }
0x1fd: {  	s7 =	sadd.s32 @!p1 $0x80, s4;
	s8 =	sadd.s32 @!p1 s1, s6;
	s6 =	sand.u32 @!p1 $0x7, s4  }
0x1fe: {  	[hbm4b:s8+s6] =	stream.linear.scatter @!p1 [tilespmem:s5], [sflag:$0x5], $0x80, $0x38;
	[tilespmem:$0x1DDB8] =	vst v63  }
0x1ff: {  	s0 =	simm.s32 @!p1 $0x300;
	s4 =	simm.s32 $0xC319;
	s5 =	sand.u32 @!p1 $0x3FFFF8, s7  }
0x200: {  	s7 =	simm.s32 @!p1 $0xC3B8;
	s8 =	sadd.s32 @!p1 s1, s5;
	s5 =	sadd.s32 $0x0, s0  }
.LBB2_40:
0x201: {  	[hbm4b:s8+s6] =	stream.linear.scatter @!p1 [tilespmem:s7], [sflag:$0x5], $0x40, $0x38;
	[tilespmem:$0x1DDB8] =	vst v63  }
0x202: {  	s2 =	sadd.s32 $0xFFFFFFFF, s2;
	s0 =	smov.u32 s3;
	v0 =	vld.msk [tilespmem:s4+$0x0], $0x1  }
0x203: {  	p0 =	sne.s32 s2, $0x0;
	_ =	sdelay $0x3  }
0x204: {  	(v2sf) =	vpush v0, $0x0;
	_ =	sdelay $0xe  }
0x205: {  	s3 =	sadd.s32 $0xC0, s3;
	s9 =	simm.s32 $0x0;
	s6 =	spop (v2sf)  }
.Ltmp33:
0x206: {  	s4 =	sadd.s32 $0x1, s4;
	p1 =	sgt.u32 s6, $0x186978;
	(pc) =	sbr.rel @p0 .LBB2_40-.Ltmp33, $4  }
0x207: {  	s9 =	simm.s32 @!p1 $0x300;
	s7 =	sand.u32 @!p1 $0x1FFFF8, s6;
	s8 =	sadd.s32 @!p1 $0x80, s6  }
0x208: {  	s6 =	sand.u32 @!p1 $0x7, s6;
	s7 =	sadd.s32 @!p1 s1, s7;
	s8 =	sand.u32 @!p1 $0x3FFFF8, s8  }
0x209: {  	[hbm4b:s7+s6] =	stream.linear.scatter @!p1 [tilespmem:s0], [sflag:$0x5], $0x80, $0x38;
	[tilespmem:$0x1DDB8] =	vst v63  }
0x20a: {  	s5 =	sadd.s32 s5, s9;
	s7 =	sadd.s32 @!p1 $0x80, s0;
	s8 =	sadd.s32 @!p1 s1, s8  }
.LBB2_41:
0x20b: {  	[hbm4b:s8+s6] =	stream.linear.scatter @!p1 [tilespmem:s7], [sflag:$0x5], $0x40, $0x38;
	[tilespmem:$0x1DDB8] =	vst v63  }
0x20c: {  	s0 =	sshrl.u32 s5, $0x2  }
.LBB2_42:
0x20d: {  	s1 =	simm.s32 $0x5  }
0x20e: {  	_ =	swait.ge [sflag:s1], s0  }
0x20f: {  	s29 =	ssub.s32 $0x0, s0;
	[sflag:s1] =	ssyncset.done $0x0  }
0x210: {  	[sflag:s1] =	ssyncadd.s32 s29  }
0x211: {  	[sflag:s1] =	ssyncpa.u1 $0x1  }
0x212: {  	s30 =	simm.s32 $0x1;
	_ =	sfence  }
0x213: {  	[sflag:s30] =	ssyncpa.u1 $0x1  }
0x214: {  	_ =	strace $0x90000050  }
0x215: {  	[bflag:$0x2] =	sbarrier.arrive $0xFFFF  }
0x216: {  	s31 =	rddreg [dreg:$0x1]  }
0x217: {  	s0 =	sadd.s32 $0x100000, s31  }
0x218: {  	[sflag:s0] =	ssyncadd.tile.s32 $0x1;
	_ =	shalt  }
.Lfunc_end2:
_tile_overlayer_lowered:
.L_overlay_start_2:
0x219: {  	(tag) =	ssettag $0x2  }
0x21a: {  	s0 =	rddreg [dreg:$0x0];
	s2 =	stileid.u32  }
0x21b: {  	s1 =	rddreg [dreg:$0x1];
	p0 =	sne.s32 s2, $0x0  }
0x21c: {  	s3 =	rddreg [dreg:$0x2];
	[bflag:$0x3] =	sbarrier.arrive $0xFFFF;
	s2 =	simm.s32 @!p0 $0x1C01  }
0x21d: {  	[timem:s3], [sflag:s2] =	dma.local @!p0 [hbm:s0], s1  }
0x21e: {  	s0 =	simm.s32 @!p0 $0x1  }
0x21f: {  	_ =	swait.ge @!p0 [sflag:s0], s1  }
0x220: {  	s1 =	ssub.s32 @!p0 $0x0, s1;
	[sflag:s0] =	ssyncset.done @!p0 $0x0  }
0x221: {  	[sflag:s0] =	ssyncadd.s32 @!p0 s1  }
0x222: {  	[bflag:$0x3] =	sbarrier.arrive $0xFFFF  }
0x223: {  	_ =	shalt  }

// kernel: scatter_offload_async_start.2
scs
__scs_entry_jumppad:
0x0: {  	(pc) =	sbr.rel $0x88, $3  }
0x1: {  	(tag) =	ssettag $0x0;
	lr =	simm.s32 $0x1  }
0x2: {  	[smem:$0x3F88] =	sst lr;
	_ =	strace $0xD0000000  }
0x3: {  	_ = 	snop  }
0x4: {  	_ = 	snop  }
0x5: {  	_ = 	snop  }
0x6: {  	_ = 	snop  }
0x7: {  	_ = 	snop  }
__scs_overlays_trampoline_lowered:
0x8: {  	[smem:$0x3F97] =	sst s0  }
0x9: {  	[smem:$0x3F98] =	sst s1  }
0xa: {  	[smem:$0x3F99] =	sst s2  }
0xb: {  	[smem:$0x3F9A] =	sst s3  }
0xc: {  	[smem:$0x3F9B] =	sst s4  }
0xd: {  	[smem:$0x3F9C] =	sst s5  }
0xe: {  	[smem:$0x3F9D] =	sst s6  }
0xf: {  	[smem:$0x3F9E] =	sst s7  }
0x10: {  	[smem:$0x3F9F] =	sst s8  }
0x11: {  	[smem:$0x3FA0] =	sst s9;
	s0 =	simm.s32 @!p0 $0x0  }
0x12: {  	s1 =	sld [smem:$0x3F86];
	s0 =	simm.s32 @p0 $0x1  }
0x13: {  	[smem:$0x3FA1] =	sst s0;
	s0 =	simm.s32 @!p1 $0x0  }
0x14: {  	s2 =	sld [smem:$0x3F85];
	s0 =	simm.s32 @p1 $0x1  }
0x15: {  	[smem:$0x3FA2] =	sst s0;
	s0 =	simm.s32 @!p2 $0x0  }
0x16: {  	s3 =	sld [smem:$0x3FDB];
	s0 =	simm.s32 @p2 $0x1  }
0x17: {  	s4 =	simm.s32 $0x1BF5;
	[smem:$0x3FA4] =	sst s0  }
0x18: {  	s0 =	sld [smem:$0x3F87];
	_ =	swait.ge [sflag:s4], $0x0  }
0x19: {  	s7 =	sld [smem:$0x3F88]  }
0x1a: {  	s8 =	sadd.s32 $0xFFFFE003, lr  }
0x1b: {  	s9 =	sadd.s32 $0xFFFFFEF7, lr;
	s5 =	simm.s32 $0xFFFFFFFF;
	p2 =	slt.u32 s8, $0xFFFFF086  }
0x1c: {  	p1 =	slt.u32 s9, $0xF7A;
	s5 =	simm.s32 @!p2 $0x0  }
0x1d: {  	s5 =	simm.s32 @p1 $0x1;
	p0 =	seq.s32 s7, s2  }
0x1e: {  	s7 =	smul.u32 @!p0 $0xF7A, s2;
	p2 =	seq.s32 @!p0 s5, $0x0  }
0x1f: {  	s9 =	smul.u32 $0xF7A, s1;
	s8 =	simm.s32 @!p0 $0x1BF5;
	p2 =	por !p2, p0  }
0x20: {  	[sflag:s8] =	ssyncset.s32 @!p0 $0xFFFFF086;
	s6 =	sadd.s32 @!p0 s3, s7;
	s7 =	simm.s32 @!p0 $0x108  }
0x21: {  	s3 =	sadd.s32 s3, s9;
	s6 =	sadd.s32 @!p0 $0x88, s6;
	s7 =	simm.s32 @p2 $0x1082  }
0x22: {  	[simem:s7], [sflag:s8] =	dma.local @!p0 [hbm:s6], $0xF7A  }
0x23: {  	s9 =	sor.u32 $0xD0000000, s2;
	s6 =	simm.s32 $0x108;
	_ =	swait.ge @!p0 [sflag:s8], $0x0  }
0x24: {  	s3 =	sadd.s32 $0x88, s3;
	s6 =	simm.s32 @!p1 $0x1082;
	[sflag:s4] =	ssyncset.s32 $0xFFFFF086  }
0x25: {  	[simem:s6], [sflag:s4] =	dma.local [hbm:s3], $0xF7A  }
0x26: {  	[smem:$0x3F88] =	sst s1;
	(tag) =	ssettag s2;
	_ =	strace s9  }
0x27: {  	s1 =	sld [smem:$0x3F98]  }
0x28: {  	s2 =	sld [smem:$0x3F99]  }
0x29: {  	s4 =	sld [smem:$0x3F9B]  }
0x2a: {  	p0 =	seq.s32 s5, $0x0;
	s5 =	sld [smem:$0x3F9C]  }
0x2b: {  	s6 =	sld [smem:$0x3F9D]  }
0x2c: {  	s7 =	sld [smem:$0x3F9E]  }
0x2d: {  	s3 =	simm.s32 $0x108;
	s8 =	sld [smem:$0x3F9F]  }
0x2e: {  	s3 =	simm.s32 @!p0 $0x1082;
	s9 =	sld [smem:$0x3FA0]  }
0x2f: {  	lr =	sadd.s32 s0, s3;
	s0 =	sld [smem:$0x3F97]  }
0x30: {  	s3 =	sld [smem:$0x3F9A]  }
0x31: {  	[smem:$0x3FA3] =	sst s10  }
0x32: {  	s10 =	sld [smem:$0x3FA1];
	_ =	sdelay $0x3  }
0x33: {  	p0 =	seq.s32 s10, $0x1;
	s10 =	sld [smem:$0x3FA3];
	_ =	sdelay $0x3  }
0x34: {  	[smem:$0x3FA3] =	sst s10  }
0x35: {  	s10 =	sld [smem:$0x3FA2];
	_ =	sdelay $0x3  }
0x36: {  	p1 =	seq.s32 s10, $0x1;
	s10 =	sld [smem:$0x3FA3];
	_ =	sdelay $0x3  }
0x37: {  	[smem:$0x3FA3] =	sst s10  }
0x38: {  	s10 =	sld [smem:$0x3FA4]  }
0x39: {  	_ = 	snop;
	(pc) =	sbr.ind lr, $3  }
0x3a: {  	_ = 	snop  }
0x3b: {  	_ = 	snop  }
0x3c: {  	p2 =	seq.s32 s10, $0x1;
	s10 =	sld [smem:$0x3FA3]  }
0x3d: {  	_ =	shalt  }
0x3e: {  	_ =	shalt  }
0x3f: {  	_ =	shalt  }
0x40: {  	_ =	shalt  }
0x41: {  	_ =	shalt  }
0x42: {  	_ =	shalt  }
0x43: {  	_ =	shalt  }
0x44: {  	_ =	shalt  }
0x45: {  	_ =	shalt  }
0x46: {  	_ =	shalt  }
0x47: {  	_ =	shalt  }
0x48: {  	_ =	shalt  }
0x49: {  	_ =	shalt  }
0x4a: {  	_ =	shalt  }
0x4b: {  	_ =	shalt  }
0x4c: {  	_ =	shalt  }
0x4d: {  	_ =	shalt  }
0x4e: {  	_ =	shalt  }
0x4f: {  	_ =	shalt  }
0x50: {  	_ =	shalt  }
0x51: {  	_ =	shalt  }
0x52: {  	_ =	shalt  }
0x53: {  	_ =	shalt  }
0x54: {  	_ =	shalt  }
0x55: {  	_ =	shalt  }
0x56: {  	_ =	shalt  }
0x57: {  	_ =	shalt  }
0x58: {  	_ =	shalt  }
0x59: {  	_ =	shalt  }
0x5a: {  	_ =	shalt  }
0x5b: {  	_ =	shalt  }
0x5c: {  	_ =	shalt  }
0x5d: {  	_ =	shalt  }
0x5e: {  	_ =	shalt  }
0x5f: {  	_ =	shalt  }
0x60: {  	_ =	shalt  }
0x61: {  	_ =	shalt  }
0x62: {  	_ =	shalt  }
0x63: {  	_ =	shalt  }
0x64: {  	_ =	shalt  }
0x65: {  	_ =	shalt  }
0x66: {  	_ =	shalt  }
0x67: {  	_ =	shalt  }
0x68: {  	_ =	shalt  }
0x69: {  	_ =	shalt  }
0x6a: {  	_ =	shalt  }
0x6b: {  	_ =	shalt  }
0x6c: {  	_ =	shalt  }
0x6d: {  	_ =	shalt  }
0x6e: {  	_ =	shalt  }
0x6f: {  	_ =	shalt  }
0x70: {  	_ =	shalt  }
0x71: {  	_ =	shalt  }
0x72: {  	_ =	shalt  }
0x73: {  	_ =	shalt  }
0x74: {  	_ =	shalt  }
0x75: {  	_ =	shalt  }
0x76: {  	_ =	shalt  }
0x77: {  	_ =	shalt  }
0x78: {  	_ =	shalt  }
0x79: {  	_ =	shalt  }
0x7a: {  	_ =	shalt  }
0x7b: {  	_ =	shalt  }
0x7c: {  	_ =	shalt  }
0x7d: {  	_ =	shalt  }
0x7e: {  	_ =	shalt  }
0x7f: {  	_ =	shalt  }
0x80: {  	_ =	shalt  }
0x81: {  	_ =	shalt  }
0x82: {  	_ =	shalt  }
0x83: {  	_ =	shalt  }
0x84: {  	_ =	shalt  }
0x85: {  	_ =	shalt  }
0x86: {  	_ =	shalt  }
0x87: {  	_ =	shalt  }
.Lfunc_end0:
.L_simem_size_0:
called_computation.2_lowered:
.L_overlay_start_0:
0x88: {  	s0 =	sld [smem:$0x3FD9]  }
0x89: {  	s1 =	sld [smem:$0x3FFE];
	_ =	sdelay $0x3  }
0x8a: {  	s0 =	sadd.s32 s1, s0  }
0x8b: {  	[smem:$0x3FAF] =	sst s0  }
0x8c: {  	_ = 	snop  }
0x8d: {  	(tm) =	ssettm $0x1  }
0x8e: {  	s15 =	sld [smem:$0x3FFB];
	_ =	sdelay $0x3  }
0x8f: {  	_ =	strace s15  }
0x90: {  	s0 =	sld [smem:$0x3FFC];
	_ =	sdelay $0x3  }
0x91: {  	_ =	strace s0  }
0x92: {  	s0 =	sld [smem:$0x3FFD];
	_ =	sdelay $0x3  }
0x93: {  	_ =	strace s0  }
0x94: {  	_ =	strace $0x8FFFFFFF  }
0x95: {  	s16 =	sld [smem:$0x3FDB];
	_ =	sdelay $0x1  }
0x96: {  	s17 =	simm.s32 $_scs_section_size  }
0x97: {  	s2 =	simm.s32 $_size__tile_overlayer_lowered;
	s3 =	simm.s32 $_tile_overlayer_lowered  }
0x98: {  	s20 =	simm.s32 $0x1BFF;
	s19 =	sshll.u32 s3, $0x1;
	s0 =	sadd.s32 s17, s16  }
0x99: {  	s4 =	simm.s32 $0x0;
	s18 =	sshll.u32 s2, $0x1;
	s2 =	sadd.s32 s19, s0  }
0x9a: {  	[timem:s4], [sflag:s20] =	dma.local [hbm:s2], s18  }
0x9b: {  	_ =	swait.ge [sflag:s20], s18  }
0x9c: {  	s1 =	ssub.s32 $0x0, s18;
	[sflag:s20] =	ssyncset.done $0x0  }
0x9d: {  	[sflag:s20] =	ssyncadd.s32 s1;
	_ =	sdelay $0x1  }
0x9e: {  	s21 =	simm.s32 $0x1B8B  }
0x9f: {  	_ =	swait.ge [sflag:s21], $0x1  }
0xa0: {  	[sflag:s21] =	ssyncset.done $0x0  }
0xa1: {  	s23 =	simm.s32 $0x1B8E;
	s22 =	sld [smem:$0x3FFE];
	[sflag:s21] =	ssyncadd.s32 $0xFFFFFFFF  }
0xa2: {  	s24 =	simm.s32 $execute0_lowered;
	[smem:$0x3FD2] =	sst s23  }
0xa3: {  	s2 =	sshll.u32 s24, $0x1;
	_ =	strace $0x80000055;
	[dreg:$0x1] =	wrdreg $0xFFFFFFFF  }
0xa4: {  	s25 =	simm.s32 $_size_execute0_lowered;
	s0 =	sadd.s32 s0, s2;
	[dreg:$0x0] =	wrdreg $0x0  }
0xa5: {  	s2 =	sshll.u32 s25, $0x1;
	[dreg:$0x2] =	wrdreg s0  }
0xa6: {  	[dreg:$0x3] =	wrdreg s2  }
0xa7: {  	[dreg:$0x4] =	wrdreg $0xC0  }
0xa8: {  	_ =	task [dreg:s4], $0x5FFFF  }
0xa9: {  	[dreg:$0x1] =	wrdreg $0xFFFFFFFF  }
0xaa: {  	[dreg:$0x0] =	wrdreg $0x60  }
0xab: {  	[dreg:$0x2] =	wrdreg s22  }
0xac: {  	[dreg:$0x3] =	wrdreg $0x9  }
0xad: {  	_ =	task.clear_ibuf [dreg:s4], $0x4FFFF;
	_ =	strace $0x90000055  }
0xae: {  	s26 =	simm.s32 $0x9;
	_ =	strace $0x80000057  }
0xaf: {  	_ =	swait.ge [sflag:s26], $0x1  }
0xb0: {  	[sflag:s26] =	ssyncadd.s32 $0xFFFFFFFF  }
0xb1: {  	_ =	strace $0x90000057  }
0xb2: {  	_ =	sfence  }
0xb3: {  	s28 =	sld [smem:$0x0];
	_ =	sdelay $0x1  }
0xb4: {  	s29 =	srdreg.scid  }
0xb5: {  	s30 =	sshll.u32 s29, $0xD;
	s31 =	sshrl.u32 s29, $0x2  }
0xb6: {  	s1 =	sand.u32 $0x1, s29;
	s2 =	sand.u32 $0x4000, s30;
	s0 =	sadd.s32 s31, s28  }
0xb7: {  	s1 =	sor.u32 s2, s1;
	s0 =	sshll.u32 s0, $0x11  }
0xb8: {  	s0 =	sor.u32 s0, s1  }
0xb9: {  	s0 =	sadd.s32 $0x8F2B, s0  }
0xba: {  	[sflag:s0] =	ssyncadd.remote.s32 $0x1  }
0xbb: {  	_ =	sfence.sel $0xFFFF  }
0xbc: {  	[dreg:$0x0] =	wrdreg $0xFFFFFFFF;
	(pc) =	sbr.abs _section_cstart, $3  }
0xbd: {  	[dreg:$0x1] =	wrdreg $0xFFFFFFFF  }
0xbe: {  	_ =	task.clear_ibuf [dreg:s4], $0x2FFFF;
	_ =	strace $0x9FFFFFFF  }
0xbf: {  	(tm) =	ssettm $0x7FFFFFFF  }
tec
execute0_lowered:
.L_overlay_start_1:
0x0: {  	(tag) =	ssettag $0x1  }
0x1: {  	s3 =	rddreg [dreg:$0x0];
	_ =	strace $0x80000056;
	s11 =	simm.s32 $0x1  }
0x2: {  	v0 =	vimm.s32 $0x0;
	[sflag:s11] =	ssyncpa.u1 $0x0  }
0x3: {  	[tilespmem:$0x28] =	vst v0  }
0x4: {  	[tilespmem:$0x38] =	vst v0  }
0x5: {  	[tilespmem:$0x48] =	vst v0  }
0x6: {  	[tilespmem:$0x58] =	vst v0  }
0x7: {  	[tilespmem:$0x68] =	vst v0  }
0x8: {  	[tilespmem:$0x78] =	vst v0  }
0x9: {  	[tilespmem:$0x88] =	vst v0  }
0xa: {  	[tilespmem:$0x98] =	vst v0  }
0xb: {  	[tilespmem:$0xA8] =	vst v0  }
0xc: {  	[tilespmem:$0xB8] =	vst v0  }
0xd: {  	[tilespmem:$0xC8] =	vst v0  }
0xe: {  	[tilespmem:$0xD8] =	vst v0  }
0xf: {  	[tilespmem:$0xE8] =	vst v0  }
0x10: {  	[tilespmem:$0xF8] =	vst v0  }
0x11: {  	[tilespmem:$0x108] =	vst v0  }
0x12: {  	[tilespmem:$0x118] =	vst v0  }
0x13: {  	[tilespmem:$0x128] =	vst v0  }
0x14: {  	[tilespmem:$0x138] =	vst v0  }
0x15: {  	[tilespmem:$0x148] =	vst v0  }
0x16: {  	[tilespmem:$0x158] =	vst v0  }
0x17: {  	[tilespmem:$0x168] =	vst v0  }
0x18: {  	[tilespmem:$0x178] =	vst v0  }
0x19: {  	[tilespmem:$0x188] =	vst v0  }
0x1a: {  	[tilespmem:$0x198] =	vst v0  }
0x1b: {  	[tilespmem:$0x1A8] =	vst v0  }
0x1c: {  	[tilespmem:$0x1B8] =	vst v0  }
0x1d: {  	[tilespmem:$0x1C8] =	vst v0  }
0x1e: {  	[tilespmem:$0x1D8] =	vst v0  }
0x1f: {  	[tilespmem:$0x1E8] =	vst v0  }
0x20: {  	[tilespmem:$0x1F8] =	vst v0  }
0x21: {  	[tilespmem:$0x208] =	vst v0  }
0x22: {  	[tilespmem:$0x218] =	vst v0  }
0x23: {  	[tilespmem:$0x228] =	vst v0  }
0x24: {  	[tilespmem:$0x238] =	vst v0  }
0x25: {  	[tilespmem:$0x248] =	vst v0  }
0x26: {  	[tilespmem:$0x258] =	vst v0  }
0x27: {  	[tilespmem:$0x268] =	vst v0  }
0x28: {  	[tilespmem:$0x278] =	vst v0  }
0x29: {  	[tilespmem:$0x288] =	vst v0  }
0x2a: {  	[tilespmem:$0x298] =	vst v0  }
0x2b: {  	[tilespmem:$0x2A8] =	vst v0  }
0x2c: {  	[tilespmem:$0x2B8] =	vst v0  }
0x2d: {  	[tilespmem:$0x2C8] =	vst v0  }
0x2e: {  	[tilespmem:$0x2D8] =	vst v0  }
0x2f: {  	[tilespmem:$0x2E8] =	vst v0  }
0x30: {  	[tilespmem:$0x2F8] =	vst v0  }
0x31: {  	[tilespmem:$0x308] =	vst v0  }
0x32: {  	[tilespmem:$0x318] =	vst v0  }
0x33: {  	[tilespmem:$0x328] =	vst v0  }
0x34: {  	[tilespmem:$0x338] =	vst v0  }
0x35: {  	[tilespmem:$0x348] =	vst v0  }
0x36: {  	[tilespmem:$0x358] =	vst v0  }
0x37: {  	[tilespmem:$0x368] =	vst v0  }
0x38: {  	[tilespmem:$0x378] =	vst v0  }
0x39: {  	[tilespmem:$0x388] =	vst v0  }
0x3a: {  	[tilespmem:$0x398] =	vst v0  }
0x3b: {  	[tilespmem:$0x3A8] =	vst v0  }
0x3c: {  	[tilespmem:$0x3B8] =	vst v0  }
0x3d: {  	[tilespmem:$0x3C8] =	vst v0  }
0x3e: {  	[tilespmem:$0x3D8] =	vst v0  }
0x3f: {  	[tilespmem:$0x3E8] =	vst v0  }
0x40: {  	[tilespmem:$0x3F8] =	vst v0  }
0x41: {  	[tilespmem:$0x408] =	vst v0  }
0x42: {  	[tilespmem:$0x418] =	vst v0  }
0x43: {  	[tilespmem:$0x428] =	vst v0  }
0x44: {  	[tilespmem:$0x438] =	vst v0  }
0x45: {  	[tilespmem:$0x448] =	vst v0  }
0x46: {  	[tilespmem:$0x458] =	vst v0  }
0x47: {  	[tilespmem:$0x468] =	vst v0  }
0x48: {  	[tilespmem:$0x478] =	vst v0  }
0x49: {  	[tilespmem:$0x488] =	vst v0  }
0x4a: {  	[tilespmem:$0x498] =	vst v0  }
0x4b: {  	[tilespmem:$0x4A8] =	vst v0  }
0x4c: {  	[tilespmem:$0x4B8] =	vst v0  }
0x4d: {  	[tilespmem:$0x4C8] =	vst v0  }
0x4e: {  	[tilespmem:$0x4D8] =	vst v0  }
0x4f: {  	[tilespmem:$0x4E8] =	vst v0  }
0x50: {  	[tilespmem:$0x4F8] =	vst v0  }
0x51: {  	[tilespmem:$0x508] =	vst v0  }
0x52: {  	[tilespmem:$0x518] =	vst v0  }
0x53: {  	[tilespmem:$0x528] =	vst v0  }
0x54: {  	[tilespmem:$0x538] =	vst v0  }
0x55: {  	[tilespmem:$0x548] =	vst v0  }
0x56: {  	[tilespmem:$0x558] =	vst v0  }
0x57: {  	[tilespmem:$0x568] =	vst v0  }
0x58: {  	[tilespmem:$0x578] =	vst v0  }
0x59: {  	[tilespmem:$0x588] =	vst v0  }
0x5a: {  	[tilespmem:$0x598] =	vst v0  }
0x5b: {  	[tilespmem:$0x5A8] =	vst v0  }
0x5c: {  	[tilespmem:$0x5B8] =	vst v0  }
0x5d: {  	[tilespmem:$0x5C8] =	vst v0  }
0x5e: {  	[tilespmem:$0x5D8] =	vst v0  }
0x5f: {  	[tilespmem:$0x5E8] =	vst v0  }
0x60: {  	[tilespmem:$0x5F8] =	vst v0  }
0x61: {  	[tilespmem:$0x608] =	vst v0  }
0x62: {  	[tilespmem:$0x618] =	vst v0  }
0x63: {  	[tilespmem:$0x628] =	vst v0  }
0x64: {  	[tilespmem:$0x638] =	vst v0  }
0x65: {  	[tilespmem:$0x648] =	vst v0  }
0x66: {  	[tilespmem:$0x658] =	vst v0  }
0x67: {  	[tilespmem:$0x668] =	vst v0  }
0x68: {  	[tilespmem:$0x678] =	vst v0  }
0x69: {  	[tilespmem:$0x688] =	vst v0  }
0x6a: {  	[tilespmem:$0x698] =	vst v0  }
0x6b: {  	[tilespmem:$0x6A8] =	vst v0  }
0x6c: {  	[tilespmem:$0x6B8] =	vst v0  }
0x6d: {  	[tilespmem:$0x6C8] =	vst v0  }
0x6e: {  	[tilespmem:$0x6D8] =	vst v0  }
0x6f: {  	[tilespmem:$0x6E8] =	vst v0  }
0x70: {  	[tilespmem:$0x6F8] =	vst v0  }
0x71: {  	[tilespmem:$0x708] =	vst v0  }
0x72: {  	[tilespmem:$0x718] =	vst v0  }
0x73: {  	[tilespmem:$0x728] =	vst v0  }
0x74: {  	[tilespmem:$0x738] =	vst v0  }
0x75: {  	[tilespmem:$0x748] =	vst v0  }
0x76: {  	[tilespmem:$0x758] =	vst v0  }
0x77: {  	[tilespmem:$0x768] =	vst v0  }
0x78: {  	[tilespmem:$0x778] =	vst v0  }
0x79: {  	[tilespmem:$0x788] =	vst v0  }
0x7a: {  	[tilespmem:$0x798] =	vst v0  }
0x7b: {  	[tilespmem:$0x7A8] =	vst v0  }
0x7c: {  	[tilespmem:$0x7B8] =	vst v0  }
0x7d: {  	[tilespmem:$0x7C8] =	vst v0  }
0x7e: {  	[tilespmem:$0x7D8] =	vst v0  }
0x7f: {  	[tilespmem:$0x7E8] =	vst v0  }
0x80: {  	[tilespmem:$0x7F8] =	vst v0  }
0x81: {  	[tilespmem:$0x808] =	vst v0  }
0x82: {  	[tilespmem:$0x818] =	vst v0  }
0x83: {  	[tilespmem:$0x828] =	vst v0  }
0x84: {  	[tilespmem:$0x838] =	vst v0  }
0x85: {  	[tilespmem:$0x848] =	vst v0  }
0x86: {  	[tilespmem:$0x858] =	vst v0  }
0x87: {  	[tilespmem:$0x868] =	vst v0  }
0x88: {  	[tilespmem:$0x878] =	vst v0  }
0x89: {  	[tilespmem:$0x888] =	vst v0  }
0x8a: {  	[tilespmem:$0x898] =	vst v0  }
0x8b: {  	[tilespmem:$0x8A8] =	vst v0  }
0x8c: {  	[tilespmem:$0x8B8] =	vst v0  }
0x8d: {  	[tilespmem:$0x8C8] =	vst v0  }
0x8e: {  	[tilespmem:$0x8D8] =	vst v0  }
0x8f: {  	[tilespmem:$0x8E8] =	vst v0  }
0x90: {  	[tilespmem:$0x8F8] =	vst v0  }
0x91: {  	[tilespmem:$0x908] =	vst v0  }
0x92: {  	[tilespmem:$0x918] =	vst v0  }
0x93: {  	[tilespmem:$0x928] =	vst v0  }
0x94: {  	[tilespmem:$0x938] =	vst v0  }
0x95: {  	[tilespmem:$0x948] =	vst v0  }
0x96: {  	[tilespmem:$0x958] =	vst v0  }
0x97: {  	[tilespmem:$0x968] =	vst v0  }
0x98: {  	[tilespmem:$0x978] =	vst v0  }
0x99: {  	[tilespmem:$0x988] =	vst v0  }
0x9a: {  	[tilespmem:$0x998] =	vst v0  }
0x9b: {  	[tilespmem:$0x9A8] =	vst v0  }
0x9c: {  	[tilespmem:$0x9B8] =	vst v0  }
0x9d: {  	[tilespmem:$0x9C8] =	vst v0  }
0x9e: {  	[tilespmem:$0x9D8] =	vst v0  }
0x9f: {  	[tilespmem:$0x9E8] =	vst v0  }
0xa0: {  	[tilespmem:$0x9F8] =	vst v0  }
0xa1: {  	[tilespmem:$0xA08] =	vst v0  }
0xa2: {  	[tilespmem:$0xA18] =	vst v0  }
0xa3: {  	[tilespmem:$0xA28] =	vst v0  }
0xa4: {  	[tilespmem:$0xA38] =	vst v0  }
0xa5: {  	[tilespmem:$0xA48] =	vst v0  }
0xa6: {  	[tilespmem:$0xA58] =	vst v0  }
0xa7: {  	[tilespmem:$0xA68] =	vst v0  }
0xa8: {  	[tilespmem:$0xA78] =	vst v0  }
0xa9: {  	[tilespmem:$0xA88] =	vst v0  }
0xaa: {  	[tilespmem:$0xA98] =	vst v0  }
0xab: {  	[tilespmem:$0xAA8] =	vst v0  }
0xac: {  	[tilespmem:$0xAB8] =	vst v0  }
0xad: {  	[tilespmem:$0xAC8] =	vst v0  }
0xae: {  	[tilespmem:$0xAD8] =	vst v0  }
0xaf: {  	[tilespmem:$0xAE8] =	vst v0  }
0xb0: {  	[tilespmem:$0xAF8] =	vst v0  }
0xb1: {  	[tilespmem:$0xB08] =	vst v0  }
0xb2: {  	[tilespmem:$0xB18] =	vst v0  }
0xb3: {  	[tilespmem:$0xB28] =	vst v0  }
0xb4: {  	[tilespmem:$0xB38] =	vst v0  }
0xb5: {  	[tilespmem:$0xB48] =	vst v0  }
0xb6: {  	[tilespmem:$0xB58] =	vst v0  }
0xb7: {  	[tilespmem:$0xB68] =	vst v0  }
0xb8: {  	[tilespmem:$0xB78] =	vst v0  }
0xb9: {  	[tilespmem:$0xB88] =	vst v0  }
0xba: {  	[tilespmem:$0xB98] =	vst v0  }
0xbb: {  	[tilespmem:$0xBA8] =	vst v0  }
0xbc: {  	[tilespmem:$0xBB8] =	vst v0  }
0xbd: {  	[tilespmem:$0xBC8] =	vst v0  }
0xbe: {  	[tilespmem:$0xBD8] =	vst v0  }
0xbf: {  	[tilespmem:$0xBE8] =	vst v0  }
0xc0: {  	[tilespmem:$0xBF8] =	vst v0  }
0xc1: {  	[tilespmem:$0xC08] =	vst v0  }
0xc2: {  	[tilespmem:$0xC18] =	vst v0  }
0xc3: {  	[tilespmem:$0xC28] =	vst v0  }
0xc4: {  	[tilespmem:$0xC38] =	vst v0  }
0xc5: {  	[tilespmem:$0xC48] =	vst v0  }
0xc6: {  	[tilespmem:$0xC58] =	vst v0  }
0xc7: {  	[tilespmem:$0xC68] =	vst v0  }
0xc8: {  	[tilespmem:$0xC78] =	vst v0  }
0xc9: {  	[tilespmem:$0xC88] =	vst v0  }
0xca: {  	[tilespmem:$0xC98] =	vst v0  }
0xcb: {  	[tilespmem:$0xCA8] =	vst v0  }
0xcc: {  	[tilespmem:$0xCB8] =	vst v0  }
0xcd: {  	[tilespmem:$0xCC8] =	vst v0  }
0xce: {  	[tilespmem:$0xCD8] =	vst v0  }
0xcf: {  	[tilespmem:$0xCE8] =	vst v0  }
0xd0: {  	[tilespmem:$0xCF8] =	vst v0  }
0xd1: {  	[tilespmem:$0xD08] =	vst v0  }
0xd2: {  	[tilespmem:$0xD18] =	vst v0  }
0xd3: {  	[tilespmem:$0xD28] =	vst v0  }
0xd4: {  	[tilespmem:$0xD38] =	vst v0  }
0xd5: {  	[tilespmem:$0xD48] =	vst v0  }
0xd6: {  	[tilespmem:$0xD58] =	vst v0  }
0xd7: {  	[tilespmem:$0xD68] =	vst v0  }
0xd8: {  	[tilespmem:$0xD78] =	vst v0  }
0xd9: {  	[tilespmem:$0xD88] =	vst v0  }
0xda: {  	[tilespmem:$0xD98] =	vst v0  }
0xdb: {  	[tilespmem:$0xDA8] =	vst v0  }
0xdc: {  	[tilespmem:$0xDB8] =	vst v0  }
0xdd: {  	[tilespmem:$0xDC8] =	vst v0  }
0xde: {  	[tilespmem:$0xDD8] =	vst v0  }
0xdf: {  	[tilespmem:$0xDE8] =	vst v0  }
0xe0: {  	[tilespmem:$0xDF8] =	vst v0  }
0xe1: {  	[tilespmem:$0xE08] =	vst v0  }
0xe2: {  	[tilespmem:$0xE18] =	vst v0  }
0xe3: {  	[tilespmem:$0xE28] =	vst v0  }
0xe4: {  	[tilespmem:$0xE38] =	vst v0  }
0xe5: {  	[tilespmem:$0xE48] =	vst v0  }
0xe6: {  	[tilespmem:$0xE58] =	vst v0  }
0xe7: {  	[tilespmem:$0xE68] =	vst v0  }
0xe8: {  	[tilespmem:$0xE78] =	vst v0  }
0xe9: {  	[tilespmem:$0xE88] =	vst v0  }
0xea: {  	[tilespmem:$0xE98] =	vst v0  }
0xeb: {  	[tilespmem:$0xEA8] =	vst v0  }
0xec: {  	[tilespmem:$0xEB8] =	vst v0  }
0xed: {  	[tilespmem:$0xEC8] =	vst v0  }
0xee: {  	[tilespmem:$0xED8] =	vst v0  }
0xef: {  	[tilespmem:$0xEE8] =	vst v0  }
0xf0: {  	[tilespmem:$0xEF8] =	vst v0  }
0xf1: {  	[tilespmem:$0xF08] =	vst v0  }
0xf2: {  	[tilespmem:$0xF18] =	vst v0  }
0xf3: {  	[tilespmem:$0xF28] =	vst v0  }
0xf4: {  	[tilespmem:$0xF38] =	vst v0  }
0xf5: {  	[tilespmem:$0xF48] =	vst v0  }
0xf6: {  	[tilespmem:$0xF58] =	vst v0  }
0xf7: {  	[tilespmem:$0xF68] =	vst v0  }
0xf8: {  	[tilespmem:$0xF78] =	vst v0  }
0xf9: {  	[tilespmem:$0xF88] =	vst v0  }
0xfa: {  	[tilespmem:$0xF98] =	vst v0  }
0xfb: {  	[tilespmem:$0xFA8] =	vst v0  }
0xfc: {  	[tilespmem:$0xFB8] =	vst v0  }
0xfd: {  	[tilespmem:$0xFC8] =	vst v0  }
0xfe: {  	[tilespmem:$0xFD8] =	vst v0  }
0xff: {  	[tilespmem:$0xFE8] =	vst v0  }
0x100: {  	[tilespmem:$0xFF8] =	vst v0  }
0x101: {  	[tilespmem:$0x1008] =	vst v0  }
0x102: {  	[tilespmem:$0x1098] =	vst v0  }
0x103: {  	[tilespmem:$0x1B28] =	vst v0  }
0x104: {  	[tilespmem:$0x1B18] =	vst v0  }
0x105: {  	[tilespmem:$0x1B08] =	vst v0  }
0x106: {  	[tilespmem:$0x1AF8] =	vst v0  }
0x107: {  	[tilespmem:$0x1AE8] =	vst v0  }
0x108: {  	[tilespmem:$0x1AD8] =	vst v0  }
0x109: {  	[tilespmem:$0x1AC8] =	vst v0  }
0x10a: {  	[tilespmem:$0x1AB8] =	vst v0  }
0x10b: {  	[tilespmem:$0x1AA8] =	vst v0  }
0x10c: {  	[tilespmem:$0x1A98] =	vst v0  }
0x10d: {  	[tilespmem:$0x1A88] =	vst v0  }
0x10e: {  	[tilespmem:$0x1A78] =	vst v0  }
0x10f: {  	[tilespmem:$0x1A68] =	vst v0  }
0x110: {  	[tilespmem:$0x1A58] =	vst v0  }
0x111: {  	[tilespmem:$0x1A48] =	vst v0  }
0x112: {  	[tilespmem:$0x1A38] =	vst v0  }
0x113: {  	[tilespmem:$0x1A28] =	vst v0  }
0x114: {  	[tilespmem:$0x1A18] =	vst v0  }
0x115: {  	[tilespmem:$0x1A08] =	vst v0  }
0x116: {  	[tilespmem:$0x19F8] =	vst v0  }
0x117: {  	[tilespmem:$0x19E8] =	vst v0  }
0x118: {  	[tilespmem:$0x19D8] =	vst v0  }
0x119: {  	[tilespmem:$0x19C8] =	vst v0  }
0x11a: {  	[tilespmem:$0x19B8] =	vst v0  }
0x11b: {  	[tilespmem:$0x19A8] =	vst v0  }
0x11c: {  	[tilespmem:$0x1998] =	vst v0  }
0x11d: {  	[tilespmem:$0x1988] =	vst v0  }
0x11e: {  	[tilespmem:$0x1978] =	vst v0  }
0x11f: {  	[tilespmem:$0x1968] =	vst v0  }
0x120: {  	[tilespmem:$0x1958] =	vst v0  }
0x121: {  	[tilespmem:$0x1948] =	vst v0  }
0x122: {  	[tilespmem:$0x1938] =	vst v0  }
0x123: {  	[tilespmem:$0x1928] =	vst v0  }
0x124: {  	[tilespmem:$0x1918] =	vst v0  }
0x125: {  	[tilespmem:$0x1908] =	vst v0  }
0x126: {  	[tilespmem:$0x18F8] =	vst v0  }
0x127: {  	[tilespmem:$0x18E8] =	vst v0  }
0x128: {  	[tilespmem:$0x18D8] =	vst v0  }
0x129: {  	[tilespmem:$0x18C8] =	vst v0  }
0x12a: {  	[tilespmem:$0x18B8] =	vst v0  }
0x12b: {  	[tilespmem:$0x18A8] =	vst v0  }
0x12c: {  	[tilespmem:$0x1898] =	vst v0  }
0x12d: {  	[tilespmem:$0x1888] =	vst v0  }
0x12e: {  	[tilespmem:$0x1878] =	vst v0  }
0x12f: {  	[tilespmem:$0x1868] =	vst v0  }
0x130: {  	[tilespmem:$0x1858] =	vst v0  }
0x131: {  	[tilespmem:$0x1848] =	vst v0  }
0x132: {  	[tilespmem:$0x1838] =	vst v0  }
0x133: {  	[tilespmem:$0x1828] =	vst v0  }
0x134: {  	[tilespmem:$0x1818] =	vst v0  }
0x135: {  	[tilespmem:$0x1808] =	vst v0  }
0x136: {  	[tilespmem:$0x17F8] =	vst v0  }
0x137: {  	[tilespmem:$0x17E8] =	vst v0  }
0x138: {  	[tilespmem:$0x17D8] =	vst v0  }
0x139: {  	[tilespmem:$0x17C8] =	vst v0  }
0x13a: {  	[tilespmem:$0x17B8] =	vst v0  }
0x13b: {  	[tilespmem:$0x17A8] =	vst v0  }
0x13c: {  	[tilespmem:$0x1798] =	vst v0  }
0x13d: {  	[tilespmem:$0x1788] =	vst v0  }
0x13e: {  	[tilespmem:$0x1778] =	vst v0  }
0x13f: {  	[tilespmem:$0x1768] =	vst v0  }
0x140: {  	[tilespmem:$0x1758] =	vst v0  }
0x141: {  	[tilespmem:$0x1748] =	vst v0  }
0x142: {  	[tilespmem:$0x1738] =	vst v0  }
0x143: {  	[tilespmem:$0x1728] =	vst v0  }
0x144: {  	[tilespmem:$0x1718] =	vst v0  }
0x145: {  	[tilespmem:$0x1708] =	vst v0  }
0x146: {  	[tilespmem:$0x16F8] =	vst v0  }
0x147: {  	[tilespmem:$0x16E8] =	vst v0  }
0x148: {  	[tilespmem:$0x16D8] =	vst v0  }
0x149: {  	[tilespmem:$0x16C8] =	vst v0  }
0x14a: {  	[tilespmem:$0x16B8] =	vst v0  }
0x14b: {  	[tilespmem:$0x16A8] =	vst v0  }
0x14c: {  	[tilespmem:$0x1698] =	vst v0  }
0x14d: {  	[tilespmem:$0x1688] =	vst v0  }
0x14e: {  	[tilespmem:$0x1678] =	vst v0  }
0x14f: {  	[tilespmem:$0x1668] =	vst v0  }
0x150: {  	[tilespmem:$0x1658] =	vst v0  }
0x151: {  	[tilespmem:$0x1648] =	vst v0  }
0x152: {  	[tilespmem:$0x1638] =	vst v0  }
0x153: {  	[tilespmem:$0x1628] =	vst v0  }
0x154: {  	[tilespmem:$0x1618] =	vst v0  }
0x155: {  	[tilespmem:$0x1608] =	vst v0  }
0x156: {  	[tilespmem:$0x15F8] =	vst v0  }
0x157: {  	[tilespmem:$0x15E8] =	vst v0  }
0x158: {  	[tilespmem:$0x15D8] =	vst v0  }
0x159: {  	[tilespmem:$0x15C8] =	vst v0  }
0x15a: {  	[tilespmem:$0x15B8] =	vst v0  }
0x15b: {  	[tilespmem:$0x15A8] =	vst v0  }
0x15c: {  	[tilespmem:$0x1598] =	vst v0  }
0x15d: {  	[tilespmem:$0x1588] =	vst v0  }
0x15e: {  	[tilespmem:$0x1578] =	vst v0  }
0x15f: {  	[tilespmem:$0x1568] =	vst v0  }
0x160: {  	[tilespmem:$0x1558] =	vst v0  }
0x161: {  	[tilespmem:$0x1548] =	vst v0  }
0x162: {  	[tilespmem:$0x1538] =	vst v0  }
0x163: {  	[tilespmem:$0x1528] =	vst v0  }
0x164: {  	[tilespmem:$0x1518] =	vst v0  }
0x165: {  	[tilespmem:$0x1508] =	vst v0  }
0x166: {  	[tilespmem:$0x14F8] =	vst v0  }
0x167: {  	[tilespmem:$0x14E8] =	vst v0  }
0x168: {  	[tilespmem:$0x14D8] =	vst v0  }
0x169: {  	[tilespmem:$0x14C8] =	vst v0  }
0x16a: {  	[tilespmem:$0x14B8] =	vst v0  }
0x16b: {  	[tilespmem:$0x14A8] =	vst v0  }
0x16c: {  	[tilespmem:$0x1498] =	vst v0  }
0x16d: {  	[tilespmem:$0x1488] =	vst v0  }
0x16e: {  	[tilespmem:$0x1478] =	vst v0  }
0x16f: {  	[tilespmem:$0x1468] =	vst v0  }
0x170: {  	[tilespmem:$0x1458] =	vst v0  }
0x171: {  	[tilespmem:$0x1448] =	vst v0  }
0x172: {  	[tilespmem:$0x1438] =	vst v0  }
0x173: {  	[tilespmem:$0x1428] =	vst v0  }
0x174: {  	[tilespmem:$0x1418] =	vst v0  }
0x175: {  	[tilespmem:$0x1408] =	vst v0  }
0x176: {  	[tilespmem:$0x13F8] =	vst v0  }
0x177: {  	[tilespmem:$0x13E8] =	vst v0  }
0x178: {  	[tilespmem:$0x13D8] =	vst v0  }
0x179: {  	[tilespmem:$0x13C8] =	vst v0  }
0x17a: {  	[tilespmem:$0x13B8] =	vst v0  }
0x17b: {  	[tilespmem:$0x13A8] =	vst v0  }
0x17c: {  	[tilespmem:$0x1398] =	vst v0  }
0x17d: {  	[tilespmem:$0x1388] =	vst v0  }
0x17e: {  	[tilespmem:$0x1378] =	vst v0  }
0x17f: {  	[tilespmem:$0x1368] =	vst v0  }
0x180: {  	[tilespmem:$0x1358] =	vst v0  }
0x181: {  	[tilespmem:$0x1348] =	vst v0  }
0x182: {  	[tilespmem:$0x1338] =	vst v0  }
0x183: {  	[tilespmem:$0x1328] =	vst v0  }
0x184: {  	[tilespmem:$0x1318] =	vst v0  }
0x185: {  	[tilespmem:$0x1308] =	vst v0  }
0x186: {  	[tilespmem:$0x12F8] =	vst v0  }
0x187: {  	[tilespmem:$0x12E8] =	vst v0  }
0x188: {  	[tilespmem:$0x12D8] =	vst v0  }
0x189: {  	[tilespmem:$0x12C8] =	vst v0  }
0x18a: {  	[tilespmem:$0x12B8] =	vst v0  }
0x18b: {  	[tilespmem:$0x12A8] =	vst v0  }
0x18c: {  	[tilespmem:$0x1298] =	vst v0  }
0x18d: {  	[tilespmem:$0x1288] =	vst v0  }
0x18e: {  	[tilespmem:$0x1278] =	vst v0  }
0x18f: {  	[tilespmem:$0x1268] =	vst v0  }
0x190: {  	[tilespmem:$0x1258] =	vst v0  }
0x191: {  	[tilespmem:$0x1248] =	vst v0  }
0x192: {  	[tilespmem:$0x1238] =	vst v0  }
0x193: {  	[tilespmem:$0x1228] =	vst v0  }
0x194: {  	[tilespmem:$0x1218] =	vst v0  }
0x195: {  	[tilespmem:$0x1208] =	vst v0  }
0x196: {  	[tilespmem:$0x11F8] =	vst v0  }
0x197: {  	[tilespmem:$0x11E8] =	vst v0  }
0x198: {  	[tilespmem:$0x11D8] =	vst v0  }
0x199: {  	[tilespmem:$0x11C8] =	vst v0  }
0x19a: {  	[tilespmem:$0x11B8] =	vst v0  }
0x19b: {  	[tilespmem:$0x11A8] =	vst v0  }
0x19c: {  	[tilespmem:$0x1198] =	vst v0  }
0x19d: {  	[tilespmem:$0x1188] =	vst v0  }
0x19e: {  	[tilespmem:$0x1178] =	vst v0  }
0x19f: {  	[tilespmem:$0x1168] =	vst v0  }
0x1a0: {  	[tilespmem:$0x1158] =	vst v0  }
0x1a1: {  	[tilespmem:$0x1148] =	vst v0  }
0x1a2: {  	[tilespmem:$0x1138] =	vst v0  }
0x1a3: {  	[tilespmem:$0x1128] =	vst v0  }
0x1a4: {  	[tilespmem:$0x1118] =	vst v0  }
0x1a5: {  	[tilespmem:$0x1108] =	vst v0  }
0x1a6: {  	[tilespmem:$0x10F8] =	vst v0  }
0x1a7: {  	[tilespmem:$0x10E8] =	vst v0  }
0x1a8: {  	s1 =	stileid.u32;
	[tilespmem:$0x10D8] =	vst v0  }
0x1a9: {  	s4 =	smul.u32 $0xCF90, s1;
	[tilespmem:$0x10C8] =	vst v0  }
0x1aa: {  	[tilespmem:$0x10B8] =	vst v0  }
0x1ab: {  	[tilespmem:$0x10A8] =	vst v0;
	s0 =	smin.u32 s4, $0xC28C0  }
0x1ac: {  	[tilespmem:$0x1028] =	vst v0;
	s5 =	sadd.s32 $0xCF90, s0  }
0x1ad: {  	s6 =	simm.s32 $0x2;
	[tilespmem:$0x1088] =	vst v0;
	s0 =	ssub.s32 s5, s4  }
0x1ae: {  	s8 =	simm.s32 $0x7;
	s13 =	simm.s32 $0x8;
	[tilespmem:$0x1078] =	vst v0;
	p0 =	sgt.s32 s0, $0x0  }
0x1af: {  	s30 =	simm.s32 $0x9;
	p4 =	por $0x0, $0x0;
	[tilespmem:$0x1068] =	vst v0;
	s0 =	simm.s32 @!p0 $0x0  }
0x1b0: {  	s14 =	simm.s32 $0xA;
	s18 =	simm.s32 $0x0;
	[tilespmem:$0x1058] =	vst v0;
	s12 =	smulhi.u32 $0x97B426, s0  }
0x1b1: {  	s15 =	simm.s32 $0x0;
	s17 =	simm.s32 $0x0;
	s2 =	sadd.s32 $0x128600, s3;
	[tilespmem:$0x1048] =	vst v0  }
0x1b2: {  	s7 =	sadd.s32 $0x137AC00, s3;
	s31 =	sshll.u32 s1, $0x5;
	[tilespmem:$0x1038] =	vst v0;
	s10 =	smul.u32 $0x1B0, s12  }
.Ltmp0:
0x1b3: {  	[tilespmem:$0x1018] =	vst v0;
	[sflag:s6] =	ssyncpa.u1 $0x0;
	v0 =	vimm.s32 $0xFFFFFFFF;
	s6 =	sadd.s32 $0x65000, s3;
	(pc) =	sbr.rel .LBB2_1-.Ltmp0, $4  }
0x1b4: {  	[dreg:$0x2] =	wrdreg s31;
	[tilespmem:$0x3648] =	vst v0;
	[sflag:s8] =	ssyncpa.u1 $0x0;
	p0 =	sne.s32 s0, s10  }
0x1b5: {  	s16 =	smov.u32 s4;
	[dreg:$0x3] =	wrdreg s4;
	s11 =	simm.s32 @!p0 $0x0  }
0x1b6: {  	[sflag:s13] =	ssyncpa.u1 $0x0;
	s13 =	simm.s32 $0x0;
	s11 =	sadd.s32 s11, s12  }
0x1b7: {  	v0 =	vlaneseq.u32;
	[sflag:s30] =	ssyncpa.u1 $0x0;
	p0 =	por $0x1, $0x1;
	s8 =	sadd.s32 $0x1, s11  }
.LBB2_18:
0x1b8: {  	s0 =	simm.s32 $0x2  }
0x1b9: {  	_ =	swait.ge [sflag:s0], $0x0  }
0x1ba: {  	[sflag:s0] =	ssyncset.done $0x0;
	s0 =	simm.s32 $0x0  }
.LBB2_19:
0x1bb: {  	_ =	swait.ge [sflag:s14], s0  }
0x1bc: {  	s31 =	ssub.s32 $0x0, s0;
	v1 =	vmov s20;
	vm0 =	veq.s32 v0, $0x0;
	[sflag:s14] =	ssyncset.done $0x0  }
0x1bd: {  	vm15 =	veq.s32 v0, $0x2;
	v1 =	vsel vm0, s24, v1;
	[sflag:s14] =	ssyncadd.s32 s31  }
0x1be: {  	v1 =	vsel vm15, s18, v1;
	[sflag:s14] =	ssyncpa.u1 $0x1  }
0x1bf: {  	[tilespmem:$0x3648] =	vst v1  }
.LBB2_20:
0x1c0: {  	s0 =	sadd.s32 $0x1B0, s16  }
0x1c1: {  	s1 =	smov.u32 s4;
	p1 =	slt.s32 s0, s5  }
0x1c2: {  	s1 =	smov.u32 @p1 s0;
	p1 =	sne.s32 s17, s8  }
.Ltmp1:
0x1c3: {  	_ = 	snop;
	(pc) =	sbr.rel @!p1 .LBB2_21-.Ltmp1, $4  }
0x1c4: {  	_ = 	snop  }
0x1c5: {  	s18 =	smov.u32 s15  }
0x1c6: {  	s31 =	sadd.s32 $0x1, s17;
	s15 =	smov.u32 s16;
	p0 =	por !p0, !p0  }
0x1c7: {  	p4 =	por !p4, !p4;
	s17 =	smov.u32 s31;
	s16 =	smov.u32 s1  }
.LBB2_1:
0x1c8: {  	p2 =	sge.u32 s17, s11  }
0x1c9: {  	s0 =	smulhi.u32 @!p2 $0xAAAAAAAB, s17  }
0x1ca: {  	s19 =	smov.u32 s16;
	p3 =	sgt.s32 @!p2 s16, $0xCF6A0  }
0x1cb: {  	s20 =	sshra.s32 @!p2 s16, $0x1F;
	p3 =	por !p3, p2;
	s0 =	sshrl.u32 @!p2 s0, $0x1  }
0x1cc: {  	s20 =	sand.u32 @!p2 s20, s16;
	s19 =	simm.s32 @p3 $0xCF6A0;
	s0 =	smul.u32 @!p2 $0x3, s0  }
0x1cd: {  	s19 =	ssub.s32 @!p2 s19, s20  }
0x1ce: {  	s19 =	sadd.s32 @!p2 $0xFFF30960, s19;
	s0 =	ssub.s32 @!p2 s17, s0  }
0x1cf: {  	s20 =	sshll.u32 @!p2 s19, $0x2;
	p3 =	sgt.s32 @!p2 s19, $0x1AF;
	s0 =	smul.u32 @!p2 $0x6C0, s0  }
0x1d0: {  	s21 =	sand.u32 @!p2 $0x7, s16;
	s19 =	ssub.s32 @!p2 $0x6C0, s20;
	p3 =	por !p3, p2  }
0x1d1: {  	s20 =	sshrl.u32 @!p2 s16, $0x3;
	s19 =	sshrl.u32 @!p2 s19, $0x2;
	s0 =	sshrl.u32 @!p2 s0, $0x2  }
0x1d2: {  	s20 =	sadd.s32 @!p2 s6, s20;
	s19 =	simm.s32 @!p3 $0x0;
	s0 =	sadd.s32 @!p2 $0x3878, s0  }
0x1d3: {  	[tilespmem:s0], [sflag:$0x8] =	stream.linear.gather @!p2 [hbm4b:s20+s21], s19, $0x38;
	[tilespmem:$0x1F0E8] =	vst v63  }
0x1d4: {  	s20 =	sadd.s32 $0xFFFFFFFF, s17  }
0x1d5: {  	p2 =	sge.u32 s20, s11  }
0x1d6: {  	p3 =	sgt.s32 @!p2 s15, $0xCF6A0  }
0x1d7: {  	s0 =	smov.u32 s15;
	s19 =	sshra.s32 @!p2 s15, $0x1F;
	p3 =	por !p3, p2  }
0x1d8: {  	s19 =	sand.u32 @!p2 s19, s15;
	s0 =	simm.s32 @p3 $0xCF6A0  }
0x1d9: {  	s0 =	ssub.s32 @!p2 s0, s19  }
0x1da: {  	s0 =	sadd.s32 @!p2 $0xFFF30960, s0  }
0x1db: {  	s19 =	sshll.u32 @!p2 s0, $0x2  }
0x1dc: {  	p3 =	sgt.s32 @!p2 s0, $0x1AF;
	s0 =	ssub.s32 @!p2 $0x6C0, s19  }
0x1dd: {  	p3 =	por !p3, p2;
	s0 =	sshrl.u32 @!p2 s0, $0x2  }
0x1de: {  	s21 =	simm.s32 @!p2 $0x8;
	s19 =	sand.u32 @!p2 $0x1, s20;
	s0 =	simm.s32 @!p3 $0x0  }
0x1df: {  	s19 =	smul.u32 @!p2 $0x6C0, s19;
	_ =	swait.ge @!p2 [sflag:s21], s0  }
0x1e0: {  	s22 =	ssub.s32 @!p2 $0x0, s0;
	[sflag:s21] =	ssyncset.done @!p2 $0x0  }
0x1e1: {  	s19 =	sshrl.u32 @!p2 s19, $0x2;
	[sflag:s21] =	ssyncadd.s32 @!p2 s22;
	s21 =	sshrl.u32 @!p2 s15, $0x3  }
0x1e2: {  	s19 =	sadd.s32 @!p2 $0x3D88, s19;
	s22 =	sand.u32 @!p2 $0x7, s15;
	s21 =	sadd.s32 @!p2 s3, s21  }
0x1e3: {  	[tilespmem:s19], [sflag:$0x9] =	stream.linear.gather @!p2 [hbm4b:s21+s22], s0, $0x38;
	[tilespmem:$0x1F0E8] =	vst v63  }
0x1e4: {  	s19 =	ssub.s32 @!p2 $0xCF850, s15  }
0x1e5: {  	p3 =	slt.s32 @!p2 s19, $0x1  }
0x1e6: {  	p3 =	por p2, p3  }
.Ltmp2:
0x1e7: {  	_ = 	snop;
	(pc) =	sbr.rel @p3 .LBB2_7-.Ltmp2, $1  }
0x1e8: {  	_ =	sdelay $0x3  }
0x1e9: {  	s0 =	smulhi.u32 $0xAAAAAAAB, s20;
	_ =	sdelay $0x1  }
0x1ea: {  	s0 =	sshrl.u32 s0, $0x1  }
0x1eb: {  	s0 =	smul.u32 $0x3, s0;
	_ =	sdelay $0x1  }
0x1ec: {  	s0 =	ssub.s32 s20, s0  }
0x1ed: {  	s21 =	simm.s32 $0x1;
	s0 =	smul.u32 $0x6C0, s0  }
.Ltmp3:
0x1ee: {  	s21 =	simm.s32 @!p0 $0x0;
	(pc) =	sbr.rel .LBB2_4-.Ltmp3, $4  }
0x1ef: {  	s31 =	smul.u32 $0x36000, s21  }
0x1f0: {  	p3 =	slt.s32 @!p2 s19, $0x1B0;
	s0 =	sshrl.u32 s0, $0x2  }
0x1f1: {  	p2 =	por !p3, p2;
	s20 =	sshrl.u32 s31, $0x2;
	s0 =	sadd.s32 $0x3878, s0  }
0x1f2: {  	s19 =	simm.s32 @p2 $0x1B0;
	s21 =	simm.s32 $0x0;
	s20 =	sadd.s32 $0x40E8, s20;
	v1 =	vmov s0  }
.LBB2_3:
0x1f3: {  	p2 =	sge.s32 s21, s19  }
.Ltmp4:
0x1f4: {  	_ = 	snop;
	(pc) =	sbr.rel @p2 .LBB2_7-.Ltmp4, $2  }
0x1f5: {  	_ =	sdelay $0x2  }
0x1f6: {  	s20 =	sadd.s32 $0x800, s20  }
.LBB2_4:
0x1f7: {  	p2 =	sle.s32 s19, s21  }
.Ltmp5:
0x1f8: {  	_ = 	snop;
	(pc) =	sbr.rel @p2 .LBB2_3-.Ltmp5, $2  }
0x1f9: {  	_ =	sdelay $0x2  }
0x1fa: {  	s22 =	smov.u32 s21;
	s21 =	sadd.s32 $0x10, s21  }
0x1fb: {  	s0 =	ssub.s32 s19, s22  }
0x1fc: {  	p2 =	slt.s32 s0, $0x10  }
0x1fd: {  	s0 =	simm.s32 @!p2 $0x10  }
0x1fe: {  	v2 =	vmov s0  }
0x1ff: {  	vm0 =	vgt.s32 v2, v0;
	_ =	sdelay $0x5  }
0x200: {  	v2 =	vld.idx.msk [tilespmem:v1+s22+$0x0 ss:$0x1], vm0;
	_ =	sdelay $0x2  }
0x201: {  	s23 =	smov.u32 s19;
	p2 =	slt.s32 s21, s19  }
0x202: {  	s24 =	smov.u32 s20;
	s25 =	simm.s32 $0x0;
	s23 =	smov.u32 @p2 s21  }
.LBB2_6:
0x203: {  	(v2sf) =	vpush v2, s25;
	_ =	sdelay $0xc  }
0x204: {  	s25 =	sadd.s32 $0x1, s25  }
0x205: {  	s31 =	sadd.s32 s25, s22  }
0x206: {  	p2 =	slt.s32 s31, s23;
	s0 =	spop (v2sf)  }
.Ltmp6:
0x207: {  	s0 =	sshll.u32 s0, $0x4;
	(pc) =	sbr.rel @p2 .LBB2_6-.Ltmp6, $4  }
0x208: {  	s0 =	sand.u32 $0x1FFFFFF0, s0  }
0x209: {  	s0 =	sadd.s32 s7, s0  }
0x20a: {  	[tilespmem:s24], [sflag:$0x7] =	stream.linear.gather [hbm4b:s0+s13], $0x2, $0x38;
	[tilespmem:$0x1F0E8] =	vst v63  }
0x20b: {  	s24 =	sadd.s32 $0x80, s24  }
.Ltmp7:
0x20c: {  	_ = 	snop;
	(pc) =	sbr.rel .LBB2_3-.Ltmp7, $1  }
0x20d: {  	_ =	sdelay $0x3  }
.LBB2_7:
0x20e: {  	p2 =	slt.u32 s17, $0x2  }
.Ltmp8:
0x20f: {  	_ = 	snop;
	(pc) =	sbr.rel @p2 .LBB2_20-.Ltmp8, $1  }
0x210: {  	_ =	sdelay $0x3  }
0x211: {  	p2 =	sgt.s32 s18, $0xCF6A0;
	s0 =	smov.u32 s18  }
0x212: {  	s19 =	sshra.s32 s18, $0x1F;
	s20 =	ssub.s32 $0xCF850, s18;
	s0 =	simm.s32 @!p2 $0xCF6A0  }
0x213: {  	s19 =	sand.u32 s19, s18;
	p2 =	slt.s32 s20, $0x1B0;
	s21 =	smov.u32 s20  }
0x214: {  	s0 =	ssub.s32 s0, s19;
	s21 =	simm.s32 @!p2 $0x1B0  }
0x215: {  	s0 =	sadd.s32 $0xFFF30960, s0;
	s26 =	sshll.u32 s21, $0x1  }
0x216: {  	s1 =	simm.s32 $0x7;
	s28 =	sshll.u32 s0, $0x2;
	s19 =	sand.u32 $0x3FFFFFFE, s26  }
0x217: {  	p2 =	sgt.s32 s0, $0x1AF;
	s29 =	ssub.s32 $0x6C0, s28;
	_ =	swait.ge [sflag:s1], s19  }
0x218: {  	s19 =	ssub.s32 $0x0, s19;
	[sflag:s1] =	ssyncset.done $0x0;
	s0 =	sshrl.u32 s29, $0x2  }
0x219: {  	s30 =	simm.s32 $0x9;
	[sflag:s1] =	ssyncadd.s32 s19;
	s0 =	simm.s32 @p2 $0x0  }
0x21a: {  	_ =	swait.ge [sflag:s30], s0  }
0x21b: {  	s0 =	ssub.s32 $0x0, s0;
	[sflag:s30] =	ssyncset.done $0x0  }
0x21c: {  	[sflag:s30] =	ssyncadd.s32 s0  }
0x21d: {  	v1 =	vld [tilespmem:$0x3648];
	_ =	sdelay $0x4  }
0x21e: {  	(v2sf) =	vpush v1, $0x0  }
0x21f: {  	(v2sf) =	vpush v1, $0x1  }
0x220: {  	(v2sf) =	vpush v1, $0x2;
	_ =	sdelay $0x3  }
0x221: {  	s0 =	sadd.s32 $0x1B0, s18  }
0x222: {  	p2 =	slt.s32 s5, s0  }
0x223: {  	s0 =	smov.u32 @p2 s5;
	p2 =	sgt.s32 s20, $0x0  }
0x224: {  	s22 =	ssub.s32 s0, s18;
	s20 =	simm.s32 @!p2 $0x0  }
0x225: {  	p2 =	slt.s32 s20, s22  }
0x226: {  	s22 =	smov.u32 @p2 s20  }
0x227: {  	s21 =	simm.s32 $0x1;
	p2 =	slt.s32 s22, $0x1  }
.Ltmp9:
0x228: {  	s21 =	simm.s32 @!p4 $0x0;
	(pc) =	sbr.rel @p2 .LBB2_12-.Ltmp9, $4  }
0x229: {  	s31 =	smul.u32 $0x6C0, s21  }
0x22a: {  	s23 =	spop (v2sf)  }
0x22b: {  	s0 =	sshrl.u32 s31, $0x2;
	s25 =	spop (v2sf)  }
0x22c: {  	s19 =	sadd.s32 $0x3D88, s0;
	s18 =	spop (v2sf)  }
0x22d: {  	s0 =	smin.u32 s22, $0x10  }
0x22e: {  	v1 =	vmov s0  }
0x22f: {  	p3 =	sgt.s32 s22, $0x10;
	vm1 =	vgt.u32 v1, v0  }
.Ltmp10:
0x230: {  	_ = 	snop;
	(pc) =	sbr.rel @!p3 .LBB2_11-.Ltmp10, $2  }
0x231: {  	_ =	sdelay $0x2  }
0x232: {  	s24 =	simm.s32 $0x10;
	s26 =	sadd.s32 $0xFFFFFFF0, s22;
	s20 =	smov.u32 s19;
	vm0 =	vmmov vm1  }
.LBB2_10:
0x233: {  	s0 =	smin.u32 s26, $0x10;
	s24 =	sadd.s32 $0x10, s24;
	v1 =	vld.msk [tilespmem:s20+$0x0 ss:$0x1], vm1  }
0x234: {  	v2 =	vmov s0;
	p3 =	slt.s32 s24, s22  }
0x235: {  	vm1 =	vgt.u32 v2, v0  }
.Ltmp11:
0x236: {  	(pc) =	sbr.rel @p3 .LBB2_10-.Ltmp11, $3  }
0x237: {  	_ =	sdelay $0x1  }
0x238: {  	v1 =	vshll.u32 v1, $0x4  }
0x239: {  	s26 =	sadd.s32 $0xFFFFFFF0, s26;
	[tilespmem:s20+$0x0] =	vst.msk vm0, v1;
	s20 =	sadd.s32 $0x10, s20;
	vm0 =	vmmov vm1  }
.LBB2_11:
0x23a: {  	_ =	sdelay $0x4  }
0x23b: {  	v1 =	vld.msk [tilespmem:s20+$0x0 ss:$0x1], vm1;
	_ =	sdelay $0x4  }
0x23c: {  	v1 =	vshll.u32 v1, $0x4  }
0x23d: {  	[tilespmem:s20+$0x0] =	vst.msk vm0, v1  }
.LBB2_12:
0x23e: {  	s0 =	sand.u32 $0x1, s17  }
0x23f: {  	s0 =	smul.u32 $0x1B0, s0  }
0x240: {  	p3 =	sne.s32 s25, $0xFFFFFFFF  }
0x241: {  	v1 =	vld.msk @!p3 [tilespmem:s0+$0x3D88], $0x1;
	_ =	sdelay $0x4  }
0x242: {  	(v2sf) =	vpush @!p3 v1, $0x0;
	_ =	sdelay $0xc  }
.Ltmp12:
0x243: {  	_ = 	snop;
	(pc) =	sbr.rel @p2 .LBB2_18-.Ltmp12, $4  }
0x244: {  	_ = 	snop  }
0x245: {  	s24 =	spop @!p3 (v2sf)  }
0x246: {  	s18 =	simm.s32 @!p3 $0x0;
	s20 =	smov.u32 s24  }
0x247: {  	[sflag:s14] =	ssyncpa.u1 $0x0;
	s24 =	smov.u32 @p3 s23;
	s20 =	smov.u32 @p3 s25  }
0x248: {  	v1 =	vld.msk [tilespmem:s19+$0x0], $0x1;
	_ =	sdelay $0x4  }
0x249: {  	(v2sf) =	vpush v1, $0x0;
	_ =	sdelay $0xd  }
0x24a: {  	s0 =	simm.s32 @!p4 $0x0  }
0x24b: {  	s26 =	smul.u32 $0x36000, s21;
	s25 =	ssub.s32 $0x0, s22;
	s28 =	spop (v2sf)  }
0x24c: {  	s0 =	simm.s32 @p4 $0x1;
	s23 =	sadd.s32 $0x1, s25;
	p2 =	seq.s32 s24, s28  }
0x24d: {  	[smem:$0x7FD] =	sst s0;
	s0 =	sshrl.u32 s26, $0x2;
	p3 =	sgt.s32 @!p2 s24, $0x0  }
0x24e: {  	s21 =	sadd.s32 $0x40E8, s0;
	s0 =	smov.u32 s24;
	p3 =	por !p3, p2  }
0x24f: {  	s0 =	simm.s32 @p3 $0x0;
	p3 =	seq.s32 s23, $0x0  }
.Ltmp13:
0x250: {  	_ = 	snop;
	(pc) =	sbr.rel @p3 .LBB2_15-.Ltmp13, $4  }
0x251: {  	s4 =	smov.u32 s8;
	s12 =	smov.u32 s6;
	s8 =	smov.u32 s3  }
0x252: {  	s22 =	simm.s32 $0x0;
	s29 =	simm.s32 @!p2 $0x1;
	s0 =	smin.u32 @!p2 s0, $0xC34FF  }
0x253: {  	s30 =	simm.s32 @!p2 $0x1B38;
	s29 =	smov.u32 @p2 s22;
	s26 =	sand.u32 @!p2 $0xFFFF8, s0  }
0x254: {  	s31 =	sand.u32 @!p2 $0x7, s0;
	s0 =	sadd.s32 @!p2 s2, s26;
	s26 =	sadd.s32 $0x1, s19  }
.LBB2_14:
0x255: {  	s3 =	smov.u32 s29  }
0x256: {  	[tilespmem:s30], [sflag:$0x2] =	stream.linear.gather @!p2 [hbm4b:s0+s31], $0x2, $0x38;
	[tilespmem:$0x1F0E8] =	vst v63  }
0x257: {  	s23 =	sadd.s32 $0x1, s23;
	s0 =	smov.u32 s28;
	v1 =	vld.msk [tilespmem:s26+$0x0], $0x1  }
0x258: {  	p3 =	seq.s32 s23, $0x0;
	_ =	sdelay $0x3  }
0x259: {  	(v2sf) =	vpush v1, $0x0;
	_ =	sdelay $0xe  }
0x25a: {  	s28 =	spop (v2sf)  }
0x25b: {  	p2 =	seq.s32 s0, s28  }
0x25c: {  	p4 =	sgt.s32 @!p2 s0, $0x0;
	s30 =	sshll.u32 @!p2 s29, $0x6;
	s29 =	sadd.s32 @!p2 $0x1, s29  }
.Ltmp14:
0x25d: {  	p4 =	por !p4, p2;
	s30 =	sshra.s32 @!p2 s30, $0x2;
	(pc) =	sbr.rel @!p3 .LBB2_14-.Ltmp14, $4  }
0x25e: {  	s29 =	smov.u32 @p2 s3;
	s0 =	simm.s32 @p4 $0x0;
	s30 =	sadd.s32 @!p2 $0x1B38, s30  }
0x25f: {  	s0 =	smin.u32 @!p2 s0, $0xC34FF  }
0x260: {  	s3 =	sand.u32 @!p2 $0xFFFF8, s0;
	s31 =	sand.u32 @!p2 $0x7, s0  }
0x261: {  	s26 =	sadd.s32 $0x1, s26;
	s0 =	sadd.s32 @!p2 s2, s3  }
.LBB2_15:
0x262: {  	[tilespmem:s30], [sflag:$0x2] =	stream.linear.gather @!p2 [hbm4b:s0+s31], $0x2, $0x38;
	[tilespmem:$0x1F0E8] =	vst v63  }
0x263: {  	s31 =	sshll.u32 s29, $0x1  }
0x264: {  	s1 =	simm.s32 $0x2;
	s0 =	sand.u32 $0x3FFFFFFE, s31  }
0x265: {  	_ =	swait.ge [sflag:s1], s0  }
0x266: {  	s0 =	ssub.s32 $0x0, s0;
	[sflag:s1] =	ssyncset.done $0x0  }
0x267: {  	[sflag:s1] =	ssyncadd.s32 s0  }
0x268: {  	v1 =	vld.msk [tilespmem:s19+$0x0], $0x1;
	_ =	sdelay $0x4  }
0x269: {  	(v2sf) =	vpush v1, $0x0;
	_ =	sdelay $0xe  }
0x26a: {  	s23 =	spop (v2sf)  }
0x26b: {  	p2 =	sne.s32 s24, s23  }
0x26c: {  	p4 =	sne.s32 @p2 s24, s20  }
0x26d: {  	p3 =	por !p4, !p2  }
0x26e: {  	s0 =	simm.s32 @!p3 $0x0  }
0x26f: {  	v1 =	vld.msk @!p3 [tilespmem:s0+$0x1B38], $0x3  }
0x270: {  	p5 =	sgt.u32 @!p3 s24, $0xC34FF  }
0x271: {  	s3 =	sshll.u32 @!p3 s18, $0x6;
	p6 =	por @p2 p5, !p4  }
0x272: {  	s3 =	sshra.s32 @!p3 s3, $0x2;
	p1 =	por p6, !p2;
	p6 =	por p4, !p2  }
0x273: {  	s26 =	sadd.s32 @!p3 $0x28, s3;
	s28 =	sand.u32 @!p1 $0xFFFF8, s24;
	s29 =	sshll.u32 @!p6 s18, $0x6  }
0x274: {  	s24 =	sand.u32 @!p1 $0x7, s24;
	[tilespmem:s3+$0x28] =	vst.add.f32.msk @!p3 $0x3, v1;
	s3 =	sadd.s32 @!p1 s2, s28;
	s28 =	sshra.s32 @!p6 s29, $0x2  }
0x275: {  	[hbm4b:s3+s24] =	stream.linear.scatter @!p1 [tilespmem:s26], [sflag:$0xA], $0x2, $0x38;
	[tilespmem:$0x1F0E8] =	vst v63  }
0x276: {  	s0 =	rddreg [dreg:$0x2];
	s3 =	sadd.s32 @!p6 $0x28, s28;
	s24 =	simm.s32 @!p6 $0x1  }
0x277: {  	[spmem:s0] =	stream.linear.scatter @!p6 [tilespmem:s3], [sflag:$0x1], $0x2, $0x38;
	[tilespmem:$0x1F0E8] =	vst v63  }
0x278: {  	s0 =	sadd.s32 @p2 $0x1, s18;
	_ =	swait.ge @!p6 [sflag:s24], $0x2  }
0x279: {  	s3 =	sshrl.u32 @p2 s0, $0x4;
	[sflag:s24] =	ssyncset.done @!p6 $0x0  }
0x27a: {  	s3 =	smulhi.u32 @p2 $0x97B425F, s3;
	[sflag:s24] =	ssyncadd.s32 @!p6 $0xFFFFFFFE  }
0x27b: {  	s24 =	sadd.s32 $0x1, s25;
	v1 =	vld.msk @p2 [tilespmem:s21+$0x0], $0x3  }
0x27c: {  	p1 =	por @p2 !p5, !p4;
	s3 =	smul.u32 @p2 $0x1B0, s3;
	p4 =	seq.s32 s24, $0x0  }
.Ltmp15:
0x27d: {  	p1 =	por !p1, !p2;
	s25 =	simm.s32 @!p3 $0x0;
	(pc) =	sbr.rel @p4 .LBB2_17-.Ltmp15, $4  }
0x27e: {  	s26 =	sshll.u32 @!p2 s18, $0x6;
	s25 =	simm.s32 @!p1 $0x8;
	s0 =	ssub.s32 @p2 s0, s3  }
0x27f: {  	s26 =	sshra.s32 @!p2 s26, $0x2;
	s28 =	sadd.s32 @!p3 $0x0, s25;
	s29 =	sshll.u32 @p2 s0, $0x4  }
0x280: {  	s25 =	simm.s32 $0x0;
	s3 =	simm.s32 @p2 $0x1;
	s28 =	smov.u32 @p3 s22;
	[tilespmem:s29+$0x28] =	vst.msk @p2 $0x3, v1  }
0x281: {  	s18 =	smov.u32 @p2 s0;
	s25 =	smov.u32 @p2 s28;
	s22 =	smov.u32 @p2 s3;
	v1 =	vld.msk @!p2 [tilespmem:s21+$0x0], $0x3  }
.LBB2_16:
0x282: {  	_ =	sdelay $0x3  }
0x283: {  	s19 =	sadd.s32 $0x1, s19;
	[tilespmem:s26+$0x28] =	vst.add.f32.msk @!p2 $0x3, v1  }
0x284: {  	v1 =	vld.msk [tilespmem:s19+$0x0], $0x1;
	_ =	sdelay $0x4  }
0x285: {  	(v2sf) =	vpush v1, $0x0;
	_ =	sdelay $0xe  }
0x286: {  	s0 =	smov.u32 s23;
	s23 =	spop (v2sf)  }
0x287: {  	p2 =	sne.s32 s0, s23  }
0x288: {  	p5 =	sne.s32 @p2 s0, s20  }
0x289: {  	p4 =	por !p5, !p2  }
0x28a: {  	s30 =	sshll.u32 @!p4 s22, $0x6  }
0x28b: {  	s30 =	sshra.s32 @!p4 s30, $0x2  }
0x28c: {  	p1 =	sgt.u32 @!p4 s0, $0xC34FF;
	v1 =	vld.msk @!p4 [tilespmem:s30+$0x1B38], $0x3  }
0x28d: {  	s31 =	sshll.u32 @!p4 s18, $0x6;
	p6 =	por @p2 p1, !p5;
	p1 =	por @p2 !p1, !p5  }
0x28e: {  	s1 =	simm.s32 @!p4 $0x0;
	s31 =	sshra.s32 @!p4 s31, $0x2;
	p1 =	por !p1, !p2  }
0x28f: {  	p5 =	por p5, !p2;
	s1 =	simm.s32 @!p1 $0x8;
	p1 =	por p6, !p2  }
0x290: {  	s30 =	sadd.s32 @!p4 $0x28, s31;
	s10 =	sshll.u32 @!p5 s18, $0x6;
	s9 =	sand.u32 @!p1 $0xFFFF8, s0  }
0x291: {  	s10 =	sshra.s32 @!p5 s10, $0x2;
	s0 =	sand.u32 @!p1 $0x7, s0;
	s9 =	sadd.s32 @!p1 s2, s9;
	[tilespmem:s31+$0x28] =	vst.add.f32.msk @!p4 $0x3, v1  }
0x292: {  	[hbm4b:s9+s0] =	stream.linear.scatter @!p1 [tilespmem:s30], [sflag:$0xA], $0x2, $0x38;
	[tilespmem:$0x1F0E8] =	vst v63  }
0x293: {  	s3 =	rddreg [dreg:$0x2];
	s0 =	sadd.s32 @!p5 $0x28, s10;
	s9 =	simm.s32 @!p5 $0x1  }
0x294: {  	[spmem:s3] =	stream.linear.scatter @!p5 [tilespmem:s0], [sflag:$0x1], $0x2, $0x38;
	[tilespmem:$0x1F0E8] =	vst v63  }
0x295: {  	s28 =	sadd.s32 @p2 $0x1, s18;
	_ =	swait.ge @!p5 [sflag:s9], $0x2  }
0x296: {  	s29 =	sshrl.u32 @p2 s28, $0x4;
	[sflag:s9] =	ssyncset.done @!p5 $0x0  }
0x297: {  	s21 =	sadd.s32 $0x80, s21;
	s29 =	smulhi.u32 @p2 $0x97B425F, s29;
	[sflag:s9] =	ssyncadd.s32 @!p5 $0xFFFFFFFE  }
0x298: {  	s24 =	sadd.s32 $0x1, s24;
	v1 =	vld.msk @p2 [tilespmem:s21+$0x0], $0x3  }
0x299: {  	p3 =	seq.s32 s24, $0x0;
	s29 =	smul.u32 @p2 $0x1B0, s29  }
.Ltmp16:
0x29a: {  	_ = 	snop;
	(pc) =	sbr.rel @!p3 .LBB2_16-.Ltmp16, $4  }
0x29b: {  	s28 =	ssub.s32 @p2 s28, s29  }
0x29c: {  	s26 =	sshll.u32 @!p2 s18, $0x6;
	s1 =	sadd.s32 @!p4 s1, s25;
	s10 =	sshll.u32 @p2 s28, $0x4  }
0x29d: {  	s6 =	sadd.s32 @p2 $0x1, s22;
	s26 =	sshra.s32 @!p2 s26, $0x2;
	s1 =	smov.u32 @p4 s25;
	[tilespmem:s10+$0x28] =	vst.msk @p2 $0x3, v1  }
0x29e: {  	s22 =	smov.u32 @p2 s6;
	s18 =	smov.u32 @p2 s28;
	s25 =	smov.u32 @p2 s1;
	v1 =	vld.msk @!p2 [tilespmem:s21+$0x0], $0x3  }
.LBB2_17:
.Ltmp17:
0x29f: {  	_ = 	snop;
	(pc) =	sbr.rel .LBB2_19-.Ltmp17, $4  }
0x2a0: {  	s1 =	sld [smem:$0x7FD]  }
0x2a1: {  	s0 =	sshrl.u32 s25, $0x2  }
0x2a2: {  	s24 =	smov.u32 s23;
	s3 =	smov.u32 s8;
	s6 =	smov.u32 s12  }
0x2a3: {  	s8 =	smov.u32 s4;
	s4 =	rddreg [dreg:$0x3];
	p4 =	seq.s32 s1, $0x1;
	[tilespmem:s26+$0x28] =	vst.add.f32.msk @!p2 $0x3, v1  }
.LBB2_21:
0x2a4: {  	_ =	sfence.sel $0x180000  }
0x2a5: {  	s0 =	simm.s32 $0x7;
	[bflag:$0x0] =	sbarrier.arrive $0xFFFF  }
0x2a6: {  	s25 =	simm.s32 $0x8;
	[sflag:s0] =	ssyncpa.u1 $0x1  }
0x2a7: {  	s26 =	simm.s32 $0x9;
	[sflag:s25] =	ssyncpa.u1 $0x1  }
0x2a8: {  	s28 =	simm.s32 $0x2;
	[sflag:s26] =	ssyncpa.u1 $0x1  }
0x2a9: {  	[sflag:s28] =	ssyncpa.u1 $0x1  }
0x2aa: {  	v0 =	vld [tilespmem:$0x3648];
	_ =	sdelay $0x4  }
0x2ab: {  	(v2sf) =	vpush v0, $0x0  }
0x2ac: {  	(v2sf) =	vpush v0, $0x1;
	_ =	sdelay $0x1  }
0x2ad: {  	(v2sf) =	vpush v0, $0x2;
	_ =	sdelay $0xb  }
0x2ae: {  	s0 =	spop (v2sf)  }
0x2af: {  	s1 =	spop (v2sf)  }
0x2b0: {  	s3 =	smov.u32 s0;
	p0 =	sne.s32 s0, s1  }
0x2b1: {  	s4 =	spop (v2sf);
	s3 =	simm.s32 @!p0 $0xFFFFFFFF  }
0x2b2: {  	v2 =	vimm.s32 $0x1;
	v3 =	vlaneseq.u32;
	p0 =	seq.s32 s4, $0xFFFFFFFF;
	v1 =	vmov s3  }
0x2b3: {  	s7 =	stileid.u32;
	v0 =	vperm.xlane v0, v2;
	p1 =	sne.s32 @!p0 s0, s1;
	v1 =	vperm.xlane v1, v3  }
0x2b4: {  	vm0 =	vcmask $0x3F04;
	s6 =	simm.s32 $0x3648;
	s0 =	simm.s32 @!p0 $0x1;
	p1 =	por !p1, p0  }
0x2b5: {  	s3 =	sshll.u32 s7, $0x1;
	s1 =	sshll.u32 @!p0 s4, $0x6;
	s0 =	simm.s32 @p1 $0x0;
	v0 =	vsel vm0, v1, v0  }
0x2b6: {  	s5 =	sor.u32 $0x200, s3;
	s1 =	sshra.s32 @!p0 s1, $0x2;
	s0 =	sor.u32 @!p0 s0, s3;
	[tilespmem:$0x3648] =	vst v0  }
0x2b7: {  	[spmem:s5] =	stream.linear.scatter [tilespmem:s6], [sflag:$0x1], $0x2, $0x38;
	[tilespmem:$0x1F0E8] =	vst v63  }
0x2b8: {  	s1 =	sadd.s32 @!p0 $0x28, s1;
	s0 =	sshll.u32 @!p0 s0, $0x4  }
0x2b9: {  	[spmem:s0] =	stream.linear.scatter @!p0 [tilespmem:s1], [sflag:$0x1], $0x10, $0x38;
	[tilespmem:$0x1F0E8] =	vst v63  }
0x2ba: {  	s0 =	simm.s32 @!p0 $0x12  }
0x2bb: {  	s1 =	simm.s32 $0x1;
	s0 =	simm.s32 @p0 $0x2  }
0x2bc: {  	_ =	swait.ge [sflag:s1], s0  }
0x2bd: {  	s0 =	ssub.s32 $0x0, s0;
	[sflag:s1] =	ssyncset.done $0x0  }
0x2be: {  	[sflag:s1] =	ssyncadd.s32 s0  }
0x2bf: {  	_ =	sfence.stream.spmem  }
0x2c0: {  	s29 =	simm.s32 $0x3;
	[bflag:$0x0] =	sbarrier.arrive $0xFFFF  }
0x2c1: {  	s30 =	simm.s32 $0x4;
	[sflag:s29] =	ssyncpa.u1 $0x1  }
0x2c2: {  	s31 =	simm.s32 $0x3C;
	[sflag:s30] =	ssyncpa.u1 $0x1  }
0x2c3: {  	p0 =	sne.s32 s7, $0x0;
	[sflag:s31] =	ssyncpa.u1 $0x1  }
0x2c4: {  	_ =	sfence @p0  }
0x2c5: {  	[sflag:s1] =	ssyncpa.u1 @p0 $0x1  }
0x2c6: {  	_ =	strace @p0 $0x90000056  }
0x2c7: {  	[bflag:$0x2] =	sbarrier.arrive @p0 $0xFFFF  }
0x2c8: {  	_ =	shalt @p0  }
.LBB2_22:
0x2c9: {  	_ =	sfence.stream.spmem;
	s0 =	simm.s32 $0x5  }
0x2ca: {  	s1 =	simm.s32 $0x200;
	s3 =	simm.s32 $0x3658;
	[sflag:s0] =	ssyncpa.u1 $0x0  }
0x2cb: {  	[tilespmem:s3], [sflag:$0x5] =	stream.linear.gather [spmem:s1], $0x20, $0x38;
	[tilespmem:$0x1F0E8] =	vst v63  }
0x2cc: {  	s30 =	simm.s32 $0x3678;
	s1 =	simm.s32 $0x0  }
0x2cd: {  	[tilespmem:s30], [sflag:$0x5] =	stream.linear.gather [spmem:s1], $0x200, $0x38;
	[tilespmem:$0x1F0E8] =	vst v63  }
.Ltmp18:
0x2ce: {  	_ = 	snop;
	(pc) =	sbr.rel .LBB2_23-.Ltmp18, $4  }
0x2cf: {  	_ =	swait.ge [sflag:s0], $0x220  }
0x2d0: {  	[sflag:s0] =	ssyncset.done $0x0  }
0x2d1: {  	s31 =	simm.s32 $0x6;
	[sflag:s0] =	ssyncadd.s32 $0xFFFFFDE0  }
0x2d2: {  	s3 =	simm.s32 $0x0;
	[sflag:s31] =	ssyncpa.u1 $0x0  }
.LBB2_28:
0x2d3: {  	p0 =	slt.u32 s4, $0xC3500  }
0x2d4: {  	s0 =	sand.u32 @p0 $0xFFFF8, s4  }
0x2d5: {  	s4 =	sand.u32 @p0 $0x7, s4;
	s5 =	simm.s32 @p0 $0x3638;
	s0 =	sadd.s32 @p0 s2, s0  }
0x2d6: {  	[tilespmem:s5], [sflag:$0x6] =	stream.linear.gather @p0 [hbm4b:s0+s4], $0x2, $0x38;
	[tilespmem:$0x1F0E8] =	vst v63  }
0x2d7: {  	s0 =	simm.s32 @p0 $0x6  }
0x2d8: {  	_ =	swait.ge @p0 [sflag:s0], $0x2  }
0x2d9: {  	[sflag:s0] =	ssyncset.done @p0 $0x0  }
0x2da: {  	[sflag:s0] =	ssyncadd.s32 @p0 $0xFFFFFFFE  }
0x2db: {  	v1 =	vld @p0 [tilespmem:$0x3638];
	_ =	sdelay $0x2  }
0x2dc: {  	s0 =	sshll.u32 @p0 s3, $0x6  }
0x2dd: {  	s5 =	sshll.u32 @!p0 s3, $0x6;
	s4 =	sshrl.u32 @p0 s0, $0x2  }
0x2de: {  	s5 =	smov.u32 @p0 s0;
	[tilespmem:s4+$0x3678] =	vst.add.f32.msk @p0 $0xffff, v1  }
0x2df: {  	s0 =	sshrl.u32 s5, $0x2;
	[tilespmem:s1+$0x3658] =	vst.msk $0x1, v0  }
0x2e0: {  	v0 =	vld [tilespmem:s0+$0x3678];
	_ =	sdelay $0x2  }
0x2e1: {  	s31 =	sshll.u32 s1, $0x6  }
0x2e2: {  	s0 =	sshra.s32 s31, $0x2  }
0x2e3: {  	s1 =	sadd.s32 $0x1, s1;
	[tilespmem:s0+$0x3678] =	vst v0  }
.LBB2_30:
0x2e4: {  	s3 =	sadd.s32 $0x1, s3  }
0x2e5: {  	p0 =	sne.s32 s3, $0x20  }
.Ltmp19:
0x2e6: {  	_ = 	snop;
	(pc) =	sbr.rel @!p0 .LBB2_31-.Ltmp19, $1  }
0x2e7: {  	_ =	sdelay $0x3  }
.LBB2_23:
0x2e8: {  	v0 =	vld.msk [tilespmem:s3+$0x3658], $0x1;
	_ =	sdelay $0x4  }
0x2e9: {  	(v2sf) =	vpush v0, $0x0;
	_ =	sdelay $0xe  }
0x2ea: {  	s4 =	spop (v2sf)  }
0x2eb: {  	p0 =	seq.s32 s4, $0xFFFFFFFF  }
.Ltmp20:
0x2ec: {  	_ = 	snop;
	(pc) =	sbr.rel @p0 .LBB2_30-.Ltmp20, $1  }
0x2ed: {  	_ =	sdelay $0x3  }
0x2ee: {  	p0 =	slt.s32 s1, $0x1  }
.Ltmp21:
0x2ef: {  	_ = 	snop;
	(pc) =	sbr.rel @p0 .LBB2_28-.Ltmp21, $1  }
0x2f0: {  	_ =	sdelay $0x3  }
0x2f1: {  	s5 =	simm.s32 $0x3658;
	p0 =	por $0x0, $0x0  }
0x2f2: {  	v1 =	vld.msk @!p0 [tilespmem:s5+$0x0], $0x1;
	_ =	sdelay $0x4  }
0x2f3: {  	(v2sf) =	vpush @!p0 v1, $0x0;
	_ =	sdelay $0xd  }
0x2f4: {  	p2 =	sne.s32 s1, $0x1  }
.Ltmp22:
0x2f5: {  	s0 =	spop @!p0 (v2sf);
	(pc) =	sbr.rel @!p2 .LBB2_27-.Ltmp22, $4  }
0x2f6: {  	p1 =	seq.s32 @!p0 s4, s0  }
0x2f7: {  	s6 =	simm.s32 $0x0;
	p1 =	por !p1, p0  }
0x2f8: {  	s0 =	simm.s32 $0xFFFFFFFF;
	s6 =	simm.s32 @p1 $0xFFFFFFFF  }
0x2f9: {  	s7 =	simm.s32 $0x1;
	s6 =	smov.u32 @p0 s0  }
.LBB2_26:
0x2fa: {  	s0 =	smov.u32 s6;
	p0 =	sne.s32 s6, $0xFFFFFFFF  }
0x2fb: {  	s5 =	sadd.s32 $0x1, s5;
	s6 =	smov.u32 s7;
	s7 =	sadd.s32 $0x1, s7  }
0x2fc: {  	p1 =	sne.s32 s1, s7;
	v1 =	vld.msk @!p0 [tilespmem:s5+$0x0], $0x1;
	_ =	sdelay $0x4  }
0x2fd: {  	(v2sf) =	vpush @!p0 v1, $0x0;
	_ =	sdelay $0xe  }
.Ltmp23:
0x2fe: {  	s8 =	spop @!p0 (v2sf);
	(pc) =	sbr.rel @p1 .LBB2_26-.Ltmp23, $4  }
0x2ff: {  	p2 =	seq.s32 @!p0 s4, s8  }
0x300: {  	p2 =	por !p2, p0  }
0x301: {  	s6 =	simm.s32 @p2 $0xFFFFFFFF  }
0x302: {  	s6 =	smov.u32 @p0 s0  }
.LBB2_27:
0x303: {  	p0 =	sne.s32 s6, $0xFFFFFFFF  }
.Ltmp24:
0x304: {  	_ = 	snop;
	(pc) =	sbr.rel @!p0 .LBB2_28-.Ltmp24, $1  }
0x305: {  	_ =	sdelay $0x3  }
0x306: {  	s0 =	sshll.u32 s3, $0x4  }
0x307: {  	s0 =	sand.u32 $0x3FFFFFF0, s0  }
0x308: {  	v0 =	vld [tilespmem:s0+$0x3678]  }
.Ltmp25:
0x309: {  	_ = 	snop;
	(pc) =	sbr.rel .LBB2_30-.Ltmp25, $4  }
0x30a: {  	_ = 	snop  }
0x30b: {  	s31 =	sshll.u32 s6, $0x6  }
0x30c: {  	s0 =	sshra.s32 s31, $0x2  }
0x30d: {  	[tilespmem:s0+$0x3678] =	vst.add.f32.msk $0xffff, v0  }
.LBB2_31:
0x30e: {  	p0 =	slt.s32 s1, $0x1  }
.Ltmp26:
0x30f: {  	_ = 	snop;
	(pc) =	sbr.rel @p0 .LBB2_35-.Ltmp26, $3  }
0x310: {  	_ =	sdelay $0x1  }
0x311: {  	s0 =	simm.s32 $0x6  }
0x312: {  	s3 =	simm.s32 $0x0;
	[sflag:s0] =	ssyncpa.u1 $0x1  }
0x313: {  	s0 =	simm.s32 $0x3658  }
0x314: {  	v0 =	vld.msk [tilespmem:s0+$0x0], $0x1;
	_ =	sdelay $0x4  }
0x315: {  	(v2sf) =	vpush v0, $0x0;
	_ =	sdelay $0xd  }
0x316: {  	s1 =	sadd.s32 $0xFFFFFFFF, s1  }
0x317: {  	p1 =	sne.s32 s1, $0x0;
	s0 =	spop (v2sf)  }
.Ltmp27:
0x318: {  	p0 =	sgt.u32 s0, $0xC34FF;
	(pc) =	sbr.rel @!p1 .LBB2_34-.Ltmp27, $4  }
0x319: {  	s4 =	simm.s32 $0x3678;
	s5 =	sand.u32 @!p0 $0xFFFF8, s0  }
0x31a: {  	s6 =	simm.s32 $0x0;
	s0 =	sand.u32 @!p0 $0x7, s0;
	s5 =	sadd.s32 @!p0 s2, s5  }
0x31b: {  	[hbm4b:s5+s0] =	stream.linear.scatter @!p0 [tilespmem:s4], [sflag:$0x5], $0x2, $0x38;
	[tilespmem:$0x1F0E8] =	vst v63  }
0x31c: {  	s6 =	simm.s32 @!p0 $0x8;
	s5 =	simm.s32 $0x3659  }
.LBB2_33:
0x31d: {  	v0 =	vld.msk [tilespmem:s5+$0x0], $0x1;
	s1 =	sadd.s32 $0xFFFFFFFF, s1;
	s3 =	sadd.s32 s3, s6  }
0x31e: {  	p0 =	sne.s32 s1, $0x0;
	_ =	sdelay $0x3  }
0x31f: {  	(v2sf) =	vpush v0, $0x0;
	_ =	sdelay $0xe  }
.Ltmp28:
0x320: {  	s0 =	spop (v2sf);
	(pc) =	sbr.rel @p0 .LBB2_33-.Ltmp28, $4  }
0x321: {  	s6 =	simm.s32 $0x0;
	p1 =	sgt.u32 s0, $0xC34FF  }
0x322: {  	s4 =	sadd.s32 $0x10, s4;
	s6 =	simm.s32 @!p1 $0x8;
	s7 =	sand.u32 @!p1 $0xFFFF8, s0  }
0x323: {  	s5 =	sadd.s32 $0x1, s5;
	s0 =	sand.u32 @!p1 $0x7, s0;
	s7 =	sadd.s32 @!p1 s2, s7  }
0x324: {  	[hbm4b:s7+s0] =	stream.linear.scatter @!p1 [tilespmem:s4], [sflag:$0x5], $0x2, $0x38;
	[tilespmem:$0x1F0E8] =	vst v63  }
.LBB2_34:
0x325: {  	s0 =	sadd.s32 s3, s6  }
0x326: {  	s3 =	sshrl.u32 s0, $0x2  }
.LBB2_35:
0x327: {  	s0 =	simm.s32 $0x5  }
0x328: {  	_ =	swait.ge [sflag:s0], s3  }
0x329: {  	s1 =	ssub.s32 $0x0, s3;
	[sflag:s0] =	ssyncset.done $0x0  }
0x32a: {  	[sflag:s0] =	ssyncadd.s32 s1  }
0x32b: {  	[sflag:s0] =	ssyncpa.u1 $0x1  }
0x32c: {  	s30 =	simm.s32 $0x1;
	_ =	sfence  }
0x32d: {  	[sflag:s30] =	ssyncpa.u1 $0x1  }
0x32e: {  	_ =	strace $0x90000056  }
0x32f: {  	[bflag:$0x2] =	sbarrier.arrive $0xFFFF  }
0x330: {  	s31 =	rddreg [dreg:$0x1]  }
0x331: {  	s0 =	sadd.s32 $0x100000, s31  }
0x332: {  	[sflag:s0] =	ssyncadd.tile.s32 $0x1;
	_ =	shalt  }
.Lfunc_end2:
_tile_overlayer_lowered:
.L_overlay_start_2:
0x333: {  	(tag) =	ssettag $0x2  }
0x334: {  	s0 =	rddreg [dreg:$0x0];
	s2 =	stileid.u32  }
0x335: {  	s1 =	rddreg [dreg:$0x1];
	p0 =	sne.s32 s2, $0x0  }
0x336: {  	s3 =	rddreg [dreg:$0x2];
	[bflag:$0x3] =	sbarrier.arrive $0xFFFF;
	s2 =	simm.s32 @!p0 $0x1C01  }
0x337: {  	[timem:s3], [sflag:s2] =	dma.local @!p0 [hbm:s0], s1  }
0x338: {  	s0 =	simm.s32 @!p0 $0x1  }
0x339: {  	_ =	swait.ge @!p0 [sflag:s0], s1  }
0x33a: {  	s1 =	ssub.s32 @!p0 $0x0, s1;
	[sflag:s0] =	ssyncset.done @!p0 $0x0  }
0x33b: {  	[sflag:s0] =	ssyncadd.s32 @!p0 s1  }
0x33c: {  	[bflag:$0x3] =	sbarrier.arrive $0xFFFF  }
0x33d: {  	_ =	shalt  }

// kernel: scatter_offload_async_start.3
scs
__scs_entry_jumppad:
0x0: {  	(pc) =	sbr.rel $0x88, $3  }
0x1: {  	(tag) =	ssettag $0x0;
	lr =	simm.s32 $0x1  }
0x2: {  	[smem:$0x3F88] =	sst lr;
	_ =	strace $0xD0000000  }
0x3: {  	_ = 	snop  }
0x4: {  	_ = 	snop  }
0x5: {  	_ = 	snop  }
0x6: {  	_ = 	snop  }
0x7: {  	_ = 	snop  }
__scs_overlays_trampoline_lowered:
0x8: {  	[smem:$0x3F97] =	sst s0  }
0x9: {  	[smem:$0x3F98] =	sst s1  }
0xa: {  	[smem:$0x3F99] =	sst s2  }
0xb: {  	[smem:$0x3F9A] =	sst s3  }
0xc: {  	[smem:$0x3F9B] =	sst s4  }
0xd: {  	[smem:$0x3F9C] =	sst s5  }
0xe: {  	[smem:$0x3F9D] =	sst s6  }
0xf: {  	[smem:$0x3F9E] =	sst s7  }
0x10: {  	[smem:$0x3F9F] =	sst s8  }
0x11: {  	[smem:$0x3FA0] =	sst s9;
	s0 =	simm.s32 @!p0 $0x0  }
0x12: {  	s1 =	sld [smem:$0x3F86];
	s0 =	simm.s32 @p0 $0x1  }
0x13: {  	[smem:$0x3FA1] =	sst s0;
	s0 =	simm.s32 @!p1 $0x0  }
0x14: {  	s2 =	sld [smem:$0x3F85];
	s0 =	simm.s32 @p1 $0x1  }
0x15: {  	[smem:$0x3FA2] =	sst s0;
	s0 =	simm.s32 @!p2 $0x0  }
0x16: {  	s3 =	sld [smem:$0x3FDB];
	s0 =	simm.s32 @p2 $0x1  }
0x17: {  	s4 =	simm.s32 $0x1BF5;
	[smem:$0x3FA4] =	sst s0  }
0x18: {  	s0 =	sld [smem:$0x3F87];
	_ =	swait.ge [sflag:s4], $0x0  }
0x19: {  	s7 =	sld [smem:$0x3F88]  }
0x1a: {  	s8 =	sadd.s32 $0xFFFFE003, lr  }
0x1b: {  	s9 =	sadd.s32 $0xFFFFFEF7, lr;
	s5 =	simm.s32 $0xFFFFFFFF;
	p2 =	slt.u32 s8, $0xFFFFF086  }
0x1c: {  	p1 =	slt.u32 s9, $0xF7A;
	s5 =	simm.s32 @!p2 $0x0  }
0x1d: {  	s5 =	simm.s32 @p1 $0x1;
	p0 =	seq.s32 s7, s2  }
0x1e: {  	s7 =	smul.u32 @!p0 $0xF7A, s2;
	p2 =	seq.s32 @!p0 s5, $0x0  }
0x1f: {  	s9 =	smul.u32 $0xF7A, s1;
	s8 =	simm.s32 @!p0 $0x1BF5;
	p2 =	por !p2, p0  }
0x20: {  	[sflag:s8] =	ssyncset.s32 @!p0 $0xFFFFF086;
	s6 =	sadd.s32 @!p0 s3, s7;
	s7 =	simm.s32 @!p0 $0x108  }
0x21: {  	s3 =	sadd.s32 s3, s9;
	s6 =	sadd.s32 @!p0 $0x88, s6;
	s7 =	simm.s32 @p2 $0x1082  }
0x22: {  	[simem:s7], [sflag:s8] =	dma.local @!p0 [hbm:s6], $0xF7A  }
0x23: {  	s9 =	sor.u32 $0xD0000000, s2;
	s6 =	simm.s32 $0x108;
	_ =	swait.ge @!p0 [sflag:s8], $0x0  }
0x24: {  	s3 =	sadd.s32 $0x88, s3;
	s6 =	simm.s32 @!p1 $0x1082;
	[sflag:s4] =	ssyncset.s32 $0xFFFFF086  }
0x25: {  	[simem:s6], [sflag:s4] =	dma.local [hbm:s3], $0xF7A  }
0x26: {  	[smem:$0x3F88] =	sst s1;
	(tag) =	ssettag s2;
	_ =	strace s9  }
0x27: {  	s1 =	sld [smem:$0x3F98]  }
0x28: {  	s2 =	sld [smem:$0x3F99]  }
0x29: {  	s4 =	sld [smem:$0x3F9B]  }
0x2a: {  	p0 =	seq.s32 s5, $0x0;
	s5 =	sld [smem:$0x3F9C]  }
0x2b: {  	s6 =	sld [smem:$0x3F9D]  }
0x2c: {  	s7 =	sld [smem:$0x3F9E]  }
0x2d: {  	s3 =	simm.s32 $0x108;
	s8 =	sld [smem:$0x3F9F]  }
0x2e: {  	s3 =	simm.s32 @!p0 $0x1082;
	s9 =	sld [smem:$0x3FA0]  }
0x2f: {  	lr =	sadd.s32 s0, s3;
	s0 =	sld [smem:$0x3F97]  }
0x30: {  	s3 =	sld [smem:$0x3F9A]  }
0x31: {  	[smem:$0x3FA3] =	sst s10  }
0x32: {  	s10 =	sld [smem:$0x3FA1];
	_ =	sdelay $0x3  }
0x33: {  	p0 =	seq.s32 s10, $0x1;
	s10 =	sld [smem:$0x3FA3];
	_ =	sdelay $0x3  }
0x34: {  	[smem:$0x3FA3] =	sst s10  }
0x35: {  	s10 =	sld [smem:$0x3FA2];
	_ =	sdelay $0x3  }
0x36: {  	p1 =	seq.s32 s10, $0x1;
	s10 =	sld [smem:$0x3FA3];
	_ =	sdelay $0x3  }
0x37: {  	[smem:$0x3FA3] =	sst s10  }
0x38: {  	s10 =	sld [smem:$0x3FA4]  }
0x39: {  	_ = 	snop;
	(pc) =	sbr.ind lr, $3  }
0x3a: {  	_ = 	snop  }
0x3b: {  	_ = 	snop  }
0x3c: {  	p2 =	seq.s32 s10, $0x1;
	s10 =	sld [smem:$0x3FA3]  }
0x3d: {  	_ =	shalt  }
0x3e: {  	_ =	shalt  }
0x3f: {  	_ =	shalt  }
0x40: {  	_ =	shalt  }
0x41: {  	_ =	shalt  }
0x42: {  	_ =	shalt  }
0x43: {  	_ =	shalt  }
0x44: {  	_ =	shalt  }
0x45: {  	_ =	shalt  }
0x46: {  	_ =	shalt  }
0x47: {  	_ =	shalt  }
0x48: {  	_ =	shalt  }
0x49: {  	_ =	shalt  }
0x4a: {  	_ =	shalt  }
0x4b: {  	_ =	shalt  }
0x4c: {  	_ =	shalt  }
0x4d: {  	_ =	shalt  }
0x4e: {  	_ =	shalt  }
0x4f: {  	_ =	shalt  }
0x50: {  	_ =	shalt  }
0x51: {  	_ =	shalt  }
0x52: {  	_ =	shalt  }
0x53: {  	_ =	shalt  }
0x54: {  	_ =	shalt  }
0x55: {  	_ =	shalt  }
0x56: {  	_ =	shalt  }
0x57: {  	_ =	shalt  }
0x58: {  	_ =	shalt  }
0x59: {  	_ =	shalt  }
0x5a: {  	_ =	shalt  }
0x5b: {  	_ =	shalt  }
0x5c: {  	_ =	shalt  }
0x5d: {  	_ =	shalt  }
0x5e: {  	_ =	shalt  }
0x5f: {  	_ =	shalt  }
0x60: {  	_ =	shalt  }
0x61: {  	_ =	shalt  }
0x62: {  	_ =	shalt  }
0x63: {  	_ =	shalt  }
0x64: {  	_ =	shalt  }
0x65: {  	_ =	shalt  }
0x66: {  	_ =	shalt  }
0x67: {  	_ =	shalt  }
0x68: {  	_ =	shalt  }
0x69: {  	_ =	shalt  }
0x6a: {  	_ =	shalt  }
0x6b: {  	_ =	shalt  }
0x6c: {  	_ =	shalt  }
0x6d: {  	_ =	shalt  }
0x6e: {  	_ =	shalt  }
0x6f: {  	_ =	shalt  }
0x70: {  	_ =	shalt  }
0x71: {  	_ =	shalt  }
0x72: {  	_ =	shalt  }
0x73: {  	_ =	shalt  }
0x74: {  	_ =	shalt  }
0x75: {  	_ =	shalt  }
0x76: {  	_ =	shalt  }
0x77: {  	_ =	shalt  }
0x78: {  	_ =	shalt  }
0x79: {  	_ =	shalt  }
0x7a: {  	_ =	shalt  }
0x7b: {  	_ =	shalt  }
0x7c: {  	_ =	shalt  }
0x7d: {  	_ =	shalt  }
0x7e: {  	_ =	shalt  }
0x7f: {  	_ =	shalt  }
0x80: {  	_ =	shalt  }
0x81: {  	_ =	shalt  }
0x82: {  	_ =	shalt  }
0x83: {  	_ =	shalt  }
0x84: {  	_ =	shalt  }
0x85: {  	_ =	shalt  }
0x86: {  	_ =	shalt  }
0x87: {  	_ =	shalt  }
.Lfunc_end0:
.L_simem_size_0:
called_computation.3_lowered:
.L_overlay_start_0:
0x88: {  	s0 =	sld [smem:$0x3FD9]  }
0x89: {  	s1 =	sld [smem:$0x3FFE];
	_ =	sdelay $0x3  }
0x8a: {  	s0 =	sadd.s32 s1, s0  }
0x8b: {  	[smem:$0x3FAF] =	sst s0  }
0x8c: {  	_ = 	snop  }
0x8d: {  	(tm) =	ssettm $0x1  }
0x8e: {  	s15 =	sld [smem:$0x3FFB];
	_ =	sdelay $0x3  }
0x8f: {  	_ =	strace s15  }
0x90: {  	s0 =	sld [smem:$0x3FFC];
	_ =	sdelay $0x3  }
0x91: {  	_ =	strace s0  }
0x92: {  	s0 =	sld [smem:$0x3FFD];
	_ =	sdelay $0x3  }
0x93: {  	_ =	strace s0  }
0x94: {  	_ =	strace $0x8FFFFFFF  }
0x95: {  	s16 =	sld [smem:$0x3FDB];
	_ =	sdelay $0x1  }
0x96: {  	s17 =	simm.s32 $_scs_section_size  }
0x97: {  	s2 =	simm.s32 $_size__tile_overlayer_lowered;
	s3 =	simm.s32 $_tile_overlayer_lowered  }
0x98: {  	s20 =	simm.s32 $0x1BFF;
	s19 =	sshll.u32 s3, $0x1;
	s0 =	sadd.s32 s17, s16  }
0x99: {  	s4 =	simm.s32 $0x0;
	s18 =	sshll.u32 s2, $0x1;
	s2 =	sadd.s32 s19, s0  }
0x9a: {  	[timem:s4], [sflag:s20] =	dma.local [hbm:s2], s18  }
0x9b: {  	_ =	swait.ge [sflag:s20], s18  }
0x9c: {  	s1 =	ssub.s32 $0x0, s18;
	[sflag:s20] =	ssyncset.done $0x0  }
0x9d: {  	[sflag:s20] =	ssyncadd.s32 s1;
	_ =	sdelay $0x1  }
0x9e: {  	s21 =	simm.s32 $0x1B8B  }
0x9f: {  	_ =	swait.ge [sflag:s21], $0x1  }
0xa0: {  	[sflag:s21] =	ssyncset.done $0x0  }
0xa1: {  	s23 =	simm.s32 $0x1B8E;
	s22 =	sld [smem:$0x3FFE];
	[sflag:s21] =	ssyncadd.s32 $0xFFFFFFFF  }
0xa2: {  	s24 =	simm.s32 $execute0_lowered;
	[smem:$0x3FD2] =	sst s23  }
0xa3: {  	s2 =	sshll.u32 s24, $0x1;
	_ =	strace $0x80000058;
	[dreg:$0x1] =	wrdreg $0xFFFFFFFF  }
0xa4: {  	s25 =	simm.s32 $_size_execute0_lowered;
	s0 =	sadd.s32 s0, s2;
	[dreg:$0x0] =	wrdreg $0x0  }
0xa5: {  	s2 =	sshll.u32 s25, $0x1;
	[dreg:$0x2] =	wrdreg s0  }
0xa6: {  	[dreg:$0x3] =	wrdreg s2  }
0xa7: {  	[dreg:$0x4] =	wrdreg $0xC0  }
0xa8: {  	_ =	task [dreg:s4], $0x5FFFF  }
0xa9: {  	[dreg:$0x1] =	wrdreg $0xFFFFFFFF  }
0xaa: {  	[dreg:$0x0] =	wrdreg $0x60  }
0xab: {  	[dreg:$0x2] =	wrdreg s22  }
0xac: {  	[dreg:$0x3] =	wrdreg $0xA  }
0xad: {  	_ =	task.clear_ibuf [dreg:s4], $0x4FFFF;
	_ =	strace $0x90000058  }
0xae: {  	s26 =	simm.s32 $0xA;
	_ =	strace $0x8000005A  }
0xaf: {  	_ =	swait.ge [sflag:s26], $0x1  }
0xb0: {  	[sflag:s26] =	ssyncadd.s32 $0xFFFFFFFF  }
0xb1: {  	_ =	strace $0x9000005A  }
0xb2: {  	_ =	sfence  }
0xb3: {  	s28 =	sld [smem:$0x0];
	_ =	sdelay $0x1  }
0xb4: {  	s29 =	srdreg.scid  }
0xb5: {  	s30 =	sshll.u32 s29, $0xD;
	s31 =	sshrl.u32 s29, $0x2  }
0xb6: {  	s1 =	sand.u32 $0x1, s29;
	s2 =	sand.u32 $0x4000, s30;
	s0 =	sadd.s32 s31, s28  }
0xb7: {  	s1 =	sor.u32 s2, s1;
	s0 =	sshll.u32 s0, $0x11  }
0xb8: {  	s0 =	sor.u32 s0, s1  }
0xb9: {  	s0 =	sadd.s32 $0x8F2B, s0  }
0xba: {  	[sflag:s0] =	ssyncadd.remote.s32 $0x1  }
0xbb: {  	_ =	sfence.sel $0xFFFF  }
0xbc: {  	[dreg:$0x0] =	wrdreg $0xFFFFFFFF;
	(pc) =	sbr.abs _section_cstart, $3  }
0xbd: {  	[dreg:$0x1] =	wrdreg $0xFFFFFFFF  }
0xbe: {  	_ =	task.clear_ibuf [dreg:s4], $0x2FFFF;
	_ =	strace $0x9FFFFFFF  }
0xbf: {  	(tm) =	ssettm $0x7FFFFFFF  }
tec
execute0_lowered:
.L_overlay_start_1:
0x0: {  	(tag) =	ssettag $0x1  }
0x1: {  	s31 =	rddreg [dreg:$0x0];
	_ =	strace $0x80000059;
	s0 =	simm.s32 $0x1  }
0x2: {  	s8 =	simm.s32 $0x88;
	v0 =	vimm.s32 $0x0;
	[sflag:s0] =	ssyncpa.u1 $0x0  }
0x3: {  	[tilespmem:s8+$0x30] =	vst v0  }
0x4: {  	s1 =	sadd.s32 $0x2073200, s31;
	[tilespmem:s8+$0x20] =	vst v0  }
0x5: {  	s4 =	sadd.s32 $0x2D6B800, s31;
	s5 =	sadd.s32 $0x65000, s31;
	s0 =	simm.s32 $0x40;
	[tilespmem:s8+$0x10] =	vst v0  }
.LBB2_1:
0x6: {  	s0 =	sadd.s32 $0x40, s0  }
0x7: {  	[tilespmem:s8+$0x0] =	vst v0;
	s8 =	sadd.s32 $0x40, s8;
	p0 =	slt.u32 s0, $0x5040  }
.Ltmp0:
0x8: {  	(pc) =	sbr.rel @p0 .LBB2_1-.Ltmp0, $4  }
0x9: {  	_ = 	snop  }
0xa: {  	[tilespmem:s8+$0x30] =	vst v0  }
0xb: {  	[tilespmem:s8+$0x20] =	vst v0  }
0xc: {  	[tilespmem:s8+$0x10] =	vst v0  }
0xd: {  	s9 =	stileid.u32  }
0xe: {  	s0 =	simm.s32 $0x1;
	p0 =	sne.s32 s9, $0x0;
	s2 =	smul.u32 $0xA6, s9  }
0xf: {  	s0 =	simm.s32 @!p0 $0x0  }
0x10: {  	s0 =	sor.u32 s0, s2  }
0x11: {  	p1 =	seq.s32 s9, $0x0;
	s6 =	smul.u32 $0x140, s0;
	s0 =	simm.s32 $0xD0C0  }
0x12: {  	s0 =	simm.s32 @!p1 $0xCF80  }
0x13: {  	s0 =	sadd.s32 s0, s6  }
0x14: {  	s7 =	smin.u32 s0, $0xCF850  }
0x15: {  	s0 =	ssub.s32 s7, s6  }
0x16: {  	p1 =	sgt.s32 s0, $0x0  }
0x17: {  	s0 =	simm.s32 @!p1 $0x0  }
0x18: {  	s3 =	simm.s32 $0x2;
	s29 =	simm.s32 $0x7;
	s28 =	smulhi.u32 $0x66666667, s0  }
0x19: {  	s10 =	simm.s32 $0x8;
	s11 =	simm.s32 $0x1;
	s15 =	simm.s32 $0x0  }
0x1a: {  	p2 =	por $0x0, $0x0;
	s16 =	simm.s32 $0xA;
	s2 =	sshrl.u32 s28, $0x7  }
0x1b: {  	s20 =	simm.s32 $0x0;
	s17 =	simm.s32 $0x0;
	s30 =	smul.u32 $0x140, s2  }
.Ltmp1:
0x1c: {  	[tilespmem:s8+$0x0] =	vst v0;
	v0 =	vimm.s32 $0xFFFFFFFF;
	s19 =	simm.s32 $0x0;
	[sflag:s3] =	ssyncpa.u1 $0x0;
	(pc) =	sbr.rel .LBB2_3-.Ltmp1, $4  }
0x1d: {  	[tilespmem:$0xA108] =	vst v0;
	[sflag:s29] =	ssyncpa.u1 $0x0;
	p1 =	sne.s32 s0, s30;
	s0 =	simm.s32 $0x1  }
0x1e: {  	[sflag:s10] =	ssyncpa.u1 $0x0;
	s10 =	simm.s32 $0x9;
	s0 =	simm.s32 @!p1 $0x0  }
0x1f: {  	s13 =	sshll.u32 s9, $0x7;
	[sflag:s10] =	ssyncpa.u1 $0x0;
	s12 =	sadd.s32 s0, s2  }
0x20: {  	v0 =	vlaneseq.u32;
	s18 =	smov.u32 s6;
	p1 =	por $0x1, $0x1;
	s14 =	sadd.s32 $0x1, s12  }
.LBB2_24:
0x21: {  	s0 =	sshrl.u32 s29, $0x2  }
.LBB2_26:
0x22: {  	_ =	swait.ge [sflag:s16], s0  }
0x23: {  	s30 =	ssub.s32 $0x0, s0;
	v1 =	vmov s22;
	vm0 =	veq.s32 v0, $0x0;
	[sflag:s16] =	ssyncset.done $0x0  }
0x24: {  	vm15 =	veq.s32 v0, $0x2;
	v1 =	vsel vm0, s28, v1;
	[sflag:s16] =	ssyncadd.s32 s30  }
0x25: {  	v1 =	vsel vm15, s20, v1;
	[sflag:s16] =	ssyncpa.u1 $0x1  }
0x26: {  	[tilespmem:$0xA108] =	vst v1  }
.LBB2_27:
0x27: {  	s0 =	sadd.s32 $0x140, s18  }
0x28: {  	s2 =	smov.u32 s6;
	p3 =	slt.s32 s0, s7  }
0x29: {  	s2 =	smov.u32 @p3 s0;
	p3 =	sne.s32 s19, s14  }
.Ltmp2:
0x2a: {  	_ = 	snop;
	(pc) =	sbr.rel @!p3 .LBB2_28-.Ltmp2, $4  }
0x2b: {  	_ = 	snop  }
0x2c: {  	s20 =	smov.u32 s17  }
0x2d: {  	s30 =	sadd.s32 $0x1, s19;
	s17 =	smov.u32 s18;
	p1 =	por !p1, !p1  }
0x2e: {  	p2 =	por !p2, !p2;
	s19 =	smov.u32 s30;
	s18 =	smov.u32 s2  }
.LBB2_3:
0x2f: {  	p3 =	sge.u32 s19, s12  }
0x30: {  	s0 =	smulhi.u32 @!p3 $0xAAAAAAAB, s19  }
0x31: {  	s2 =	smov.u32 s18;
	p4 =	sgt.s32 @!p3 s18, $0xCF710  }
0x32: {  	s3 =	sshra.s32 @!p3 s18, $0x1F;
	p4 =	por !p4, p3;
	s0 =	sshrl.u32 @!p3 s0, $0x1  }
0x33: {  	s3 =	sand.u32 @!p3 s3, s18;
	s2 =	simm.s32 @p4 $0xCF710;
	s0 =	smul.u32 @!p3 $0x3, s0  }
0x34: {  	s2 =	ssub.s32 @!p3 s2, s3  }
0x35: {  	s22 =	sadd.s32 $0xFFFFFFFF, s19;
	s2 =	sadd.s32 @!p3 $0xFFF308F0, s2;
	s0 =	ssub.s32 @!p3 s19, s0  }
0x36: {  	s3 =	sshll.u32 @!p3 s2, $0x2;
	p4 =	sgt.s32 @!p3 s2, $0x13F;
	s0 =	smul.u32 @!p3 $0x500, s0  }
0x37: {  	s21 =	sand.u32 @!p3 $0x7, s18;
	s2 =	ssub.s32 @!p3 $0x500, s3;
	p4 =	por !p4, p3  }
0x38: {  	s3 =	sshrl.u32 @!p3 s18, $0x3;
	s2 =	sshrl.u32 @!p3 s2, $0x2;
	s0 =	sshrl.u32 @!p3 s0, $0x2  }
0x39: {  	s3 =	sadd.s32 @!p3 s5, s3;
	s2 =	simm.s32 @!p4 $0x0;
	s0 =	sadd.s32 @!p3 $0xA938, s0  }
0x3a: {  	[tilespmem:s0], [sflag:$0x8] =	stream.linear.gather @!p3 [hbm4b:s3+s21], s2, $0x38;
	[tilespmem:$0x1EF78] =	vst v63  }
0x3b: {  	p3 =	sge.u32 s22, s12  }
0x3c: {  	p4 =	sgt.s32 @!p3 s17, $0xCF710  }
0x3d: {  	s0 =	smov.u32 s17;
	s2 =	sshra.s32 @!p3 s17, $0x1F;
	p4 =	por !p4, p3  }
0x3e: {  	s2 =	sand.u32 @!p3 s2, s17;
	s0 =	simm.s32 @p4 $0xCF710  }
0x3f: {  	s0 =	ssub.s32 @!p3 s0, s2  }
0x40: {  	s0 =	sadd.s32 @!p3 $0xFFF308F0, s0  }
0x41: {  	s2 =	sshll.u32 @!p3 s0, $0x2  }
0x42: {  	p4 =	sgt.s32 @!p3 s0, $0x13F;
	s0 =	ssub.s32 @!p3 $0x500, s2  }
0x43: {  	p4 =	por !p4, p3;
	s0 =	sshrl.u32 @!p3 s0, $0x2  }
0x44: {  	s3 =	simm.s32 @!p3 $0x8;
	s2 =	sand.u32 @!p3 $0x1, s22;
	s0 =	simm.s32 @!p4 $0x0  }
0x45: {  	s2 =	smul.u32 @!p3 $0x500, s2;
	_ =	swait.ge @!p3 [sflag:s3], s0  }
0x46: {  	s21 =	ssub.s32 @!p3 $0x0, s0;
	[sflag:s3] =	ssyncset.done @!p3 $0x0  }
0x47: {  	s2 =	sshrl.u32 @!p3 s2, $0x2;
	[sflag:s3] =	ssyncadd.s32 @!p3 s21;
	s3 =	sshrl.u32 @!p3 s17, $0x3  }
0x48: {  	s2 =	sadd.s32 @!p3 $0xACF8, s2;
	s21 =	sand.u32 @!p3 $0x7, s17;
	s3 =	sadd.s32 @!p3 s31, s3  }
0x49: {  	[tilespmem:s2], [sflag:$0x9] =	stream.linear.gather @!p3 [hbm4b:s3+s21], s0, $0x38;
	[tilespmem:$0x1EF78] =	vst v63  }
0x4a: {  	s21 =	ssub.s32 @!p3 $0xCF850, s17  }
0x4b: {  	p4 =	slt.s32 @!p3 s21, $0x1  }
0x4c: {  	p4 =	por p3, p4  }
.Ltmp3:
0x4d: {  	_ = 	snop;
	(pc) =	sbr.rel @p4 .LBB2_9-.Ltmp3, $1  }
0x4e: {  	_ =	sdelay $0x3  }
0x4f: {  	s0 =	smulhi.u32 $0xAAAAAAAB, s22;
	_ =	sdelay $0x1  }
0x50: {  	s0 =	sshrl.u32 s0, $0x1  }
0x51: {  	s0 =	smul.u32 $0x3, s0;
	_ =	sdelay $0x1  }
0x52: {  	s0 =	ssub.s32 s22, s0  }
0x53: {  	s2 =	simm.s32 $0x1;
	s0 =	smul.u32 $0x500, s0  }
.Ltmp4:
0x54: {  	s2 =	simm.s32 @!p1 $0x0;
	(pc) =	sbr.rel .LBB2_6-.Ltmp4, $4  }
0x55: {  	s2 =	smul.u32 $0x28000, s2  }
0x56: {  	p4 =	slt.s32 @!p3 s21, $0x140;
	s0 =	sshrl.u32 s0, $0x2  }
0x57: {  	p3 =	por !p4, p3;
	s2 =	sshrl.u32 s2, $0x2;
	s0 =	sadd.s32 $0xA938, s0  }
0x58: {  	s23 =	simm.s32 $0x0;
	s21 =	simm.s32 @p3 $0x140;
	s22 =	sadd.s32 $0xAF78, s2;
	v1 =	vmov s0  }
.LBB2_5:
0x59: {  	p3 =	sge.s32 s23, s21  }
.Ltmp5:
0x5a: {  	_ = 	snop;
	(pc) =	sbr.rel @p3 .LBB2_9-.Ltmp5, $2  }
0x5b: {  	_ =	sdelay $0x2  }
0x5c: {  	s22 =	sadd.s32 $0x800, s22  }
.LBB2_6:
0x5d: {  	p3 =	sle.s32 s21, s23  }
.Ltmp6:
0x5e: {  	_ = 	snop;
	(pc) =	sbr.rel @p3 .LBB2_5-.Ltmp6, $2  }
0x5f: {  	_ =	sdelay $0x2  }
0x60: {  	s24 =	smov.u32 s23;
	s23 =	sadd.s32 $0x10, s23  }
0x61: {  	s0 =	ssub.s32 s21, s24  }
0x62: {  	p3 =	slt.s32 s0, $0x10  }
0x63: {  	s0 =	simm.s32 @!p3 $0x10  }
0x64: {  	v2 =	vmov s0  }
0x65: {  	vm0 =	vgt.s32 v2, v0;
	_ =	sdelay $0x5  }
0x66: {  	v2 =	vld.idx.msk [tilespmem:v1+s24+$0x0 ss:$0x1], vm0;
	_ =	sdelay $0x2  }
0x67: {  	p3 =	slt.s32 s23, s21;
	s0 =	smov.u32 s21  }
0x68: {  	s3 =	smov.u32 s22;
	s25 =	simm.s32 $0x0;
	s0 =	smov.u32 @p3 s23  }
.LBB2_8:
0x69: {  	(v2sf) =	vpush v2, s25;
	_ =	sdelay $0xc  }
0x6a: {  	s25 =	sadd.s32 $0x1, s25  }
0x6b: {  	s30 =	sadd.s32 s25, s24  }
0x6c: {  	p3 =	slt.s32 s30, s0;
	s2 =	spop (v2sf)  }
.Ltmp7:
0x6d: {  	s2 =	sshll.u32 s2, $0x4;
	(pc) =	sbr.rel @p3 .LBB2_8-.Ltmp7, $4  }
0x6e: {  	s2 =	sand.u32 $0x1FFFFFF0, s2  }
0x6f: {  	s2 =	sadd.s32 s4, s2  }
0x70: {  	[tilespmem:s3], [sflag:$0x7] =	stream.linear.gather [hbm4b:s2+s15], $0x40, $0x38;
	[tilespmem:$0x1EF78] =	vst v63  }
0x71: {  	s3 =	sadd.s32 $0x80, s3  }
.Ltmp8:
0x72: {  	_ = 	snop;
	(pc) =	sbr.rel .LBB2_5-.Ltmp8, $1  }
0x73: {  	_ =	sdelay $0x3  }
.LBB2_9:
0x74: {  	p3 =	slt.u32 s19, $0x2  }
.Ltmp9:
0x75: {  	_ = 	snop;
	(pc) =	sbr.rel @p3 .LBB2_27-.Ltmp9, $1  }
0x76: {  	_ =	sdelay $0x3  }
0x77: {  	p3 =	sgt.s32 s20, $0xCF710;
	s0 =	smov.u32 s20  }
0x78: {  	s2 =	sshra.s32 s20, $0x1F;
	s3 =	ssub.s32 $0xCF850, s20;
	s0 =	simm.s32 @!p3 $0xCF710  }
0x79: {  	s2 =	sand.u32 s2, s20;
	p3 =	slt.s32 s3, $0x140;
	s21 =	smov.u32 s3  }
0x7a: {  	s0 =	ssub.s32 s0, s2;
	s21 =	simm.s32 @!p3 $0x140  }
0x7b: {  	s0 =	sadd.s32 $0xFFF308F0, s0;
	s25 =	sshll.u32 s21, $0x6  }
0x7c: {  	s8 =	simm.s32 $0x7;
	s26 =	sshll.u32 s0, $0x2;
	s2 =	sand.u32 $0x3FFFFFC0, s25  }
0x7d: {  	p3 =	sgt.s32 s0, $0x13F;
	s29 =	ssub.s32 $0x500, s26;
	_ =	swait.ge [sflag:s8], s2  }
0x7e: {  	s2 =	ssub.s32 $0x0, s2;
	[sflag:s8] =	ssyncset.done $0x0;
	s0 =	sshrl.u32 s29, $0x2  }
0x7f: {  	[sflag:s8] =	ssyncadd.s32 s2;
	s0 =	simm.s32 @p3 $0x0  }
0x80: {  	_ =	swait.ge [sflag:s10], s0  }
0x81: {  	s0 =	ssub.s32 $0x0, s0;
	[sflag:s10] =	ssyncset.done $0x0  }
0x82: {  	[sflag:s10] =	ssyncadd.s32 s0  }
0x83: {  	v1 =	vld [tilespmem:$0xA108];
	_ =	sdelay $0x4  }
0x84: {  	(v2sf) =	vpush v1, $0x0  }
0x85: {  	(v2sf) =	vpush v1, $0x1  }
0x86: {  	(v2sf) =	vpush v1, $0x2;
	_ =	sdelay $0x3  }
0x87: {  	s0 =	sadd.s32 $0x140, s20  }
0x88: {  	p3 =	slt.s32 s7, s0  }
0x89: {  	s0 =	smov.u32 @p3 s7;
	p3 =	sgt.s32 s3, $0x0  }
0x8a: {  	s24 =	ssub.s32 s0, s20;
	s3 =	simm.s32 @!p3 $0x0  }
0x8b: {  	p3 =	slt.s32 s3, s24  }
0x8c: {  	s24 =	smov.u32 @p3 s3  }
0x8d: {  	s23 =	simm.s32 $0x1;
	p3 =	slt.s32 s24, $0x1  }
.Ltmp10:
0x8e: {  	s23 =	simm.s32 @!p2 $0x0;
	(pc) =	sbr.rel @p3 .LBB2_14-.Ltmp10, $4  }
0x8f: {  	s30 =	smul.u32 $0x500, s23  }
0x90: {  	s25 =	spop (v2sf)  }
0x91: {  	s0 =	sshrl.u32 s30, $0x2;
	s28 =	spop (v2sf)  }
0x92: {  	s21 =	sadd.s32 $0xACF8, s0;
	s20 =	spop (v2sf)  }
0x93: {  	s0 =	smin.u32 s24, $0x10  }
0x94: {  	v1 =	vmov s0  }
0x95: {  	p4 =	sgt.s32 s24, $0x10;
	vm1 =	vgt.u32 v1, v0  }
.Ltmp11:
0x96: {  	_ = 	snop;
	(pc) =	sbr.rel @!p4 .LBB2_13-.Ltmp11, $2  }
0x97: {  	_ =	sdelay $0x2  }
0x98: {  	s26 =	simm.s32 $0x10;
	s29 =	sadd.s32 $0xFFFFFFF0, s24;
	s22 =	smov.u32 s21;
	vm0 =	vmmov vm1  }
.LBB2_12:
0x99: {  	s0 =	smin.u32 s29, $0x10;
	s26 =	sadd.s32 $0x10, s26;
	v1 =	vld.msk [tilespmem:s22+$0x0 ss:$0x1], vm1  }
0x9a: {  	v2 =	vmov s0;
	p4 =	slt.s32 s26, s24  }
0x9b: {  	vm1 =	vgt.u32 v2, v0  }
.Ltmp12:
0x9c: {  	(pc) =	sbr.rel @p4 .LBB2_12-.Ltmp12, $3  }
0x9d: {  	_ =	sdelay $0x1  }
0x9e: {  	v1 =	vshll.u32 v1, $0x4  }
0x9f: {  	s29 =	sadd.s32 $0xFFFFFFF0, s29;
	[tilespmem:s22+$0x0] =	vst.msk vm0, v1;
	s22 =	sadd.s32 $0x10, s22;
	vm0 =	vmmov vm1  }
.LBB2_13:
0xa0: {  	_ =	sdelay $0x4  }
0xa1: {  	v1 =	vld.msk [tilespmem:s22+$0x0 ss:$0x1], vm1;
	_ =	sdelay $0x4  }
0xa2: {  	v1 =	vshll.u32 v1, $0x4  }
0xa3: {  	[tilespmem:s22+$0x0] =	vst.msk vm0, v1  }
.LBB2_14:
0xa4: {  	s0 =	sand.u32 $0x1, s19  }
0xa5: {  	s0 =	smul.u32 $0x140, s0  }
0xa6: {  	p4 =	sne.s32 s28, $0xFFFFFFFF  }
0xa7: {  	v1 =	vld.msk @!p4 [tilespmem:s0+$0xACF8], $0x1;
	_ =	sdelay $0x4  }
0xa8: {  	(v2sf) =	vpush @!p4 v1, $0x0;
	_ =	sdelay $0xc  }
.Ltmp13:
0xa9: {  	_ = 	snop;
	(pc) =	sbr.rel @p3 .LBB2_25-.Ltmp13, $4  }
0xaa: {  	_ = 	snop  }
0xab: {  	s26 =	spop @!p4 (v2sf)  }
0xac: {  	s20 =	simm.s32 @!p4 $0x0;
	s22 =	smov.u32 s26  }
0xad: {  	[sflag:s16] =	ssyncpa.u1 $0x0;
	s26 =	smov.u32 @p4 s25;
	s22 =	smov.u32 @p4 s28  }
0xae: {  	v1 =	vld.msk [tilespmem:s21+$0x0], $0x1;
	_ =	sdelay $0x4  }
0xaf: {  	(v2sf) =	vpush v1, $0x0;
	_ =	sdelay $0xe  }
0xb0: {  	s0 =	smul.u32 $0x28000, s23;
	s30 =	spop (v2sf)  }
0xb1: {  	s24 =	ssub.s32 $0x0, s24;
	p3 =	seq.s32 s26, s30  }
0xb2: {  	s28 =	sadd.s32 $0x1, s24;
	s0 =	sshrl.u32 s0, $0x2;
	p4 =	sgt.s32 @!p3 s26, $0x0  }
0xb3: {  	s23 =	sadd.s32 $0xAF98, s0;
	s0 =	smov.u32 s26;
	p4 =	por !p4, p3  }
0xb4: {  	s0 =	simm.s32 @p4 $0x0;
	p4 =	seq.s32 s28, $0x0  }
.Ltmp14:
0xb5: {  	_ = 	snop;
	(pc) =	sbr.rel @p4 .LBB2_17-.Ltmp14, $4  }
0xb6: {  	s9 =	smov.u32 s31  }
0xb7: {  	s25 =	simm.s32 $0x0;
	s31 =	simm.s32 @!p3 $0x1;
	s2 =	smin.u32 @!p3 s0, $0xC34F8  }
0xb8: {  	s31 =	smov.u32 @p3 s25;
	s0 =	simm.s32 @!p3 $0x50C8;
	s29 =	sand.u32 @!p3 $0xFFFF8, s2  }
0xb9: {  	s3 =	sand.u32 @!p3 $0x7, s2;
	s2 =	sadd.s32 @!p3 s1, s29;
	s29 =	sadd.s32 $0x1, s21  }
.LBB2_16:
0xba: {  	s8 =	smov.u32 s31  }
0xbb: {  	[tilespmem:s0], [sflag:$0x2] =	stream.linear.gather @!p3 [hbm4b:s2+s3], $0x40, $0x38;
	[tilespmem:$0x1EF78] =	vst v63  }
0xbc: {  	s28 =	sadd.s32 $0x1, s28;
	s2 =	smov.u32 s30;
	v1 =	vld.msk [tilespmem:s29+$0x0], $0x1  }
0xbd: {  	p4 =	seq.s32 s28, $0x0;
	_ =	sdelay $0x3  }
0xbe: {  	(v2sf) =	vpush v1, $0x0;
	_ =	sdelay $0xe  }
0xbf: {  	s30 =	spop (v2sf)  }
0xc0: {  	p3 =	seq.s32 s2, s30  }
0xc1: {  	p5 =	sgt.s32 @!p3 s2, $0x0;
	s0 =	sshll.u32 @!p3 s31, $0x8;
	s31 =	sadd.s32 @!p3 $0x1, s31  }
.Ltmp15:
0xc2: {  	p5 =	por !p5, p3;
	s0 =	sshra.s32 @!p3 s0, $0x2;
	(pc) =	sbr.rel @!p4 .LBB2_16-.Ltmp15, $4  }
0xc3: {  	s31 =	smov.u32 @p3 s8;
	s2 =	simm.s32 @p5 $0x0;
	s0 =	sadd.s32 @!p3 $0x50C8, s0  }
0xc4: {  	s2 =	smin.u32 @!p3 s2, $0xC34F8  }
0xc5: {  	s8 =	sand.u32 @!p3 $0xFFFF8, s2;
	s3 =	sand.u32 @!p3 $0x7, s2  }
0xc6: {  	s29 =	sadd.s32 $0x1, s29;
	s2 =	sadd.s32 @!p3 s1, s8  }
.LBB2_17:
0xc7: {  	[tilespmem:s0], [sflag:$0x2] =	stream.linear.gather @!p3 [hbm4b:s2+s3], $0x40, $0x38;
	[tilespmem:$0x1EF78] =	vst v63  }
.Ltmp16:
0xc8: {  	s28 =	sshll.u32 s31, $0x6;
	(pc) =	sbr.rel .LBB2_18-.Ltmp16, $4  }
0xc9: {  	s30 =	simm.s32 $0x2;
	s0 =	sand.u32 $0x3FFFFFC0, s28  }
0xca: {  	_ =	swait.ge [sflag:s30], s0  }
0xcb: {  	s0 =	ssub.s32 $0x0, s0;
	[sflag:s30] =	ssyncset.done $0x0  }
0xcc: {  	s29 =	simm.s32 $0x0;
	s31 =	smov.u32 s9;
	[sflag:s30] =	ssyncadd.s32 s0  }
.LBB2_19:
0xcd: {  	v1 =	vld [tilespmem:s23+$0xFFFFFFE0];
	_ =	sdelay $0x4  }
0xce: {  	[tilespmem:s30+$0x88] =	vst.add.f32.msk $0xffff, v1  }
0xcf: {  	v1 =	vld [tilespmem:s23+$0xFFFFFFF0];
	_ =	sdelay $0x4  }
0xd0: {  	[tilespmem:s30+$0x98] =	vst.add.f32.msk $0xffff, v1  }
0xd1: {  	v1 =	vld [tilespmem:s23+$0x0];
	_ =	sdelay $0x4  }
0xd2: {  	[tilespmem:s30+$0xA8] =	vst.add.f32.msk $0xffff, v1  }
0xd3: {  	v1 =	vld [tilespmem:s23+$0x10];
	_ =	sdelay $0x4  }
0xd4: {  	[tilespmem:s30+$0xB8] =	vst.add.f32.msk $0xffff, v1  }
.LBB2_23:
0xd5: {  	s24 =	sadd.s32 $0x1, s24  }
0xd6: {  	p3 =	seq.s32 s24, $0x0  }
.Ltmp17:
0xd7: {  	_ = 	snop;
	(pc) =	sbr.rel @p3 .LBB2_24-.Ltmp17, $2  }
0xd8: {  	_ =	sdelay $0x2  }
0xd9: {  	s23 =	sadd.s32 $0x80, s23;
	s21 =	sadd.s32 $0x1, s21;
	s26 =	smov.u32 s28  }
.LBB2_18:
0xda: {  	v1 =	vld.msk [tilespmem:s21+$0x0], $0x1;
	_ =	sdelay $0x4  }
0xdb: {  	(v2sf) =	vpush v1, $0x0;
	_ =	sdelay $0xe  }
0xdc: {  	s28 =	spop (v2sf)  }
0xdd: {  	p3 =	sne.s32 s26, s28  }
.Ltmp18:
0xde: {  	_ = 	snop;
	(pc) =	sbr.rel @!p3 .LBB2_19-.Ltmp18, $3  }
0xdf: {  	_ =	sdelay $0x1  }
0xe0: {  	s0 =	sshll.u32 s20, $0x8  }
0xe1: {  	s30 =	sshra.s32 s0, $0x2  }
0xe2: {  	p3 =	seq.s32 s26, s22  }
.Ltmp19:
0xe3: {  	_ = 	snop;
	(pc) =	sbr.rel @!p3 .LBB2_21-.Ltmp19, $1  }
0xe4: {  	_ =	sdelay $0x3  }
.Ltmp20:
0xe5: {  	s0 =	sadd.s32 $0x88, s30;
	(pc) =	sbr.rel .LBB2_22-.Ltmp20, $4  }
0xe6: {  	[spmem:s13] =	stream.linear.scatter [tilespmem:s0], [sflag:$0x1], $0x40, $0x38;
	[tilespmem:$0x1EF78] =	vst v63  }
0xe7: {  	_ =	swait.ge [sflag:s11], $0x40  }
0xe8: {  	[sflag:s11] =	ssyncset.done $0x0  }
0xe9: {  	[sflag:s11] =	ssyncadd.s32 $0xFFFFFFC0  }
.LBB2_21:
0xea: {  	s0 =	sshll.u32 s25, $0x8  }
0xeb: {  	s0 =	sshra.s32 s0, $0x2  }
0xec: {  	v1 =	vld [tilespmem:s0+$0x50C8];
	_ =	sdelay $0x4  }
0xed: {  	[tilespmem:s30+$0x88] =	vst.add.f32.msk $0xffff, v1  }
0xee: {  	v1 =	vld [tilespmem:s0+$0x50D8];
	_ =	sdelay $0x4  }
0xef: {  	[tilespmem:s30+$0x98] =	vst.add.f32.msk $0xffff, v1  }
0xf0: {  	v1 =	vld [tilespmem:s0+$0x50E8];
	_ =	sdelay $0x4  }
0xf1: {  	[tilespmem:s30+$0xA8] =	vst.add.f32.msk $0xffff, v1  }
0xf2: {  	v1 =	vld [tilespmem:s0+$0x50F8];
	_ =	sdelay $0x2  }
0xf3: {  	p3 =	sgt.u32 s26, $0xC34F8  }
0xf4: {  	s0 =	sand.u32 @!p3 $0xFFFF8, s26  }
0xf5: {  	s2 =	sadd.s32 $0x88, s30;
	s3 =	sand.u32 @!p3 $0x7, s26;
	s0 =	sadd.s32 @!p3 s1, s0;
	[tilespmem:s30+$0xB8] =	vst.add.f32.msk $0xffff, v1  }
0xf6: {  	[hbm4b:s0+s3] =	stream.linear.scatter @!p3 [tilespmem:s2], [sflag:$0xA], $0x40, $0x38;
	[tilespmem:$0x1EF78] =	vst v63  }
0xf7: {  	s0 =	simm.s32 $0x0  }
0xf8: {  	s0 =	simm.s32 @!p3 $0x100  }
0xf9: {  	s29 =	sadd.s32 s0, s29  }
.LBB2_22:
0xfa: {  	s0 =	sadd.s32 $0x1, s20  }
0xfb: {  	s2 =	smulhi.u32 $0xCCCCCCCD, s0;
	_ =	sdelay $0x1  }
0xfc: {  	v1 =	vld [tilespmem:s23+$0xFFFFFFE0];
	s2 =	sshrl.u32 s2, $0x8  }
0xfd: {  	s2 =	smul.u32 $0x140, s2;
	_ =	sdelay $0x1  }
0xfe: {  	s20 =	ssub.s32 s0, s2  }
0xff: {  	s0 =	sshll.u32 s20, $0x6  }
0x100: {  	[tilespmem:s0+$0x88] =	vst v1  }
0x101: {  	v1 =	vld [tilespmem:s23+$0xFFFFFFF0];
	_ =	sdelay $0x4  }
0x102: {  	[tilespmem:s0+$0x98] =	vst v1  }
0x103: {  	v1 =	vld [tilespmem:s23+$0x0];
	_ =	sdelay $0x4  }
0x104: {  	[tilespmem:s0+$0xA8] =	vst v1  }
0x105: {  	v1 =	vld [tilespmem:s23+$0x10]  }
.Ltmp21:
0x106: {  	_ = 	snop;
	(pc) =	sbr.rel .LBB2_23-.Ltmp21, $2  }
0x107: {  	_ =	sdelay $0x2  }
0x108: {  	s25 =	sadd.s32 $0x1, s25;
	[tilespmem:s0+$0xB8] =	vst v1  }
.LBB2_25:
.Ltmp22:
0x109: {  	(pc) =	sbr.rel .LBB2_26-.Ltmp22, $4  }
0x10a: {  	_ = 	snop  }
0x10b: {  	s0 =	simm.s32 $0x2  }
0x10c: {  	_ =	swait.ge [sflag:s0], $0x0  }
0x10d: {  	s28 =	smov.u32 s26;
	[sflag:s0] =	ssyncset.done $0x0;
	s0 =	simm.s32 $0x0  }
.LBB2_28:
0x10e: {  	_ =	sfence.sel $0x180000  }
0x10f: {  	s0 =	simm.s32 $0x7;
	[bflag:$0x0] =	sbarrier.arrive $0xFFFF  }
0x110: {  	s24 =	simm.s32 $0x8;
	[sflag:s0] =	ssyncpa.u1 $0x1  }
0x111: {  	s25 =	simm.s32 $0x9;
	[sflag:s24] =	ssyncpa.u1 $0x1  }
0x112: {  	s26 =	simm.s32 $0x2;
	[sflag:s25] =	ssyncpa.u1 $0x1  }
0x113: {  	[sflag:s26] =	ssyncpa.u1 $0x1  }
0x114: {  	v0 =	vld [tilespmem:$0xA108];
	_ =	sdelay $0x4  }
0x115: {  	(v2sf) =	vpush v0, $0x0  }
0x116: {  	(v2sf) =	vpush v0, $0x1;
	_ =	sdelay $0x1  }
0x117: {  	(v2sf) =	vpush v0, $0x2;
	_ =	sdelay $0xb  }
0x118: {  	s0 =	spop (v2sf)  }
0x119: {  	s2 =	spop (v2sf)  }
0x11a: {  	s3 =	smov.u32 s0;
	p1 =	sne.s32 s0, s2  }
0x11b: {  	s4 =	spop (v2sf);
	s3 =	simm.s32 @!p1 $0xFFFFFFFF  }
0x11c: {  	v2 =	vimm.s32 $0x1;
	v3 =	vlaneseq.u32;
	p1 =	seq.s32 s4, $0xFFFFFFFF;
	v1 =	vmov s3  }
0x11d: {  	s28 =	stileid.u32;
	v0 =	vperm.xlane v0, v2;
	p2 =	sne.s32 @!p1 s0, s2;
	v1 =	vperm.xlane v1, v3  }
0x11e: {  	vm0 =	vcmask $0x3F04;
	s6 =	simm.s32 $0xA108;
	s0 =	simm.s32 @!p1 $0x1;
	p2 =	por !p2, p1  }
0x11f: {  	s3 =	sshll.u32 s28, $0x1;
	s2 =	sshll.u32 @!p1 s4, $0x8;
	s0 =	simm.s32 @p2 $0x0;
	v0 =	vsel vm0, v1, v0  }
0x120: {  	s5 =	sor.u32 $0x800, s3;
	s2 =	sshra.s32 @!p1 s2, $0x2;
	s0 =	sor.u32 @!p1 s0, s3;
	[tilespmem:$0xA108] =	vst v0  }
0x121: {  	[spmem:s5] =	stream.linear.scatter [tilespmem:s6], [sflag:$0x1], $0x2, $0x38;
	[tilespmem:$0x1EF78] =	vst v63  }
0x122: {  	s2 =	sadd.s32 @!p1 $0x88, s2;
	s0 =	sshll.u32 @!p1 s0, $0x6  }
0x123: {  	[spmem:s0] =	stream.linear.scatter @!p1 [tilespmem:s2], [sflag:$0x1], $0x40, $0x38;
	[tilespmem:$0x1EF78] =	vst v63  }
0x124: {  	s2 =	simm.s32 @!p1 $0x42  }
0x125: {  	s0 =	simm.s32 $0x1;
	s2 =	simm.s32 @p1 $0x2  }
0x126: {  	_ =	swait.ge [sflag:s0], s2  }
0x127: {  	s2 =	ssub.s32 $0x0, s2;
	[sflag:s0] =	ssyncset.done $0x0  }
0x128: {  	[sflag:s0] =	ssyncadd.s32 s2  }
0x129: {  	_ =	sfence.stream.spmem  }
0x12a: {  	s29 =	simm.s32 $0x3;
	[bflag:$0x0] =	sbarrier.arrive $0xFFFF  }
0x12b: {  	s30 =	simm.s32 $0x4;
	[sflag:s29] =	ssyncpa.u1 $0x1  }
0x12c: {  	s31 =	simm.s32 $0x3C;
	[sflag:s30] =	ssyncpa.u1 $0x1  }
0x12d: {  	[sflag:s31] =	ssyncpa.u1 $0x1  }
0x12e: {  	_ =	sfence @p0  }
0x12f: {  	[sflag:s0] =	ssyncpa.u1 @p0 $0x1  }
0x130: {  	_ =	strace @p0 $0x90000059  }
0x131: {  	[bflag:$0x2] =	sbarrier.arrive @p0 $0xFFFF  }
0x132: {  	_ =	shalt @p0  }
.LBB2_29:
0x133: {  	_ =	sfence.stream.spmem;
	s0 =	simm.s32 $0x5  }
0x134: {  	s2 =	simm.s32 $0x800;
	s3 =	simm.s32 $0xA118;
	[sflag:s0] =	ssyncpa.u1 $0x0  }
0x135: {  	[tilespmem:s3], [sflag:$0x5] =	stream.linear.gather [spmem:s2], $0x20, $0x38;
	[tilespmem:$0x1EF78] =	vst v63  }
0x136: {  	s30 =	simm.s32 $0xA138;
	s2 =	simm.s32 $0x0  }
0x137: {  	[tilespmem:s30], [sflag:$0x5] =	stream.linear.gather [spmem:s2], $0x800, $0x38;
	[tilespmem:$0x1EF78] =	vst v63  }
.Ltmp23:
0x138: {  	_ = 	snop;
	(pc) =	sbr.rel .LBB2_30-.Ltmp23, $4  }
0x139: {  	_ =	swait.ge [sflag:s0], $0x820  }
0x13a: {  	[sflag:s0] =	ssyncset.done $0x0  }
0x13b: {  	s31 =	simm.s32 $0x6;
	[sflag:s0] =	ssyncadd.s32 $0xFFFFF7E0  }
0x13c: {  	s3 =	simm.s32 $0x0;
	[sflag:s31] =	ssyncpa.u1 $0x0  }
.LBB2_36:
0x13d: {  	p0 =	slt.u32 s4, $0xC34F9  }
0x13e: {  	s0 =	sand.u32 @p0 $0xFFFF8, s4  }
0x13f: {  	s4 =	sand.u32 @p0 $0x7, s4;
	s5 =	simm.s32 @p0 $0xA0C8;
	s0 =	sadd.s32 @p0 s1, s0  }
0x140: {  	[tilespmem:s5], [sflag:$0x6] =	stream.linear.gather @p0 [hbm4b:s0+s4], $0x40, $0x38;
	[tilespmem:$0x1EF78] =	vst v63  }
0x141: {  	s0 =	simm.s32 @p0 $0x6  }
0x142: {  	_ =	swait.ge @p0 [sflag:s0], $0x40  }
0x143: {  	[sflag:s0] =	ssyncset.done @p0 $0x0  }
0x144: {  	[sflag:s0] =	ssyncadd.s32 @p0 $0xFFFFFFC0  }
0x145: {  	v1 =	vld @p0 [tilespmem:$0xA0C8];
	_ =	sdelay $0x2  }
0x146: {  	s0 =	sshll.u32 @p0 s3, $0x8  }
0x147: {  	s4 =	sshrl.u32 @p0 s0, $0x2  }
0x148: {  	[tilespmem:s4+$0xA138] =	vst.add.f32.msk @p0 $0xffff, v1  }
0x149: {  	v1 =	vld @p0 [tilespmem:$0xA0D8];
	_ =	sdelay $0x4  }
0x14a: {  	[tilespmem:s4+$0xA148] =	vst.add.f32.msk @p0 $0xffff, v1  }
0x14b: {  	v1 =	vld @p0 [tilespmem:$0xA0E8];
	_ =	sdelay $0x4  }
0x14c: {  	[tilespmem:s4+$0xA158] =	vst.add.f32.msk @p0 $0xffff, v1  }
0x14d: {  	v1 =	vld @p0 [tilespmem:$0xA0F8];
	_ =	sdelay $0x3  }
0x14e: {  	s5 =	sshll.u32 @!p0 s3, $0x8  }
0x14f: {  	s5 =	smov.u32 @p0 s0;
	[tilespmem:s4+$0xA168] =	vst.add.f32.msk @p0 $0xffff, v1  }
0x150: {  	s0 =	sshrl.u32 s5, $0x2;
	[tilespmem:s2+$0xA118] =	vst.msk $0x1, v0  }
0x151: {  	v0 =	vld [tilespmem:s0+$0xA138];
	_ =	sdelay $0x2  }
0x152: {  	s31 =	sshll.u32 s2, $0x8  }
0x153: {  	s4 =	sshra.s32 s31, $0x2  }
0x154: {  	[tilespmem:s4+$0xA138] =	vst v0  }
0x155: {  	v0 =	vld [tilespmem:s0+$0xA148];
	_ =	sdelay $0x4  }
0x156: {  	[tilespmem:s4+$0xA148] =	vst v0  }
0x157: {  	v0 =	vld [tilespmem:s0+$0xA158];
	_ =	sdelay $0x4  }
0x158: {  	[tilespmem:s4+$0xA158] =	vst v0  }
0x159: {  	v0 =	vld [tilespmem:s0+$0xA168];
	_ =	sdelay $0x4  }
0x15a: {  	s2 =	sadd.s32 $0x1, s2;
	[tilespmem:s4+$0xA168] =	vst v0  }
.LBB2_37:
0x15b: {  	s3 =	sadd.s32 $0x1, s3  }
0x15c: {  	p0 =	sne.s32 s3, $0x20  }
.Ltmp24:
0x15d: {  	_ = 	snop;
	(pc) =	sbr.rel @!p0 .LBB2_38-.Ltmp24, $1  }
0x15e: {  	_ =	sdelay $0x3  }
.LBB2_30:
0x15f: {  	v0 =	vld.msk [tilespmem:s3+$0xA118], $0x1;
	_ =	sdelay $0x4  }
0x160: {  	(v2sf) =	vpush v0, $0x0;
	_ =	sdelay $0xe  }
0x161: {  	s4 =	spop (v2sf)  }
0x162: {  	p0 =	seq.s32 s4, $0xFFFFFFFF  }
.Ltmp25:
0x163: {  	_ = 	snop;
	(pc) =	sbr.rel @p0 .LBB2_37-.Ltmp25, $1  }
0x164: {  	_ =	sdelay $0x3  }
0x165: {  	p0 =	slt.s32 s2, $0x1  }
.Ltmp26:
0x166: {  	_ = 	snop;
	(pc) =	sbr.rel @p0 .LBB2_36-.Ltmp26, $1  }
0x167: {  	_ =	sdelay $0x3  }
0x168: {  	s5 =	simm.s32 $0xA118;
	p0 =	por $0x0, $0x0  }
0x169: {  	v1 =	vld.msk @!p0 [tilespmem:s5+$0x0], $0x1;
	_ =	sdelay $0x4  }
0x16a: {  	(v2sf) =	vpush @!p0 v1, $0x0;
	_ =	sdelay $0xd  }
0x16b: {  	p2 =	sne.s32 s2, $0x1  }
.Ltmp27:
0x16c: {  	s0 =	spop @!p0 (v2sf);
	(pc) =	sbr.rel @!p2 .LBB2_34-.Ltmp27, $4  }
0x16d: {  	p1 =	seq.s32 @!p0 s4, s0  }
0x16e: {  	s6 =	simm.s32 $0x0;
	p1 =	por !p1, p0  }
0x16f: {  	s0 =	simm.s32 $0xFFFFFFFF;
	s6 =	simm.s32 @p1 $0xFFFFFFFF  }
0x170: {  	s7 =	simm.s32 $0x1;
	s6 =	smov.u32 @p0 s0  }
.LBB2_33:
0x171: {  	s0 =	smov.u32 s6;
	p0 =	sne.s32 s6, $0xFFFFFFFF  }
0x172: {  	s5 =	sadd.s32 $0x1, s5;
	s6 =	smov.u32 s7;
	s7 =	sadd.s32 $0x1, s7  }
0x173: {  	p1 =	sne.s32 s2, s7;
	v1 =	vld.msk @!p0 [tilespmem:s5+$0x0], $0x1;
	_ =	sdelay $0x4  }
0x174: {  	(v2sf) =	vpush @!p0 v1, $0x0;
	_ =	sdelay $0xe  }
.Ltmp28:
0x175: {  	s8 =	spop @!p0 (v2sf);
	(pc) =	sbr.rel @p1 .LBB2_33-.Ltmp28, $4  }
0x176: {  	p2 =	seq.s32 @!p0 s4, s8  }
0x177: {  	p2 =	por !p2, p0  }
0x178: {  	s6 =	simm.s32 @p2 $0xFFFFFFFF  }
0x179: {  	s6 =	smov.u32 @p0 s0  }
.LBB2_34:
0x17a: {  	p0 =	seq.s32 s6, $0xFFFFFFFF  }
.Ltmp29:
0x17b: {  	_ = 	snop;
	(pc) =	sbr.rel @p0 .LBB2_36-.Ltmp29, $1  }
0x17c: {  	_ =	sdelay $0x3  }
0x17d: {  	s0 =	sshll.u32 s3, $0x6  }
0x17e: {  	s0 =	sand.u32 $0x3FFFFFC0, s0  }
0x17f: {  	v0 =	vld [tilespmem:s0+$0xA138];
	_ =	sdelay $0x2  }
0x180: {  	s4 =	sshll.u32 s6, $0x8  }
0x181: {  	s4 =	sshra.s32 s4, $0x2  }
0x182: {  	[tilespmem:s4+$0xA138] =	vst.add.f32.msk $0xffff, v0  }
0x183: {  	v0 =	vld [tilespmem:s0+$0xA148];
	_ =	sdelay $0x4  }
0x184: {  	[tilespmem:s4+$0xA148] =	vst.add.f32.msk $0xffff, v0  }
0x185: {  	v0 =	vld [tilespmem:s0+$0xA158];
	_ =	sdelay $0x4  }
0x186: {  	[tilespmem:s4+$0xA158] =	vst.add.f32.msk $0xffff, v0  }
0x187: {  	v0 =	vld [tilespmem:s0+$0xA168]  }
.Ltmp30:
0x188: {  	_ = 	snop;
	(pc) =	sbr.rel .LBB2_37-.Ltmp30, $2  }
0x189: {  	_ =	sdelay $0x2  }
0x18a: {  	[tilespmem:s4+$0xA168] =	vst.add.f32.msk $0xffff, v0  }
.LBB2_38:
0x18b: {  	p0 =	slt.s32 s2, $0x1  }
.Ltmp31:
0x18c: {  	_ = 	snop;
	(pc) =	sbr.rel @p0 .LBB2_42-.Ltmp31, $3  }
0x18d: {  	_ =	sdelay $0x1  }
0x18e: {  	s0 =	simm.s32 $0x6  }
0x18f: {  	s3 =	simm.s32 $0x0;
	[sflag:s0] =	ssyncpa.u1 $0x1  }
0x190: {  	s0 =	simm.s32 $0xA118  }
0x191: {  	v0 =	vld.msk [tilespmem:s0+$0x0], $0x1;
	_ =	sdelay $0x4  }
0x192: {  	(v2sf) =	vpush v0, $0x0;
	_ =	sdelay $0xe  }
0x193: {  	s2 =	sadd.s32 $0xFFFFFFFF, s2;
	s0 =	spop (v2sf)  }
0x194: {  	p1 =	sne.s32 s2, $0x0;
	p0 =	sgt.u32 s0, $0xC34F8  }
.Ltmp32:
0x195: {  	s5 =	sand.u32 @!p0 $0xFFFF8, s0;
	(pc) =	sbr.rel @!p1 .LBB2_41-.Ltmp32, $4  }
0x196: {  	s4 =	simm.s32 $0xA138;
	s0 =	sand.u32 @!p0 $0x7, s0;
	s5 =	sadd.s32 @!p0 s1, s5  }
0x197: {  	[hbm4b:s5+s0] =	stream.linear.scatter @!p0 [tilespmem:s4], [sflag:$0x5], $0x40, $0x38;
	[tilespmem:$0x1EF78] =	vst v63  }
0x198: {  	s0 =	simm.s32 $0x0  }
0x199: {  	s5 =	simm.s32 $0xA119;
	s0 =	simm.s32 @!p0 $0x100  }
.LBB2_40:
0x19a: {  	v0 =	vld.msk [tilespmem:s5+$0x0], $0x1;
	s2 =	sadd.s32 $0xFFFFFFFF, s2;
	s3 =	sadd.s32 s3, s0  }
0x19b: {  	p0 =	sne.s32 s2, $0x0;
	_ =	sdelay $0x3  }
0x19c: {  	(v2sf) =	vpush v0, $0x0;
	_ =	sdelay $0xe  }
.Ltmp33:
0x19d: {  	s6 =	spop (v2sf);
	(pc) =	sbr.rel @p0 .LBB2_40-.Ltmp33, $4  }
0x19e: {  	s0 =	simm.s32 $0x0;
	p1 =	sgt.u32 s6, $0xC34F8  }
0x19f: {  	s4 =	sadd.s32 $0x40, s4;
	s0 =	simm.s32 @!p1 $0x100;
	s7 =	sand.u32 @!p1 $0xFFFF8, s6  }
0x1a0: {  	s5 =	sadd.s32 $0x1, s5;
	s6 =	sand.u32 @!p1 $0x7, s6;
	s7 =	sadd.s32 @!p1 s1, s7  }
0x1a1: {  	[hbm4b:s7+s6] =	stream.linear.scatter @!p1 [tilespmem:s4], [sflag:$0x5], $0x40, $0x38;
	[tilespmem:$0x1EF78] =	vst v63  }
.LBB2_41:
0x1a2: {  	s0 =	sadd.s32 s3, s0  }
0x1a3: {  	s3 =	sshrl.u32 s0, $0x2  }
.LBB2_42:
0x1a4: {  	s0 =	simm.s32 $0x5  }
0x1a5: {  	_ =	swait.ge [sflag:s0], s3  }
0x1a6: {  	s1 =	ssub.s32 $0x0, s3;
	[sflag:s0] =	ssyncset.done $0x0  }
0x1a7: {  	[sflag:s0] =	ssyncadd.s32 s1  }
0x1a8: {  	[sflag:s0] =	ssyncpa.u1 $0x1  }
0x1a9: {  	s30 =	simm.s32 $0x1;
	_ =	sfence  }
0x1aa: {  	[sflag:s30] =	ssyncpa.u1 $0x1  }
0x1ab: {  	_ =	strace $0x90000059  }
0x1ac: {  	[bflag:$0x2] =	sbarrier.arrive $0xFFFF  }
0x1ad: {  	s31 =	rddreg [dreg:$0x1]  }
0x1ae: {  	s0 =	sadd.s32 $0x100000, s31  }
0x1af: {  	[sflag:s0] =	ssyncadd.tile.s32 $0x1;
	_ =	shalt  }
.Lfunc_end2:
_tile_overlayer_lowered:
.L_overlay_start_2:
0x1b0: {  	(tag) =	ssettag $0x2  }
0x1b1: {  	s0 =	rddreg [dreg:$0x0];
	s2 =	stileid.u32  }
0x1b2: {  	s1 =	rddreg [dreg:$0x1];
	p0 =	sne.s32 s2, $0x0  }
0x1b3: {  	s3 =	rddreg [dreg:$0x2];
	[bflag:$0x3] =	sbarrier.arrive $0xFFFF;
	s2 =	simm.s32 @!p0 $0x1C01  }
0x1b4: {  	[timem:s3], [sflag:s2] =	dma.local @!p0 [hbm:s0], s1  }
0x1b5: {  	s0 =	simm.s32 @!p0 $0x1  }
0x1b6: {  	_ =	swait.ge @!p0 [sflag:s0], s1  }
0x1b7: {  	s1 =	ssub.s32 @!p0 $0x0, s1;
	[sflag:s0] =	ssyncset.done @!p0 $0x0  }
0x1b8: {  	[sflag:s0] =	ssyncadd.s32 @!p0 s1  }
0x1b9: {  	[bflag:$0x3] =	sbarrier.arrive $0xFFFF  }
0x1ba: {  	_ =	shalt  }

// kernel: scatter_offload_async_start
scs
__scs_entry_jumppad:
0x0: {  	(pc) =	sbr.rel $0x88, $3  }
0x1: {  	(tag) =	ssettag $0x0;
	lr =	simm.s32 $0x1  }
0x2: {  	[smem:$0x3F88] =	sst lr;
	_ =	strace $0xD0000000  }
0x3: {  	_ = 	snop  }
0x4: {  	_ = 	snop  }
0x5: {  	_ = 	snop  }
0x6: {  	_ = 	snop  }
0x7: {  	_ = 	snop  }
__scs_overlays_trampoline_lowered:
0x8: {  	[smem:$0x3F97] =	sst s0  }
0x9: {  	[smem:$0x3F98] =	sst s1  }
0xa: {  	[smem:$0x3F99] =	sst s2  }
0xb: {  	[smem:$0x3F9A] =	sst s3  }
0xc: {  	[smem:$0x3F9B] =	sst s4  }
0xd: {  	[smem:$0x3F9C] =	sst s5  }
0xe: {  	[smem:$0x3F9D] =	sst s6  }
0xf: {  	[smem:$0x3F9E] =	sst s7  }
0x10: {  	[smem:$0x3F9F] =	sst s8  }
0x11: {  	[smem:$0x3FA0] =	sst s9;
	s0 =	simm.s32 @!p0 $0x0  }
0x12: {  	s1 =	sld [smem:$0x3F86];
	s0 =	simm.s32 @p0 $0x1  }
0x13: {  	[smem:$0x3FA1] =	sst s0;
	s0 =	simm.s32 @!p1 $0x0  }
0x14: {  	s2 =	sld [smem:$0x3F85];
	s0 =	simm.s32 @p1 $0x1  }
0x15: {  	[smem:$0x3FA2] =	sst s0;
	s0 =	simm.s32 @!p2 $0x0  }
0x16: {  	s3 =	sld [smem:$0x3FDB];
	s0 =	simm.s32 @p2 $0x1  }
0x17: {  	s4 =	simm.s32 $0x1BF5;
	[smem:$0x3FA4] =	sst s0  }
0x18: {  	s0 =	sld [smem:$0x3F87];
	_ =	swait.ge [sflag:s4], $0x0  }
0x19: {  	s7 =	sld [smem:$0x3F88]  }
0x1a: {  	s8 =	sadd.s32 $0xFFFFE003, lr  }
0x1b: {  	s9 =	sadd.s32 $0xFFFFFEF7, lr;
	s5 =	simm.s32 $0xFFFFFFFF;
	p2 =	slt.u32 s8, $0xFFFFF086  }
0x1c: {  	p1 =	slt.u32 s9, $0xF7A;
	s5 =	simm.s32 @!p2 $0x0  }
0x1d: {  	s5 =	simm.s32 @p1 $0x1;
	p0 =	seq.s32 s7, s2  }
0x1e: {  	s7 =	smul.u32 @!p0 $0xF7A, s2;
	p2 =	seq.s32 @!p0 s5, $0x0  }
0x1f: {  	s9 =	smul.u32 $0xF7A, s1;
	s8 =	simm.s32 @!p0 $0x1BF5;
	p2 =	por !p2, p0  }
0x20: {  	[sflag:s8] =	ssyncset.s32 @!p0 $0xFFFFF086;
	s6 =	sadd.s32 @!p0 s3, s7;
	s7 =	simm.s32 @!p0 $0x108  }
0x21: {  	s3 =	sadd.s32 s3, s9;
	s6 =	sadd.s32 @!p0 $0x88, s6;
	s7 =	simm.s32 @p2 $0x1082  }
0x22: {  	[simem:s7], [sflag:s8] =	dma.local @!p0 [hbm:s6], $0xF7A  }
0x23: {  	s9 =	sor.u32 $0xD0000000, s2;
	s6 =	simm.s32 $0x108;
	_ =	swait.ge @!p0 [sflag:s8], $0x0  }
0x24: {  	s3 =	sadd.s32 $0x88, s3;
	s6 =	simm.s32 @!p1 $0x1082;
	[sflag:s4] =	ssyncset.s32 $0xFFFFF086  }
0x25: {  	[simem:s6], [sflag:s4] =	dma.local [hbm:s3], $0xF7A  }
0x26: {  	[smem:$0x3F88] =	sst s1;
	(tag) =	ssettag s2;
	_ =	strace s9  }
0x27: {  	s1 =	sld [smem:$0x3F98]  }
0x28: {  	s2 =	sld [smem:$0x3F99]  }
0x29: {  	s4 =	sld [smem:$0x3F9B]  }
0x2a: {  	p0 =	seq.s32 s5, $0x0;
	s5 =	sld [smem:$0x3F9C]  }
0x2b: {  	s6 =	sld [smem:$0x3F9D]  }
0x2c: {  	s7 =	sld [smem:$0x3F9E]  }
0x2d: {  	s3 =	simm.s32 $0x108;
	s8 =	sld [smem:$0x3F9F]  }
0x2e: {  	s3 =	simm.s32 @!p0 $0x1082;
	s9 =	sld [smem:$0x3FA0]  }
0x2f: {  	lr =	sadd.s32 s0, s3;
	s0 =	sld [smem:$0x3F97]  }
0x30: {  	s3 =	sld [smem:$0x3F9A]  }
0x31: {  	[smem:$0x3FA3] =	sst s10  }
0x32: {  	s10 =	sld [smem:$0x3FA1];
	_ =	sdelay $0x3  }
0x33: {  	p0 =	seq.s32 s10, $0x1;
	s10 =	sld [smem:$0x3FA3];
	_ =	sdelay $0x3  }
0x34: {  	[smem:$0x3FA3] =	sst s10  }
0x35: {  	s10 =	sld [smem:$0x3FA2];
	_ =	sdelay $0x3  }
0x36: {  	p1 =	seq.s32 s10, $0x1;
	s10 =	sld [smem:$0x3FA3];
	_ =	sdelay $0x3  }
0x37: {  	[smem:$0x3FA3] =	sst s10  }
0x38: {  	s10 =	sld [smem:$0x3FA4]  }
0x39: {  	_ = 	snop;
	(pc) =	sbr.ind lr, $3  }
0x3a: {  	_ = 	snop  }
0x3b: {  	_ = 	snop  }
0x3c: {  	p2 =	seq.s32 s10, $0x1;
	s10 =	sld [smem:$0x3FA3]  }
0x3d: {  	_ =	shalt  }
0x3e: {  	_ =	shalt  }
0x3f: {  	_ =	shalt  }
0x40: {  	_ =	shalt  }
0x41: {  	_ =	shalt  }
0x42: {  	_ =	shalt  }
0x43: {  	_ =	shalt  }
0x44: {  	_ =	shalt  }
0x45: {  	_ =	shalt  }
0x46: {  	_ =	shalt  }
0x47: {  	_ =	shalt  }
0x48: {  	_ =	shalt  }
0x49: {  	_ =	shalt  }
0x4a: {  	_ =	shalt  }
0x4b: {  	_ =	shalt  }
0x4c: {  	_ =	shalt  }
0x4d: {  	_ =	shalt  }
0x4e: {  	_ =	shalt  }
0x4f: {  	_ =	shalt  }
0x50: {  	_ =	shalt  }
0x51: {  	_ =	shalt  }
0x52: {  	_ =	shalt  }
0x53: {  	_ =	shalt  }
0x54: {  	_ =	shalt  }
0x55: {  	_ =	shalt  }
0x56: {  	_ =	shalt  }
0x57: {  	_ =	shalt  }
0x58: {  	_ =	shalt  }
0x59: {  	_ =	shalt  }
0x5a: {  	_ =	shalt  }
0x5b: {  	_ =	shalt  }
0x5c: {  	_ =	shalt  }
0x5d: {  	_ =	shalt  }
0x5e: {  	_ =	shalt  }
0x5f: {  	_ =	shalt  }
0x60: {  	_ =	shalt  }
0x61: {  	_ =	shalt  }
0x62: {  	_ =	shalt  }
0x63: {  	_ =	shalt  }
0x64: {  	_ =	shalt  }
0x65: {  	_ =	shalt  }
0x66: {  	_ =	shalt  }
0x67: {  	_ =	shalt  }
0x68: {  	_ =	shalt  }
0x69: {  	_ =	shalt  }
0x6a: {  	_ =	shalt  }
0x6b: {  	_ =	shalt  }
0x6c: {  	_ =	shalt  }
0x6d: {  	_ =	shalt  }
0x6e: {  	_ =	shalt  }
0x6f: {  	_ =	shalt  }
0x70: {  	_ =	shalt  }
0x71: {  	_ =	shalt  }
0x72: {  	_ =	shalt  }
0x73: {  	_ =	shalt  }
0x74: {  	_ =	shalt  }
0x75: {  	_ =	shalt  }
0x76: {  	_ =	shalt  }
0x77: {  	_ =	shalt  }
0x78: {  	_ =	shalt  }
0x79: {  	_ =	shalt  }
0x7a: {  	_ =	shalt  }
0x7b: {  	_ =	shalt  }
0x7c: {  	_ =	shalt  }
0x7d: {  	_ =	shalt  }
0x7e: {  	_ =	shalt  }
0x7f: {  	_ =	shalt  }
0x80: {  	_ =	shalt  }
0x81: {  	_ =	shalt  }
0x82: {  	_ =	shalt  }
0x83: {  	_ =	shalt  }
0x84: {  	_ =	shalt  }
0x85: {  	_ =	shalt  }
0x86: {  	_ =	shalt  }
0x87: {  	_ =	shalt  }
.Lfunc_end0:
.L_simem_size_0:
called_computation_lowered:
.L_overlay_start_0:
0x88: {  	s0 =	sld [smem:$0x3FD9]  }
0x89: {  	s1 =	sld [smem:$0x3FFE];
	_ =	sdelay $0x3  }
0x8a: {  	s0 =	sadd.s32 s1, s0  }
0x8b: {  	[smem:$0x3FAF] =	sst s0  }
0x8c: {  	_ = 	snop  }
0x8d: {  	(tm) =	ssettm $0x1  }
0x8e: {  	s15 =	sld [smem:$0x3FFB];
	_ =	sdelay $0x3  }
0x8f: {  	_ =	strace s15  }
0x90: {  	s0 =	sld [smem:$0x3FFC];
	_ =	sdelay $0x3  }
0x91: {  	_ =	strace s0  }
0x92: {  	s0 =	sld [smem:$0x3FFD];
	_ =	sdelay $0x3  }
0x93: {  	_ =	strace s0  }
0x94: {  	_ =	strace $0x8FFFFFFF  }
0x95: {  	s16 =	sld [smem:$0x3FDB];
	_ =	sdelay $0x1  }
0x96: {  	s17 =	simm.s32 $_scs_section_size  }
0x97: {  	s2 =	simm.s32 $_size__tile_overlayer_lowered;
	s3 =	simm.s32 $_tile_overlayer_lowered  }
0x98: {  	s20 =	simm.s32 $0x1BFF;
	s19 =	sshll.u32 s3, $0x1;
	s0 =	sadd.s32 s17, s16  }
0x99: {  	s4 =	simm.s32 $0x0;
	s18 =	sshll.u32 s2, $0x1;
	s2 =	sadd.s32 s19, s0  }
0x9a: {  	[timem:s4], [sflag:s20] =	dma.local [hbm:s2], s18  }
0x9b: {  	_ =	swait.ge [sflag:s20], s18  }
0x9c: {  	s1 =	ssub.s32 $0x0, s18;
	[sflag:s20] =	ssyncset.done $0x0  }
0x9d: {  	[sflag:s20] =	ssyncadd.s32 s1;
	_ =	sdelay $0x1  }
0x9e: {  	s21 =	simm.s32 $0x1B8B  }
0x9f: {  	_ =	swait.ge [sflag:s21], $0x1  }
0xa0: {  	[sflag:s21] =	ssyncset.done $0x0  }
0xa1: {  	s23 =	simm.s32 $0x1B8E;
	s22 =	sld [smem:$0x3FFE];
	[sflag:s21] =	ssyncadd.s32 $0xFFFFFFFF  }
0xa2: {  	s24 =	simm.s32 $execute0_lowered;
	[smem:$0x3FD2] =	sst s23  }
0xa3: {  	s2 =	sshll.u32 s24, $0x1;
	_ =	strace $0x80000049;
	[dreg:$0x1] =	wrdreg $0xFFFFFFFF  }
0xa4: {  	s25 =	simm.s32 $_size_execute0_lowered;
	s0 =	sadd.s32 s0, s2;
	[dreg:$0x0] =	wrdreg $0x0  }
0xa5: {  	s2 =	sshll.u32 s25, $0x1;
	[dreg:$0x2] =	wrdreg s0  }
0xa6: {  	[dreg:$0x3] =	wrdreg s2  }
0xa7: {  	[dreg:$0x4] =	wrdreg $0xC0  }
0xa8: {  	_ =	task [dreg:s4], $0x5FFFF  }
0xa9: {  	[dreg:$0x1] =	wrdreg $0xFFFFFFFF  }
0xaa: {  	[dreg:$0x0] =	wrdreg $0x60  }
0xab: {  	[dreg:$0x2] =	wrdreg s22  }
0xac: {  	[dreg:$0x3] =	wrdreg $0x9  }
0xad: {  	_ =	task.clear_ibuf [dreg:s4], $0x4FFFF;
	_ =	strace $0x90000049  }
0xae: {  	s26 =	simm.s32 $0x9;
	_ =	strace $0x8000004B  }
0xaf: {  	_ =	swait.ge [sflag:s26], $0x1  }
0xb0: {  	[sflag:s26] =	ssyncadd.s32 $0xFFFFFFFF  }
0xb1: {  	_ =	strace $0x9000004B  }
0xb2: {  	_ =	sfence  }
0xb3: {  	s28 =	sld [smem:$0x0];
	_ =	sdelay $0x1  }
0xb4: {  	s29 =	srdreg.scid  }
0xb5: {  	s30 =	sshll.u32 s29, $0xD;
	s31 =	sshrl.u32 s29, $0x2  }
0xb6: {  	s1 =	sand.u32 $0x1, s29;
	s2 =	sand.u32 $0x4000, s30;
	s0 =	sadd.s32 s31, s28  }
0xb7: {  	s1 =	sor.u32 s2, s1;
	s0 =	sshll.u32 s0, $0x11  }
0xb8: {  	s0 =	sor.u32 s0, s1  }
0xb9: {  	s0 =	sadd.s32 $0x8F2B, s0  }
0xba: {  	[sflag:s0] =	ssyncadd.remote.s32 $0x1  }
0xbb: {  	_ =	sfence.sel $0xFFFF  }
0xbc: {  	[dreg:$0x0] =	wrdreg $0xFFFFFFFF;
	(pc) =	sbr.abs _section_cstart, $3  }
0xbd: {  	[dreg:$0x1] =	wrdreg $0xFFFFFFFF  }
0xbe: {  	_ =	task.clear_ibuf [dreg:s4], $0x2FFFF;
	_ =	strace $0x9FFFFFFF  }
0xbf: {  	(tm) =	ssettm $0x7FFFFFFF  }
tec
execute0_lowered:
.L_overlay_start_1:
0x0: {  	(tag) =	ssettag $0x1  }
0x1: {  	s3 =	rddreg [dreg:$0x0];
	_ =	strace $0x8000004A;
	s11 =	simm.s32 $0x1  }
0x2: {  	v0 =	vimm.s32 $0x0;
	[sflag:s11] =	ssyncpa.u1 $0x0  }
0x3: {  	[tilespmem:$0x28] =	vst v0  }
0x4: {  	[tilespmem:$0x38] =	vst v0  }
0x5: {  	[tilespmem:$0x48] =	vst v0  }
0x6: {  	[tilespmem:$0x58] =	vst v0  }
0x7: {  	[tilespmem:$0x68] =	vst v0  }
0x8: {  	[tilespmem:$0x78] =	vst v0  }
0x9: {  	[tilespmem:$0x88] =	vst v0  }
0xa: {  	[tilespmem:$0x98] =	vst v0  }
0xb: {  	[tilespmem:$0xA8] =	vst v0  }
0xc: {  	[tilespmem:$0xB8] =	vst v0  }
0xd: {  	[tilespmem:$0xC8] =	vst v0  }
0xe: {  	[tilespmem:$0xD8] =	vst v0  }
0xf: {  	[tilespmem:$0xE8] =	vst v0  }
0x10: {  	[tilespmem:$0xF8] =	vst v0  }
0x11: {  	[tilespmem:$0x108] =	vst v0  }
0x12: {  	[tilespmem:$0x118] =	vst v0  }
0x13: {  	[tilespmem:$0x128] =	vst v0  }
0x14: {  	[tilespmem:$0x138] =	vst v0  }
0x15: {  	[tilespmem:$0x148] =	vst v0  }
0x16: {  	[tilespmem:$0x158] =	vst v0  }
0x17: {  	[tilespmem:$0x168] =	vst v0  }
0x18: {  	[tilespmem:$0x178] =	vst v0  }
0x19: {  	[tilespmem:$0x188] =	vst v0  }
0x1a: {  	[tilespmem:$0x198] =	vst v0  }
0x1b: {  	[tilespmem:$0x1A8] =	vst v0  }
0x1c: {  	[tilespmem:$0x1B8] =	vst v0  }
0x1d: {  	[tilespmem:$0x1C8] =	vst v0  }
0x1e: {  	[tilespmem:$0x1D8] =	vst v0  }
0x1f: {  	[tilespmem:$0x1E8] =	vst v0  }
0x20: {  	[tilespmem:$0x1F8] =	vst v0  }
0x21: {  	[tilespmem:$0x208] =	vst v0  }
0x22: {  	[tilespmem:$0x218] =	vst v0  }
0x23: {  	[tilespmem:$0x228] =	vst v0  }
0x24: {  	[tilespmem:$0x238] =	vst v0  }
0x25: {  	[tilespmem:$0x248] =	vst v0  }
0x26: {  	[tilespmem:$0x258] =	vst v0  }
0x27: {  	[tilespmem:$0x268] =	vst v0  }
0x28: {  	[tilespmem:$0x278] =	vst v0  }
0x29: {  	[tilespmem:$0x288] =	vst v0  }
0x2a: {  	[tilespmem:$0x298] =	vst v0  }
0x2b: {  	[tilespmem:$0x2A8] =	vst v0  }
0x2c: {  	[tilespmem:$0x2B8] =	vst v0  }
0x2d: {  	[tilespmem:$0x2C8] =	vst v0  }
0x2e: {  	[tilespmem:$0x2D8] =	vst v0  }
0x2f: {  	[tilespmem:$0x2E8] =	vst v0  }
0x30: {  	[tilespmem:$0x2F8] =	vst v0  }
0x31: {  	[tilespmem:$0x308] =	vst v0  }
0x32: {  	[tilespmem:$0x318] =	vst v0  }
0x33: {  	[tilespmem:$0x328] =	vst v0  }
0x34: {  	[tilespmem:$0x338] =	vst v0  }
0x35: {  	[tilespmem:$0x348] =	vst v0  }
0x36: {  	[tilespmem:$0x358] =	vst v0  }
0x37: {  	[tilespmem:$0x368] =	vst v0  }
0x38: {  	[tilespmem:$0x378] =	vst v0  }
0x39: {  	[tilespmem:$0x388] =	vst v0  }
0x3a: {  	[tilespmem:$0x398] =	vst v0  }
0x3b: {  	[tilespmem:$0x3A8] =	vst v0  }
0x3c: {  	[tilespmem:$0x3B8] =	vst v0  }
0x3d: {  	[tilespmem:$0x3C8] =	vst v0  }
0x3e: {  	[tilespmem:$0x3D8] =	vst v0  }
0x3f: {  	[tilespmem:$0x3E8] =	vst v0  }
0x40: {  	[tilespmem:$0x3F8] =	vst v0  }
0x41: {  	[tilespmem:$0x408] =	vst v0  }
0x42: {  	[tilespmem:$0x418] =	vst v0  }
0x43: {  	[tilespmem:$0x428] =	vst v0  }
0x44: {  	[tilespmem:$0x438] =	vst v0  }
0x45: {  	[tilespmem:$0x448] =	vst v0  }
0x46: {  	[tilespmem:$0x458] =	vst v0  }
0x47: {  	[tilespmem:$0x468] =	vst v0  }
0x48: {  	[tilespmem:$0x478] =	vst v0  }
0x49: {  	[tilespmem:$0x488] =	vst v0  }
0x4a: {  	[tilespmem:$0x498] =	vst v0  }
0x4b: {  	[tilespmem:$0x4A8] =	vst v0  }
0x4c: {  	[tilespmem:$0x4B8] =	vst v0  }
0x4d: {  	[tilespmem:$0x4C8] =	vst v0  }
0x4e: {  	[tilespmem:$0x4D8] =	vst v0  }
0x4f: {  	[tilespmem:$0x4E8] =	vst v0  }
0x50: {  	[tilespmem:$0x4F8] =	vst v0  }
0x51: {  	[tilespmem:$0x508] =	vst v0  }
0x52: {  	[tilespmem:$0x518] =	vst v0  }
0x53: {  	[tilespmem:$0x528] =	vst v0  }
0x54: {  	[tilespmem:$0x538] =	vst v0  }
0x55: {  	[tilespmem:$0x548] =	vst v0  }
0x56: {  	[tilespmem:$0x558] =	vst v0  }
0x57: {  	[tilespmem:$0x568] =	vst v0  }
0x58: {  	[tilespmem:$0x578] =	vst v0  }
0x59: {  	[tilespmem:$0x588] =	vst v0  }
0x5a: {  	[tilespmem:$0x598] =	vst v0  }
0x5b: {  	[tilespmem:$0x5A8] =	vst v0  }
0x5c: {  	[tilespmem:$0x5B8] =	vst v0  }
0x5d: {  	[tilespmem:$0x5C8] =	vst v0  }
0x5e: {  	[tilespmem:$0x5D8] =	vst v0  }
0x5f: {  	[tilespmem:$0x5E8] =	vst v0  }
0x60: {  	[tilespmem:$0x5F8] =	vst v0  }
0x61: {  	[tilespmem:$0x608] =	vst v0  }
0x62: {  	[tilespmem:$0x618] =	vst v0  }
0x63: {  	[tilespmem:$0x628] =	vst v0  }
0x64: {  	[tilespmem:$0x638] =	vst v0  }
0x65: {  	[tilespmem:$0x648] =	vst v0  }
0x66: {  	[tilespmem:$0x658] =	vst v0  }
0x67: {  	[tilespmem:$0x668] =	vst v0  }
0x68: {  	[tilespmem:$0x678] =	vst v0  }
0x69: {  	[tilespmem:$0x688] =	vst v0  }
0x6a: {  	[tilespmem:$0x698] =	vst v0  }
0x6b: {  	[tilespmem:$0x6A8] =	vst v0  }
0x6c: {  	[tilespmem:$0x6B8] =	vst v0  }
0x6d: {  	[tilespmem:$0x6C8] =	vst v0  }
0x6e: {  	[tilespmem:$0x6D8] =	vst v0  }
0x6f: {  	[tilespmem:$0x6E8] =	vst v0  }
0x70: {  	[tilespmem:$0x6F8] =	vst v0  }
0x71: {  	[tilespmem:$0x708] =	vst v0  }
0x72: {  	[tilespmem:$0x718] =	vst v0  }
0x73: {  	[tilespmem:$0x728] =	vst v0  }
0x74: {  	[tilespmem:$0x738] =	vst v0  }
0x75: {  	[tilespmem:$0x748] =	vst v0  }
0x76: {  	[tilespmem:$0x758] =	vst v0  }
0x77: {  	[tilespmem:$0x768] =	vst v0  }
0x78: {  	[tilespmem:$0x778] =	vst v0  }
0x79: {  	[tilespmem:$0x788] =	vst v0  }
0x7a: {  	[tilespmem:$0x798] =	vst v0  }
0x7b: {  	[tilespmem:$0x7A8] =	vst v0  }
0x7c: {  	[tilespmem:$0x7B8] =	vst v0  }
0x7d: {  	[tilespmem:$0x7C8] =	vst v0  }
0x7e: {  	[tilespmem:$0x7D8] =	vst v0  }
0x7f: {  	[tilespmem:$0x7E8] =	vst v0  }
0x80: {  	[tilespmem:$0x7F8] =	vst v0  }
0x81: {  	[tilespmem:$0x808] =	vst v0  }
0x82: {  	[tilespmem:$0x818] =	vst v0  }
0x83: {  	[tilespmem:$0x828] =	vst v0  }
0x84: {  	[tilespmem:$0x838] =	vst v0  }
0x85: {  	[tilespmem:$0x848] =	vst v0  }
0x86: {  	[tilespmem:$0x858] =	vst v0  }
0x87: {  	[tilespmem:$0x868] =	vst v0  }
0x88: {  	[tilespmem:$0x878] =	vst v0  }
0x89: {  	[tilespmem:$0x888] =	vst v0  }
0x8a: {  	[tilespmem:$0x898] =	vst v0  }
0x8b: {  	[tilespmem:$0x8A8] =	vst v0  }
0x8c: {  	[tilespmem:$0x8B8] =	vst v0  }
0x8d: {  	[tilespmem:$0x8C8] =	vst v0  }
0x8e: {  	[tilespmem:$0x8D8] =	vst v0  }
0x8f: {  	[tilespmem:$0x8E8] =	vst v0  }
0x90: {  	[tilespmem:$0x8F8] =	vst v0  }
0x91: {  	[tilespmem:$0x908] =	vst v0  }
0x92: {  	[tilespmem:$0x918] =	vst v0  }
0x93: {  	[tilespmem:$0x928] =	vst v0  }
0x94: {  	[tilespmem:$0x938] =	vst v0  }
0x95: {  	[tilespmem:$0x948] =	vst v0  }
0x96: {  	[tilespmem:$0x958] =	vst v0  }
0x97: {  	[tilespmem:$0x968] =	vst v0  }
0x98: {  	[tilespmem:$0x978] =	vst v0  }
0x99: {  	[tilespmem:$0x988] =	vst v0  }
0x9a: {  	[tilespmem:$0x998] =	vst v0  }
0x9b: {  	[tilespmem:$0x9A8] =	vst v0  }
0x9c: {  	[tilespmem:$0x9B8] =	vst v0  }
0x9d: {  	[tilespmem:$0x9C8] =	vst v0  }
0x9e: {  	[tilespmem:$0x9D8] =	vst v0  }
0x9f: {  	[tilespmem:$0x9E8] =	vst v0  }
0xa0: {  	[tilespmem:$0x9F8] =	vst v0  }
0xa1: {  	[tilespmem:$0xA08] =	vst v0  }
0xa2: {  	[tilespmem:$0xA18] =	vst v0  }
0xa3: {  	[tilespmem:$0xA28] =	vst v0  }
0xa4: {  	[tilespmem:$0xA38] =	vst v0  }
0xa5: {  	[tilespmem:$0xA48] =	vst v0  }
0xa6: {  	[tilespmem:$0xA58] =	vst v0  }
0xa7: {  	[tilespmem:$0xA68] =	vst v0  }
0xa8: {  	[tilespmem:$0xA78] =	vst v0  }
0xa9: {  	[tilespmem:$0xA88] =	vst v0  }
0xaa: {  	[tilespmem:$0xA98] =	vst v0  }
0xab: {  	[tilespmem:$0xAA8] =	vst v0  }
0xac: {  	[tilespmem:$0xAB8] =	vst v0  }
0xad: {  	[tilespmem:$0xAC8] =	vst v0  }
0xae: {  	[tilespmem:$0xAD8] =	vst v0  }
0xaf: {  	[tilespmem:$0xAE8] =	vst v0  }
0xb0: {  	[tilespmem:$0xAF8] =	vst v0  }
0xb1: {  	[tilespmem:$0xB08] =	vst v0  }
0xb2: {  	[tilespmem:$0xB18] =	vst v0  }
0xb3: {  	[tilespmem:$0xB28] =	vst v0  }
0xb4: {  	[tilespmem:$0xB38] =	vst v0  }
0xb5: {  	[tilespmem:$0xB48] =	vst v0  }
0xb6: {  	[tilespmem:$0xB58] =	vst v0  }
0xb7: {  	[tilespmem:$0xB68] =	vst v0  }
0xb8: {  	[tilespmem:$0xB78] =	vst v0  }
0xb9: {  	[tilespmem:$0xB88] =	vst v0  }
0xba: {  	[tilespmem:$0xB98] =	vst v0  }
0xbb: {  	[tilespmem:$0xBA8] =	vst v0  }
0xbc: {  	[tilespmem:$0xBB8] =	vst v0  }
0xbd: {  	[tilespmem:$0xBC8] =	vst v0  }
0xbe: {  	[tilespmem:$0xBD8] =	vst v0  }
0xbf: {  	[tilespmem:$0xBE8] =	vst v0  }
0xc0: {  	[tilespmem:$0xBF8] =	vst v0  }
0xc1: {  	[tilespmem:$0xC08] =	vst v0  }
0xc2: {  	[tilespmem:$0xC18] =	vst v0  }
0xc3: {  	[tilespmem:$0xC28] =	vst v0  }
0xc4: {  	[tilespmem:$0xC38] =	vst v0  }
0xc5: {  	[tilespmem:$0xC48] =	vst v0  }
0xc6: {  	[tilespmem:$0xC58] =	vst v0  }
0xc7: {  	[tilespmem:$0xC68] =	vst v0  }
0xc8: {  	[tilespmem:$0xC78] =	vst v0  }
0xc9: {  	[tilespmem:$0xC88] =	vst v0  }
0xca: {  	[tilespmem:$0xC98] =	vst v0  }
0xcb: {  	[tilespmem:$0xCA8] =	vst v0  }
0xcc: {  	[tilespmem:$0xCB8] =	vst v0  }
0xcd: {  	[tilespmem:$0xCC8] =	vst v0  }
0xce: {  	[tilespmem:$0xCD8] =	vst v0  }
0xcf: {  	[tilespmem:$0xCE8] =	vst v0  }
0xd0: {  	[tilespmem:$0xCF8] =	vst v0  }
0xd1: {  	[tilespmem:$0xD08] =	vst v0  }
0xd2: {  	[tilespmem:$0xD18] =	vst v0  }
0xd3: {  	[tilespmem:$0xD28] =	vst v0  }
0xd4: {  	[tilespmem:$0xD38] =	vst v0  }
0xd5: {  	[tilespmem:$0xD48] =	vst v0  }
0xd6: {  	[tilespmem:$0xD58] =	vst v0  }
0xd7: {  	[tilespmem:$0xD68] =	vst v0  }
0xd8: {  	[tilespmem:$0xD78] =	vst v0  }
0xd9: {  	[tilespmem:$0xD88] =	vst v0  }
0xda: {  	[tilespmem:$0xD98] =	vst v0  }
0xdb: {  	[tilespmem:$0xDA8] =	vst v0  }
0xdc: {  	[tilespmem:$0xDB8] =	vst v0  }
0xdd: {  	[tilespmem:$0xDC8] =	vst v0  }
0xde: {  	[tilespmem:$0xDD8] =	vst v0  }
0xdf: {  	[tilespmem:$0xDE8] =	vst v0  }
0xe0: {  	[tilespmem:$0xDF8] =	vst v0  }
0xe1: {  	[tilespmem:$0xE08] =	vst v0  }
0xe2: {  	[tilespmem:$0xE18] =	vst v0  }
0xe3: {  	[tilespmem:$0xE28] =	vst v0  }
0xe4: {  	[tilespmem:$0xE38] =	vst v0  }
0xe5: {  	[tilespmem:$0xE48] =	vst v0  }
0xe6: {  	[tilespmem:$0xE58] =	vst v0  }
0xe7: {  	[tilespmem:$0xE68] =	vst v0  }
0xe8: {  	[tilespmem:$0xE78] =	vst v0  }
0xe9: {  	[tilespmem:$0xE88] =	vst v0  }
0xea: {  	[tilespmem:$0xE98] =	vst v0  }
0xeb: {  	[tilespmem:$0xEA8] =	vst v0  }
0xec: {  	[tilespmem:$0xEB8] =	vst v0  }
0xed: {  	[tilespmem:$0xEC8] =	vst v0  }
0xee: {  	[tilespmem:$0xED8] =	vst v0  }
0xef: {  	[tilespmem:$0xEE8] =	vst v0  }
0xf0: {  	[tilespmem:$0xEF8] =	vst v0  }
0xf1: {  	[tilespmem:$0xF08] =	vst v0  }
0xf2: {  	[tilespmem:$0xF18] =	vst v0  }
0xf3: {  	[tilespmem:$0xF28] =	vst v0  }
0xf4: {  	[tilespmem:$0xF38] =	vst v0  }
0xf5: {  	[tilespmem:$0xF48] =	vst v0  }
0xf6: {  	[tilespmem:$0xF58] =	vst v0  }
0xf7: {  	[tilespmem:$0xF68] =	vst v0  }
0xf8: {  	[tilespmem:$0xF78] =	vst v0  }
0xf9: {  	[tilespmem:$0xF88] =	vst v0  }
0xfa: {  	[tilespmem:$0xF98] =	vst v0  }
0xfb: {  	[tilespmem:$0xFA8] =	vst v0  }
0xfc: {  	[tilespmem:$0xFB8] =	vst v0  }
0xfd: {  	[tilespmem:$0xFC8] =	vst v0  }
0xfe: {  	[tilespmem:$0xFD8] =	vst v0  }
0xff: {  	[tilespmem:$0xFE8] =	vst v0  }
0x100: {  	[tilespmem:$0xFF8] =	vst v0  }
0x101: {  	[tilespmem:$0x1008] =	vst v0  }
0x102: {  	[tilespmem:$0x1098] =	vst v0  }
0x103: {  	[tilespmem:$0x1B28] =	vst v0  }
0x104: {  	[tilespmem:$0x1B18] =	vst v0  }
0x105: {  	[tilespmem:$0x1B08] =	vst v0  }
0x106: {  	[tilespmem:$0x1AF8] =	vst v0  }
0x107: {  	[tilespmem:$0x1AE8] =	vst v0  }
0x108: {  	[tilespmem:$0x1AD8] =	vst v0  }
0x109: {  	[tilespmem:$0x1AC8] =	vst v0  }
0x10a: {  	[tilespmem:$0x1AB8] =	vst v0  }
0x10b: {  	[tilespmem:$0x1AA8] =	vst v0  }
0x10c: {  	[tilespmem:$0x1A98] =	vst v0  }
0x10d: {  	[tilespmem:$0x1A88] =	vst v0  }
0x10e: {  	[tilespmem:$0x1A78] =	vst v0  }
0x10f: {  	[tilespmem:$0x1A68] =	vst v0  }
0x110: {  	[tilespmem:$0x1A58] =	vst v0  }
0x111: {  	[tilespmem:$0x1A48] =	vst v0  }
0x112: {  	[tilespmem:$0x1A38] =	vst v0  }
0x113: {  	[tilespmem:$0x1A28] =	vst v0  }
0x114: {  	[tilespmem:$0x1A18] =	vst v0  }
0x115: {  	[tilespmem:$0x1A08] =	vst v0  }
0x116: {  	[tilespmem:$0x19F8] =	vst v0  }
0x117: {  	[tilespmem:$0x19E8] =	vst v0  }
0x118: {  	[tilespmem:$0x19D8] =	vst v0  }
0x119: {  	[tilespmem:$0x19C8] =	vst v0  }
0x11a: {  	[tilespmem:$0x19B8] =	vst v0  }
0x11b: {  	[tilespmem:$0x19A8] =	vst v0  }
0x11c: {  	[tilespmem:$0x1998] =	vst v0  }
0x11d: {  	[tilespmem:$0x1988] =	vst v0  }
0x11e: {  	[tilespmem:$0x1978] =	vst v0  }
0x11f: {  	[tilespmem:$0x1968] =	vst v0  }
0x120: {  	[tilespmem:$0x1958] =	vst v0  }
0x121: {  	[tilespmem:$0x1948] =	vst v0  }
0x122: {  	[tilespmem:$0x1938] =	vst v0  }
0x123: {  	[tilespmem:$0x1928] =	vst v0  }
0x124: {  	[tilespmem:$0x1918] =	vst v0  }
0x125: {  	[tilespmem:$0x1908] =	vst v0  }
0x126: {  	[tilespmem:$0x18F8] =	vst v0  }
0x127: {  	[tilespmem:$0x18E8] =	vst v0  }
0x128: {  	[tilespmem:$0x18D8] =	vst v0  }
0x129: {  	[tilespmem:$0x18C8] =	vst v0  }
0x12a: {  	[tilespmem:$0x18B8] =	vst v0  }
0x12b: {  	[tilespmem:$0x18A8] =	vst v0  }
0x12c: {  	[tilespmem:$0x1898] =	vst v0  }
0x12d: {  	[tilespmem:$0x1888] =	vst v0  }
0x12e: {  	[tilespmem:$0x1878] =	vst v0  }
0x12f: {  	[tilespmem:$0x1868] =	vst v0  }
0x130: {  	[tilespmem:$0x1858] =	vst v0  }
0x131: {  	[tilespmem:$0x1848] =	vst v0  }
0x132: {  	[tilespmem:$0x1838] =	vst v0  }
0x133: {  	[tilespmem:$0x1828] =	vst v0  }
0x134: {  	[tilespmem:$0x1818] =	vst v0  }
0x135: {  	[tilespmem:$0x1808] =	vst v0  }
0x136: {  	[tilespmem:$0x17F8] =	vst v0  }
0x137: {  	[tilespmem:$0x17E8] =	vst v0  }
0x138: {  	[tilespmem:$0x17D8] =	vst v0  }
0x139: {  	[tilespmem:$0x17C8] =	vst v0  }
0x13a: {  	[tilespmem:$0x17B8] =	vst v0  }
0x13b: {  	[tilespmem:$0x17A8] =	vst v0  }
0x13c: {  	[tilespmem:$0x1798] =	vst v0  }
0x13d: {  	[tilespmem:$0x1788] =	vst v0  }
0x13e: {  	[tilespmem:$0x1778] =	vst v0  }
0x13f: {  	[tilespmem:$0x1768] =	vst v0  }
0x140: {  	[tilespmem:$0x1758] =	vst v0  }
0x141: {  	[tilespmem:$0x1748] =	vst v0  }
0x142: {  	[tilespmem:$0x1738] =	vst v0  }
0x143: {  	[tilespmem:$0x1728] =	vst v0  }
0x144: {  	[tilespmem:$0x1718] =	vst v0  }
0x145: {  	[tilespmem:$0x1708] =	vst v0  }
0x146: {  	[tilespmem:$0x16F8] =	vst v0  }
0x147: {  	[tilespmem:$0x16E8] =	vst v0  }
0x148: {  	[tilespmem:$0x16D8] =	vst v0  }
0x149: {  	[tilespmem:$0x16C8] =	vst v0  }
0x14a: {  	[tilespmem:$0x16B8] =	vst v0  }
0x14b: {  	[tilespmem:$0x16A8] =	vst v0  }
0x14c: {  	[tilespmem:$0x1698] =	vst v0  }
0x14d: {  	[tilespmem:$0x1688] =	vst v0  }
0x14e: {  	[tilespmem:$0x1678] =	vst v0  }
0x14f: {  	[tilespmem:$0x1668] =	vst v0  }
0x150: {  	[tilespmem:$0x1658] =	vst v0  }
0x151: {  	[tilespmem:$0x1648] =	vst v0  }
0x152: {  	[tilespmem:$0x1638] =	vst v0  }
0x153: {  	[tilespmem:$0x1628] =	vst v0  }
0x154: {  	[tilespmem:$0x1618] =	vst v0  }
0x155: {  	[tilespmem:$0x1608] =	vst v0  }
0x156: {  	[tilespmem:$0x15F8] =	vst v0  }
0x157: {  	[tilespmem:$0x15E8] =	vst v0  }
0x158: {  	[tilespmem:$0x15D8] =	vst v0  }
0x159: {  	[tilespmem:$0x15C8] =	vst v0  }
0x15a: {  	[tilespmem:$0x15B8] =	vst v0  }
0x15b: {  	[tilespmem:$0x15A8] =	vst v0  }
0x15c: {  	[tilespmem:$0x1598] =	vst v0  }
0x15d: {  	[tilespmem:$0x1588] =	vst v0  }
0x15e: {  	[tilespmem:$0x1578] =	vst v0  }
0x15f: {  	[tilespmem:$0x1568] =	vst v0  }
0x160: {  	[tilespmem:$0x1558] =	vst v0  }
0x161: {  	[tilespmem:$0x1548] =	vst v0  }
0x162: {  	[tilespmem:$0x1538] =	vst v0  }
0x163: {  	[tilespmem:$0x1528] =	vst v0  }
0x164: {  	[tilespmem:$0x1518] =	vst v0  }
0x165: {  	[tilespmem:$0x1508] =	vst v0  }
0x166: {  	[tilespmem:$0x14F8] =	vst v0  }
0x167: {  	[tilespmem:$0x14E8] =	vst v0  }
0x168: {  	[tilespmem:$0x14D8] =	vst v0  }
0x169: {  	[tilespmem:$0x14C8] =	vst v0  }
0x16a: {  	[tilespmem:$0x14B8] =	vst v0  }
0x16b: {  	[tilespmem:$0x14A8] =	vst v0  }
0x16c: {  	[tilespmem:$0x1498] =	vst v0  }
0x16d: {  	[tilespmem:$0x1488] =	vst v0  }
0x16e: {  	[tilespmem:$0x1478] =	vst v0  }
0x16f: {  	[tilespmem:$0x1468] =	vst v0  }
0x170: {  	[tilespmem:$0x1458] =	vst v0  }
0x171: {  	[tilespmem:$0x1448] =	vst v0  }
0x172: {  	[tilespmem:$0x1438] =	vst v0  }
0x173: {  	[tilespmem:$0x1428] =	vst v0  }
0x174: {  	[tilespmem:$0x1418] =	vst v0  }
0x175: {  	[tilespmem:$0x1408] =	vst v0  }
0x176: {  	[tilespmem:$0x13F8] =	vst v0  }
0x177: {  	[tilespmem:$0x13E8] =	vst v0  }
0x178: {  	[tilespmem:$0x13D8] =	vst v0  }
0x179: {  	[tilespmem:$0x13C8] =	vst v0  }
0x17a: {  	[tilespmem:$0x13B8] =	vst v0  }
0x17b: {  	[tilespmem:$0x13A8] =	vst v0  }
0x17c: {  	[tilespmem:$0x1398] =	vst v0  }
0x17d: {  	[tilespmem:$0x1388] =	vst v0  }
0x17e: {  	[tilespmem:$0x1378] =	vst v0  }
0x17f: {  	[tilespmem:$0x1368] =	vst v0  }
0x180: {  	[tilespmem:$0x1358] =	vst v0  }
0x181: {  	[tilespmem:$0x1348] =	vst v0  }
0x182: {  	[tilespmem:$0x1338] =	vst v0  }
0x183: {  	[tilespmem:$0x1328] =	vst v0  }
0x184: {  	[tilespmem:$0x1318] =	vst v0  }
0x185: {  	[tilespmem:$0x1308] =	vst v0  }
0x186: {  	[tilespmem:$0x12F8] =	vst v0  }
0x187: {  	[tilespmem:$0x12E8] =	vst v0  }
0x188: {  	[tilespmem:$0x12D8] =	vst v0  }
0x189: {  	[tilespmem:$0x12C8] =	vst v0  }
0x18a: {  	[tilespmem:$0x12B8] =	vst v0  }
0x18b: {  	[tilespmem:$0x12A8] =	vst v0  }
0x18c: {  	[tilespmem:$0x1298] =	vst v0  }
0x18d: {  	[tilespmem:$0x1288] =	vst v0  }
0x18e: {  	[tilespmem:$0x1278] =	vst v0  }
0x18f: {  	[tilespmem:$0x1268] =	vst v0  }
0x190: {  	[tilespmem:$0x1258] =	vst v0  }
0x191: {  	[tilespmem:$0x1248] =	vst v0  }
0x192: {  	[tilespmem:$0x1238] =	vst v0  }
0x193: {  	[tilespmem:$0x1228] =	vst v0  }
0x194: {  	[tilespmem:$0x1218] =	vst v0  }
0x195: {  	[tilespmem:$0x1208] =	vst v0  }
0x196: {  	[tilespmem:$0x11F8] =	vst v0  }
0x197: {  	[tilespmem:$0x11E8] =	vst v0  }
0x198: {  	[tilespmem:$0x11D8] =	vst v0  }
0x199: {  	[tilespmem:$0x11C8] =	vst v0  }
0x19a: {  	[tilespmem:$0x11B8] =	vst v0  }
0x19b: {  	[tilespmem:$0x11A8] =	vst v0  }
0x19c: {  	[tilespmem:$0x1198] =	vst v0  }
0x19d: {  	[tilespmem:$0x1188] =	vst v0  }
0x19e: {  	[tilespmem:$0x1178] =	vst v0  }
0x19f: {  	[tilespmem:$0x1168] =	vst v0  }
0x1a0: {  	[tilespmem:$0x1158] =	vst v0  }
0x1a1: {  	[tilespmem:$0x1148] =	vst v0  }
0x1a2: {  	[tilespmem:$0x1138] =	vst v0  }
0x1a3: {  	[tilespmem:$0x1128] =	vst v0  }
0x1a4: {  	[tilespmem:$0x1118] =	vst v0  }
0x1a5: {  	[tilespmem:$0x1108] =	vst v0  }
0x1a6: {  	[tilespmem:$0x10F8] =	vst v0  }
0x1a7: {  	[tilespmem:$0x10E8] =	vst v0  }
0x1a8: {  	s1 =	stileid.u32;
	[tilespmem:$0x10D8] =	vst v0  }
0x1a9: {  	s4 =	smul.u32 $0xCF90, s1;
	[tilespmem:$0x10C8] =	vst v0  }
0x1aa: {  	[tilespmem:$0x10B8] =	vst v0  }
0x1ab: {  	[tilespmem:$0x10A8] =	vst v0;
	s0 =	smin.u32 s4, $0xC28C0  }
0x1ac: {  	[tilespmem:$0x1028] =	vst v0;
	s5 =	sadd.s32 $0xCF90, s0  }
0x1ad: {  	s6 =	simm.s32 $0x2;
	[tilespmem:$0x1088] =	vst v0;
	s0 =	ssub.s32 s5, s4  }
0x1ae: {  	s8 =	simm.s32 $0x7;
	s13 =	simm.s32 $0x8;
	[tilespmem:$0x1078] =	vst v0;
	p0 =	sgt.s32 s0, $0x0  }
0x1af: {  	s30 =	simm.s32 $0x9;
	p4 =	por $0x0, $0x0;
	[tilespmem:$0x1068] =	vst v0;
	s0 =	simm.s32 @!p0 $0x0  }
0x1b0: {  	s14 =	simm.s32 $0xA;
	s18 =	simm.s32 $0x0;
	[tilespmem:$0x1058] =	vst v0;
	s12 =	smulhi.u32 $0x97B426, s0  }
0x1b1: {  	s15 =	simm.s32 $0x0;
	s17 =	simm.s32 $0x0;
	s2 =	sadd.s32 $0x128600, s3;
	[tilespmem:$0x1048] =	vst v0  }
0x1b2: {  	s7 =	sadd.s32 $0x10FD600, s3;
	s31 =	sshll.u32 s1, $0x5;
	[tilespmem:$0x1038] =	vst v0;
	s10 =	smul.u32 $0x1B0, s12  }
.Ltmp0:
0x1b3: {  	[tilespmem:$0x1018] =	vst v0;
	[sflag:s6] =	ssyncpa.u1 $0x0;
	v0 =	vimm.s32 $0xFFFFFFFF;
	s6 =	sadd.s32 $0x65000, s3;
	(pc) =	sbr.rel .LBB2_1-.Ltmp0, $4  }
0x1b4: {  	[dreg:$0x2] =	wrdreg s31;
	[tilespmem:$0x3648] =	vst v0;
	[sflag:s8] =	ssyncpa.u1 $0x0;
	p0 =	sne.s32 s0, s10  }
0x1b5: {  	s16 =	smov.u32 s4;
	[dreg:$0x3] =	wrdreg s4;
	s11 =	simm.s32 @!p0 $0x0  }
0x1b6: {  	[sflag:s13] =	ssyncpa.u1 $0x0;
	s13 =	simm.s32 $0x0;
	s11 =	sadd.s32 s11, s12  }
0x1b7: {  	v0 =	vlaneseq.u32;
	[sflag:s30] =	ssyncpa.u1 $0x0;
	p0 =	por $0x1, $0x1;
	s8 =	sadd.s32 $0x1, s11  }
.LBB2_18:
0x1b8: {  	s0 =	simm.s32 $0x2  }
0x1b9: {  	_ =	swait.ge [sflag:s0], $0x0  }
0x1ba: {  	[sflag:s0] =	ssyncset.done $0x0;
	s0 =	simm.s32 $0x0  }
.LBB2_19:
0x1bb: {  	_ =	swait.ge [sflag:s14], s0  }
0x1bc: {  	s31 =	ssub.s32 $0x0, s0;
	v1 =	vmov s20;
	vm0 =	veq.s32 v0, $0x0;
	[sflag:s14] =	ssyncset.done $0x0  }
0x1bd: {  	vm15 =	veq.s32 v0, $0x2;
	v1 =	vsel vm0, s24, v1;
	[sflag:s14] =	ssyncadd.s32 s31  }
0x1be: {  	v1 =	vsel vm15, s18, v1;
	[sflag:s14] =	ssyncpa.u1 $0x1  }
0x1bf: {  	[tilespmem:$0x3648] =	vst v1  }
.LBB2_20:
0x1c0: {  	s0 =	sadd.s32 $0x1B0, s16  }
0x1c1: {  	s1 =	smov.u32 s4;
	p1 =	slt.s32 s0, s5  }
0x1c2: {  	s1 =	smov.u32 @p1 s0;
	p1 =	sne.s32 s17, s8  }
.Ltmp1:
0x1c3: {  	_ = 	snop;
	(pc) =	sbr.rel @!p1 .LBB2_21-.Ltmp1, $4  }
0x1c4: {  	_ = 	snop  }
0x1c5: {  	s18 =	smov.u32 s15  }
0x1c6: {  	s31 =	sadd.s32 $0x1, s17;
	s15 =	smov.u32 s16;
	p0 =	por !p0, !p0  }
0x1c7: {  	p4 =	por !p4, !p4;
	s17 =	smov.u32 s31;
	s16 =	smov.u32 s1  }
.LBB2_1:
0x1c8: {  	p2 =	sge.u32 s17, s11  }
0x1c9: {  	s0 =	smulhi.u32 @!p2 $0xAAAAAAAB, s17  }
0x1ca: {  	s19 =	smov.u32 s16;
	p3 =	sgt.s32 @!p2 s16, $0xCF6A0  }
0x1cb: {  	s20 =	sshra.s32 @!p2 s16, $0x1F;
	p3 =	por !p3, p2;
	s0 =	sshrl.u32 @!p2 s0, $0x1  }
0x1cc: {  	s20 =	sand.u32 @!p2 s20, s16;
	s19 =	simm.s32 @p3 $0xCF6A0;
	s0 =	smul.u32 @!p2 $0x3, s0  }
0x1cd: {  	s19 =	ssub.s32 @!p2 s19, s20  }
0x1ce: {  	s19 =	sadd.s32 @!p2 $0xFFF30960, s19;
	s0 =	ssub.s32 @!p2 s17, s0  }
0x1cf: {  	s20 =	sshll.u32 @!p2 s19, $0x2;
	p3 =	sgt.s32 @!p2 s19, $0x1AF;
	s0 =	smul.u32 @!p2 $0x6C0, s0  }
0x1d0: {  	s21 =	sand.u32 @!p2 $0x7, s16;
	s19 =	ssub.s32 @!p2 $0x6C0, s20;
	p3 =	por !p3, p2  }
0x1d1: {  	s20 =	sshrl.u32 @!p2 s16, $0x3;
	s19 =	sshrl.u32 @!p2 s19, $0x2;
	s0 =	sshrl.u32 @!p2 s0, $0x2  }
0x1d2: {  	s20 =	sadd.s32 @!p2 s6, s20;
	s19 =	simm.s32 @!p3 $0x0;
	s0 =	sadd.s32 @!p2 $0x3878, s0  }
0x1d3: {  	[tilespmem:s0], [sflag:$0x8] =	stream.linear.gather @!p2 [hbm4b:s20+s21], s19, $0x38;
	[tilespmem:$0x1F0E8] =	vst v63  }
0x1d4: {  	s20 =	sadd.s32 $0xFFFFFFFF, s17  }
0x1d5: {  	p2 =	sge.u32 s20, s11  }
0x1d6: {  	p3 =	sgt.s32 @!p2 s15, $0xCF6A0  }
0x1d7: {  	s0 =	smov.u32 s15;
	s19 =	sshra.s32 @!p2 s15, $0x1F;
	p3 =	por !p3, p2  }
0x1d8: {  	s19 =	sand.u32 @!p2 s19, s15;
	s0 =	simm.s32 @p3 $0xCF6A0  }
0x1d9: {  	s0 =	ssub.s32 @!p2 s0, s19  }
0x1da: {  	s0 =	sadd.s32 @!p2 $0xFFF30960, s0  }
0x1db: {  	s19 =	sshll.u32 @!p2 s0, $0x2  }
0x1dc: {  	p3 =	sgt.s32 @!p2 s0, $0x1AF;
	s0 =	ssub.s32 @!p2 $0x6C0, s19  }
0x1dd: {  	p3 =	por !p3, p2;
	s0 =	sshrl.u32 @!p2 s0, $0x2  }
0x1de: {  	s21 =	simm.s32 @!p2 $0x8;
	s19 =	sand.u32 @!p2 $0x1, s20;
	s0 =	simm.s32 @!p3 $0x0  }
0x1df: {  	s19 =	smul.u32 @!p2 $0x6C0, s19;
	_ =	swait.ge @!p2 [sflag:s21], s0  }
0x1e0: {  	s22 =	ssub.s32 @!p2 $0x0, s0;
	[sflag:s21] =	ssyncset.done @!p2 $0x0  }
0x1e1: {  	s19 =	sshrl.u32 @!p2 s19, $0x2;
	[sflag:s21] =	ssyncadd.s32 @!p2 s22;
	s21 =	sshrl.u32 @!p2 s15, $0x3  }
0x1e2: {  	s19 =	sadd.s32 @!p2 $0x3D88, s19;
	s22 =	sand.u32 @!p2 $0x7, s15;
	s21 =	sadd.s32 @!p2 s3, s21  }
0x1e3: {  	[tilespmem:s19], [sflag:$0x9] =	stream.linear.gather @!p2 [hbm4b:s21+s22], s0, $0x38;
	[tilespmem:$0x1F0E8] =	vst v63  }
0x1e4: {  	s19 =	ssub.s32 @!p2 $0xCF850, s15  }
0x1e5: {  	p3 =	slt.s32 @!p2 s19, $0x1  }
0x1e6: {  	p3 =	por p2, p3  }
.Ltmp2:
0x1e7: {  	_ = 	snop;
	(pc) =	sbr.rel @p3 .LBB2_7-.Ltmp2, $1  }
0x1e8: {  	_ =	sdelay $0x3  }
0x1e9: {  	s0 =	smulhi.u32 $0xAAAAAAAB, s20;
	_ =	sdelay $0x1  }
0x1ea: {  	s0 =	sshrl.u32 s0, $0x1  }
0x1eb: {  	s0 =	smul.u32 $0x3, s0;
	_ =	sdelay $0x1  }
0x1ec: {  	s0 =	ssub.s32 s20, s0  }
0x1ed: {  	s21 =	simm.s32 $0x1;
	s0 =	smul.u32 $0x6C0, s0  }
.Ltmp3:
0x1ee: {  	s21 =	simm.s32 @!p0 $0x0;
	(pc) =	sbr.rel .LBB2_4-.Ltmp3, $4  }
0x1ef: {  	s31 =	smul.u32 $0x36000, s21  }
0x1f0: {  	p3 =	slt.s32 @!p2 s19, $0x1B0;
	s0 =	sshrl.u32 s0, $0x2  }
0x1f1: {  	p2 =	por !p3, p2;
	s20 =	sshrl.u32 s31, $0x2;
	s0 =	sadd.s32 $0x3878, s0  }
0x1f2: {  	s19 =	simm.s32 @p2 $0x1B0;
	s21 =	simm.s32 $0x0;
	s20 =	sadd.s32 $0x40E8, s20;
	v1 =	vmov s0  }
.LBB2_3:
0x1f3: {  	p2 =	sge.s32 s21, s19  }
.Ltmp4:
0x1f4: {  	_ = 	snop;
	(pc) =	sbr.rel @p2 .LBB2_7-.Ltmp4, $2  }
0x1f5: {  	_ =	sdelay $0x2  }
0x1f6: {  	s20 =	sadd.s32 $0x800, s20  }
.LBB2_4:
0x1f7: {  	p2 =	sle.s32 s19, s21  }
.Ltmp5:
0x1f8: {  	_ = 	snop;
	(pc) =	sbr.rel @p2 .LBB2_3-.Ltmp5, $2  }
0x1f9: {  	_ =	sdelay $0x2  }
0x1fa: {  	s22 =	smov.u32 s21;
	s21 =	sadd.s32 $0x10, s21  }
0x1fb: {  	s0 =	ssub.s32 s19, s22  }
0x1fc: {  	p2 =	slt.s32 s0, $0x10  }
0x1fd: {  	s0 =	simm.s32 @!p2 $0x10  }
0x1fe: {  	v2 =	vmov s0  }
0x1ff: {  	vm0 =	vgt.s32 v2, v0;
	_ =	sdelay $0x5  }
0x200: {  	v2 =	vld.idx.msk [tilespmem:v1+s22+$0x0 ss:$0x1], vm0;
	_ =	sdelay $0x2  }
0x201: {  	s23 =	smov.u32 s19;
	p2 =	slt.s32 s21, s19  }
0x202: {  	s24 =	smov.u32 s20;
	s25 =	simm.s32 $0x0;
	s23 =	smov.u32 @p2 s21  }
.LBB2_6:
0x203: {  	(v2sf) =	vpush v2, s25;
	_ =	sdelay $0xc  }
0x204: {  	s25 =	sadd.s32 $0x1, s25  }
0x205: {  	s31 =	sadd.s32 s25, s22  }
0x206: {  	p2 =	slt.s32 s31, s23;
	s0 =	spop (v2sf)  }
.Ltmp6:
0x207: {  	s0 =	sshll.u32 s0, $0x4;
	(pc) =	sbr.rel @p2 .LBB2_6-.Ltmp6, $4  }
0x208: {  	s0 =	sand.u32 $0x1FFFFFF0, s0  }
0x209: {  	s0 =	sadd.s32 s7, s0  }
0x20a: {  	[tilespmem:s24], [sflag:$0x7] =	stream.linear.gather [hbm4b:s0+s13], $0x3, $0x38;
	[tilespmem:$0x1F0E8] =	vst v63  }
0x20b: {  	s24 =	sadd.s32 $0x80, s24  }
.Ltmp7:
0x20c: {  	_ = 	snop;
	(pc) =	sbr.rel .LBB2_3-.Ltmp7, $1  }
0x20d: {  	_ =	sdelay $0x3  }
.LBB2_7:
0x20e: {  	p2 =	slt.u32 s17, $0x2  }
.Ltmp8:
0x20f: {  	_ = 	snop;
	(pc) =	sbr.rel @p2 .LBB2_20-.Ltmp8, $1  }
0x210: {  	_ =	sdelay $0x3  }
0x211: {  	s0 =	ssub.s32 $0xCF850, s18;
	p2 =	sgt.s32 s18, $0xCF6A0;
	s19 =	smov.u32 s18  }
0x212: {  	s20 =	sshra.s32 s18, $0x1F;
	p3 =	slt.s32 s0, $0x1B0;
	s21 =	smov.u32 s0  }
0x213: {  	s19 =	simm.s32 @!p2 $0xCF6A0;
	s20 =	sand.u32 s20, s18;
	s21 =	simm.s32 @!p3 $0x1B0  }
0x214: {  	s19 =	ssub.s32 s19, s20;
	s25 =	smul.u32 $0xC, s21  }
0x215: {  	s19 =	sadd.s32 $0xFFF30960, s19  }
0x216: {  	s1 =	simm.s32 $0x7;
	s26 =	sshll.u32 s19, $0x2;
	s20 =	sshrl.u32 s25, $0x2  }
0x217: {  	p2 =	sgt.s32 s19, $0x1AF;
	s28 =	ssub.s32 $0x6C0, s26;
	_ =	swait.ge [sflag:s1], s20  }
0x218: {  	s20 =	ssub.s32 $0x0, s20;
	s19 =	sshrl.u32 s28, $0x2;
	[sflag:s1] =	ssyncset.done $0x0  }
0x219: {  	s29 =	simm.s32 $0x9;
	s19 =	simm.s32 @p2 $0x0;
	[sflag:s1] =	ssyncadd.s32 s20  }
0x21a: {  	_ =	swait.ge [sflag:s29], s19  }
0x21b: {  	s19 =	ssub.s32 $0x0, s19;
	[sflag:s29] =	ssyncset.done $0x0  }
0x21c: {  	[sflag:s29] =	ssyncadd.s32 s19  }
0x21d: {  	v1 =	vld [tilespmem:$0x3648];
	_ =	sdelay $0x4  }
0x21e: {  	(v2sf) =	vpush v1, $0x0  }
0x21f: {  	(v2sf) =	vpush v1, $0x1  }
0x220: {  	(v2sf) =	vpush v1, $0x2;
	_ =	sdelay $0x3  }
0x221: {  	s19 =	sadd.s32 $0x1B0, s18  }
0x222: {  	p2 =	slt.s32 s5, s19  }
0x223: {  	s19 =	smov.u32 @p2 s5;
	p2 =	sgt.s32 s0, $0x0  }
0x224: {  	s22 =	ssub.s32 s19, s18;
	s0 =	simm.s32 @!p2 $0x0  }
0x225: {  	p2 =	slt.s32 s0, s22  }
0x226: {  	s22 =	smov.u32 @p2 s0  }
0x227: {  	s21 =	simm.s32 $0x1;
	p2 =	slt.s32 s22, $0x1  }
.Ltmp9:
0x228: {  	s21 =	simm.s32 @!p4 $0x0;
	(pc) =	sbr.rel @p2 .LBB2_12-.Ltmp9, $4  }
0x229: {  	s30 =	smul.u32 $0x6C0, s21  }
0x22a: {  	s23 =	spop (v2sf)  }
0x22b: {  	s31 =	sshrl.u32 s30, $0x2;
	s25 =	spop (v2sf)  }
0x22c: {  	s19 =	sadd.s32 $0x3D88, s31;
	s18 =	spop (v2sf)  }
0x22d: {  	s0 =	smin.u32 s22, $0x10  }
0x22e: {  	v1 =	vmov s0  }
0x22f: {  	p3 =	sgt.s32 s22, $0x10;
	vm1 =	vgt.u32 v1, v0  }
.Ltmp10:
0x230: {  	_ = 	snop;
	(pc) =	sbr.rel @!p3 .LBB2_11-.Ltmp10, $2  }
0x231: {  	_ =	sdelay $0x2  }
0x232: {  	s24 =	simm.s32 $0x10;
	s26 =	sadd.s32 $0xFFFFFFF0, s22;
	s20 =	smov.u32 s19;
	vm0 =	vmmov vm1  }
.LBB2_10:
0x233: {  	s0 =	smin.u32 s26, $0x10;
	s24 =	sadd.s32 $0x10, s24;
	v1 =	vld.msk [tilespmem:s20+$0x0 ss:$0x1], vm1  }
0x234: {  	v2 =	vmov s0;
	p3 =	slt.s32 s24, s22  }
0x235: {  	vm1 =	vgt.u32 v2, v0  }
.Ltmp11:
0x236: {  	(pc) =	sbr.rel @p3 .LBB2_10-.Ltmp11, $3  }
0x237: {  	_ =	sdelay $0x1  }
0x238: {  	v1 =	vshll.u32 v1, $0x4  }
0x239: {  	s26 =	sadd.s32 $0xFFFFFFF0, s26;
	[tilespmem:s20+$0x0] =	vst.msk vm0, v1;
	s20 =	sadd.s32 $0x10, s20;
	vm0 =	vmmov vm1  }
.LBB2_11:
0x23a: {  	_ =	sdelay $0x4  }
0x23b: {  	v1 =	vld.msk [tilespmem:s20+$0x0 ss:$0x1], vm1;
	_ =	sdelay $0x4  }
0x23c: {  	v1 =	vshll.u32 v1, $0x4  }
0x23d: {  	[tilespmem:s20+$0x0] =	vst.msk vm0, v1  }
.LBB2_12:
0x23e: {  	s0 =	sand.u32 $0x1, s17  }
0x23f: {  	s0 =	smul.u32 $0x1B0, s0  }
0x240: {  	p3 =	sne.s32 s25, $0xFFFFFFFF  }
0x241: {  	v1 =	vld.msk @!p3 [tilespmem:s0+$0x3D88], $0x1;
	_ =	sdelay $0x4  }
0x242: {  	(v2sf) =	vpush @!p3 v1, $0x0;
	_ =	sdelay $0xc  }
.Ltmp12:
0x243: {  	_ = 	snop;
	(pc) =	sbr.rel @p2 .LBB2_18-.Ltmp12, $4  }
0x244: {  	_ = 	snop  }
0x245: {  	s24 =	spop @!p3 (v2sf)  }
0x246: {  	s18 =	simm.s32 @!p3 $0x0;
	s20 =	smov.u32 s24  }
0x247: {  	[sflag:s14] =	ssyncpa.u1 $0x0;
	s24 =	smov.u32 @p3 s23;
	s20 =	smov.u32 @p3 s25  }
0x248: {  	v1 =	vld.msk [tilespmem:s19+$0x0], $0x1;
	_ =	sdelay $0x4  }
0x249: {  	(v2sf) =	vpush v1, $0x0;
	_ =	sdelay $0xd  }
0x24a: {  	s0 =	simm.s32 @!p4 $0x0  }
0x24b: {  	s26 =	smul.u32 $0x36000, s21;
	s25 =	ssub.s32 $0x0, s22;
	s28 =	spop (v2sf)  }
0x24c: {  	s0 =	simm.s32 @p4 $0x1;
	s23 =	sadd.s32 $0x1, s25;
	p2 =	seq.s32 s24, s28  }
0x24d: {  	[smem:$0x7FD] =	sst s0;
	s0 =	sshrl.u32 s26, $0x2;
	p3 =	sgt.s32 @!p2 s24, $0x0  }
0x24e: {  	s21 =	sadd.s32 $0x40E8, s0;
	s0 =	smov.u32 s24;
	p3 =	por !p3, p2  }
0x24f: {  	s0 =	simm.s32 @p3 $0x0;
	p3 =	seq.s32 s23, $0x0  }
.Ltmp13:
0x250: {  	_ = 	snop;
	(pc) =	sbr.rel @p3 .LBB2_15-.Ltmp13, $4  }
0x251: {  	s4 =	smov.u32 s8;
	s12 =	smov.u32 s6;
	s8 =	smov.u32 s3  }
0x252: {  	s22 =	simm.s32 $0x0;
	s29 =	simm.s32 @!p2 $0x1;
	s0 =	smin.u32 @!p2 s0, $0xC34FF  }
0x253: {  	s30 =	simm.s32 @!p2 $0x1B38;
	s29 =	smov.u32 @p2 s22;
	s26 =	sand.u32 @!p2 $0xFFFF8, s0  }
0x254: {  	s31 =	sand.u32 @!p2 $0x7, s0;
	s0 =	sadd.s32 @!p2 s2, s26;
	s26 =	sadd.s32 $0x1, s19  }
.LBB2_14:
0x255: {  	s3 =	smov.u32 s29  }
0x256: {  	[tilespmem:s30], [sflag:$0x2] =	stream.linear.gather @!p2 [hbm4b:s0+s31], $0x3, $0x38;
	[tilespmem:$0x1F0E8] =	vst v63  }
0x257: {  	s23 =	sadd.s32 $0x1, s23;
	s0 =	smov.u32 s28;
	v1 =	vld.msk [tilespmem:s26+$0x0], $0x1  }
0x258: {  	p3 =	seq.s32 s23, $0x0;
	_ =	sdelay $0x3  }
0x259: {  	(v2sf) =	vpush v1, $0x0;
	_ =	sdelay $0xe  }
0x25a: {  	s28 =	spop (v2sf)  }
0x25b: {  	p2 =	seq.s32 s0, s28  }
0x25c: {  	p4 =	sgt.s32 @!p2 s0, $0x0;
	s30 =	sshll.u32 @!p2 s29, $0x6;
	s29 =	sadd.s32 @!p2 $0x1, s29  }
.Ltmp14:
0x25d: {  	p4 =	por !p4, p2;
	s30 =	sshra.s32 @!p2 s30, $0x2;
	(pc) =	sbr.rel @!p3 .LBB2_14-.Ltmp14, $4  }
0x25e: {  	s29 =	smov.u32 @p2 s3;
	s0 =	simm.s32 @p4 $0x0;
	s30 =	sadd.s32 @!p2 $0x1B38, s30  }
0x25f: {  	s0 =	smin.u32 @!p2 s0, $0xC34FF  }
0x260: {  	s3 =	sand.u32 @!p2 $0xFFFF8, s0;
	s31 =	sand.u32 @!p2 $0x7, s0  }
0x261: {  	s26 =	sadd.s32 $0x1, s26;
	s0 =	sadd.s32 @!p2 s2, s3  }
.LBB2_15:
0x262: {  	s3 =	smul.u32 $0xC, s29  }
0x263: {  	[tilespmem:s30], [sflag:$0x2] =	stream.linear.gather @!p2 [hbm4b:s0+s31], $0x3, $0x38;
	[tilespmem:$0x1F0E8] =	vst v63  }
0x264: {  	s1 =	simm.s32 $0x2;
	s31 =	sshrl.u32 s3, $0x2  }
0x265: {  	_ =	swait.ge [sflag:s1], s31  }
0x266: {  	s0 =	ssub.s32 $0x0, s31;
	[sflag:s1] =	ssyncset.done $0x0  }
0x267: {  	[sflag:s1] =	ssyncadd.s32 s0  }
0x268: {  	v1 =	vld.msk [tilespmem:s19+$0x0], $0x1;
	_ =	sdelay $0x4  }
0x269: {  	(v2sf) =	vpush v1, $0x0;
	_ =	sdelay $0xe  }
0x26a: {  	s23 =	spop (v2sf)  }
0x26b: {  	p2 =	sne.s32 s24, s23  }
0x26c: {  	p4 =	sne.s32 @p2 s24, s20  }
0x26d: {  	p3 =	por !p4, !p2  }
0x26e: {  	s0 =	simm.s32 @!p3 $0x0  }
0x26f: {  	v1 =	vld.msk @!p3 [tilespmem:s0+$0x1B38], $0x7  }
0x270: {  	p5 =	sgt.u32 @!p3 s24, $0xC34FF  }
0x271: {  	s3 =	sshll.u32 @!p3 s18, $0x6;
	p6 =	por @p2 p5, !p4  }
0x272: {  	s3 =	sshra.s32 @!p3 s3, $0x2;
	p1 =	por p6, !p2;
	p6 =	por p4, !p2  }
0x273: {  	s26 =	sadd.s32 @!p3 $0x28, s3;
	s28 =	sand.u32 @!p1 $0xFFFF8, s24;
	s29 =	sshll.u32 @!p6 s18, $0x6  }
0x274: {  	s24 =	sand.u32 @!p1 $0x7, s24;
	[tilespmem:s3+$0x28] =	vst.add.f32.msk @!p3 $0x7, v1;
	s3 =	sadd.s32 @!p1 s2, s28;
	s28 =	sshra.s32 @!p6 s29, $0x2  }
0x275: {  	[hbm4b:s3+s24] =	stream.linear.scatter @!p1 [tilespmem:s26], [sflag:$0xA], $0x3, $0x38;
	[tilespmem:$0x1F0E8] =	vst v63  }
0x276: {  	s0 =	rddreg [dreg:$0x2];
	s3 =	sadd.s32 @!p6 $0x28, s28;
	s24 =	simm.s32 @!p6 $0x1  }
0x277: {  	[spmem:s0] =	stream.linear.scatter @!p6 [tilespmem:s3], [sflag:$0x1], $0x3, $0x38;
	[tilespmem:$0x1F0E8] =	vst v63  }
0x278: {  	s0 =	sadd.s32 @p2 $0x1, s18;
	_ =	swait.ge @!p6 [sflag:s24], $0x3  }
0x279: {  	s3 =	sshrl.u32 @p2 s0, $0x4;
	[sflag:s24] =	ssyncset.done @!p6 $0x0  }
0x27a: {  	s3 =	smulhi.u32 @p2 $0x97B425F, s3;
	[sflag:s24] =	ssyncadd.s32 @!p6 $0xFFFFFFFD  }
0x27b: {  	s24 =	sadd.s32 $0x1, s25;
	v1 =	vld.msk @p2 [tilespmem:s21+$0x0], $0x7  }
0x27c: {  	p1 =	por @p2 !p5, !p4;
	s3 =	smul.u32 @p2 $0x1B0, s3;
	p4 =	seq.s32 s24, $0x0  }
.Ltmp15:
0x27d: {  	p1 =	por !p1, !p2;
	s25 =	simm.s32 @!p3 $0x0;
	(pc) =	sbr.rel @p4 .LBB2_17-.Ltmp15, $4  }
0x27e: {  	s26 =	sshll.u32 @!p2 s18, $0x6;
	s25 =	simm.s32 @!p1 $0xC;
	s0 =	ssub.s32 @p2 s0, s3  }
0x27f: {  	s26 =	sshra.s32 @!p2 s26, $0x2;
	s28 =	sadd.s32 @!p3 $0x0, s25;
	s29 =	sshll.u32 @p2 s0, $0x4  }
0x280: {  	s25 =	simm.s32 $0x0;
	s3 =	simm.s32 @p2 $0x1;
	s28 =	smov.u32 @p3 s22;
	[tilespmem:s29+$0x28] =	vst.msk @p2 $0x7, v1  }
0x281: {  	s18 =	smov.u32 @p2 s0;
	s25 =	smov.u32 @p2 s28;
	s22 =	smov.u32 @p2 s3;
	v1 =	vld.msk @!p2 [tilespmem:s21+$0x0], $0x7  }
.LBB2_16:
0x282: {  	_ =	sdelay $0x3  }
0x283: {  	s19 =	sadd.s32 $0x1, s19;
	[tilespmem:s26+$0x28] =	vst.add.f32.msk @!p2 $0x7, v1  }
0x284: {  	v1 =	vld.msk [tilespmem:s19+$0x0], $0x1;
	_ =	sdelay $0x4  }
0x285: {  	(v2sf) =	vpush v1, $0x0;
	_ =	sdelay $0xe  }
0x286: {  	s0 =	smov.u32 s23;
	s23 =	spop (v2sf)  }
0x287: {  	p2 =	sne.s32 s0, s23  }
0x288: {  	p5 =	sne.s32 @p2 s0, s20  }
0x289: {  	p4 =	por !p5, !p2  }
0x28a: {  	s30 =	sshll.u32 @!p4 s22, $0x6  }
0x28b: {  	s30 =	sshra.s32 @!p4 s30, $0x2  }
0x28c: {  	p1 =	sgt.u32 @!p4 s0, $0xC34FF;
	v1 =	vld.msk @!p4 [tilespmem:s30+$0x1B38], $0x7  }
0x28d: {  	s31 =	sshll.u32 @!p4 s18, $0x6;
	p6 =	por @p2 p1, !p5;
	p1 =	por @p2 !p1, !p5  }
0x28e: {  	s1 =	simm.s32 @!p4 $0x0;
	s31 =	sshra.s32 @!p4 s31, $0x2;
	p1 =	por !p1, !p2  }
0x28f: {  	p5 =	por p5, !p2;
	s1 =	simm.s32 @!p1 $0xC;
	p1 =	por p6, !p2  }
0x290: {  	s30 =	sadd.s32 @!p4 $0x28, s31;
	s10 =	sshll.u32 @!p5 s18, $0x6;
	s9 =	sand.u32 @!p1 $0xFFFF8, s0  }
0x291: {  	s10 =	sshra.s32 @!p5 s10, $0x2;
	s0 =	sand.u32 @!p1 $0x7, s0;
	s9 =	sadd.s32 @!p1 s2, s9;
	[tilespmem:s31+$0x28] =	vst.add.f32.msk @!p4 $0x7, v1  }
0x292: {  	[hbm4b:s9+s0] =	stream.linear.scatter @!p1 [tilespmem:s30], [sflag:$0xA], $0x3, $0x38;
	[tilespmem:$0x1F0E8] =	vst v63  }
0x293: {  	s3 =	rddreg [dreg:$0x2];
	s0 =	sadd.s32 @!p5 $0x28, s10;
	s9 =	simm.s32 @!p5 $0x1  }
0x294: {  	[spmem:s3] =	stream.linear.scatter @!p5 [tilespmem:s0], [sflag:$0x1], $0x3, $0x38;
	[tilespmem:$0x1F0E8] =	vst v63  }
0x295: {  	s28 =	sadd.s32 @p2 $0x1, s18;
	_ =	swait.ge @!p5 [sflag:s9], $0x3  }
0x296: {  	s29 =	sshrl.u32 @p2 s28, $0x4;
	[sflag:s9] =	ssyncset.done @!p5 $0x0  }
0x297: {  	s21 =	sadd.s32 $0x80, s21;
	s29 =	smulhi.u32 @p2 $0x97B425F, s29;
	[sflag:s9] =	ssyncadd.s32 @!p5 $0xFFFFFFFD  }
0x298: {  	s24 =	sadd.s32 $0x1, s24;
	v1 =	vld.msk @p2 [tilespmem:s21+$0x0], $0x7  }
0x299: {  	p3 =	seq.s32 s24, $0x0;
	s29 =	smul.u32 @p2 $0x1B0, s29  }
.Ltmp16:
0x29a: {  	_ = 	snop;
	(pc) =	sbr.rel @!p3 .LBB2_16-.Ltmp16, $4  }
0x29b: {  	s28 =	ssub.s32 @p2 s28, s29  }
0x29c: {  	s26 =	sshll.u32 @!p2 s18, $0x6;
	s1 =	sadd.s32 @!p4 s1, s25;
	s10 =	sshll.u32 @p2 s28, $0x4  }
0x29d: {  	s6 =	sadd.s32 @p2 $0x1, s22;
	s26 =	sshra.s32 @!p2 s26, $0x2;
	s1 =	smov.u32 @p4 s25;
	[tilespmem:s10+$0x28] =	vst.msk @p2 $0x7, v1  }
0x29e: {  	s22 =	smov.u32 @p2 s6;
	s18 =	smov.u32 @p2 s28;
	s25 =	smov.u32 @p2 s1;
	v1 =	vld.msk @!p2 [tilespmem:s21+$0x0], $0x7  }
.LBB2_17:
.Ltmp17:
0x29f: {  	_ = 	snop;
	(pc) =	sbr.rel .LBB2_19-.Ltmp17, $4  }
0x2a0: {  	s1 =	sld [smem:$0x7FD]  }
0x2a1: {  	s0 =	sshrl.u32 s25, $0x2  }
0x2a2: {  	s24 =	smov.u32 s23;
	s3 =	smov.u32 s8;
	s6 =	smov.u32 s12  }
0x2a3: {  	s8 =	smov.u32 s4;
	s4 =	rddreg [dreg:$0x3];
	p4 =	seq.s32 s1, $0x1;
	[tilespmem:s26+$0x28] =	vst.add.f32.msk @!p2 $0x7, v1  }
.LBB2_21:
0x2a4: {  	_ =	sfence.sel $0x180000  }
0x2a5: {  	s0 =	simm.s32 $0x7;
	[bflag:$0x0] =	sbarrier.arrive $0xFFFF  }
0x2a6: {  	s25 =	simm.s32 $0x8;
	[sflag:s0] =	ssyncpa.u1 $0x1  }
0x2a7: {  	s26 =	simm.s32 $0x9;
	[sflag:s25] =	ssyncpa.u1 $0x1  }
0x2a8: {  	s28 =	simm.s32 $0x2;
	[sflag:s26] =	ssyncpa.u1 $0x1  }
0x2a9: {  	[sflag:s28] =	ssyncpa.u1 $0x1  }
0x2aa: {  	v0 =	vld [tilespmem:$0x3648];
	_ =	sdelay $0x4  }
0x2ab: {  	(v2sf) =	vpush v0, $0x0  }
0x2ac: {  	(v2sf) =	vpush v0, $0x1;
	_ =	sdelay $0x1  }
0x2ad: {  	(v2sf) =	vpush v0, $0x2;
	_ =	sdelay $0xb  }
0x2ae: {  	s0 =	spop (v2sf)  }
0x2af: {  	s1 =	spop (v2sf)  }
0x2b0: {  	s3 =	smov.u32 s0;
	p0 =	sne.s32 s0, s1  }
0x2b1: {  	s4 =	spop (v2sf);
	s3 =	simm.s32 @!p0 $0xFFFFFFFF  }
0x2b2: {  	v2 =	vimm.s32 $0x1;
	v3 =	vlaneseq.u32;
	p0 =	seq.s32 s4, $0xFFFFFFFF;
	v1 =	vmov s3  }
0x2b3: {  	s7 =	stileid.u32;
	v0 =	vperm.xlane v0, v2;
	p1 =	sne.s32 @!p0 s0, s1;
	v1 =	vperm.xlane v1, v3  }
0x2b4: {  	vm0 =	vcmask $0x3F04;
	s6 =	simm.s32 $0x3648;
	s0 =	simm.s32 @!p0 $0x1;
	p1 =	por !p1, p0  }
0x2b5: {  	s3 =	sshll.u32 s7, $0x1;
	s1 =	sshll.u32 @!p0 s4, $0x6;
	s0 =	simm.s32 @p1 $0x0;
	v0 =	vsel vm0, v1, v0  }
0x2b6: {  	s5 =	sor.u32 $0x200, s3;
	s1 =	sshra.s32 @!p0 s1, $0x2;
	s0 =	sor.u32 @!p0 s0, s3;
	[tilespmem:$0x3648] =	vst v0  }
0x2b7: {  	[spmem:s5] =	stream.linear.scatter [tilespmem:s6], [sflag:$0x1], $0x2, $0x38;
	[tilespmem:$0x1F0E8] =	vst v63  }
0x2b8: {  	s1 =	sadd.s32 @!p0 $0x28, s1;
	s0 =	sshll.u32 @!p0 s0, $0x4  }
0x2b9: {  	[spmem:s0] =	stream.linear.scatter @!p0 [tilespmem:s1], [sflag:$0x1], $0x10, $0x38;
	[tilespmem:$0x1F0E8] =	vst v63  }
0x2ba: {  	s0 =	simm.s32 @!p0 $0x12  }
0x2bb: {  	s1 =	simm.s32 $0x1;
	s0 =	simm.s32 @p0 $0x2  }
0x2bc: {  	_ =	swait.ge [sflag:s1], s0  }
0x2bd: {  	s0 =	ssub.s32 $0x0, s0;
	[sflag:s1] =	ssyncset.done $0x0  }
0x2be: {  	[sflag:s1] =	ssyncadd.s32 s0  }
0x2bf: {  	_ =	sfence.stream.spmem  }
0x2c0: {  	s29 =	simm.s32 $0x3;
	[bflag:$0x0] =	sbarrier.arrive $0xFFFF  }
0x2c1: {  	s30 =	simm.s32 $0x4;
	[sflag:s29] =	ssyncpa.u1 $0x1  }
0x2c2: {  	s31 =	simm.s32 $0x3C;
	[sflag:s30] =	ssyncpa.u1 $0x1  }
0x2c3: {  	p0 =	sne.s32 s7, $0x0;
	[sflag:s31] =	ssyncpa.u1 $0x1  }
0x2c4: {  	_ =	sfence @p0  }
0x2c5: {  	[sflag:s1] =	ssyncpa.u1 @p0 $0x1  }
0x2c6: {  	_ =	strace @p0 $0x9000004A  }
0x2c7: {  	[bflag:$0x2] =	sbarrier.arrive @p0 $0xFFFF  }
0x2c8: {  	_ =	shalt @p0  }
.LBB2_22:
0x2c9: {  	_ =	sfence.stream.spmem;
	s0 =	simm.s32 $0x5  }
0x2ca: {  	s1 =	simm.s32 $0x200;
	s3 =	simm.s32 $0x3658;
	[sflag:s0] =	ssyncpa.u1 $0x0  }
0x2cb: {  	[tilespmem:s3], [sflag:$0x5] =	stream.linear.gather [spmem:s1], $0x20, $0x38;
	[tilespmem:$0x1F0E8] =	vst v63  }
0x2cc: {  	s30 =	simm.s32 $0x3678;
	s1 =	simm.s32 $0x0  }
0x2cd: {  	[tilespmem:s30], [sflag:$0x5] =	stream.linear.gather [spmem:s1], $0x200, $0x38;
	[tilespmem:$0x1F0E8] =	vst v63  }
.Ltmp18:
0x2ce: {  	_ = 	snop;
	(pc) =	sbr.rel .LBB2_23-.Ltmp18, $4  }
0x2cf: {  	_ =	swait.ge [sflag:s0], $0x220  }
0x2d0: {  	[sflag:s0] =	ssyncset.done $0x0  }
0x2d1: {  	s31 =	simm.s32 $0x6;
	[sflag:s0] =	ssyncadd.s32 $0xFFFFFDE0  }
0x2d2: {  	s3 =	simm.s32 $0x0;
	[sflag:s31] =	ssyncpa.u1 $0x0  }
.LBB2_28:
0x2d3: {  	p0 =	slt.u32 s4, $0xC3500  }
0x2d4: {  	s0 =	sand.u32 @p0 $0xFFFF8, s4  }
0x2d5: {  	s4 =	sand.u32 @p0 $0x7, s4;
	s5 =	simm.s32 @p0 $0x3638;
	s0 =	sadd.s32 @p0 s2, s0  }
0x2d6: {  	[tilespmem:s5], [sflag:$0x6] =	stream.linear.gather @p0 [hbm4b:s0+s4], $0x3, $0x38;
	[tilespmem:$0x1F0E8] =	vst v63  }
0x2d7: {  	s0 =	simm.s32 @p0 $0x6  }
0x2d8: {  	_ =	swait.ge @p0 [sflag:s0], $0x3  }
0x2d9: {  	[sflag:s0] =	ssyncset.done @p0 $0x0  }
0x2da: {  	[sflag:s0] =	ssyncadd.s32 @p0 $0xFFFFFFFD  }
0x2db: {  	v1 =	vld @p0 [tilespmem:$0x3638];
	_ =	sdelay $0x2  }
0x2dc: {  	s0 =	sshll.u32 @p0 s3, $0x6  }
0x2dd: {  	s5 =	sshll.u32 @!p0 s3, $0x6;
	s4 =	sshrl.u32 @p0 s0, $0x2  }
0x2de: {  	s5 =	smov.u32 @p0 s0;
	[tilespmem:s4+$0x3678] =	vst.add.f32.msk @p0 $0xffff, v1  }
0x2df: {  	s0 =	sshrl.u32 s5, $0x2;
	[tilespmem:s1+$0x3658] =	vst.msk $0x1, v0  }
0x2e0: {  	v0 =	vld [tilespmem:s0+$0x3678];
	_ =	sdelay $0x2  }
0x2e1: {  	s31 =	sshll.u32 s1, $0x6  }
0x2e2: {  	s0 =	sshra.s32 s31, $0x2  }
0x2e3: {  	s1 =	sadd.s32 $0x1, s1;
	[tilespmem:s0+$0x3678] =	vst v0  }
.LBB2_30:
0x2e4: {  	s3 =	sadd.s32 $0x1, s3  }
0x2e5: {  	p0 =	sne.s32 s3, $0x20  }
.Ltmp19:
0x2e6: {  	_ = 	snop;
	(pc) =	sbr.rel @!p0 .LBB2_31-.Ltmp19, $1  }
0x2e7: {  	_ =	sdelay $0x3  }
.LBB2_23:
0x2e8: {  	v0 =	vld.msk [tilespmem:s3+$0x3658], $0x1;
	_ =	sdelay $0x4  }
0x2e9: {  	(v2sf) =	vpush v0, $0x0;
	_ =	sdelay $0xe  }
0x2ea: {  	s4 =	spop (v2sf)  }
0x2eb: {  	p0 =	seq.s32 s4, $0xFFFFFFFF  }
.Ltmp20:
0x2ec: {  	_ = 	snop;
	(pc) =	sbr.rel @p0 .LBB2_30-.Ltmp20, $1  }
0x2ed: {  	_ =	sdelay $0x3  }
0x2ee: {  	p0 =	slt.s32 s1, $0x1  }
.Ltmp21:
0x2ef: {  	_ = 	snop;
	(pc) =	sbr.rel @p0 .LBB2_28-.Ltmp21, $1  }
0x2f0: {  	_ =	sdelay $0x3  }
0x2f1: {  	s5 =	simm.s32 $0x3658;
	p0 =	por $0x0, $0x0  }
0x2f2: {  	v1 =	vld.msk @!p0 [tilespmem:s5+$0x0], $0x1;
	_ =	sdelay $0x4  }
0x2f3: {  	(v2sf) =	vpush @!p0 v1, $0x0;
	_ =	sdelay $0xd  }
0x2f4: {  	p2 =	sne.s32 s1, $0x1  }
.Ltmp22:
0x2f5: {  	s0 =	spop @!p0 (v2sf);
	(pc) =	sbr.rel @!p2 .LBB2_27-.Ltmp22, $4  }
0x2f6: {  	p1 =	seq.s32 @!p0 s4, s0  }
0x2f7: {  	s6 =	simm.s32 $0x0;
	p1 =	por !p1, p0  }
0x2f8: {  	s0 =	simm.s32 $0xFFFFFFFF;
	s6 =	simm.s32 @p1 $0xFFFFFFFF  }
0x2f9: {  	s7 =	simm.s32 $0x1;
	s6 =	smov.u32 @p0 s0  }
.LBB2_26:
0x2fa: {  	s0 =	smov.u32 s6;
	p0 =	sne.s32 s6, $0xFFFFFFFF  }
0x2fb: {  	s5 =	sadd.s32 $0x1, s5;
	s6 =	smov.u32 s7;
	s7 =	sadd.s32 $0x1, s7  }
0x2fc: {  	p1 =	sne.s32 s1, s7;
	v1 =	vld.msk @!p0 [tilespmem:s5+$0x0], $0x1;
	_ =	sdelay $0x4  }
0x2fd: {  	(v2sf) =	vpush @!p0 v1, $0x0;
	_ =	sdelay $0xe  }
.Ltmp23:
0x2fe: {  	s8 =	spop @!p0 (v2sf);
	(pc) =	sbr.rel @p1 .LBB2_26-.Ltmp23, $4  }
0x2ff: {  	p2 =	seq.s32 @!p0 s4, s8  }
0x300: {  	p2 =	por !p2, p0  }
0x301: {  	s6 =	simm.s32 @p2 $0xFFFFFFFF  }
0x302: {  	s6 =	smov.u32 @p0 s0  }
.LBB2_27:
0x303: {  	p0 =	sne.s32 s6, $0xFFFFFFFF  }
.Ltmp24:
0x304: {  	_ = 	snop;
	(pc) =	sbr.rel @!p0 .LBB2_28-.Ltmp24, $1  }
0x305: {  	_ =	sdelay $0x3  }
0x306: {  	s0 =	sshll.u32 s3, $0x4  }
0x307: {  	s0 =	sand.u32 $0x3FFFFFF0, s0  }
0x308: {  	v0 =	vld [tilespmem:s0+$0x3678]  }
.Ltmp25:
0x309: {  	_ = 	snop;
	(pc) =	sbr.rel .LBB2_30-.Ltmp25, $4  }
0x30a: {  	_ = 	snop  }
0x30b: {  	s31 =	sshll.u32 s6, $0x6  }
0x30c: {  	s0 =	sshra.s32 s31, $0x2  }
0x30d: {  	[tilespmem:s0+$0x3678] =	vst.add.f32.msk $0xffff, v0  }
.LBB2_31:
0x30e: {  	p0 =	slt.s32 s1, $0x1  }
.Ltmp26:
0x30f: {  	_ = 	snop;
	(pc) =	sbr.rel @p0 .LBB2_35-.Ltmp26, $3  }
0x310: {  	_ =	sdelay $0x1  }
0x311: {  	s0 =	simm.s32 $0x6  }
0x312: {  	s3 =	simm.s32 $0x0;
	[sflag:s0] =	ssyncpa.u1 $0x1  }
0x313: {  	s0 =	simm.s32 $0x3658  }
0x314: {  	v0 =	vld.msk [tilespmem:s0+$0x0], $0x1;
	_ =	sdelay $0x4  }
0x315: {  	(v2sf) =	vpush v0, $0x0;
	_ =	sdelay $0xd  }
0x316: {  	s1 =	sadd.s32 $0xFFFFFFFF, s1  }
0x317: {  	p1 =	sne.s32 s1, $0x0;
	s0 =	spop (v2sf)  }
.Ltmp27:
0x318: {  	p0 =	sgt.u32 s0, $0xC34FF;
	(pc) =	sbr.rel @!p1 .LBB2_34-.Ltmp27, $4  }
0x319: {  	s4 =	simm.s32 $0x3678;
	s5 =	sand.u32 @!p0 $0xFFFF8, s0  }
0x31a: {  	s6 =	simm.s32 $0x0;
	s0 =	sand.u32 @!p0 $0x7, s0;
	s5 =	sadd.s32 @!p0 s2, s5  }
0x31b: {  	[hbm4b:s5+s0] =	stream.linear.scatter @!p0 [tilespmem:s4], [sflag:$0x5], $0x3, $0x38;
	[tilespmem:$0x1F0E8] =	vst v63  }
0x31c: {  	s6 =	simm.s32 @!p0 $0xC;
	s5 =	simm.s32 $0x3659  }
.LBB2_33:
0x31d: {  	v0 =	vld.msk [tilespmem:s5+$0x0], $0x1;
	s1 =	sadd.s32 $0xFFFFFFFF, s1;
	s3 =	sadd.s32 s3, s6  }
0x31e: {  	p0 =	sne.s32 s1, $0x0;
	_ =	sdelay $0x3  }
0x31f: {  	(v2sf) =	vpush v0, $0x0;
	_ =	sdelay $0xe  }
.Ltmp28:
0x320: {  	s0 =	spop (v2sf);
	(pc) =	sbr.rel @p0 .LBB2_33-.Ltmp28, $4  }
0x321: {  	s6 =	simm.s32 $0x0;
	p1 =	sgt.u32 s0, $0xC34FF  }
0x322: {  	s4 =	sadd.s32 $0x10, s4;
	s6 =	simm.s32 @!p1 $0xC;
	s7 =	sand.u32 @!p1 $0xFFFF8, s0  }
0x323: {  	s5 =	sadd.s32 $0x1, s5;
	s0 =	sand.u32 @!p1 $0x7, s0;
	s7 =	sadd.s32 @!p1 s2, s7  }
0x324: {  	[hbm4b:s7+s0] =	stream.linear.scatter @!p1 [tilespmem:s4], [sflag:$0x5], $0x3, $0x38;
	[tilespmem:$0x1F0E8] =	vst v63  }
.LBB2_34:
0x325: {  	s0 =	sadd.s32 s3, s6  }
0x326: {  	s3 =	sshrl.u32 s0, $0x2  }
.LBB2_35:
0x327: {  	s0 =	simm.s32 $0x5  }
0x328: {  	_ =	swait.ge [sflag:s0], s3  }
0x329: {  	s1 =	ssub.s32 $0x0, s3;
	[sflag:s0] =	ssyncset.done $0x0  }
0x32a: {  	[sflag:s0] =	ssyncadd.s32 s1  }
0x32b: {  	[sflag:s0] =	ssyncpa.u1 $0x1  }
0x32c: {  	s30 =	simm.s32 $0x1;
	_ =	sfence  }
0x32d: {  	[sflag:s30] =	ssyncpa.u1 $0x1  }
0x32e: {  	_ =	strace $0x9000004A  }
0x32f: {  	[bflag:$0x2] =	sbarrier.arrive $0xFFFF  }
0x330: {  	s31 =	rddreg [dreg:$0x1]  }
0x331: {  	s0 =	sadd.s32 $0x100000, s31  }
0x332: {  	[sflag:s0] =	ssyncadd.tile.s32 $0x1;
	_ =	shalt  }
.Lfunc_end2:
_tile_overlayer_lowered:
.L_overlay_start_2:
0x333: {  	(tag) =	ssettag $0x2  }
0x334: {  	s0 =	rddreg [dreg:$0x0];
	s2 =	stileid.u32  }
0x335: {  	s1 =	rddreg [dreg:$0x1];
	p0 =	sne.s32 s2, $0x0  }
0x336: {  	s3 =	rddreg [dreg:$0x2];
	[bflag:$0x3] =	sbarrier.arrive $0xFFFF;
	s2 =	simm.s32 @!p0 $0x1C01  }
0x337: {  	[timem:s3], [sflag:s2] =	dma.local @!p0 [hbm:s0], s1  }
0x338: {  	s0 =	simm.s32 @!p0 $0x1  }
0x339: {  	_ =	swait.ge @!p0 [sflag:s0], s1  }
0x33a: {  	s1 =	ssub.s32 @!p0 $0x0, s1;
	[sflag:s0] =	ssyncset.done @!p0 $0x0  }
0x33b: {  	[sflag:s0] =	ssyncadd.s32 @!p0 s1  }
0x33c: {  	[bflag:$0x3] =	sbarrier.arrive $0xFFFF  }
0x33d: {  	_ =	shalt  }

// kernel: sparse-core-data-format-call.1.cloned.1.call-start
scs
called_computation.5_lowered:
.L_overlay_start_0:
0x0: {  	s1 =	sld [smem:$0x3FD9]  }
0x1: {  	s2 =	sld [smem:$0x3FFE];
	_ =	sdelay $0x1  }
0x2: {  	s3 =	srdreg.scid  }
0x3: {  	s0 =	sand.u32 $0x1, s3  }
0x4: {  	s17 =	sshll.u32 s0, $0xA;
	s1 =	sadd.s32 s2, s1  }
0x5: {  	s1 =	sadd.s32 s1, s17  }
0x6: {  	[smem:$0x3FAF] =	sst s1  }
0x7: {  	_ = 	snop  }
0x8: {  	(tm) =	ssettm $0x1  }
0x9: {  	s18 =	sld [smem:$0x3FFB];
	_ =	sdelay $0x3  }
0xa: {  	_ =	strace s18  }
0xb: {  	s1 =	sld [smem:$0x3FFC];
	_ =	sdelay $0x3  }
0xc: {  	_ =	strace s1  }
0xd: {  	s1 =	sld [smem:$0x3FFD];
	_ =	sdelay $0x3  }
0xe: {  	_ =	strace s1  }
0xf: {  	_ =	strace $0x8FFFFFFF  }
0x10: {  	s19 =	sld [smem:$0x3FDB];
	_ =	sdelay $0x1  }
0x11: {  	s20 =	simm.s32 $_scs_section_size  }
0x12: {  	s4 =	simm.s32 $_size__tile_overlayer_lowered;
	s5 =	simm.s32 $_tile_overlayer_lowered  }
0x13: {  	s23 =	simm.s32 $0x1BFF;
	s22 =	sshll.u32 s5, $0x1;
	s1 =	sadd.s32 s20, s19  }
0x14: {  	s6 =	simm.s32 $0x0;
	s21 =	sshll.u32 s4, $0x1;
	s4 =	sadd.s32 s22, s1  }
0x15: {  	[timem:s6], [sflag:s23] =	dma.local [hbm:s4], s21  }
0x16: {  	_ =	swait.ge [sflag:s23], s21  }
0x17: {  	s2 =	ssub.s32 $0x0, s21;
	[sflag:s23] =	ssyncset.done $0x0  }
0x18: {  	[sflag:s23] =	ssyncadd.s32 s2;
	_ =	sdelay $0x1  }
0x19: {  	s24 =	simm.s32 $0x1B8B  }
0x1a: {  	_ =	swait.ge [sflag:s24], $0x1  }
0x1b: {  	[sflag:s24] =	ssyncset.done $0x0  }
0x1c: {  	s26 =	simm.s32 $0x1B8E;
	s25 =	sld [smem:$0x3FFE];
	[sflag:s24] =	ssyncadd.s32 $0xFFFFFFFF  }
0x1d: {  	s27 =	simm.s32 $execute0_lowered;
	[smem:$0x3FD2] =	sst s26  }
0x1e: {  	s4 =	sshll.u32 s27, $0x1;
	_ =	strace $0x80000046;
	[dreg:$0x1] =	wrdreg $0xFFFFFFFF  }
0x1f: {  	s28 =	simm.s32 $_size_execute0_lowered;
	s1 =	sadd.s32 s1, s4;
	[dreg:$0x0] =	wrdreg $0x0  }
0x20: {  	s4 =	sshll.u32 s28, $0x1;
	[dreg:$0x2] =	wrdreg s1  }
0x21: {  	[dreg:$0x3] =	wrdreg s4  }
0x22: {  	[dreg:$0x4] =	wrdreg $0xC0  }
0x23: {  	_ =	task [dreg:s6], $0x5FFFF  }
0x24: {  	[dreg:$0x1] =	wrdreg $0xFFFFFFFF  }
0x25: {  	[dreg:$0x0] =	wrdreg $0x60  }
0x26: {  	[dreg:$0x2] =	wrdreg s25  }
0x27: {  	[dreg:$0x3] =	wrdreg $0xA  }
0x28: {  	_ =	task.clear_ibuf [dreg:s6], $0x4FFFF;
	_ =	strace $0x90000046  }
0x29: {  	s29 =	simm.s32 $0xA;
	_ =	strace $0x80000048  }
0x2a: {  	_ =	swait.ge [sflag:s29], $0x1  }
0x2b: {  	[sflag:s29] =	ssyncadd.s32 $0xFFFFFFFF  }
0x2c: {  	_ =	strace $0x90000048  }
0x2d: {  	_ =	sfence  }
0x2e: {  	s30 =	sld [smem:$0x0];
	_ =	sdelay $0x2  }
0x2f: {  	s31 =	sshll.u32 s3, $0xD;
	s3 =	sshrl.u32 s3, $0x2  }
0x30: {  	s2 =	sand.u32 $0x4000, s31;
	s1 =	sadd.s32 s3, s30  }
0x31: {  	s0 =	sor.u32 s2, s0;
	s1 =	sshll.u32 s1, $0x11  }
0x32: {  	s0 =	sor.u32 s1, s0  }
0x33: {  	s0 =	sadd.s32 $0x8F2B, s0  }
0x34: {  	[sflag:s0] =	ssyncadd.remote.s32 $0x1  }
0x35: {  	_ =	sfence.sel $0xFFFF  }
0x36: {  	[dreg:$0x0] =	wrdreg $0xFFFFFFFF;
	(pc) =	sbr.abs _section_cstart, $3  }
0x37: {  	[dreg:$0x1] =	wrdreg $0xFFFFFFFF  }
0x38: {  	_ =	task.clear_ibuf [dreg:s6], $0x2FFFF;
	_ =	strace $0x9FFFFFFF  }
0x39: {  	(tm) =	ssettm $0x7FFFFFFF  }
tec
execute0_lowered:
.L_overlay_start_1:
0x0: {  	(tag) =	ssettag $0x1  }
0x1: {  	s0 =	rddreg [dreg:$0x0]  }
0x2: {  	s3 =	stileid.u32;
	s1 =	srdreg.scid;
	_ =	strace $0x80000047  }
0x3: {  	s30 =	simm.s32 $0x1;
	s31 =	simm.s32 $0x2;
	s15 =	simm.s32 $0x0  }
0x4: {  	s10 =	simm.s32 $0x0;
	s2 =	sshll.u32 s3, $0x6;
	s4 =	sadd.s32 $0x1DF5C00, s0  }
0x5: {  	s1 =	sshll.u32 s1, $0xA;
	s0 =	sadd.s32 $0x316A800, s0;
	[dreg:$0x2] =	wrdreg s4  }
0x6: {  	s29 =	sshll.u32 s3, $0x7;
	s1 =	sor.u32 s2, s1;
	[dreg:$0x3] =	wrdreg s0  }
.Ltmp0:
0x7: {  	s13 =	sand.u32 $0x80, s29;
	s11 =	sand.u32 $0x780, s1;
	(pc) =	sbr.rel .LBB1_1-.Ltmp0, $4  }
0x8: {  	s9 =	simm.s32 $0x0;
	[dreg:$0x6] =	wrdreg s13;
	s1 =	ssub.s32 $0xCF800, s11  }
0x9: {  	s12 =	simm.s32 $0x0;
	[dreg:$0x4] =	wrdreg s11;
	s1 =	sshrl.u32 s1, $0xB  }
0xa: {  	[sflag:s30] =	ssyncpa.u1 $0x0;
	[dreg:$0x5] =	wrdreg s1;
	s8 =	sadd.s32 $0x2, s1  }
0xb: {  	s14 =	simm.s32 $0x0;
	[sflag:s31] =	ssyncpa.u1 $0x0;
	[dreg:$0x7] =	wrdreg s8  }
.LBB1_12:
0xc: {  	s9 =	rddreg [dreg:$0x8]  }
0xd: {  	s5 =	rddreg [dreg:$0xc]  }
0xe: {  	s1 =	sshll.u32 s12, $0x3;
	s24 =	rddreg [dreg:$0xb]  }
0xf: {  	s4 =	smov.u32 s12;
	s27 =	sand.u32 $0x78, s12;
	s29 =	rddreg [dreg:$0x3]  }
0x10: {  	s28 =	sand.u32 $0x7, s12;
	s31 =	simm.s32 $0x800;
	s8 =	rddreg [dreg:$0x7]  }
0x11: {  	s10 =	rddreg [dreg:$0x9];
	s0 =	sshll.u32 s9, $0x8;
	s1 =	sand.u32 $0xFFFFFC00, s1  }
0x12: {  	s2 =	sshll.u32 s9, $0x7;
	p0 =	sgt.s32 s9, $0xCF7D0;
	s0 =	sand.u32 $0xFFFFF800, s0  }
0x13: {  	s23 =	sand.u32 $0x300, s2;
	s0 =	sadd.s32 s1, s0;
	s1 =	smov.u32 s9  }
0x14: {  	s2 =	sand.u32 $0x80, s2;
	s0 =	sor.u32 s23, s0;
	s1 =	simm.s32 @!p0 $0xCF7D0  }
0x15: {  	p0 =	sgt.s32 s12, $0x80;
	s0 =	sshrl.u32 s0, $0x8;
	s1 =	sadd.s32 s5, s1  }
0x16: {  	s4 =	simm.s32 @!p0 $0x80;
	s3 =	smulhi.u32 $0x9DE739, s0;
	s25 =	sadd.s32 $0xFFF30830, s1  }
0x17: {  	s4 =	sadd.s32 s24, s4;
	s1 =	ssub.s32 $0xCF850, s1;
	p0 =	sgt.s32 s25, $0x7F  }
0x18: {  	s26 =	sadd.s32 $0xFFFFFF80, s4;
	s4 =	ssub.s32 $0x100, s4;
	s3 =	sshrl.u32 s3, $0xB  }
0x19: {  	s1 =	simm.s32 @p0 $0x0;
	p0 =	sgt.s32 s26, $0x7F;
	s3 =	smul.u32 $0xCF850, s3  }
0x1a: {  	s15 =	rddreg [dreg:$0xa];
	s2 =	sor.u32 s27, s2;
	s4 =	simm.s32 @p0 $0x0  }
0x1b: {  	s2 =	sshrl.u32 s2, $0x3;
	s1 =	smul.u32 s4, s1;
	s0 =	ssub.s32 s0, s3  }
0x1c: {  	s2 =	sadd.s32 s29, s2;
	s3 =	sshll.u32 s28, $0x12;
	s0 =	sshll.u32 s0, $0x5  }
0x1d: {  	s1 =	sand.u32 $0x3FFFFFFF, s1;
	s30 =	sor.u32 $0x400, s3;
	s0 =	sadd.s32 s0, s2  }
0x1e: {  	[hbm4b:s0+s30] =	stream.strided.scatter [tilespmem:s18], [sflag:$0x2], s1, s31, s30, $0x20;
	[tilespmem:$0x10100] =	vst v63  }
.LBB1_13:
0x1f: {  	p0 =	slt.u32 s14, $0x2  }
0x20: {  	s1 =	smov.u32 s15;
	s2 =	smov.u32 s10;
	p1 =	sgt.s32 @!p0 s15, $0xCF7D0  }
0x21: {  	s0 =	sshra.s32 @!p0 s15, $0x1F;
	p2 =	sgt.s32 @!p0 s10, $0x80;
	s3 =	sshra.s32 @!p0 s10, $0x1F  }
0x22: {  	p1 =	por !p1, p0;
	s0 =	sand.u32 @!p0 s0, s15;
	p2 =	por !p2, p0  }
0x23: {  	s3 =	sand.u32 @!p0 s3, s10;
	s1 =	simm.s32 @p1 $0xCF7D0;
	s2 =	simm.s32 @p2 $0x80  }
0x24: {  	s0 =	ssub.s32 @!p0 s1, s0;
	s1 =	ssub.s32 @!p0 s2, s3  }
0x25: {  	s2 =	sadd.s32 @!p0 $0xFFF30830, s0;
	s3 =	sadd.s32 @!p0 $0xFFFFFF80, s1  }
0x26: {  	s0 =	ssub.s32 @!p0 $0xCF850, s0;
	p1 =	sgt.s32 @!p0 s2, $0x7F;
	p2 =	sgt.s32 @!p0 s3, $0x7F  }
0x27: {  	s1 =	ssub.s32 @!p0 $0x100, s1;
	p1 =	por !p1, p0;
	p2 =	por !p2, p0  }
0x28: {  	s0 =	simm.s32 @!p1 $0x0;
	s1 =	simm.s32 @!p2 $0x0  }
0x29: {  	s0 =	smul.u32 @!p0 s1, s0  }
0x2a: {  	s4 =	smov.u32 s13  }
0x2b: {  	s2 =	simm.s32 @!p0 $0x2;
	s1 =	sadd.s32 $0x800, s11;
	s0 =	sand.u32 @!p0 $0x3FFFFFFF, s0  }
0x2c: {  	s3 =	sadd.s32 $0x100, s13;
	p1 =	sgt.s32 s1, $0xCF84F;
	_ =	swait.ge @!p0 [sflag:s2], s0  }
0x2d: {  	s4 =	smov.u32 @p1 s3;
	s3 =	rddreg [dreg:$0x4]  }
0x2e: {  	s1 =	smov.u32 @p1 s3;
	p1 =	sgt.s32 s4, $0xBF;
	s3 =	rddreg [dreg:$0x6]  }
0x2f: {  	s4 =	smov.u32 @p1 s3;
	p1 =	sne.s32 s14, s8  }
.Ltmp1:
0x30: {  	_ = 	snop;
	(pc) =	sbr.rel @!p1 .LBB1_14-.Ltmp1, $4  }
0x31: {  	s15 =	smov.u32 s9  }
0x32: {  	s10 =	smov.u32 s12;
	s0 =	ssub.s32 @!p0 $0x0, s0;
	[sflag:s2] =	ssyncset.done @!p0 $0x0  }
0x33: {  	s9 =	smov.u32 s11;
	s12 =	smov.u32 s13;
	[sflag:s2] =	ssyncadd.s32 @!p0 s0  }
0x34: {  	s14 =	sadd.s32 $0x1, s14;
	s11 =	smov.u32 s1;
	s13 =	smov.u32 s4  }
.LBB1_1:
0x35: {  	s0 =	rddreg [dreg:$0x5]  }
0x36: {  	p0 =	sgt.u32 s14, s0  }
0x37: {  	s6 =	smov.u32 s11;
	s0 =	sshrl.u32 @!p0 s13, $0x3  }
0x38: {  	s1 =	sshll.u32 @!p0 s11, $0x3;
	s2 =	sshll.u32 @!p0 s13, $0x7;
	s0 =	smul.u32 @!p0 $0x67C400, s0  }
0x39: {  	s3 =	sand.u32 @!p0 $0x7F, s11;
	p1 =	sgt.s32 @!p0 s13, $0x40;
	s1 =	sand.u32 @!p0 $0xFFFFFC00, s1  }
0x3a: {  	s5 =	sshra.s32 @!p0 s13, $0x1F;
	s0 =	sadd.s32 @!p0 s0, s1;
	s1 =	sand.u32 @!p0 $0x380, s2  }
0x3b: {  	s7 =	sshra.s32 @!p0 s11, $0x1F;
	p1 =	por !p1, p0;
	s0 =	sor.u32 @!p0 s1, s0  }
0x3c: {  	s5 =	sand.u32 @!p0 s5, s13;
	s7 =	sand.u32 @!p0 s7, s11;
	s1 =	sshrl.u32 @!p0 s0, $0x7  }
0x3d: {  	s0 =	sor.u32 @!p0 s3, s0;
	s3 =	smov.u32 s13;
	s1 =	smulhi.u32 @!p0 $0x13BC9E1, s1  }
0x3e: {  	s2 =	sxor.u32 @!p0 $0xFFFFFFFF, s14;
	s3 =	simm.s32 @p1 $0x40;
	p1 =	sgt.s32 @!p0 s11, $0xCF800  }
0x3f: {  	s2 =	sshll.u32 @!p0 s2, $0xE;
	p1 =	por !p1, p0;
	s1 =	sshrl.u32 @!p0 s1, $0x5  }
0x40: {  	s3 =	ssub.s32 @!p0 s3, s5;
	s6 =	simm.s32 @p1 $0xCF800;
	s4 =	smul.u32 @!p0 $0xAAB, s1  }
0x41: {  	s5 =	ssub.s32 @!p0 s6, s7;
	s6 =	sadd.s32 @!p0 $0xFFFFFFC0, s3;
	s3 =	ssub.s32 @!p0 $0xC0, s3  }
0x42: {  	s7 =	sadd.s32 @!p0 $0xFFF30800, s5;
	p1 =	sgt.s32 @!p0 s6, $0x7F;
	s4 =	sshrl.u32 @!p0 s4, $0x13  }
0x43: {  	p2 =	sgt.s32 @!p0 s7, $0x7F;
	p1 =	por !p1, p0;
	s4 =	smul.u32 @!p0 $0xC0, s4  }
0x44: {  	s5 =	ssub.s32 @!p0 $0xCF880, s5;
	p2 =	por !p2, p0;
	s3 =	simm.s32 @!p1 $0x0  }
0x45: {  	s5 =	simm.s32 @!p2 $0x0;
	s4 =	ssub.s32 @!p0 s1, s4;
	s1 =	smul.u32 @!p0 $0xCF880, s1  }
0x46: {  	s2 =	sand.u32 @!p0 $0x4000, s2;
	s3 =	smul.u32 @!p0 s3, s5  }
0x47: {  	s5 =	rddreg [dreg:$0x2];
	s0 =	ssub.s32 @!p0 s0, s1;
	s1 =	sand.u32 @!p0 $0xFFFF, s4  }
0x48: {  	s1 =	smul.u32 @!p0 $0x19F10, s1;
	s4 =	sshrl.u32 @!p0 s0, $0x3;
	s0 =	sand.u32 @!p0 $0x7, s0  }
0x49: {  	s3 =	sand.u32 @!p0 $0x3FFFFFFF, s3;
	s4 =	sadd.s32 @!p0 s5, s4;
	s0 =	sshll.u32 @!p0 s0, $0x12  }
0x4a: {  	s1 =	sadd.s32 @!p0 s1, s4;
	s0 =	sor.u32 @!p0 $0x400, s0;
	s4 =	simm.s32 @!p0 $0x67C400  }
0x4b: {  	[tilespmem:s2], [sflag:$0x1] =	stream.strided.gather @!p0 [hbm4b:s1+s0], s3, s4, s0, $0x38;
	[tilespmem:$0x10100] =	vst v63  }
0x4c: {  	p0 =	seq.s32 s14, $0x0  }
0x4d: {  	p1 =	sge.u32 @!p0 s14, s8  }
0x4e: {  	p0 =	por p0, p1  }
.Ltmp2:
0x4f: {  	_ = 	snop;
	(pc) =	sbr.rel @p0 .LBB1_13-.Ltmp2, $1  }
0x50: {  	_ =	sdelay $0x3  }
0x51: {  	s0 =	ssub.s32 $0x0, s12;
	s1 =	sshra.s32 s12, $0x1F;
	p0 =	sgt.s32 s12, $0x40  }
0x52: {  	s2 =	smov.u32 s12;
	s25 =	ssub.s32 $0x0, s9;
	s26 =	sshra.s32 s9, $0x1F  }
0x53: {  	s3 =	smov.u32 s9;
	s2 =	simm.s32 @!p0 $0x40;
	p0 =	sgt.s32 s9, $0xCF800  }
0x54: {  	s4 =	sand.u32 s0, s1;
	s1 =	sand.u32 s25, s26;
	s3 =	simm.s32 @!p0 $0xCF800  }
0x55: {  	s2 =	sadd.s32 s4, s2;
	[dreg:$0xc] =	wrdreg s1;
	s1 =	sadd.s32 s1, s3  }
0x56: {  	s27 =	sadd.s32 $0xFFFFFFC0, s2;
	s2 =	ssub.s32 $0xC0, s2;
	s28 =	sadd.s32 $0xFFF30800, s1  }
0x57: {  	p0 =	sgt.s32 s27, $0x7F;
	s0 =	ssub.s32 $0xCF880, s1;
	p1 =	sgt.s32 s28, $0x7F  }
0x58: {  	s2 =	simm.s32 @p0 $0x0;
	s0 =	simm.s32 @p1 $0x0  }
0x59: {  	s29 =	smul.u32 s2, s0;
	s2 =	sadd.s32 $0x80, s12  }
0x5a: {  	p0 =	slt.s32 s2, $0xC0  }
0x5b: {  	s2 =	simm.s32 @!p0 $0xC0  }
0x5c: {  	[dreg:$0xa] =	wrdreg s15;
	s20 =	ssub.s32 s2, s12  }
0x5d: {  	[dreg:$0x9] =	wrdreg s10;
	p0 =	slt.s32 s20, $0x1  }
.Ltmp3:
0x5e: {  	[dreg:$0x8] =	wrdreg s9;
	s30 =	simm.s32 $0x1;
	(pc) =	sbr.rel @p0 .LBB1_12-.Ltmp3, $4  }
0x5f: {  	[dreg:$0xb] =	wrdreg s4;
	s0 =	sand.u32 $0x1, s14;
	s1 =	sand.u32 $0x3FFFFFFF, s29  }
0x60: {  	s31 =	smul.u32 $0x4080, s0;
	_ =	swait.ge [sflag:s30], s1  }
0x61: {  	s1 =	ssub.s32 $0x0, s1;
	[sflag:s30] =	ssyncset.done $0x0  }
0x62: {  	s18 =	sor.u32 $0x8000, s31;
	[sflag:s30] =	ssyncadd.s32 s1  }
0x63: {  	s2 =	rddreg [dreg:$0x8]  }
0x64: {  	s1 =	sadd.s32 $0x80, s2  }
0x65: {  	p0 =	slt.s32 s1, $0xCF850  }
.Ltmp4:
0x66: {  	s1 =	simm.s32 @!p0 $0xCF850;
	(pc) =	sbr.rel .LBB1_4-.Ltmp4, $4  }
0x67: {  	s23 =	sshll.u32 s0, $0xE;
	s1 =	ssub.s32 s1, s2  }
0x68: {  	s25 =	simm.s32 $0x0;
	s26 =	simm.s32 $0x400;
	s1 =	sadd.s32 $0xF, s1  }
0x69: {  	s21 =	sand.u32 $0xFFFFFFF0, s1;
	s22 =	sand.u32 $0xFFFFFF00, s1;
	s31 =	sshll.u32 s1, $0x3  }
0x6a: {  	p0 =	slt.s32 s1, $0x100;
	s24 =	sand.u32 $0xFFFFF800, s31;
	p1 =	sge.s32 s22, s21  }
.LBB1_11:
0x6b: {  	s25 =	sadd.s32 $0x1, s25  }
0x6c: {  	p2 =	sne.s32 s25, s20  }
.Ltmp5:
0x6d: {  	_ = 	snop;
	(pc) =	sbr.rel @!p2 .LBB1_12-.Ltmp5, $2  }
0x6e: {  	_ =	sdelay $0x2  }
0x6f: {  	s26 =	sadd.s32 $0x80, s26  }
.LBB1_4:
.Ltmp6:
0x70: {  	(pc) =	sbr.rel @p0 .LBB1_8-.Ltmp6, $2  }
0x71: {  	_ =	sdelay $0x2  }
0x72: {  	s27 =	sshll.u32 s25, $0x7;
	s28 =	sand.u32 $0x7F, s25  }
0x73: {  	s2 =	sshll.u32 s25, $0x3  }
0x74: {  	s5 =	sand.u32 $0x380, s27;
	s4 =	sshrl.u32 s2, $0x7;
	s1 =	sadd.s32 $0x800, s2  }
0x75: {  	s6 =	sadd.s32 $0x1000, s2;
	s19 =	sadd.s32 s5, s23;
	s17 =	sadd.s32 $0x1800, s2  }
0x76: {  	s9 =	sadd.s32 $0x2800, s2;
	s15 =	sadd.s32 $0x3000, s2;
	s2 =	sadd.s32 $0x3800, s2  }
0x77: {  	s0 =	sand.u32 $0x78, s4;
	s1 =	sshrl.u32 s1, $0x7;
	s16 =	sshrl.u32 s6, $0x7  }
0x78: {  	s6 =	sshrl.u32 s17, $0x7;
	s10 =	sshrl.u32 s9, $0x7;
	s2 =	sshrl.u32 s2, $0x7  }
0x79: {  	v0 =	vmov s19;
	s19 =	sand.u32 $0x3C00, s26;
	s3 =	smul.u32 $0x204, s0;
	s1 =	sand.u32 $0x78, s1  }
0x7a: {  	s5 =	sand.u32 $0x78, s16;
	s7 =	sand.u32 $0x78, s6;
	s1 =	smul.u32 $0x204, s1  }
0x7b: {  	s2 =	sand.u32 $0x78, s2;
	s5 =	smul.u32 $0x204, s5;
	s3 =	sshrl.u32 s3, $0x2  }
0x7c: {  	s16 =	sadd.s32 $0x10, s4;
	s3 =	sadd.s32 s3, s18;
	s1 =	sshrl.u32 s1, $0x2  }
0x7d: {  	s8 =	sshrl.u32 s5, $0x2;
	s5 =	sshrl.u32 s15, $0x7;
	s1 =	sadd.s32 s1, s18  }
0x7e: {  	s29 =	sadd.s32 s28, s3;
	s3 =	sadd.s32 s8, s18;
	s30 =	sadd.s32 s28, s1  }
0x7f: {  	s1 =	smul.u32 $0x204, s7;
	s31 =	sadd.s32 s28, s3;
	s3 =	sand.u32 $0x78, s10  }
0x80: {  	s15 =	sadd.s32 $0x60, s4;
	s5 =	sand.u32 $0x78, s5;
	s3 =	smul.u32 $0x204, s3  }
0x81: {  	s8 =	sadd.s32 $0x30, s4;
	s15 =	sand.u32 $0x78, s15;
	s5 =	smul.u32 $0x204, s5  }
0x82: {  	s7 =	sadd.s32 $0x20, s4;
	s15 =	smul.u32 $0x204, s15;
	s3 =	sshrl.u32 s3, $0x2  }
0x83: {  	s7 =	sand.u32 $0x78, s7;
	s5 =	sshrl.u32 s5, $0x2;
	s3 =	sadd.s32 s3, s18  }
0x84: {  	s5 =	sadd.s32 s5, s18;
	s9 =	sadd.s32 s28, s3;
	s3 =	sand.u32 $0x78, s16  }
0x85: {  	s15 =	sshrl.u32 s15, $0x2;
	s17 =	smul.u32 $0x204, s3;
	s3 =	sadd.s32 s28, s5  }
0x86: {  	s5 =	smul.u32 $0x204, s7;
	s7 =	sand.u32 $0x78, s8;
	s8 =	sadd.s32 $0x50, s4  }
0x87: {  	s4 =	sadd.s32 $0x70, s4;
	s7 =	smul.u32 $0x204, s7;
	s8 =	sand.u32 $0x78, s8  }
0x88: {  	v1 =	vld.idx.msk [tilespmem:v0+s19+$0x0 ss:$0x1], $0xffff;
	s4 =	sand.u32 $0x78, s4;
	s6 =	sshrl.u32 s17, $0x2;
	s8 =	smul.u32 $0x204, s8  }
0x89: {  	s4 =	smul.u32 $0x204, s4;
	s6 =	sadd.s32 s6, s18;
	s7 =	sshrl.u32 s7, $0x2  }
0x8a: {  	s15 =	sadd.s32 s15, s18;
	s16 =	sadd.s32 s7, s18;
	s7 =	sadd.s32 s28, s6  }
0x8b: {  	s8 =	sshrl.u32 s8, $0x2;
	s4 =	sshrl.u32 s4, $0x2;
	s6 =	sadd.s32 s28, s16  }
0x8c: {  	s8 =	sadd.s32 s8, s18;
	s10 =	sadd.s32 s4, s18;
	s16 =	sadd.s32 $0xFFFFFC00, s26  }
0x8d: {  	[tilespmem:s29+$0x0 ss:$0x81] =	vst.msk $0xffff, v1;
	v1 =	vld.idx.msk [tilespmem:v0+s19+$0x20 ss:$0x1], $0xffff;
	s4 =	sadd.s32 s28, s8;
	s8 =	sadd.s32 s28, s15;
	s15 =	sand.u32 $0x3C00, s16  }
0x8e: {  	s2 =	smul.u32 $0x204, s2;
	v2 =	vld.idx.msk [tilespmem:v0+s15+$0x70 ss:$0x1], $0xffff  }
0x8f: {  	v3 =	vld.idx.msk [tilespmem:v0+s15+$0x0 ss:$0x1], $0xffff  }
0x90: {  	s2 =	sshrl.u32 s2, $0x2;
	v4 =	vld.idx.msk [tilespmem:v0+s15+$0x10 ss:$0x1], $0xffff  }
0x91: {  	s2 =	sadd.s32 s2, s18;
	v5 =	vld.idx.msk [tilespmem:v0+s15+$0x20 ss:$0x1], $0xffff  }
0x92: {  	s0 =	sxor.u32 $0x40, s0;
	s2 =	sadd.s32 s28, s2;
	v6 =	vld.idx.msk [tilespmem:v0+s15+$0x30 ss:$0x1], $0xffff  }
0x93: {  	s0 =	smul.u32 $0x204, s0;
	v7 =	vld.idx.msk [tilespmem:v0+s15+$0x40 ss:$0x1], $0xffff;
	[tilespmem:s2+$0x0 ss:$0x81] =	vst.msk $0xffff, v2  }
0x94: {  	s1 =	sshrl.u32 s1, $0x2;
	v8 =	vld.idx.msk [tilespmem:v0+s15+$0x50 ss:$0x1], $0xffff;
	[tilespmem:s29+$0x0 ss:$0x81] =	vst.msk $0xffff, v3  }
0x95: {  	p2 =	sgt.s32 s22, $0x100;
	s0 =	sshrl.u32 s0, $0x2;
	s1 =	sadd.s32 s1, s18;
	v9 =	vld.idx.msk [tilespmem:v0+s15+$0x60 ss:$0x1], $0xffff;
	[tilespmem:s30+$0x0 ss:$0x81] =	vst.msk $0xffff, v4  }
.Ltmp7:
0x96: {  	s0 =	sadd.s32 s0, s18;
	s1 =	sadd.s32 s28, s1;
	v4 =	vld.idx.msk [tilespmem:v0+s19+$0x10 ss:$0x1], $0xffff;
	[tilespmem:s31+$0x0 ss:$0x81] =	vst.msk $0xffff, v5;
	(pc) =	sbr.rel @!p2 .LBB1_7-.Ltmp7, $4  }
0x97: {  	s0 =	sadd.s32 s28, s0;
	s5 =	sshrl.u32 s5, $0x2;
	[tilespmem:s1+$0x0 ss:$0x81] =	vst.msk $0xffff, v6;
	v2 =	vld.idx.msk [tilespmem:v0+s19+$0x30 ss:$0x1], $0xffff  }
0x98: {  	s5 =	sadd.s32 s5, s18;
	[tilespmem:s0+$0x0 ss:$0x81] =	vst.msk $0xffff, v7;
	v3 =	vld.idx.msk [tilespmem:v0+s19+$0x40 ss:$0x1], $0xffff  }
0x99: {  	s5 =	sadd.s32 s28, s5;
	[tilespmem:s9+$0x0 ss:$0x81] =	vst.msk $0xffff, v8;
	v5 =	vld.idx.msk [tilespmem:v0+s19+$0x50 ss:$0x1], $0xffff  }
0x9a: {  	s17 =	sadd.s32 s28, s10;
	s16 =	sadd.s32 $0x800, s26;
	s15 =	simm.s32 $0x100;
	[tilespmem:s3+$0x0 ss:$0x81] =	vst.msk $0xffff, v9;
	v6 =	vld.idx.msk [tilespmem:v0+s19+$0x60 ss:$0x1], $0xffff  }
.LBB1_6:
0x9b: {  	s10 =	sadd.s32 $0xFFFFFC00, s16;
	s15 =	sadd.s32 $0x100, s15;
	[tilespmem:s7+$0x0 ss:$0x81] =	vst.msk $0xffff, v4;
	v4 =	vld.idx.msk [tilespmem:v0+s19+$0x70 ss:$0x1], $0xffff;
	s19 =	sand.u32 $0x3C00, s16  }
0x9c: {  	s10 =	sand.u32 $0x3C00, s10;
	v7 =	vld.idx.msk [tilespmem:v0+s19+$0x0 ss:$0x1], $0xffff;
	p2 =	slt.s32 s15, s22;
	[tilespmem:s5+$0x0 ss:$0x81] =	vst.msk $0xffff, v1  }
0x9d: {  	v1 =	vld.idx.msk [tilespmem:v0+s10+$0x70 ss:$0x1], $0xffff;
	[tilespmem:s6+$0x0 ss:$0x81] =	vst.msk $0xffff, v2  }
0x9e: {  	v2 =	vld.idx.msk [tilespmem:v0+s10+$0x0 ss:$0x1], $0xffff;
	[tilespmem:s0+$0x0 ss:$0x81] =	vst.msk $0xffff, v3  }
0x9f: {  	v3 =	vld.idx.msk [tilespmem:v0+s10+$0x10 ss:$0x1], $0xffff;
	[tilespmem:s4+$0x0 ss:$0x81] =	vst.msk $0xffff, v5  }
0xa0: {  	v5 =	vld.idx.msk [tilespmem:v0+s10+$0x20 ss:$0x1], $0xffff;
	[tilespmem:s8+$0x0 ss:$0x81] =	vst.msk $0xffff, v6  }
0xa1: {  	v6 =	vld.idx.msk [tilespmem:v0+s10+$0x30 ss:$0x1], $0xffff;
	[tilespmem:s17+$0x0 ss:$0x81] =	vst.msk $0xffff, v4  }
0xa2: {  	v8 =	vld.idx.msk [tilespmem:v0+s10+$0x40 ss:$0x1], $0xffff;
	[tilespmem:s29+$0x0 ss:$0x81] =	vst.msk $0xffff, v7  }
0xa3: {  	v7 =	vld.idx.msk [tilespmem:v0+s10+$0x50 ss:$0x1], $0xffff;
	[tilespmem:s2+$0x0 ss:$0x81] =	vst.msk $0xffff, v1  }
0xa4: {  	[tilespmem:s29+$0x0 ss:$0x81] =	vst.msk $0xffff, v2;
	v9 =	vld.idx.msk [tilespmem:v0+s10+$0x60 ss:$0x1], $0xffff  }
0xa5: {  	[tilespmem:s30+$0x0 ss:$0x81] =	vst.msk $0xffff, v3;
	v4 =	vld.idx.msk [tilespmem:v0+s19+$0x10 ss:$0x1], $0xffff  }
.Ltmp8:
0xa6: {  	[tilespmem:s31+$0x0 ss:$0x81] =	vst.msk $0xffff, v5;
	v1 =	vld.idx.msk [tilespmem:v0+s19+$0x20 ss:$0x1], $0xffff;
	(pc) =	sbr.rel @p2 .LBB1_6-.Ltmp8, $4  }
0xa7: {  	[tilespmem:s1+$0x0 ss:$0x81] =	vst.msk $0xffff, v6;
	v2 =	vld.idx.msk [tilespmem:v0+s19+$0x30 ss:$0x1], $0xffff  }
0xa8: {  	[tilespmem:s0+$0x0 ss:$0x81] =	vst.msk $0xffff, v8;
	v3 =	vld.idx.msk [tilespmem:v0+s19+$0x40 ss:$0x1], $0xffff  }
0xa9: {  	[tilespmem:s9+$0x0 ss:$0x81] =	vst.msk $0xffff, v7;
	v5 =	vld.idx.msk [tilespmem:v0+s19+$0x50 ss:$0x1], $0xffff  }
0xaa: {  	s16 =	sadd.s32 $0x800, s16;
	[tilespmem:s3+$0x0 ss:$0x81] =	vst.msk $0xffff, v9;
	v6 =	vld.idx.msk [tilespmem:v0+s19+$0x60 ss:$0x1], $0xffff  }
.LBB1_7:
0xab: {  	_ =	sdelay $0x2  }
0xac: {  	[tilespmem:s7+$0x0 ss:$0x81] =	vst.msk $0xffff, v4  }
0xad: {  	v0 =	vld.idx.msk [tilespmem:v0+s19+$0x70 ss:$0x1], $0xffff;
	[tilespmem:s5+$0x0 ss:$0x81] =	vst.msk $0xffff, v1  }
0xae: {  	[tilespmem:s6+$0x0 ss:$0x81] =	vst.msk $0xffff, v2  }
0xaf: {  	[tilespmem:s0+$0x0 ss:$0x81] =	vst.msk $0xffff, v3  }
0xb0: {  	[tilespmem:s4+$0x0 ss:$0x81] =	vst.msk $0xffff, v5  }
0xb1: {  	[tilespmem:s8+$0x0 ss:$0x81] =	vst.msk $0xffff, v6  }
0xb2: {  	[tilespmem:s17+$0x0 ss:$0x81] =	vst.msk $0xffff, v0  }
.LBB1_8:
.Ltmp9:
0xb3: {  	(pc) =	sbr.rel @p1 .LBB1_11-.Ltmp9, $1  }
0xb4: {  	_ =	sdelay $0x3  }
0xb5: {  	s1 =	sand.u32 $0x380, s27;
	s0 =	sshrl.u32 s25, $0x4;
	s2 =	sadd.s32 s28, s18  }
0xb6: {  	s3 =	smov.u32 s24;
	s4 =	smov.u32 s22;
	s1 =	sadd.s32 s1, s23  }
.LBB1_10:
0xb7: {  	s5 =	sand.u32 $0x3C00, s3  }
0xb8: {  	s5 =	sadd.s32 s27, s5  }
0xb9: {  	s5 =	sand.u32 $0x3C00, s5  }
0xba: {  	s6 =	sand.u32 $0x70, s4;
	s30 =	sadd.s32 s4, s0;
	s5 =	sadd.s32 s5, s1  }
0xbb: {  	s4 =	sadd.s32 $0x10, s4;
	s31 =	sand.u32 $0x78, s30;
	s5 =	sadd.s32 s6, s5  }
0xbc: {  	p2 =	slt.s32 s4, s21;
	v0 =	vld [tilespmem:s5+$0x0];
	s5 =	smul.u32 $0x204, s31  }
.Ltmp10:
0xbd: {  	_ = 	snop;
	(pc) =	sbr.rel @p2 .LBB1_10-.Ltmp10, $4  }
0xbe: {  	_ = 	snop  }
0xbf: {  	s5 =	sshrl.u32 s5, $0x2  }
0xc0: {  	s5 =	sadd.s32 s5, s2  }
0xc1: {  	s3 =	sadd.s32 $0x80, s3;
	[tilespmem:s5+$0x0 ss:$0x81] =	vst.msk $0xffff, v0  }
.Ltmp11:
0xc2: {  	_ = 	snop;
	(pc) =	sbr.rel .LBB1_11-.Ltmp11, $1  }
0xc3: {  	_ =	sdelay $0x3  }
.LBB1_14:
0xc4: {  	_ =	sfence.sel $0x180000  }
0xc5: {  	s0 =	simm.s32 $0x1;
	[bflag:$0x0] =	sbarrier.arrive $0xFFFF  }
0xc6: {  	s30 =	simm.s32 $0x2;
	[sflag:s0] =	ssyncpa.u1 $0x1  }
0xc7: {  	[sflag:s30] =	ssyncpa.u1 $0x1  }
0xc8: {  	_ =	strace $0x90000047  }
0xc9: {  	s31 =	stileid.u32;
	[bflag:$0x2] =	sbarrier.arrive $0xFFFF  }
0xca: {  	p0 =	sne.s32 s31, $0x0;
	s0 =	rddreg [dreg:$0x1]  }
0xcb: {  	s0 =	sadd.s32 @!p0 $0x100000, s0  }
0xcc: {  	[sflag:s0] =	ssyncadd.tile.s32 @!p0 $0x1;
	_ =	shalt  }
.Lfunc_end1:
_tile_overlayer_lowered:
.L_overlay_start_2:
0xcd: {  	(tag) =	ssettag $0x2  }
0xce: {  	s0 =	rddreg [dreg:$0x0];
	s2 =	stileid.u32  }
0xcf: {  	s1 =	rddreg [dreg:$0x1];
	p0 =	sne.s32 s2, $0x0  }
0xd0: {  	s3 =	rddreg [dreg:$0x2];
	[bflag:$0x3] =	sbarrier.arrive $0xFFFF;
	s2 =	simm.s32 @!p0 $0x1C01  }
0xd1: {  	[timem:s3], [sflag:s2] =	dma.local @!p0 [hbm:s0], s1  }
0xd2: {  	s0 =	simm.s32 @!p0 $0x1  }
0xd3: {  	_ =	swait.ge @!p0 [sflag:s0], s1  }
0xd4: {  	s1 =	ssub.s32 @!p0 $0x0, s1;
	[sflag:s0] =	ssyncset.done @!p0 $0x0  }
0xd5: {  	[sflag:s0] =	ssyncadd.s32 @!p0 s1  }
0xd6: {  	[bflag:$0x3] =	sbarrier.arrive $0xFFFF  }
0xd7: {  	_ =	shalt  }

// kernel: sparse-core-data-format-call.cloned.1.call-start
scs
called_computation.4_lowered:
.L_overlay_start_0:
0x0: {  	s1 =	sld [smem:$0x3FD9]  }
0x1: {  	s2 =	sld [smem:$0x3FFE];
	_ =	sdelay $0x1  }
0x2: {  	s3 =	srdreg.scid  }
0x3: {  	s0 =	sand.u32 $0x1, s3  }
0x4: {  	s17 =	sshll.u32 s0, $0xA;
	s1 =	sadd.s32 s2, s1  }
0x5: {  	s1 =	sadd.s32 s1, s17  }
0x6: {  	[smem:$0x3FAF] =	sst s1  }
0x7: {  	_ = 	snop  }
0x8: {  	(tm) =	ssettm $0x1  }
0x9: {  	s18 =	sld [smem:$0x3FFB];
	_ =	sdelay $0x3  }
0xa: {  	_ =	strace s18  }
0xb: {  	s1 =	sld [smem:$0x3FFC];
	_ =	sdelay $0x3  }
0xc: {  	_ =	strace s1  }
0xd: {  	s1 =	sld [smem:$0x3FFD];
	_ =	sdelay $0x3  }
0xe: {  	_ =	strace s1  }
0xf: {  	_ =	strace $0x8FFFFFFF  }
0x10: {  	s19 =	sld [smem:$0x3FDB];
	_ =	sdelay $0x1  }
0x11: {  	s20 =	simm.s32 $_scs_section_size  }
0x12: {  	s4 =	simm.s32 $_size__tile_overlayer_lowered;
	s5 =	simm.s32 $_tile_overlayer_lowered  }
0x13: {  	s23 =	simm.s32 $0x1BFF;
	s22 =	sshll.u32 s5, $0x1;
	s1 =	sadd.s32 s20, s19  }
0x14: {  	s6 =	simm.s32 $0x0;
	s21 =	sshll.u32 s4, $0x1;
	s4 =	sadd.s32 s22, s1  }
0x15: {  	[timem:s6], [sflag:s23] =	dma.local [hbm:s4], s21  }
0x16: {  	_ =	swait.ge [sflag:s23], s21  }
0x17: {  	s2 =	ssub.s32 $0x0, s21;
	[sflag:s23] =	ssyncset.done $0x0  }
0x18: {  	[sflag:s23] =	ssyncadd.s32 s2;
	_ =	sdelay $0x1  }
0x19: {  	s24 =	simm.s32 $0x1B8B  }
0x1a: {  	_ =	swait.ge [sflag:s24], $0x1  }
0x1b: {  	[sflag:s24] =	ssyncset.done $0x0  }
0x1c: {  	s26 =	simm.s32 $0x1B8E;
	s25 =	sld [smem:$0x3FFE];
	[sflag:s24] =	ssyncadd.s32 $0xFFFFFFFF  }
0x1d: {  	s27 =	simm.s32 $execute0_lowered;
	[smem:$0x3FD2] =	sst s26  }
0x1e: {  	s4 =	sshll.u32 s27, $0x1;
	_ =	strace $0x80000052;
	[dreg:$0x1] =	wrdreg $0xFFFFFFFF  }
0x1f: {  	s28 =	simm.s32 $_size_execute0_lowered;
	s1 =	sadd.s32 s1, s4;
	[dreg:$0x0] =	wrdreg $0x0  }
0x20: {  	s4 =	sshll.u32 s28, $0x1;
	[dreg:$0x2] =	wrdreg s1  }
0x21: {  	[dreg:$0x3] =	wrdreg s4  }
0x22: {  	[dreg:$0x4] =	wrdreg $0xC0  }
0x23: {  	_ =	task [dreg:s6], $0x5FFFF  }
0x24: {  	[dreg:$0x1] =	wrdreg $0xFFFFFFFF  }
0x25: {  	[dreg:$0x0] =	wrdreg $0x60  }
0x26: {  	[dreg:$0x2] =	wrdreg s25  }
0x27: {  	[dreg:$0x3] =	wrdreg $0xA  }
0x28: {  	_ =	task.clear_ibuf [dreg:s6], $0x4FFFF;
	_ =	strace $0x90000052  }
0x29: {  	s29 =	simm.s32 $0xA;
	_ =	strace $0x80000054  }
0x2a: {  	_ =	swait.ge [sflag:s29], $0x1  }
0x2b: {  	[sflag:s29] =	ssyncadd.s32 $0xFFFFFFFF  }
0x2c: {  	_ =	strace $0x90000054  }
0x2d: {  	_ =	sfence  }
0x2e: {  	s30 =	sld [smem:$0x0];
	_ =	sdelay $0x2  }
0x2f: {  	s31 =	sshll.u32 s3, $0xD;
	s3 =	sshrl.u32 s3, $0x2  }
0x30: {  	s2 =	sand.u32 $0x4000, s31;
	s1 =	sadd.s32 s3, s30  }
0x31: {  	s0 =	sor.u32 s2, s0;
	s1 =	sshll.u32 s1, $0x11  }
0x32: {  	s0 =	sor.u32 s1, s0  }
0x33: {  	s0 =	sadd.s32 $0x8F2B, s0  }
0x34: {  	[sflag:s0] =	ssyncadd.remote.s32 $0x1  }
0x35: {  	_ =	sfence.sel $0xFFFF  }
0x36: {  	[dreg:$0x0] =	wrdreg $0xFFFFFFFF;
	(pc) =	sbr.abs _section_cstart, $3  }
0x37: {  	[dreg:$0x1] =	wrdreg $0xFFFFFFFF  }
0x38: {  	_ =	task.clear_ibuf [dreg:s6], $0x2FFFF;
	_ =	strace $0x9FFFFFFF  }
0x39: {  	(tm) =	ssettm $0x7FFFFFFF  }
tec
execute0_lowered:
.L_overlay_start_1:
0x0: {  	(tag) =	ssettag $0x1  }
0x1: {  	s0 =	srdreg.scid  }
0x2: {  	s5 =	rddreg [dreg:$0x0];
	s1 =	stileid.u32;
	s4 =	simm.s32 $0x1  }
0x3: {  	s6 =	simm.s32 $0x2;
	s15 =	simm.s32 $0x0;
	p0 =	por $0x0, $0x0  }
0x4: {  	s8 =	simm.s32 $0x80;
	s14 =	simm.s32 $0x0;
	s2 =	sshll.u32 s0, $0x4  }
0x5: {  	s9 =	simm.s32 $0x0;
	s10 =	simm.s32 $0x0;
	s2 =	sand.u32 $0x10, s2  }
.Ltmp0:
0x6: {  	s12 =	simm.s32 $0x0;
	s3 =	sor.u32 s1, s2;
	(pc) =	sbr.rel .LBB1_1-.Ltmp0, $4  }
0x7: {  	s0 =	rddreg [dreg:$0x1];
	_ =	strace $0x80000053;
	s3 =	sshll.u32 s3, $0x7  }
0x8: {  	s13 =	simm.s32 $0x0;
	[sflag:s4] =	ssyncpa.u1 $0x0;
	s7 =	ssub.s32 $0xCF800, s3  }
0x9: {  	s2 =	sadd.s32 $0x682600, s5;
	[sflag:s6] =	ssyncpa.u1 $0x0;
	s6 =	sshrl.u32 s7, $0xC  }
0xa: {  	s5 =	sadd.s32 $0x2073200, s5;
	s11 =	smov.u32 s3;
	s7 =	sadd.s32 $0x2, s6  }
.LBB1_5:
0xb: {  	p1 =	slt.u32 s13, $0x2  }
0xc: {  	s17 =	smov.u32 s15;
	p2 =	sgt.s32 @!p1 s15, $0xCF7D0;
	s16 =	sshra.s32 @!p1 s15, $0x1F  }
0xd: {  	p3 =	sgt.s32 @!p1 s14, $0x40;
	s18 =	sshra.s32 @!p1 s14, $0x1F;
	p2 =	por !p2, p1  }
0xe: {  	s15 =	sand.u32 @!p1 s16, s15;
	p3 =	por !p3, p1;
	s16 =	smov.u32 s14  }
0xf: {  	s14 =	sand.u32 @!p1 s18, s14;
	s17 =	simm.s32 @p2 $0xCF7D0;
	s16 =	simm.s32 @p3 $0x40  }
0x10: {  	s15 =	ssub.s32 @!p1 s17, s15;
	s14 =	ssub.s32 @!p1 s16, s14  }
0x11: {  	s18 =	smov.u32 s12;
	s16 =	sadd.s32 @!p1 $0xFFF30830, s15;
	s17 =	sadd.s32 @!p1 $0xFFFFFFC0, s14  }
0x12: {  	s15 =	ssub.s32 @!p1 $0xCF850, s15;
	p2 =	sgt.s32 @!p1 s16, $0x7F;
	p3 =	sgt.s32 @!p1 s17, $0x3F  }
0x13: {  	s14 =	ssub.s32 @!p1 $0x80, s14;
	p2 =	por !p2, p1;
	p3 =	por !p3, p1  }
0x14: {  	s16 =	sadd.s32 $0x1000, s11;
	s15 =	simm.s32 @!p2 $0x0;
	s14 =	simm.s32 @!p3 $0x0  }
0x15: {  	p2 =	sgt.s32 s16, $0xCF84F;
	s14 =	smul.u32 @!p1 s14, s15;
	s15 =	sadd.s32 $0x40, s12  }
0x16: {  	s18 =	smov.u32 @p2 s15  }
0x17: {  	s16 =	smov.u32 @p2 s3;
	p2 =	sgt.s32 s18, $0x3F  }
0x18: {  	s18 =	simm.s32 @p2 $0x0;
	p2 =	sne.s32 s13, s7  }
.Ltmp1:
0x19: {  	p0 =	por !p0, !p0;
	s17 =	simm.s32 @!p1 $0x2;
	(pc) =	sbr.rel @!p2 .LBB1_6-.Ltmp1, $4  }
0x1a: {  	s15 =	smov.u32 s9;
	s9 =	smov.u32 s11;
	s14 =	sand.u32 @!p1 $0x3FFFFFFF, s14  }
0x1b: {  	s11 =	smov.u32 s16;
	_ =	swait.ge @!p1 [sflag:s17], s14;
	s19 =	ssub.s32 @!p1 $0x0, s14  }
0x1c: {  	s14 =	smov.u32 s10;
	s13 =	sadd.s32 $0x1, s13;
	[sflag:s17] =	ssyncset.done @!p1 $0x0  }
0x1d: {  	s10 =	smov.u32 s12;
	s12 =	smov.u32 s18;
	[sflag:s17] =	ssyncadd.s32 @!p1 s19  }
.LBB1_1:
0x1e: {  	p1 =	sgt.u32 s13, s6  }
0x1f: {  	s16 =	sshrl.u32 @!p1 s12, $0x3  }
0x20: {  	s17 =	sshll.u32 @!p1 s11, $0x3;
	s16 =	smul.u32 @!p1 $0x67C400, s16  }
0x21: {  	s18 =	sshll.u32 @!p1 s12, $0x7;
	s17 =	sand.u32 @!p1 $0xFFFFFC00, s17  }
0x22: {  	s16 =	sadd.s32 @!p1 s16, s17;
	s17 =	sand.u32 @!p1 $0x380, s18  }
0x23: {  	s16 =	sor.u32 @!p1 s17, s16  }
0x24: {  	s17 =	sshrl.u32 @!p1 s16, $0x7  }
0x25: {  	s17 =	smulhi.u32 @!p1 $0x13BC9E1, s17;
	_ =	sdelay $0x1  }
0x26: {  	s17 =	sshrl.u32 @!p1 s17, $0x5  }
0x27: {  	s18 =	sand.u32 @!p1 $0x7F, s11;
	s19 =	smul.u32 @!p1 $0xCF880, s17  }
0x28: {  	s16 =	sor.u32 @!p1 s18, s16;
	s18 =	sxor.u32 @!p1 $0xFFFFFFFF, s13  }
0x29: {  	s18 =	sshll.u32 @!p1 s18, $0xD;
	s17 =	sand.u32 @!p1 $0x3F, s17;
	s16 =	ssub.s32 @!p1 s16, s19  }
0x2a: {  	s17 =	smul.u32 @!p1 $0x19F10, s17;
	s19 =	sshrl.u32 @!p1 s16, $0x3;
	s16 =	sand.u32 @!p1 $0x7, s16  }
0x2b: {  	s18 =	sand.u32 @!p1 $0x2000, s18;
	s19 =	sadd.s32 @!p1 s2, s19;
	s16 =	sshll.u32 @!p1 s16, $0x12  }
0x2c: {  	s17 =	sadd.s32 @!p1 s17, s19;
	s16 =	sor.u32 @!p1 $0x400, s16;
	s19 =	simm.s32 @!p1 $0x67C400  }
0x2d: {  	[tilespmem:s18], [sflag:$0x1] =	stream.strided.gather @!p1 [hbm4b:s17+s16], $0x2000, s19, s16, $0x38;
	[tilespmem:$0x8100] =	vst v63  }
0x2e: {  	p1 =	seq.s32 s13, $0x0  }
0x2f: {  	p2 =	sge.u32 @!p1 s13, s7  }
0x30: {  	p1 =	por p1, p2  }
.Ltmp2:
0x31: {  	_ = 	snop;
	(pc) =	sbr.rel @p1 .LBB1_5-.Ltmp2, $1  }
0x32: {  	_ =	sdelay $0x3  }
0x33: {  	s16 =	simm.s32 $0x1  }
0x34: {  	_ =	swait.ge [sflag:s4], $0x2000;
	s16 =	simm.s32 @!p0 $0x0  }
0x35: {  	[sflag:s4] =	ssyncset.done $0x0;
	s17 =	sshll.u32 s16, $0xD  }
0x36: {  	[sflag:s4] =	ssyncadd.s32 $0xFFFFE000;
	s17 =	sor.u32 $0x40, s17  }
0x37: {  	s16 =	smul.u32 $0x8200, s16;
	v0 =	vld [tilespmem:s17+$0x30]  }
0x38: {  	v1 =	vld [tilespmem:s17+$0xFFFFFFD0]  }
0x39: {  	s16 =	sshrl.u32 s16, $0x2;
	v5 =	vld [tilespmem:s17+$0xFFFFFFE0]  }
0x3a: {  	v6 =	vld [tilespmem:s17+$0xFFFFFFF0];
	s19 =	sor.u32 $0x4000, s16  }
0x3b: {  	s31 =	sand.u32 $0x1, s13;
	v4 =	vld [tilespmem:s17+$0x0];
	s18 =	sadd.s32 $0x0, s19  }
0x3c: {  	v3 =	vld [tilespmem:s17+$0x10];
	s16 =	smul.u32 $0x8200, s31;
	[tilespmem:s18+$0x1C70 ss:$0x41] =	vst.msk $0xffff, v0  }
0x3d: {  	v2 =	vld [tilespmem:s17+$0x20];
	[tilespmem:s18+$0x410 ss:$0x41] =	vst.msk $0xffff, v1  }
0x3e: {  	s16 =	sshrl.u32 s16, $0x2;
	v1 =	vld [tilespmem:s17+$0xFFFFFFC0];
	[tilespmem:s18+$0x820 ss:$0x41] =	vst.msk $0xffff, v5;
	s17 =	sadd.s32 $0x80, s17  }
0x3f: {  	s20 =	simm.s32 $0x4;
	s21 =	simm.s32 $0x8;
	s16 =	sor.u32 $0x4000, s16;
	[tilespmem:s18+$0xC30 ss:$0x41] =	vst.msk $0xffff, v6;
	v0 =	vld [tilespmem:s17+$0x30]  }
.LBB1_3:
0x40: {  	p1 =	sne.s32 s21, $0xFC;
	v5 =	vld [tilespmem:s17+$0xFFFFFFD0];
	[tilespmem:s18+$0x1040 ss:$0x41] =	vst.msk $0xffff, v4  }
0x41: {  	v6 =	vld [tilespmem:s17+$0xFFFFFFE0];
	[tilespmem:s18+$0x1450 ss:$0x41] =	vst.msk $0xffff, v3  }
0x42: {  	s22 =	sshra.s32 s20, $0x2;
	s20 =	smov.u32 s21;
	v7 =	vld [tilespmem:s17+$0xFFFFFFF0];
	[tilespmem:s18+$0x1860 ss:$0x41] =	vst.msk $0xffff, v2  }
.Ltmp3:
0x43: {  	v4 =	vld [tilespmem:s17+$0x0];
	[tilespmem:s18+$0x0 ss:$0x41] =	vst.msk $0xffff, v1;
	s18 =	sadd.s32 s22, s19;
	(pc) =	sbr.rel @p1 .LBB1_3-.Ltmp3, $4  }
0x44: {  	v3 =	vld [tilespmem:s17+$0x10];
	[tilespmem:s18+$0x1C70 ss:$0x41] =	vst.msk $0xffff, v0  }
0x45: {  	[tilespmem:s18+$0x410 ss:$0x41] =	vst.msk $0xffff, v5;
	v2 =	vld [tilespmem:s17+$0x20]  }
0x46: {  	v1 =	vld [tilespmem:s17+$0xFFFFFFC0];
	[tilespmem:s18+$0x820 ss:$0x41] =	vst.msk $0xffff, v6;
	s17 =	sadd.s32 $0x80, s17  }
0x47: {  	s21 =	sadd.s32 $0x4, s21;
	v0 =	vld [tilespmem:s17+$0x30];
	[tilespmem:s18+$0xC30 ss:$0x41] =	vst.msk $0xffff, v7  }
0x48: {  	s21 =	sshll.u32 s9, $0x7;
	s22 =	sshll.u32 s10, $0x3;
	s20 =	sshra.s32 s20, $0x2  }
0x49: {  	p1 =	sgt.s32 s9, $0xCF7D0;
	s30 =	sshra.s32 s9, $0x1F;
	s25 =	sshra.s32 s10, $0x1F  }
0x4a: {  	v5 =	vld [tilespmem:s17+$0xFFFFFFD0];
	s28 =	sshrl.u32 s10, $0x3;
	s23 =	sand.u32 $0xFFFFFC00, s21;
	s22 =	sand.u32 $0xFFFFFC00, s22  }
0x4b: {  	[tilespmem:s18+$0x1040 ss:$0x41] =	vst.msk $0xffff, v4;
	v58 =	vld [tilespmem:s17+$0xFFFFFFE0];
	s21 =	sand.u32 $0x380, s21;
	s19 =	sadd.s32 s20, s19;
	s22 =	sadd.s32 s22, s23  }
0x4c: {  	v59 =	vld [tilespmem:s17+$0xFFFFFFF0];
	[tilespmem:s18+$0x1450 ss:$0x41] =	vst.msk $0xffff, v3;
	s29 =	sor.u32 s21, s22;
	s21 =	smov.u32 s9;
	s22 =	sand.u32 s30, s9  }
0x4d: {  	v60 =	vld [tilespmem:s17+$0x0];
	[tilespmem:s18+$0x1860 ss:$0x41] =	vst.msk $0xffff, v2;
	s30 =	sand.u32 $0x7, s10;
	s20 =	sshrl.u32 s29, $0x7;
	s21 =	simm.s32 @!p1 $0xCF7D0  }
0x4e: {  	v61 =	vld [tilespmem:s17+$0x10];
	[tilespmem:s18+$0x0 ss:$0x41] =	vst.msk $0xffff, v1;
	p1 =	sgt.s32 s10, $0x40;
	s24 =	ssub.s32 s21, s22;
	s21 =	smov.u32 s10  }
0x4f: {  	v62 =	vld [tilespmem:s17+$0x20];
	[tilespmem:s19+$0x1C70 ss:$0x41] =	vst.msk $0xffff, v0;
	s31 =	smulhi.u32 $0x9DE739, s20;
	s22 =	sand.u32 s25, s10;
	s21 =	simm.s32 @!p1 $0x40  }
0x50: {  	v63 =	vld [tilespmem:s17+$0xFFFFFFC0];
	[tilespmem:s19+$0x410 ss:$0x41] =	vst.msk $0xffff, v5;
	s26 =	sadd.s32 $0xFFF30830, s24;
	s17 =	ssub.s32 $0xCF850, s24;
	s21 =	ssub.s32 s21, s22  }
0x51: {  	[tilespmem:s19+$0x820 ss:$0x41] =	vst.msk $0xffff, v58;
	s23 =	sshrl.u32 s31, $0xB;
	p1 =	sgt.s32 s26, $0x7F;
	s27 =	sadd.s32 $0xFFFFFFC0, s21  }
0x52: {  	[tilespmem:s19+$0xC30 ss:$0x41] =	vst.msk $0xffff, v59;
	s23 =	smul.u32 $0xCF850, s23;
	s18 =	ssub.s32 $0x80, s21;
	p2 =	sgt.s32 s27, $0x3F  }
.Ltmp4:
0x53: {  	[tilespmem:s19+$0x1040 ss:$0x41] =	vst.msk $0xffff, v60;
	s17 =	simm.s32 @p1 $0x0;
	s18 =	simm.s32 @p2 $0x0;
	(pc) =	sbr.rel .LBB1_5-.Ltmp4, $4  }
0x54: {  	s29 =	sand.u32 $0xF, s28;
	[tilespmem:s19+$0x1450 ss:$0x41] =	vst.msk $0xffff, v61;
	s20 =	ssub.s32 s20, s23;
	s17 =	smul.u32 s18, s17  }
0x55: {  	[tilespmem:s19+$0x1860 ss:$0x41] =	vst.msk $0xffff, v62;
	s21 =	sshll.u32 s30, $0x12;
	s20 =	sshll.u32 s20, $0x4;
	s18 =	sadd.s32 s5, s29  }
0x56: {  	[tilespmem:s19+$0x0 ss:$0x41] =	vst.msk $0xffff, v63;
	s31 =	sor.u32 $0x40, s21;
	s18 =	sadd.s32 s20, s18;
	s17 =	sand.u32 $0x3FFFFFFF, s17  }
0x57: {  	[hbm4b:s18+s31] =	stream.strided.scatter [tilespmem:s16], [sflag:$0x2], s17, s8, s31, $0x18;
	[tilespmem:$0x8100] =	vst v63  }
.LBB1_6:
0x58: {  	_ =	sfence.sel $0x180000  }
0x59: {  	s2 =	simm.s32 $0x1;
	[bflag:$0x0] =	sbarrier.arrive $0xFFFF  }
0x5a: {  	s31 =	simm.s32 $0x2;
	[sflag:s2] =	ssyncpa.u1 $0x1  }
0x5b: {  	[sflag:s31] =	ssyncpa.u1 $0x1  }
0x5c: {  	p0 =	sne.s32 s1, $0x0;
	_ =	strace $0x90000053  }
0x5d: {  	s0 =	sadd.s32 @!p0 $0x100000, s0;
	[bflag:$0x2] =	sbarrier.arrive $0xFFFF  }
0x5e: {  	[sflag:s0] =	ssyncadd.tile.s32 @!p0 $0x1;
	_ =	shalt  }
.Lfunc_end1:
_tile_overlayer_lowered:
.L_overlay_start_2:
0x5f: {  	(tag) =	ssettag $0x2  }
0x60: {  	s0 =	rddreg [dreg:$0x0];
	s2 =	stileid.u32  }
0x61: {  	s1 =	rddreg [dreg:$0x1];
	p0 =	sne.s32 s2, $0x0  }
0x62: {  	s3 =	rddreg [dreg:$0x2];
	[bflag:$0x3] =	sbarrier.arrive $0xFFFF;
	s2 =	simm.s32 @!p0 $0x1C01  }
0x63: {  	[timem:s3], [sflag:s2] =	dma.local @!p0 [hbm:s0], s1  }
0x64: {  	s0 =	simm.s32 @!p0 $0x1  }
0x65: {  	_ =	swait.ge @!p0 [sflag:s0], s1  }
0x66: {  	s1 =	ssub.s32 @!p0 $0x0, s1;
	[sflag:s0] =	ssyncset.done @!p0 $0x0  }
0x67: {  	[sflag:s0] =	ssyncadd.s32 @!p0 s1  }
0x68: {  	[bflag:$0x3] =	sbarrier.arrive $0xFFFF  }
0x69: {  	_ =	shalt  }

</sc_bundles>
